<compile_context>
chip_gen: v7x
topology: tpu7x:2x2x1
jax: 0.10.2.dev20260603
libtpu: 0.0.44.dev20260713+nightly
codegen_flags: <defaults>
</compile_context>

<pallas_src>
import functools

import jax
import jax.numpy as jnp
from jax import lax
from jax.experimental import pallas as pl
from jax.experimental.pallas import tpu as pltpu
from jax.experimental.pallas import tpu_sc as plsc

N = 10000
E = 160000
L = 20
V = 50000
D_EMB = 253
D = 256
HALF = 128
NPAD = 10240
DUMP = 10016
NC = 2
NS = 16
ROWS_PER_TILE = NPAD // NS
def _even(x):
    return x + (x % 2)


BW = 128
BE = 96
MW = N * L
NB_W = _even(-(-MW // (NS * BW)))
MW_PAD = NS * BW * NB_W
ME = E
NB_E = _even(-(-ME // (NS * BE)))
ME_PAD = NS * BE * NB_E
NB_D = _even(-(-ME // (NS * BW)))
ME_PAD_D = NS * BW * NB_D

_MESH = dict(core_axis_name="c", subcore_axis_name="s", num_cores=NC,
             num_subcores=NS)
_f32 = jnp.float32
_i32 = jnp.int32


def _fill2(ref, nrows, ncols, val):
    per_row = ncols // 16

    def body(k, carry):
        i = k // per_row
        j = k % per_row
        ref[i, pl.ds(j * 16, 16)] = jnp.full((16,), val, _f32)
        return carry

    lax.fori_loop(0, nrows * per_row, body, 0)


def _zero_acc_slice(zsrc, acc, s):
    for r in range(ROWS_PER_TILE // 64):
        pltpu.sync_copy(zsrc.at[pl.ds(0, 64)],
                        acc.at[pl.ds(s * ROWS_PER_TILE + r * 64, 64)])


def _deg_body(srcm, dstm, odeg, ideg, idx_v, ones_v, acc, ssem):
    c = lax.axis_index("c")
    s = lax.axis_index("s")

    _fill2(ones_v, BW, HALF, 0.0)
    _zero_acc_slice(ones_v, acc, s)
    _fill2(ones_v, BW, HALF, 1.0)
    plsc.subcore_barrier()

    def run(idxm, out):
        pltpu.sync_copy(idxm.at[s], idx_v)

        K = max(k for k in range(1, 25) if NB_D % k == 0)

        def chunk(t, carry):
            def fire(j, carry2):
                pltpu.async_copy(ones_v, acc.at[idx_v.at[t * K + j]], ssem,
                                 add=True)
                return carry2

            lax.fori_loop(0, K, fire, 0)

            def drain(j, carry2):
                pltpu.make_async_copy(ones_v, acc.at[idx_v.at[t * K + j]],
                                      ssem).wait()
                return carry2

            lax.fori_loop(0, K, drain, 0)
            return carry

        lax.fori_loop(0, NB_D // K, chunk, 0)
        plsc.subcore_barrier()
        pltpu.sync_copy(acc.at[pl.ds(s * ROWS_PER_TILE, ROWS_PER_TILE)],
                        out.at[pl.ds(s * ROWS_PER_TILE, ROWS_PER_TILE)])

    @pl.when(c == 0)
    def _():
        run(srcm, odeg)

    @pl.when(c == 1)
    def _():
        run(dstm, ideg)


_deg_kernel = functools.partial(
    pl.kernel,
    out_type=(jax.ShapeDtypeStruct((NPAD, HALF), _f32),
              jax.ShapeDtypeStruct((NPAD, HALF), _f32)),
    mesh=plsc.VectorSubcoreMesh(**_MESH),
    scratch_types=[
        pltpu.VMEM((NB_D, BW), _i32),
        pltpu.VMEM((BW, HALF), _f32),
        pltpu.VMEM_SHARED((NPAD, HALF), _f32),
        pltpu.SemaphoreType.DMA,
    ],
)(_deg_body)


def _segsum_kernel(nb, batch, body, dst_shape):
    return pl.kernel(
        body,
        out_type=(jax.ShapeDtypeStruct((NPAD, HALF), _f32),
                  jax.ShapeDtypeStruct((NPAD, HALF), _f32)),
        mesh=plsc.VectorSubcoreMesh(**_MESH),
        scratch_types=[
            pltpu.VMEM((nb * batch,), _i32),
            pltpu.VMEM(dst_shape, _i32),
            pltpu.VMEM((batch, HALF), _f32),
            pltpu.VMEM((batch, HALF), _f32),
            pltpu.VMEM_SHARED((NPAD, HALF), _f32),
            pltpu.SemaphoreType.DMA,
            pltpu.SemaphoreType.DMA,
            pltpu.SemaphoreType.DMA,
        ],
    )


def _make_segsum_preload(nb, batch):
    assert nb % 2 == 0

    def body(tlo, thi, srcm, dstm, out_lo, out_hi,
             src_v, dst_v, r0, r1, acc, gsem, _d, _s):
        c = lax.axis_index("c")
        s = lax.axis_index("s")

        _fill2(r0, batch, HALF, 0.0)
        _zero_acc_slice(r0, acc, s)
        plsc.subcore_barrier()

        def run(table, out):
            pltpu.sync_copy(srcm.at[s], src_v)
            pltpu.sync_copy(dstm.at[s], dst_v)

            def gather(g, buf):
                return pltpu.make_async_copy(
                    table.at[src_v.at[pl.ds(g * batch, batch)]], buf, gsem)

            gather(0, r0).start()

            def step(g2, carry):
                g = 2 * g2
                gather(g, r0).wait()
                gather(g + 1, r1).start()
                pltpu.sync_copy(r0, acc.at[dst_v.at[g]], add=True)
                gather(g + 1, r1).wait()

                @pl.when(g + 2 < nb)
                def _():
                    gather(g + 2, r0).start()

                pltpu.sync_copy(r1, acc.at[dst_v.at[g + 1]], add=True)
                return carry

            lax.fori_loop(0, nb // 2, step, 0)
            plsc.subcore_barrier()
            pltpu.sync_copy(acc.at[pl.ds(s * ROWS_PER_TILE, ROWS_PER_TILE)],
                            out.at[pl.ds(s * ROWS_PER_TILE, ROWS_PER_TILE)])

        @pl.when(c == 0)
        def _():
            run(tlo, out_lo)

        @pl.when(c == 1)
        def _():
            run(thi, out_hi)

    return _segsum_kernel(nb, batch, body, (nb, batch))


def _make_segsum_stream(nb, batch):
    assert nb % 2 == 0

    def body(tlo, thi, srcm, dstm, out_lo, out_hi,
             src_v, dring, r0, r1, acc, gsem, dsem, ssem):
        c = lax.axis_index("c")
        s = lax.axis_index("s")

        _fill2(r0, batch, HALF, 0.0)
        _zero_acc_slice(r0, acc, s)
        plsc.subcore_barrier()

        def run(table, out):
            pltpu.sync_copy(srcm.at[s], src_v)

            def gather(g, buf):
                return pltpu.make_async_copy(
                    table.at[src_v.at[pl.ds(g * batch, batch)]], buf, gsem)

            def didx(g, db):
                return pltpu.make_async_copy(dstm.at[s, g], dring.at[db],
                                             dsem)

            def scat(db, buf):
                return pltpu.async_copy(buf, acc.at[dring.at[db]], ssem,
                                        add=True)

            def scat_wait(db, buf):
                pltpu.make_async_copy(buf, acc.at[dring.at[db]], ssem).wait()

            didx(0, 0).start()
            gather(0, r0).start()

            def step(g2, carry):
                g = 2 * g2
                gather(g, r0).wait()
                didx(g, 0).wait()

                @pl.when(g > 0)
                def _():
                    scat_wait(1, r1)

                didx(g + 1, 1).start()
                gather(g + 1, r1).start()
                scat(0, r0)
                gather(g + 1, r1).wait()
                didx(g + 1, 1).wait()
                scat_wait(0, r0)

                @pl.when(g + 2 < nb)
                def _():
                    didx(g + 2, 0).start()
                    gather(g + 2, r0).start()

                scat(1, r1)
                return carry

            lax.fori_loop(0, nb // 2, step, 0)
            scat_wait(1, r1)
            plsc.subcore_barrier()
            pltpu.sync_copy(acc.at[pl.ds(s * ROWS_PER_TILE, ROWS_PER_TILE)],
                            out.at[pl.ds(s * ROWS_PER_TILE, ROWS_PER_TILE)])

        @pl.when(c == 0)
        def _():
            run(tlo, out_lo)

        @pl.when(c == 1)
        def _():
            run(thi, out_hi)

    return _segsum_kernel(nb, batch, body, (2, batch))


_segsum_emb = _make_segsum_stream(NB_W, BW)
_segsum_edge = _make_segsum_preload(NB_E, BE)


_RB = 512
_GRID = NPAD // _RB


def _tc1_body(bl, bh, od, w, xl, xh):
    h = jnp.concatenate([bl[...], bh[...]], axis=1)
    so = lax.rsqrt(jnp.maximum(od[...][:, :1], 1.0))
    x = jnp.dot(h * so, w[...], preferred_element_type=_f32)
    xl[...] = x[:, :HALF]
    xh[...] = x[:, HALF:]


def _tc2_body(al, ah, idg, od, b, w, xl, xh):
    si = lax.rsqrt(jnp.maximum(idg[...][:, :1], 1.0))
    so = lax.rsqrt(jnp.maximum(od[...][:, :1], 1.0))
    agg = jnp.concatenate([al[...], ah[...]], axis=1)
    h = jnp.maximum(agg * si + b[...], 0.0)
    x = jnp.dot(h * so, w[...], preferred_element_type=_f32)
    xl[...] = x[:, :HALF]
    xh[...] = x[:, HALF:]


def _tc3_body(al, ah, idg, b, hout, hg):
    pid = pl.program_id(0)
    si = lax.rsqrt(jnp.maximum(idg[...][:, :1], 1.0))
    agg = jnp.concatenate([al[...], ah[...]], axis=1)
    h = jnp.maximum(agg * si + b[...], 0.0)
    hout[...] = h
    rows = pid * _RB + lax.broadcasted_iota(_i32, (_RB, 1), 0)
    part = jnp.sum(jnp.where(rows < N, h, 0.0), axis=0, keepdims=True)
    part = part * (1.0 / N)

    @pl.when(pid == 0)
    def _():
        hg[...] = part

    @pl.when(pid != 0)
    def _():
        hg[...] += part


def _rowspec(cols):
    return pl.BlockSpec((_RB, cols), lambda i: (i, 0))


_FIX = pl.BlockSpec((D, D), lambda i: (0, 0))
_BIAS = pl.BlockSpec((1, D), lambda i: (0, 0))

_tc1 = pl.pallas_call(
    _tc1_body,
    grid=(_GRID,),
    in_specs=[_rowspec(HALF), _rowspec(HALF), _rowspec(HALF), _FIX],
    out_specs=[_rowspec(HALF), _rowspec(HALF)],
    out_shape=(jax.ShapeDtypeStruct((NPAD, HALF), _f32),
               jax.ShapeDtypeStruct((NPAD, HALF), _f32)),
)

_tc2 = pl.pallas_call(
    _tc2_body,
    grid=(_GRID,),
    in_specs=[_rowspec(HALF), _rowspec(HALF), _rowspec(HALF), _rowspec(HALF),
              _BIAS, _FIX],
    out_specs=[_rowspec(HALF), _rowspec(HALF)],
    out_shape=(jax.ShapeDtypeStruct((NPAD, HALF), _f32),
               jax.ShapeDtypeStruct((NPAD, HALF), _f32)),
)

_tc3 = pl.pallas_call(
    _tc3_body,
    grid=(_GRID,),
    in_specs=[_rowspec(HALF), _rowspec(HALF), _rowspec(HALF), _BIAS],
    out_specs=[_rowspec(D), pl.BlockSpec((1, D), lambda i: (0, 0))],
    out_shape=(jax.ShapeDtypeStruct((NPAD, D), _f32),
               jax.ShapeDtypeStruct((1, D), _f32)),
)


@jax.jit
def kernel(word_ids, ml, f, lf, ll, edge_index, emb_table, W1, b1, W2, b2):
    del ml
    tlo = emb_table[:, :HALF]
    thi = jnp.pad(emb_table[:, HALF:], ((0, 0), (0, 2 * HALF - D_EMB)))

    wsrc = jnp.pad(word_ids.reshape(-1).astype(_i32), (0, MW_PAD - MW),
                   constant_values=1)
    wdst = jnp.concatenate([
        (jnp.arange(MW, dtype=_i32) // L),
        jnp.full((MW_PAD - MW,), DUMP, _i32),
    ])
    wsrc2 = wsrc.reshape(NS, NB_W * BW)
    wdst3 = wdst.reshape(NS, NB_W, BW)

    esrc = jnp.pad(edge_index[0].astype(_i32), (0, ME_PAD - ME),
                   constant_values=DUMP)
    edst = jnp.pad(edge_index[1].astype(_i32), (0, ME_PAD - ME),
                   constant_values=DUMP)
    esrc2 = esrc.reshape(NS, NB_E * BE)
    edst3 = edst.reshape(NS, NB_E, BE)

    esrcd = jnp.pad(edge_index[0].astype(_i32), (0, ME_PAD_D - ME),
                    constant_values=DUMP).reshape(NS, NB_D, BW)
    edstd = jnp.pad(edge_index[1].astype(_i32), (0, ME_PAD_D - ME),
                    constant_values=DUMP).reshape(NS, NB_D, BW)

    od16, id16 = _deg_kernel(esrcd, edstd)
    bag_lo, bag_hi = _segsum_emb(tlo, thi, wsrc2, wdst3)
    bag_hi = bag_hi.at[:N, HALF - 3:].set(jnp.stack([f, lf, ll], axis=1))

    x1_lo, x1_hi = _tc1(bag_lo, bag_hi, od16, W1)
    a1_lo, a1_hi = _segsum_edge(x1_lo, x1_hi, esrc2, edst3)
    x2_lo, x2_hi = _tc2(a1_lo, a1_hi, id16, od16, b1.reshape(1, D), W2)
    a2_lo, a2_hi = _segsum_edge(x2_lo, x2_hi, esrc2, edst3)
    hfull, hg = _tc3(a2_lo, a2_hi, id16, b2.reshape(1, D))
    return hfull[:N], hg

# --- scband reference (transcript-rebuilt; emitter-appended) ---
"""Pipeline reference for scband-gcnencoder-17506286698862 (READ-ONLY COPY).

The authoritative reference and input builder live on the scoring server;
editing this copy changes nothing except your own understanding.
"""

import jax, jax.numpy as jnp
import numpy as np

N = 10000
E = 160000
L = 20
V = 50000
D_EMB = 253
D_IN = 256
D_H = 256


def setup_inputs(seed: int = 0) -> dict:
    key = jax.random.key(seed)
    ks = jax.random.split(key, 12)
    word_ids = jax.random.randint(ks[0], (N, L), 0, V, dtype=jnp.int64) if jax.config.jax_enable_x64 else jax.random.randint(ks[0], (N, L), 0, V, dtype=jnp.int32)
    ml = jnp.ones((N,), jnp.float32)
    f = jax.random.normal(ks[1], (N,), jnp.float32)
    lf = jax.random.normal(ks[2], (N,), jnp.float32)
    ll = jax.random.normal(ks[3], (N,), jnp.float32)
    edge_index = jax.random.randint(ks[4], (2, E), 0, N, dtype=jnp.int32)
    emb_table = jax.random.normal(ks[5], (V, D_EMB), jnp.float32) * 0.02
    emb_table = emb_table.at[1].set(0.0)  # padding_idx=1
    s1 = float(np.sqrt(2.0 / (D_IN + D_H)))
    s2 = float(np.sqrt(2.0 / (D_H + D_H)))
    W1 = jax.random.normal(ks[6], (D_IN, D_H), jnp.float32) * s1
    b1 = jnp.zeros((D_H,), jnp.float32)
    W2 = jax.random.normal(ks[7], (D_H, D_H), jnp.float32) * s2
    b2 = jnp.zeros((D_H,), jnp.float32)
    return {"word_ids": word_ids, "ml": ml, "f": f, "lf": lf, "ll": ll,
            "edge_index": edge_index, "emb_table": emb_table,
            "W1": W1, "b1": b1, "W2": W2, "b2": b2}


def _graph_conv(h, edge_index, W, b):
    # DGL GraphConv with norm='both', allow_zero_in_degree=True
    src = edge_index[0]
    dst = edge_index[1]
    n = h.shape[0]
    ones_e = jnp.ones((edge_index.shape[1],), h.dtype)
    out_deg = jnp.maximum(jax.ops.segment_sum(ones_e, src, num_segments=n), 1.0)
    in_deg = jnp.maximum(jax.ops.segment_sum(ones_e, dst, num_segments=n), 1.0)
    x = h * (out_deg ** -0.5)[:, None]
    x = x @ W
    agg = jax.ops.segment_sum(jnp.take(x, src, axis=0), dst, num_segments=n)
    return agg * (in_deg ** -0.5)[:, None] + b


def reference(word_ids, ml, f, lf, ll, edge_index, emb_table, W1, b1, W2, b2):
    we = jnp.take(emb_table, word_ids, axis=0)          # [N, L, D_EMB] gather
    we = jnp.sum(we, axis=1) / ml[:, None]              # bag-of-words mean
    h = jnp.concatenate([we, f[:, None], lf[:, None], ll[:, None]], axis=1)  # [N, 256]
    h = jax.nn.relu(_graph_conv(h, edge_index, W1, b1))
    h = jax.nn.relu(_graph_conv(h, edge_index, W2, b2))
    hg = jnp.mean(h, axis=0, keepdims=True)             # AvgPooling over single graph -> [1, D_H]
    return (h, hg)

if __name__ == "__main__":
    import jax
    _d = setup_inputs()
    print(jax.jit(kernel)(*tuple(_d.values())))

</pallas_src>

<mosaic_0001>
#map = affine_map<(d0, d1) -> (0, 0, 0)>
#map1 = affine_map<(d0, d1) -> (0, 0)>
module attributes {stable_mosaic.version = 14 : i64} {
  func.func @_deg_body(%arg0: i32, %arg1: i32, %arg2: memref<16x80x128xi32, #tpu.memory_space<hbm>>, %arg3: memref<16x80x128xi32, #tpu.memory_space<hbm>>, %arg4: memref<10240x128xf32, #tpu.memory_space<hbm>>, %arg5: memref<10240x128xf32, #tpu.memory_space<hbm>>, %arg6: memref<80x128xi32, #tpu.memory_space<vmem>>, %arg7: memref<128x128xf32, #tpu.memory_space<vmem>>, %arg8: memref<10240x128xf32, #tpu.memory_space<vmem_shared>>, %arg9: memref<!tpu.dma_semaphore, #tpu.memory_space<semaphore_mem>>) attributes {dimension_semantics = [#tpu.dimension_semantics<core_parallel>, #tpu.dimension_semantics<subcore_parallel>], iteration_bounds = array<i64: 2, 16>, scalar_prefetch = 0 : i64, scratch_operands = 4 : i64, tpu.core_type = #tpu.core_type<sc_vector_subcore>, window_params = [{transform_indices = #map}, {transform_indices = #map}, {transform_indices = #map1}, {transform_indices = #map1}]} {
    %scan3A = arith.constant 0 : i32
    %scan3A_0 = arith.constant 0 : i32
    %scan3A_1 = arith.constant 1024 : i32
    %scan3A_2 = arith.addi %scan3A_0, %scan3A_1 : i32
    %scan3A_3 = arith.constant 1 : i32
    scf.for %scan3A_56 = %scan3A_0 to %scan3A_2 step %scan3A_3  : i32 {
      %jit3A = arith.constant 8 : i32
      %div3A = arith.divsi %scan3A_56, %jit3A : i32
      %sign3A = arith.constant 0 : i32
      %sign3A_57 = arith.cmpi sgt, %scan3A_56, %sign3A : i32
      %sign3A_58 = arith.extui %sign3A_57 : i1 to i32
      %sign3A_59 = arith.constant 0 : i32
      %sign3A_60 = arith.cmpi slt, %scan3A_56, %sign3A_59 : i32
      %sign3A_61 = arith.extui %sign3A_60 : i1 to i32
      %sign3A_62 = arith.subi %sign3A_58, %sign3A_61 : i32
      %sign3A_63 = arith.constant 0 : i32
      %sign3A_64 = arith.cmpi sgt, %jit3A, %sign3A_63 : i32
      %sign3A_65 = arith.extui %sign3A_64 : i1 to i32
      %sign3A_66 = arith.constant 0 : i32
      %sign3A_67 = arith.cmpi slt, %jit3A, %sign3A_66 : i32
      %sign3A_68 = arith.extui %sign3A_67 : i1 to i32
      %sign3A_69 = arith.subi %sign3A_65, %sign3A_68 : i32
      %ne3A = arith.cmpi ne, %sign3A_62, %sign3A_69 : i32
      %rem3A = arith.remsi %scan3A_56, %jit3A : i32
      %ne3A_70 = arith.constant 0 : i32
      %ne3A_71 = arith.cmpi ne, %rem3A, %ne3A_70 : i32
      %and3A = arith.andi %ne3A, %ne3A_71 : i1
      %sub3A = arith.constant 1 : i32
      %sub3A_72 = arith.subi %div3A, %sub3A : i32
      %select_n3A = arith.select %and3A, %sub3A_72, %div3A : i32
      %jit3A_73 = arith.constant 8 : i32
      %eq3A_74 = arith.constant 0 : i32
      %eq3A_75 = arith.cmpi eq, %jit3A_73, %eq3A_74 : i32
      %jit3A_76 = arith.constant 1 : i32
      %select_n3A_77 = arith.select %eq3A_75, %jit3A_76, %jit3A_73 : i32
      %rem3A_78 = arith.remsi %scan3A_56, %select_n3A_77 : i32
      %ne3A_79 = arith.constant 0 : i32
      %ne3A_80 = arith.cmpi ne, %rem3A_78, %ne3A_79 : i32
      %lt3A = arith.constant 0 : i32
      %lt3A_81 = arith.cmpi slt, %rem3A_78, %lt3A : i32
      %lt3A_82 = arith.constant 0 : i32
      %lt3A_83 = arith.cmpi slt, %select_n3A_77, %lt3A_82 : i32
      %ne3A_84 = arith.xori %lt3A_81, %lt3A_83 : i1
      %and3A_85 = arith.andi %ne3A_84, %ne3A_80 : i1
      %add3A_86 = arith.addi %rem3A_78, %select_n3A_77 : i32
      %select_n3A_87 = arith.select %and3A_85, %add3A_86, %rem3A_78 : i32
      %broadcast_in_dim3A = arith.constant 0.000000e+00 : f32
      %broadcast_in_dim3A_88 = vector.broadcast %broadcast_in_dim3A : f32 to vector<16xf32>
      %mul3A_89 = arith.constant 16 : i32
      %mul3A_90 = arith.muli %select_n3A_87, %mul3A_89 : i32
      %swap3A = arith.index_cast %select_n3A : i32 to index
      %swap3A_91 = arith.index_cast %mul3A_90 : i32 to index
      %swap3A_92 = tpu.vector_load %arg7[%swap3A, %swap3A_91] {strides = array<i32>} : memref<128x128xf32, #tpu.memory_space<vmem>>, vector<1x16xf32>,
      %swap3A_93 = vector.shape_cast %swap3A_92 : vector<1x16xf32> to vector<16xf32>
      %swap3A_94 = vector.shape_cast %broadcast_in_dim3A_88 : vector<16xf32> to vector<1x16xf32>
      tpu.vector_store %arg7[%swap3A, %swap3A_91], %swap3A_94 {strides = array<i32>} : memref<128x128xf32, #tpu.memory_space<vmem>>, vector<1x16xf32>,
    }
    %scan3A_4 = arith.constant 1024 : i32
    %mul3A = arith.constant 640 : i32
    %mul3A_5 = arith.muli %arg1, %mul3A : i32
    %add3A = arith.constant 0 : i32
    %add3A_6 = arith.addi %mul3A_5, %add3A : i32
    "tpu.region"() ({
      %run_scoped3A = tpu.sem_alloc : memref<!tpu.dma_semaphore, #tpu.memory_space<semaphore_mem>>
      %dma_start3A = arith.constant 0 : i32
      %dma_start3A_56 = arith.constant 0 : i32
      %dma_start3A_57 = tpu.memref_slice %arg7[%dma_start3A, %dma_start3A_56] : memref<128x128xf32, #tpu.memory_space<vmem>> -> memref<64x128xf32, #tpu.memory_space<vmem>>
      %dma_start3A_58 = arith.constant 0 : i32
      %dma_start3A_59 = tpu.memref_slice %arg8[%add3A_6, %dma_start3A_58] : memref<10240x128xf32, #tpu.memory_space<vmem_shared>> -> memref<64x128xf32, #tpu.memory_space<vmem_shared>>
      %dma_start3A_60 = arith.constant 0 : i32
      %dma_start3A_61 = tpu.memref_slice %arg8[%add3A_6, %dma_start3A_60] : memref<10240x128xf32, #tpu.memory_space<vmem_shared>> -> memref<64x128xf32, #tpu.memory_space<vmem_shared>>
      %dma_start3A_62 = arith.constant 0 : i32
      %dma_start3A_63 = arith.constant 0 : i32
      %dma_start3A_64 = tpu.memref_slice %arg7[%dma_start3A_62, %dma_start3A_63] : memref<128x128xf32, #tpu.memory_space<vmem>> -> memref<64x128xf32, #tpu.memory_space<vmem>>
      tpu.enqueue_dma source(%dma_start3A_64 : memref<64x128xf32, #tpu.memory_space<vmem>>) target(%dma_start3A_61 : memref<64x128xf32, #tpu.memory_space<vmem_shared>>) target_semaphore(%run_scoped3A : memref<!tpu.dma_semaphore, #tpu.memory_space<semaphore_mem>>)
      %dma_wait3A = arith.constant 0 : i32
      %dma_wait3A_65 = arith.constant 0 : i32
      %dma_wait3A_66 = tpu.memref_slice %arg7[%dma_wait3A, %dma_wait3A_65] : memref<128x128xf32, #tpu.memory_space<vmem>> -> memref<64x128xf32, #tpu.memory_space<vmem>>
      %dma_wait3A_67 = arith.constant 0 : i32
      %dma_wait3A_68 = tpu.memref_slice %arg8[%add3A_6, %dma_wait3A_67] : memref<10240x128xf32, #tpu.memory_space<vmem_shared>> -> memref<64x128xf32, #tpu.memory_space<vmem_shared>>
      %dma_wait3A_69 = arith.constant 0 : i32
      %dma_wait3A_70 = tpu.memref_slice %arg8[%add3A_6, %dma_wait3A_69] : memref<10240x128xf32, #tpu.memory_space<vmem_shared>> -> memref<64x128xf32, #tpu.memory_space<vmem_shared>>
      %dma_wait3A_71 = arith.constant 0 : i32
      %dma_wait3A_72 = arith.constant 0 : i32
      %dma_wait3A_73 = tpu.memref_slice %arg7[%dma_wait3A_71, %dma_wait3A_72] : memref<128x128xf32, #tpu.memory_space<vmem>> -> memref<64x128xf32, #tpu.memory_space<vmem>>
      tpu.wait_dma2 semaphore(%run_scoped3A : memref<!tpu.dma_semaphore, #tpu.memory_space<semaphore_mem>>) src(%dma_wait3A_73 : memref<64x128xf32, #tpu.memory_space<vmem>>) dst(%dma_wait3A_70 : memref<64x128xf32, #tpu.memory_space<vmem_shared>>)
      tpu.yield
    }) : () -> ()
    %mul3A_7 = arith.constant 640 : i32
    %mul3A_8 = arith.muli %arg1, %mul3A_7 : i32
    %add3A_9 = arith.constant 64 : i32
    %add3A_10 = arith.addi %mul3A_8, %add3A_9 : i32
    "tpu.region"() ({
      %run_scoped3A = tpu.sem_alloc : memref<!tpu.dma_semaphore, #tpu.memory_space<semaphore_mem>>
      %dma_start3A = arith.constant 0 : i32
      %dma_start3A_56 = arith.constant 0 : i32
      %dma_start3A_57 = tpu.memref_slice %arg7[%dma_start3A, %dma_start3A_56] : memref<128x128xf32, #tpu.memory_space<vmem>> -> memref<64x128xf32, #tpu.memory_space<vmem>>
      %dma_start3A_58 = arith.constant 0 : i32
      %dma_start3A_59 = tpu.memref_slice %arg8[%add3A_10, %dma_start3A_58] : memref<10240x128xf32, #tpu.memory_space<vmem_shared>> -> memref<64x128xf32, #tpu.memory_space<vmem_shared>>
      %dma_start3A_60 = arith.constant 0 : i32
      %dma_start3A_61 = tpu.memref_slice %arg8[%add3A_10, %dma_start3A_60] : memref<10240x128xf32, #tpu.memory_space<vmem_shared>> -> memref<64x128xf32, #tpu.memory_space<vmem_shared>>
      %dma_start3A_62 = arith.constant 0 : i32
      %dma_start3A_63 = arith.constant 0 : i32
      %dma_start3A_64 = tpu.memref_slice %arg7[%dma_start3A_62, %dma_start3A_63] : memref<128x128xf32, #tpu.memory_space<vmem>> -> memref<64x128xf32, #tpu.memory_space<vmem>>
      tpu.enqueue_dma source(%dma_start3A_64 : memref<64x128xf32, #tpu.memory_space<vmem>>) target(%dma_start3A_61 : memref<64x128xf32, #tpu.memory_space<vmem_shared>>) target_semaphore(%run_scoped3A : memref<!tpu.dma_semaphore, #tpu.memory_space<semaphore_mem>>)
      %dma_wait3A = arith.constant 0 : i32
      %dma_wait3A_65 = arith.constant 0 : i32
      %dma_wait3A_66 = tpu.memref_slice %arg7[%dma_wait3A, %dma_wait3A_65] : memref<128x128xf32, #tpu.memory_space<vmem>> -> memref<64x128xf32, #tpu.memory_space<vmem>>
      %dma_wait3A_67 = arith.constant 0 : i32
      %dma_wait3A_68 = tpu.memref_slice %arg8[%add3A_10, %dma_wait3A_67] : memref<10240x128xf32, #tpu.memory_space<vmem_shared>> -> memref<64x128xf32, #tpu.memory_space<vmem_shared>>
      %dma_wait3A_69 = arith.constant 0 : i32
      %dma_wait3A_70 = tpu.memref_slice %arg8[%add3A_10, %dma_wait3A_69] : memref<10240x128xf32, #tpu.memory_space<vmem_shared>> -> memref<64x128xf32, #tpu.memory_space<vmem_shared>>
      %dma_wait3A_71 = arith.constant 0 : i32
      %dma_wait3A_72 = arith.constant 0 : i32
      %dma_wait3A_73 = tpu.memref_slice %arg7[%dma_wait3A_71, %dma_wait3A_72] : memref<128x128xf32, #tpu.memory_space<vmem>> -> memref<64x128xf32, #tpu.memory_space<vmem>>
      tpu.wait_dma2 semaphore(%run_scoped3A : memref<!tpu.dma_semaphore, #tpu.memory_space<semaphore_mem>>) src(%dma_wait3A_73 : memref<64x128xf32, #tpu.memory_space<vmem>>) dst(%dma_wait3A_70 : memref<64x128xf32, #tpu.memory_space<vmem_shared>>)
      tpu.yield
    }) : () -> ()
    %mul3A_11 = arith.constant 640 : i32
    %mul3A_12 = arith.muli %arg1, %mul3A_11 : i32
    %add3A_13 = arith.constant 128 : i32
    %add3A_14 = arith.addi %mul3A_12, %add3A_13 : i32
    "tpu.region"() ({
      %run_scoped3A = tpu.sem_alloc : memref<!tpu.dma_semaphore, #tpu.memory_space<semaphore_mem>>
      %dma_start3A = arith.constant 0 : i32
      %dma_start3A_56 = arith.constant 0 : i32
      %dma_start3A_57 = tpu.memref_slice %arg7[%dma_start3A, %dma_start3A_56] : memref<128x128xf32, #tpu.memory_space<vmem>> -> memref<64x128xf32, #tpu.memory_space<vmem>>
      %dma_start3A_58 = arith.constant 0 : i32
      %dma_start3A_59 = tpu.memref_slice %arg8[%add3A_14, %dma_start3A_58] : memref<10240x128xf32, #tpu.memory_space<vmem_shared>> -> memref<64x128xf32, #tpu.memory_space<vmem_shared>>
      %dma_start3A_60 = arith.constant 0 : i32
      %dma_start3A_61 = tpu.memref_slice %arg8[%add3A_14, %dma_start3A_60] : memref<10240x128xf32, #tpu.memory_space<vmem_shared>> -> memref<64x128xf32, #tpu.memory_space<vmem_shared>>
      %dma_start3A_62 = arith.constant 0 : i32
      %dma_start3A_63 = arith.constant 0 : i32
      %dma_start3A_64 = tpu.memref_slice %arg7[%dma_start3A_62, %dma_start3A_63] : memref<128x128xf32, #tpu.memory_space<vmem>> -> memref<64x128xf32, #tpu.memory_space<vmem>>
      tpu.enqueue_dma source(%dma_start3A_64 : memref<64x128xf32, #tpu.memory_space<vmem>>) target(%dma_start3A_61 : memref<64x128xf32, #tpu.memory_space<vmem_shared>>) target_semaphore(%run_scoped3A : memref<!tpu.dma_semaphore, #tpu.memory_space<semaphore_mem>>)
      %dma_wait3A = arith.constant 0 : i32
      %dma_wait3A_65 = arith.constant 0 : i32
      %dma_wait3A_66 = tpu.memref_slice %arg7[%dma_wait3A, %dma_wait3A_65] : memref<128x128xf32, #tpu.memory_space<vmem>> -> memref<64x128xf32, #tpu.memory_space<vmem>>
      %dma_wait3A_67 = arith.constant 0 : i32
      %dma_wait3A_68 = tpu.memref_slice %arg8[%add3A_14, %dma_wait3A_67] : memref<10240x128xf32, #tpu.memory_space<vmem_shared>> -> memref<64x128xf32, #tpu.memory_space<vmem_shared>>
      %dma_wait3A_69 = arith.constant 0 : i32
      %dma_wait3A_70 = tpu.memref_slice %arg8[%add3A_14, %dma_wait3A_69] : memref<10240x128xf32, #tpu.memory_space<vmem_shared>> -> memref<64x128xf32, #tpu.memory_space<vmem_shared>>
      %dma_wait3A_71 = arith.constant 0 : i32
      %dma_wait3A_72 = arith.constant 0 : i32
      %dma_wait3A_73 = tpu.memref_slice %arg7[%dma_wait3A_71, %dma_wait3A_72] : memref<128x128xf32, #tpu.memory_space<vmem>> -> memref<64x128xf32, #tpu.memory_space<vmem>>
      tpu.wait_dma2 semaphore(%run_scoped3A : memref<!tpu.dma_semaphore, #tpu.memory_space<semaphore_mem>>) src(%dma_wait3A_73 : memref<64x128xf32, #tpu.memory_space<vmem>>) dst(%dma_wait3A_70 : memref<64x128xf32, #tpu.memory_space<vmem_shared>>)
      tpu.yield
    }) : () -> ()
    %mul3A_15 = arith.constant 640 : i32
    %mul3A_16 = arith.muli %arg1, %mul3A_15 : i32
    %add3A_17 = arith.constant 192 : i32
    %add3A_18 = arith.addi %mul3A_16, %add3A_17 : i32
    "tpu.region"() ({
      %run_scoped3A = tpu.sem_alloc : memref<!tpu.dma_semaphore, #tpu.memory_space<semaphore_mem>>
      %dma_start3A = arith.constant 0 : i32
      %dma_start3A_56 = arith.constant 0 : i32
      %dma_start3A_57 = tpu.memref_slice %arg7[%dma_start3A, %dma_start3A_56] : memref<128x128xf32, #tpu.memory_space<vmem>> -> memref<64x128xf32, #tpu.memory_space<vmem>>
      %dma_start3A_58 = arith.constant 0 : i32
      %dma_start3A_59 = tpu.memref_slice %arg8[%add3A_18, %dma_start3A_58] : memref<10240x128xf32, #tpu.memory_space<vmem_shared>> -> memref<64x128xf32, #tpu.memory_space<vmem_shared>>
      %dma_start3A_60 = arith.constant 0 : i32
      %dma_start3A_61 = tpu.memref_slice %arg8[%add3A_18, %dma_start3A_60] : memref<10240x128xf32, #tpu.memory_space<vmem_shared>> -> memref<64x128xf32, #tpu.memory_space<vmem_shared>>
      %dma_start3A_62 = arith.constant 0 : i32
      %dma_start3A_63 = arith.constant 0 : i32
      %dma_start3A_64 = tpu.memref_slice %arg7[%dma_start3A_62, %dma_start3A_63] : memref<128x128xf32, #tpu.memory_space<vmem>> -> memref<64x128xf32, #tpu.memory_space<vmem>>
      tpu.enqueue_dma source(%dma_start3A_64 : memref<64x128xf32, #tpu.memory_space<vmem>>) target(%dma_start3A_61 : memref<64x128xf32, #tpu.memory_space<vmem_shared>>) target_semaphore(%run_scoped3A : memref<!tpu.dma_semaphore, #tpu.memory_space<semaphore_mem>>)
      %dma_wait3A = arith.constant 0 : i32
      %dma_wait3A_65 = arith.constant 0 : i32
      %dma_wait3A_66 = tpu.memref_slice %arg7[%dma_wait3A, %dma_wait3A_65] : memref<128x128xf32, #tpu.memory_space<vmem>> -> memref<64x128xf32, #tpu.memory_space<vmem>>
      %dma_wait3A_67 = arith.constant 0 : i32
      %dma_wait3A_68 = tpu.memref_slice %arg8[%add3A_18, %dma_wait3A_67] : memref<10240x128xf32, #tpu.memory_space<vmem_shared>> -> memref<64x128xf32, #tpu.memory_space<vmem_shared>>
      %dma_wait3A_69 = arith.constant 0 : i32
      %dma_wait3A_70 = tpu.memref_slice %arg8[%add3A_18, %dma_wait3A_69] : memref<10240x128xf32, #tpu.memory_space<vmem_shared>> -> memref<64x128xf32, #tpu.memory_space<vmem_shared>>
      %dma_wait3A_71 = arith.constant 0 : i32
      %dma_wait3A_72 = arith.constant 0 : i32
      %dma_wait3A_73 = tpu.memref_slice %arg7[%dma_wait3A_71, %dma_wait3A_72] : memref<128x128xf32, #tpu.memory_space<vmem>> -> memref<64x128xf32, #tpu.memory_space<vmem>>
      tpu.wait_dma2 semaphore(%run_scoped3A : memref<!tpu.dma_semaphore, #tpu.memory_space<semaphore_mem>>) src(%dma_wait3A_73 : memref<64x128xf32, #tpu.memory_space<vmem>>) dst(%dma_wait3A_70 : memref<64x128xf32, #tpu.memory_space<vmem_shared>>)
      tpu.yield
    }) : () -> ()
    %mul3A_19 = arith.constant 640 : i32
    %mul3A_20 = arith.muli %arg1, %mul3A_19 : i32
    %add3A_21 = arith.constant 256 : i32
    %add3A_22 = arith.addi %mul3A_20, %add3A_21 : i32
    "tpu.region"() ({
      %run_scoped3A = tpu.sem_alloc : memref<!tpu.dma_semaphore, #tpu.memory_space<semaphore_mem>>
      %dma_start3A = arith.constant 0 : i32
      %dma_start3A_56 = arith.constant 0 : i32
      %dma_start3A_57 = tpu.memref_slice %arg7[%dma_start3A, %dma_start3A_56] : memref<128x128xf32, #tpu.memory_space<vmem>> -> memref<64x128xf32, #tpu.memory_space<vmem>>
      %dma_start3A_58 = arith.constant 0 : i32
      %dma_start3A_59 = tpu.memref_slice %arg8[%add3A_22, %dma_start3A_58] : memref<10240x128xf32, #tpu.memory_space<vmem_shared>> -> memref<64x128xf32, #tpu.memory_space<vmem_shared>>
      %dma_start3A_60 = arith.constant 0 : i32
      %dma_start3A_61 = tpu.memref_slice %arg8[%add3A_22, %dma_start3A_60] : memref<10240x128xf32, #tpu.memory_space<vmem_shared>> -> memref<64x128xf32, #tpu.memory_space<vmem_shared>>
      %dma_start3A_62 = arith.constant 0 : i32
      %dma_start3A_63 = arith.constant 0 : i32
      %dma_start3A_64 = tpu.memref_slice %arg7[%dma_start3A_62, %dma_start3A_63] : memref<128x128xf32, #tpu.memory_space<vmem>> -> memref<64x128xf32, #tpu.memory_space<vmem>>
      tpu.enqueue_dma source(%dma_start3A_64 : memref<64x128xf32, #tpu.memory_space<vmem>>) target(%dma_start3A_61 : memref<64x128xf32, #tpu.memory_space<vmem_shared>>) target_semaphore(%run_scoped3A : memref<!tpu.dma_semaphore, #tpu.memory_space<semaphore_mem>>)
      %dma_wait3A = arith.constant 0 : i32
      %dma_wait3A_65 = arith.constant 0 : i32
      %dma_wait3A_66 = tpu.memref_slice %arg7[%dma_wait3A, %dma_wait3A_65] : memref<128x128xf32, #tpu.memory_space<vmem>> -> memref<64x128xf32, #tpu.memory_space<vmem>>
      %dma_wait3A_67 = arith.constant 0 : i32
      %dma_wait3A_68 = tpu.memref_slice %arg8[%add3A_22, %dma_wait3A_67] : memref<10240x128xf32, #tpu.memory_space<vmem_shared>> -> memref<64x128xf32, #tpu.memory_space<vmem_shared>>
      %dma_wait3A_69 = arith.constant 0 : i32
      %dma_wait3A_70 = tpu.memref_slice %arg8[%add3A_22, %dma_wait3A_69] : memref<10240x128xf32, #tpu.memory_space<vmem_shared>> -> memref<64x128xf32, #tpu.memory_space<vmem_shared>>
      %dma_wait3A_71 = arith.constant 0 : i32
      %dma_wait3A_72 = arith.constant 0 : i32
      %dma_wait3A_73 = tpu.memref_slice %arg7[%dma_wait3A_71, %dma_wait3A_72] : memref<128x128xf32, #tpu.memory_space<vmem>> -> memref<64x128xf32, #tpu.memory_space<vmem>>
      tpu.wait_dma2 semaphore(%run_scoped3A : memref<!tpu.dma_semaphore, #tpu.memory_space<semaphore_mem>>) src(%dma_wait3A_73 : memref<64x128xf32, #tpu.memory_space<vmem>>) dst(%dma_wait3A_70 : memref<64x128xf32, #tpu.memory_space<vmem_shared>>)
      tpu.yield
    }) : () -> ()
    %mul3A_23 = arith.constant 640 : i32
    %mul3A_24 = arith.muli %arg1, %mul3A_23 : i32
    %add3A_25 = arith.constant 320 : i32
    %add3A_26 = arith.addi %mul3A_24, %add3A_25 : i32
    "tpu.region"() ({
      %run_scoped3A = tpu.sem_alloc : memref<!tpu.dma_semaphore, #tpu.memory_space<semaphore_mem>>
      %dma_start3A = arith.constant 0 : i32
      %dma_start3A_56 = arith.constant 0 : i32
      %dma_start3A_57 = tpu.memref_slice %arg7[%dma_start3A, %dma_start3A_56] : memref<128x128xf32, #tpu.memory_space<vmem>> -> memref<64x128xf32, #tpu.memory_space<vmem>>
      %dma_start3A_58 = arith.constant 0 : i32
      %dma_start3A_59 = tpu.memref_slice %arg8[%add3A_26, %dma_start3A_58] : memref<10240x128xf32, #tpu.memory_space<vmem_shared>> -> memref<64x128xf32, #tpu.memory_space<vmem_shared>>
      %dma_start3A_60 = arith.constant 0 : i32
      %dma_start3A_61 = tpu.memref_slice %arg8[%add3A_26, %dma_start3A_60] : memref<10240x128xf32, #tpu.memory_space<vmem_shared>> -> memref<64x128xf32, #tpu.memory_space<vmem_shared>>
      %dma_start3A_62 = arith.constant 0 : i32
      %dma_start3A_63 = arith.constant 0 : i32
      %dma_start3A_64 = tpu.memref_slice %arg7[%dma_start3A_62, %dma_start3A_63] : memref<128x128xf32, #tpu.memory_space<vmem>> -> memref<64x128xf32, #tpu.memory_space<vmem>>
      tpu.enqueue_dma source(%dma_start3A_64 : memref<64x128xf32, #tpu.memory_space<vmem>>) target(%dma_start3A_61 : memref<64x128xf32, #tpu.memory_space<vmem_shared>>) target_semaphore(%run_scoped3A : memref<!tpu.dma_semaphore, #tpu.memory_space<semaphore_mem>>)
      %dma_wait3A = arith.constant 0 : i32
      %dma_wait3A_65 = arith.constant 0 : i32
      %dma_wait3A_66 = tpu.memref_slice %arg7[%dma_wait3A, %dma_wait3A_65] : memref<128x128xf32, #tpu.memory_space<vmem>> -> memref<64x128xf32, #tpu.memory_space<vmem>>
      %dma_wait3A_67 = arith.constant 0 : i32
      %dma_wait3A_68 = tpu.memref_slice %arg8[%add3A_26, %dma_wait3A_67] : memref<10240x128xf32, #tpu.memory_space<vmem_shared>> -> memref<64x128xf32, #tpu.memory_space<vmem_shared>>
      %dma_wait3A_69 = arith.constant 0 : i32
      %dma_wait3A_70 = tpu.memref_slice %arg8[%add3A_26, %dma_wait3A_69] : memref<10240x128xf32, #tpu.memory_space<vmem_shared>> -> memref<64x128xf32, #tpu.memory_space<vmem_shared>>
      %dma_wait3A_71 = arith.constant 0 : i32
      %dma_wait3A_72 = arith.constant 0 : i32
      %dma_wait3A_73 = tpu.memref_slice %arg7[%dma_wait3A_71, %dma_wait3A_72] : memref<128x128xf32, #tpu.memory_space<vmem>> -> memref<64x128xf32, #tpu.memory_space<vmem>>
      tpu.wait_dma2 semaphore(%run_scoped3A : memref<!tpu.dma_semaphore, #tpu.memory_space<semaphore_mem>>) src(%dma_wait3A_73 : memref<64x128xf32, #tpu.memory_space<vmem>>) dst(%dma_wait3A_70 : memref<64x128xf32, #tpu.memory_space<vmem_shared>>)
      tpu.yield
    }) : () -> ()
    %mul3A_27 = arith.constant 640 : i32
    %mul3A_28 = arith.muli %arg1, %mul3A_27 : i32
    %add3A_29 = arith.constant 384 : i32
    %add3A_30 = arith.addi %mul3A_28, %add3A_29 : i32
    "tpu.region"() ({
      %run_scoped3A = tpu.sem_alloc : memref<!tpu.dma_semaphore, #tpu.memory_space<semaphore_mem>>
      %dma_start3A = arith.constant 0 : i32
      %dma_start3A_56 = arith.constant 0 : i32
      %dma_start3A_57 = tpu.memref_slice %arg7[%dma_start3A, %dma_start3A_56] : memref<128x128xf32, #tpu.memory_space<vmem>> -> memref<64x128xf32, #tpu.memory_space<vmem>>
      %dma_start3A_58 = arith.constant 0 : i32
      %dma_start3A_59 = tpu.memref_slice %arg8[%add3A_30, %dma_start3A_58] : memref<10240x128xf32, #tpu.memory_space<vmem_shared>> -> memref<64x128xf32, #tpu.memory_space<vmem_shared>>
      %dma_start3A_60 = arith.constant 0 : i32
      %dma_start3A_61 = tpu.memref_slice %arg8[%add3A_30, %dma_start3A_60] : memref<10240x128xf32, #tpu.memory_space<vmem_shared>> -> memref<64x128xf32, #tpu.memory_space<vmem_shared>>
      %dma_start3A_62 = arith.constant 0 : i32
      %dma_start3A_63 = arith.constant 0 : i32
      %dma_start3A_64 = tpu.memref_slice %arg7[%dma_start3A_62, %dma_start3A_63] : memref<128x128xf32, #tpu.memory_space<vmem>> -> memref<64x128xf32, #tpu.memory_space<vmem>>
      tpu.enqueue_dma source(%dma_start3A_64 : memref<64x128xf32, #tpu.memory_space<vmem>>) target(%dma_start3A_61 : memref<64x128xf32, #tpu.memory_space<vmem_shared>>) target_semaphore(%run_scoped3A : memref<!tpu.dma_semaphore, #tpu.memory_space<semaphore_mem>>)
      %dma_wait3A = arith.constant 0 : i32
      %dma_wait3A_65 = arith.constant 0 : i32
      %dma_wait3A_66 = tpu.memref_slice %arg7[%dma_wait3A, %dma_wait3A_65] : memref<128x128xf32, #tpu.memory_space<vmem>> -> memref<64x128xf32, #tpu.memory_space<vmem>>
      %dma_wait3A_67 = arith.constant 0 : i32
      %dma_wait3A_68 = tpu.memref_slice %arg8[%add3A_30, %dma_wait3A_67] : memref<10240x128xf32, #tpu.memory_space<vmem_shared>> -> memref<64x128xf32, #tpu.memory_space<vmem_shared>>
      %dma_wait3A_69 = arith.constant 0 : i32
      %dma_wait3A_70 = tpu.memref_slice %arg8[%add3A_30, %dma_wait3A_69] : memref<10240x128xf32, #tpu.memory_space<vmem_shared>> -> memref<64x128xf32, #tpu.memory_space<vmem_shared>>
      %dma_wait3A_71 = arith.constant 0 : i32
      %dma_wait3A_72 = arith.constant 0 : i32
      %dma_wait3A_73 = tpu.memref_slice %arg7[%dma_wait3A_71, %dma_wait3A_72] : memref<128x128xf32, #tpu.memory_space<vmem>> -> memref<64x128xf32, #tpu.memory_space<vmem>>
      tpu.wait_dma2 semaphore(%run_scoped3A : memref<!tpu.dma_semaphore, #tpu.memory_space<semaphore_mem>>) src(%dma_wait3A_73 : memref<64x128xf32, #tpu.memory_space<vmem>>) dst(%dma_wait3A_70 : memref<64x128xf32, #tpu.memory_space<vmem_shared>>)
      tpu.yield
    }) : () -> ()
    %mul3A_31 = arith.constant 640 : i32
    %mul3A_32 = arith.muli %arg1, %mul3A_31 : i32
    %add3A_33 = arith.constant 448 : i32
    %add3A_34 = arith.addi %mul3A_32, %add3A_33 : i32
    "tpu.region"() ({
      %run_scoped3A = tpu.sem_alloc : memref<!tpu.dma_semaphore, #tpu.memory_space<semaphore_mem>>
      %dma_start3A = arith.constant 0 : i32
      %dma_start3A_56 = arith.constant 0 : i32
      %dma_start3A_57 = tpu.memref_slice %arg7[%dma_start3A, %dma_start3A_56] : memref<128x128xf32, #tpu.memory_space<vmem>> -> memref<64x128xf32, #tpu.memory_space<vmem>>
      %dma_start3A_58 = arith.constant 0 : i32
      %dma_start3A_59 = tpu.memref_slice %arg8[%add3A_34, %dma_start3A_58] : memref<10240x128xf32, #tpu.memory_space<vmem_shared>> -> memref<64x128xf32, #tpu.memory_space<vmem_shared>>
      %dma_start3A_60 = arith.constant 0 : i32
      %dma_start3A_61 = tpu.memref_slice %arg8[%add3A_34, %dma_start3A_60] : memref<10240x128xf32, #tpu.memory_space<vmem_shared>> -> memref<64x128xf32, #tpu.memory_space<vmem_shared>>
      %dma_start3A_62 = arith.constant 0 : i32
      %dma_start3A_63 = arith.constant 0 : i32
      %dma_start3A_64 = tpu.memref_slice %arg7[%dma_start3A_62, %dma_start3A_63] : memref<128x128xf32, #tpu.memory_space<vmem>> -> memref<64x128xf32, #tpu.memory_space<vmem>>
      tpu.enqueue_dma source(%dma_start3A_64 : memref<64x128xf32, #tpu.memory_space<vmem>>) target(%dma_start3A_61 : memref<64x128xf32, #tpu.memory_space<vmem_shared>>) target_semaphore(%run_scoped3A : memref<!tpu.dma_semaphore, #tpu.memory_space<semaphore_mem>>)
      %dma_wait3A = arith.constant 0 : i32
      %dma_wait3A_65 = arith.constant 0 : i32
      %dma_wait3A_66 = tpu.memref_slice %arg7[%dma_wait3A, %dma_wait3A_65] : memref<128x128xf32, #tpu.memory_space<vmem>> -> memref<64x128xf32, #tpu.memory_space<vmem>>
      %dma_wait3A_67 = arith.constant 0 : i32
      %dma_wait3A_68 = tpu.memref_slice %arg8[%add3A_34, %dma_wait3A_67] : memref<10240x128xf32, #tpu.memory_space<vmem_shared>> -> memref<64x128xf32, #tpu.memory_space<vmem_shared>>
      %dma_wait3A_69 = arith.constant 0 : i32
      %dma_wait3A_70 = tpu.memref_slice %arg8[%add3A_34, %dma_wait3A_69] : memref<10240x128xf32, #tpu.memory_space<vmem_shared>> -> memref<64x128xf32, #tpu.memory_space<vmem_shared>>
      %dma_wait3A_71 = arith.constant 0 : i32
      %dma_wait3A_72 = arith.constant 0 : i32
      %dma_wait3A_73 = tpu.memref_slice %arg7[%dma_wait3A_71, %dma_wait3A_72] : memref<128x128xf32, #tpu.memory_space<vmem>> -> memref<64x128xf32, #tpu.memory_space<vmem>>
      tpu.wait_dma2 semaphore(%run_scoped3A : memref<!tpu.dma_semaphore, #tpu.memory_space<semaphore_mem>>) src(%dma_wait3A_73 : memref<64x128xf32, #tpu.memory_space<vmem>>) dst(%dma_wait3A_70 : memref<64x128xf32, #tpu.memory_space<vmem_shared>>)
      tpu.yield
    }) : () -> ()
    %mul3A_35 = arith.constant 640 : i32
    %mul3A_36 = arith.muli %arg1, %mul3A_35 : i32
    %add3A_37 = arith.constant 512 : i32
    %add3A_38 = arith.addi %mul3A_36, %add3A_37 : i32
    "tpu.region"() ({
      %run_scoped3A = tpu.sem_alloc : memref<!tpu.dma_semaphore, #tpu.memory_space<semaphore_mem>>
      %dma_start3A = arith.constant 0 : i32
      %dma_start3A_56 = arith.constant 0 : i32
      %dma_start3A_57 = tpu.memref_slice %arg7[%dma_start3A, %dma_start3A_56] : memref<128x128xf32, #tpu.memory_space<vmem>> -> memref<64x128xf32, #tpu.memory_space<vmem>>
      %dma_start3A_58 = arith.constant 0 : i32
      %dma_start3A_59 = tpu.memref_slice %arg8[%add3A_38, %dma_start3A_58] : memref<10240x128xf32, #tpu.memory_space<vmem_shared>> -> memref<64x128xf32, #tpu.memory_space<vmem_shared>>
      %dma_start3A_60 = arith.constant 0 : i32
      %dma_start3A_61 = tpu.memref_slice %arg8[%add3A_38, %dma_start3A_60] : memref<10240x128xf32, #tpu.memory_space<vmem_shared>> -> memref<64x128xf32, #tpu.memory_space<vmem_shared>>
      %dma_start3A_62 = arith.constant 0 : i32
      %dma_start3A_63 = arith.constant 0 : i32
      %dma_start3A_64 = tpu.memref_slice %arg7[%dma_start3A_62, %dma_start3A_63] : memref<128x128xf32, #tpu.memory_space<vmem>> -> memref<64x128xf32, #tpu.memory_space<vmem>>
      tpu.enqueue_dma source(%dma_start3A_64 : memref<64x128xf32, #tpu.memory_space<vmem>>) target(%dma_start3A_61 : memref<64x128xf32, #tpu.memory_space<vmem_shared>>) target_semaphore(%run_scoped3A : memref<!tpu.dma_semaphore, #tpu.memory_space<semaphore_mem>>)
      %dma_wait3A = arith.constant 0 : i32
      %dma_wait3A_65 = arith.constant 0 : i32
      %dma_wait3A_66 = tpu.memref_slice %arg7[%dma_wait3A, %dma_wait3A_65] : memref<128x128xf32, #tpu.memory_space<vmem>> -> memref<64x128xf32, #tpu.memory_space<vmem>>
      %dma_wait3A_67 = arith.constant 0 : i32
      %dma_wait3A_68 = tpu.memref_slice %arg8[%add3A_38, %dma_wait3A_67] : memref<10240x128xf32, #tpu.memory_space<vmem_shared>> -> memref<64x128xf32, #tpu.memory_space<vmem_shared>>
      %dma_wait3A_69 = arith.constant 0 : i32
      %dma_wait3A_70 = tpu.memref_slice %arg8[%add3A_38, %dma_wait3A_69] : memref<10240x128xf32, #tpu.memory_space<vmem_shared>> -> memref<64x128xf32, #tpu.memory_space<vmem_shared>>
      %dma_wait3A_71 = arith.constant 0 : i32
      %dma_wait3A_72 = arith.constant 0 : i32
      %dma_wait3A_73 = tpu.memref_slice %arg7[%dma_wait3A_71, %dma_wait3A_72] : memref<128x128xf32, #tpu.memory_space<vmem>> -> memref<64x128xf32, #tpu.memory_space<vmem>>
      tpu.wait_dma2 semaphore(%run_scoped3A : memref<!tpu.dma_semaphore, #tpu.memory_space<semaphore_mem>>) src(%dma_wait3A_73 : memref<64x128xf32, #tpu.memory_space<vmem>>) dst(%dma_wait3A_70 : memref<64x128xf32, #tpu.memory_space<vmem_shared>>)
      tpu.yield
    }) : () -> ()
    %mul3A_39 = arith.constant 640 : i32
    %mul3A_40 = arith.muli %arg1, %mul3A_39 : i32
    %add3A_41 = arith.constant 576 : i32
    %add3A_42 = arith.addi %mul3A_40, %add3A_41 : i32
    "tpu.region"() ({
      %run_scoped3A = tpu.sem_alloc : memref<!tpu.dma_semaphore, #tpu.memory_space<semaphore_mem>>
      %dma_start3A = arith.constant 0 : i32
      %dma_start3A_56 = arith.constant 0 : i32
      %dma_start3A_57 = tpu.memref_slice %arg7[%dma_start3A, %dma_start3A_56] : memref<128x128xf32, #tpu.memory_space<vmem>> -> memref<64x128xf32, #tpu.memory_space<vmem>>
      %dma_start3A_58 = arith.constant 0 : i32
      %dma_start3A_59 = tpu.memref_slice %arg8[%add3A_42, %dma_start3A_58] : memref<10240x128xf32, #tpu.memory_space<vmem_shared>> -> memref<64x128xf32, #tpu.memory_space<vmem_shared>>
      %dma_start3A_60 = arith.constant 0 : i32
      %dma_start3A_61 = tpu.memref_slice %arg8[%add3A_42, %dma_start3A_60] : memref<10240x128xf32, #tpu.memory_space<vmem_shared>> -> memref<64x128xf32, #tpu.memory_space<vmem_shared>>
      %dma_start3A_62 = arith.constant 0 : i32
      %dma_start3A_63 = arith.constant 0 : i32
      %dma_start3A_64 = tpu.memref_slice %arg7[%dma_start3A_62, %dma_start3A_63] : memref<128x128xf32, #tpu.memory_space<vmem>> -> memref<64x128xf32, #tpu.memory_space<vmem>>
      tpu.enqueue_dma source(%dma_start3A_64 : memref<64x128xf32, #tpu.memory_space<vmem>>) target(%dma_start3A_61 : memref<64x128xf32, #tpu.memory_space<vmem_shared>>) target_semaphore(%run_scoped3A : memref<!tpu.dma_semaphore, #tpu.memory_space<semaphore_mem>>)
      %dma_wait3A = arith.constant 0 : i32
      %dma_wait3A_65 = arith.constant 0 : i32
      %dma_wait3A_66 = tpu.memref_slice %arg7[%dma_wait3A, %dma_wait3A_65] : memref<128x128xf32, #tpu.memory_space<vmem>> -> memref<64x128xf32, #tpu.memory_space<vmem>>
      %dma_wait3A_67 = arith.constant 0 : i32
      %dma_wait3A_68 = tpu.memref_slice %arg8[%add3A_42, %dma_wait3A_67] : memref<10240x128xf32, #tpu.memory_space<vmem_shared>> -> memref<64x128xf32, #tpu.memory_space<vmem_shared>>
      %dma_wait3A_69 = arith.constant 0 : i32
      %dma_wait3A_70 = tpu.memref_slice %arg8[%add3A_42, %dma_wait3A_69] : memref<10240x128xf32, #tpu.memory_space<vmem_shared>> -> memref<64x128xf32, #tpu.memory_space<vmem_shared>>
      %dma_wait3A_71 = arith.constant 0 : i32
      %dma_wait3A_72 = arith.constant 0 : i32
      %dma_wait3A_73 = tpu.memref_slice %arg7[%dma_wait3A_71, %dma_wait3A_72] : memref<128x128xf32, #tpu.memory_space<vmem>> -> memref<64x128xf32, #tpu.memory_space<vmem>>
      tpu.wait_dma2 semaphore(%run_scoped3A : memref<!tpu.dma_semaphore, #tpu.memory_space<semaphore_mem>>) src(%dma_wait3A_73 : memref<64x128xf32, #tpu.memory_space<vmem>>) dst(%dma_wait3A_70 : memref<64x128xf32, #tpu.memory_space<vmem_shared>>)
      tpu.yield
    }) : () -> ()
    %scan3A_43 = arith.constant 0 : i32
    %scan3A_44 = arith.constant 0 : i32
    %scan3A_45 = arith.constant 1024 : i32
    %scan3A_46 = arith.addi %scan3A_44, %scan3A_45 : i32
    %scan3A_47 = arith.constant 1 : i32
    scf.for %scan3A_56 = %scan3A_44 to %scan3A_46 step %scan3A_47  : i32 {
      %jit3A = arith.constant 8 : i32
      %div3A = arith.divsi %scan3A_56, %jit3A : i32
      %sign3A = arith.constant 0 : i32
      %sign3A_57 = arith.cmpi sgt, %scan3A_56, %sign3A : i32
      %sign3A_58 = arith.extui %sign3A_57 : i1 to i32
      %sign3A_59 = arith.constant 0 : i32
      %sign3A_60 = arith.cmpi slt, %scan3A_56, %sign3A_59 : i32
      %sign3A_61 = arith.extui %sign3A_60 : i1 to i32
      %sign3A_62 = arith.subi %sign3A_58, %sign3A_61 : i32
      %sign3A_63 = arith.constant 0 : i32
      %sign3A_64 = arith.cmpi sgt, %jit3A, %sign3A_63 : i32
      %sign3A_65 = arith.extui %sign3A_64 : i1 to i32
      %sign3A_66 = arith.constant 0 : i32
      %sign3A_67 = arith.cmpi slt, %jit3A, %sign3A_66 : i32
      %sign3A_68 = arith.extui %sign3A_67 : i1 to i32
      %sign3A_69 = arith.subi %sign3A_65, %sign3A_68 : i32
      %ne3A = arith.cmpi ne, %sign3A_62, %sign3A_69 : i32
      %rem3A = arith.remsi %scan3A_56, %jit3A : i32
      %ne3A_70 = arith.constant 0 : i32
      %ne3A_71 = arith.cmpi ne, %rem3A, %ne3A_70 : i32
      %and3A = arith.andi %ne3A, %ne3A_71 : i1
      %sub3A = arith.constant 1 : i32
      %sub3A_72 = arith.subi %div3A, %sub3A : i32
      %select_n3A = arith.select %and3A, %sub3A_72, %div3A : i32
      %jit3A_73 = arith.constant 8 : i32
      %eq3A_74 = arith.constant 0 : i32
      %eq3A_75 = arith.cmpi eq, %jit3A_73, %eq3A_74 : i32
      %jit3A_76 = arith.constant 1 : i32
      %select_n3A_77 = arith.select %eq3A_75, %jit3A_76, %jit3A_73 : i32
      %rem3A_78 = arith.remsi %scan3A_56, %select_n3A_77 : i32
      %ne3A_79 = arith.constant 0 : i32
      %ne3A_80 = arith.cmpi ne, %rem3A_78, %ne3A_79 : i32
      %lt3A = arith.constant 0 : i32
      %lt3A_81 = arith.cmpi slt, %rem3A_78, %lt3A : i32
      %lt3A_82 = arith.constant 0 : i32
      %lt3A_83 = arith.cmpi slt, %select_n3A_77, %lt3A_82 : i32
      %ne3A_84 = arith.xori %lt3A_81, %lt3A_83 : i1
      %and3A_85 = arith.andi %ne3A_84, %ne3A_80 : i1
      %add3A_86 = arith.addi %rem3A_78, %select_n3A_77 : i32
      %select_n3A_87 = arith.select %and3A_85, %add3A_86, %rem3A_78 : i32
      %broadcast_in_dim3A = arith.constant 1.000000e+00 : f32
      %broadcast_in_dim3A_88 = vector.broadcast %broadcast_in_dim3A : f32 to vector<16xf32>
      %mul3A_89 = arith.constant 16 : i32
      %mul3A_90 = arith.muli %select_n3A_87, %mul3A_89 : i32
      %swap3A = arith.index_cast %select_n3A : i32 to index
      %swap3A_91 = arith.index_cast %mul3A_90 : i32 to index
      %swap3A_92 = tpu.vector_load %arg7[%swap3A, %swap3A_91] {strides = array<i32>} : memref<128x128xf32, #tpu.memory_space<vmem>>, vector<1x16xf32>,
      %swap3A_93 = vector.shape_cast %swap3A_92 : vector<1x16xf32> to vector<16xf32>
      %swap3A_94 = vector.shape_cast %broadcast_in_dim3A_88 : vector<16xf32> to vector<1x16xf32>
      tpu.vector_store %arg7[%swap3A, %swap3A_91], %swap3A_94 {strides = array<i32>} : memref<128x128xf32, #tpu.memory_space<vmem>>, vector<1x16xf32>,
    }
    %scan3A_48 = arith.constant 1024 : i32
    %barrier3A = arith.constant 0 : index
    tpu.barrier barrier_id(%barrier3A)
    %eq3A = arith.constant 0 : i32
    %eq3A_49 = arith.cmpi eq, %arg0, %eq3A : i32
    %convert_element_type3A = arith.extui %eq3A_49 : i1 to i32
    %cond3A = arith.constant 0 : i32
    %cond3A_50 = arith.cmpi ne, %convert_element_type3A, %cond3A : i32
    scf.if %cond3A_50 {
      "tpu.region"() ({
        %run_scoped3A = tpu.sem_alloc : memref<!tpu.dma_semaphore, #tpu.memory_space<semaphore_mem>>
        %dma_start3A = arith.constant 0 : i32
        %dma_start3A_67 = arith.constant 0 : i32
        %dma_start3A_68 = tpu.memref_slice %arg2[%arg1, %dma_start3A, %dma_start3A_67] : memref<16x80x128xi32, #tpu.memory_space<hbm>> -> memref<1x80x128xi32, #tpu.memory_space<hbm>>
        %dma_start3A_69 = tpu.memref_squeeze %dma_start3A_68 : memref<1x80x128xi32, #tpu.memory_space<hbm>> -> memref<80x128xi32, #tpu.memory_space<hbm>>
        %dma_start3A_70 = arith.constant 0 : i32
        %dma_start3A_71 = arith.constant 0 : i32
        %dma_start3A_72 = tpu.memref_slice %arg2[%arg1, %dma_start3A_70, %dma_start3A_71] : memref<16x80x128xi32, #tpu.memory_space<hbm>> -> memref<1x80x128xi32, #tpu.memory_space<hbm>>
        %dma_start3A_73 = tpu.memref_squeeze %dma_start3A_72 : memref<1x80x128xi32, #tpu.memory_space<hbm>> -> memref<80x128xi32, #tpu.memory_space<hbm>>
        tpu.enqueue_dma source(%dma_start3A_73 : memref<80x128xi32, #tpu.memory_space<hbm>>) target(%arg6 : memref<80x128xi32, #tpu.memory_space<vmem>>) target_semaphore(%run_scoped3A : memref<!tpu.dma_semaphore, #tpu.memory_space<semaphore_mem>>)
        %dma_wait3A = arith.constant 0 : i32
        %dma_wait3A_74 = arith.constant 0 : i32
        %dma_wait3A_75 = tpu.memref_slice %arg2[%arg1, %dma_wait3A, %dma_wait3A_74] : memref<16x80x128xi32, #tpu.memory_space<hbm>> -> memref<1x80x128xi32, #tpu.memory_space<hbm>>
        %dma_wait3A_76 = tpu.memref_squeeze %dma_wait3A_75 : memref<1x80x128xi32, #tpu.memory_space<hbm>> -> memref<80x128xi32, #tpu.memory_space<hbm>>
        %dma_wait3A_77 = arith.constant 0 : i32
        %dma_wait3A_78 = arith.constant 0 : i32
        %dma_wait3A_79 = tpu.memref_slice %arg2[%arg1, %dma_wait3A_77, %dma_wait3A_78] : memref<16x80x128xi32, #tpu.memory_space<hbm>> -> memref<1x80x128xi32, #tpu.memory_space<hbm>>
        %dma_wait3A_80 = tpu.memref_squeeze %dma_wait3A_79 : memref<1x80x128xi32, #tpu.memory_space<hbm>> -> memref<80x128xi32, #tpu.memory_space<hbm>>
        tpu.wait_dma2 semaphore(%run_scoped3A : memref<!tpu.dma_semaphore, #tpu.memory_space<semaphore_mem>>) src(%dma_wait3A_80 : memref<80x128xi32, #tpu.memory_space<hbm>>) dst(%arg6 : memref<80x128xi32, #tpu.memory_space<vmem>>)
        tpu.yield
      }) : () -> ()
      %scan3A_56 = arith.constant 0 : i32
      %scan3A_57 = arith.constant 0 : i32
      %scan3A_58 = arith.constant 4 : i32
      %scan3A_59 = arith.addi %scan3A_57, %scan3A_58 : i32
      %scan3A_60 = arith.constant 1 : i32
      scf.for %scan3A_67 = %scan3A_57 to %scan3A_59 step %scan3A_60  : i32 {
        %scan3A_68 = arith.constant 0 : i32
        %scan3A_69 = arith.constant 0 : i32
        %scan3A_70 = arith.constant 20 : i32
        %scan3A_71 = arith.addi %scan3A_69, %scan3A_70 : i32
        %scan3A_72 = arith.constant 1 : i32
        scf.for %scan3A_80 = %scan3A_69 to %scan3A_71 step %scan3A_72  : i32 {
          %mul3A_81 = arith.constant 20 : i32
          %mul3A_82 = arith.muli %scan3A_67, %mul3A_81 : i32
          %add3A_83 = arith.addi %mul3A_82, %scan3A_80 : i32
          %dma_start3A = arith.constant 0 : i32
          %dma_start3A_84 = tpu.memref_slice %arg6[%add3A_83, %dma_start3A] : memref<80x128xi32, #tpu.memory_space<vmem>> -> memref<1x128xi32, #tpu.memory_space<vmem>>
          %dma_start3A_85 = tpu.memref_squeeze %dma_start3A_84 : memref<1x128xi32, #tpu.memory_space<vmem>> -> memref<128xi32, #tpu.memory_space<vmem>>
          %dma_start3A_86 = arith.constant 0 : i32
          %dma_start3A_87 = arith.constant 0 : i32
          %dma_start3A_88 = tpu.memref_slice %arg8[%dma_start3A_86, %dma_start3A_87] : memref<10240x128xf32, #tpu.memory_space<vmem_shared>> -> memref<10240x128xf32, #tpu.memory_space<vmem_shared>>
          tpu.enqueue_indirect_dma source(%arg7 : memref<128x128xf32, #tpu.memory_space<vmem>>) target(%dma_start3A_88 : memref<10240x128xf32, #tpu.memory_space<vmem_shared>>) offsets(%dma_start3A_85 : memref<128xi32, #tpu.memory_space<vmem>>) semaphore(%arg9 : memref<!tpu.dma_semaphore, #tpu.memory_space<semaphore_mem>>) {add = true}
        }
        %scan3A_73 = arith.constant 20 : i32
        %scan3A_74 = arith.constant 0 : i32
        %scan3A_75 = arith.constant 0 : i32
        %scan3A_76 = arith.constant 20 : i32
        %scan3A_77 = arith.addi %scan3A_75, %scan3A_76 : i32
        %scan3A_78 = arith.constant 1 : i32
        scf.for %scan3A_80 = %scan3A_75 to %scan3A_77 step %scan3A_78  : i32 {
          %mul3A_81 = arith.constant 20 : i32
          %mul3A_82 = arith.muli %scan3A_67, %mul3A_81 : i32
          %add3A_83 = arith.addi %mul3A_82, %scan3A_80 : i32
          %dma_wait3A = arith.constant 0 : i32
          %dma_wait3A_84 = tpu.memref_slice %arg6[%add3A_83, %dma_wait3A] : memref<80x128xi32, #tpu.memory_space<vmem>> -> memref<1x128xi32, #tpu.memory_space<vmem>>
          %dma_wait3A_85 = tpu.memref_squeeze %dma_wait3A_84 : memref<1x128xi32, #tpu.memory_space<vmem>> -> memref<128xi32, #tpu.memory_space<vmem>>
          %dma_wait3A_86 = arith.constant 0 : i32
          %dma_wait3A_87 = arith.constant 0 : i32
          %dma_wait3A_88 = tpu.memref_slice %arg8[%dma_wait3A_86, %dma_wait3A_87] : memref<10240x128xf32, #tpu.memory_space<vmem_shared>> -> memref<10240x128xf32, #tpu.memory_space<vmem_shared>>
          tpu.wait_indirect_dma semaphore(%arg9 : memref<!tpu.dma_semaphore, #tpu.memory_space<semaphore_mem>>) src(%arg7 : memref<128x128xf32, #tpu.memory_space<vmem>>) dst(%dma_wait3A_88 : memref<10240x128xf32, #tpu.memory_space<vmem_shared>>)
        }
        %scan3A_79 = arith.constant 20 : i32
      }
      %scan3A_61 = arith.constant 4 : i32
      %barrier3A_62 = arith.constant 0 : index
      tpu.barrier barrier_id(%barrier3A_62)
      %mul3A_63 = arith.constant 640 : i32
      %mul3A_64 = arith.muli %arg1, %mul3A_63 : i32
      %mul3A_65 = arith.constant 640 : i32
      %mul3A_66 = arith.muli %arg1, %mul3A_65 : i32
      "tpu.region"() ({
        %run_scoped3A = tpu.sem_alloc : memref<!tpu.dma_semaphore, #tpu.memory_space<semaphore_mem>>
        %dma_start3A = arith.constant 0 : i32
        %dma_start3A_67 = tpu.memref_slice %arg4[%mul3A_66, %dma_start3A] : memref<10240x128xf32, #tpu.memory_space<hbm>> -> memref<640x128xf32, #tpu.memory_space<hbm>>
        %dma_start3A_68 = arith.constant 0 : i32
        %dma_start3A_69 = tpu.memref_slice %arg8[%mul3A_64, %dma_start3A_68] : memref<10240x128xf32, #tpu.memory_space<vmem_shared>> -> memref<640x128xf32, #tpu.memory_space<vmem_shared>>
        tpu.enqueue_dma source(%dma_start3A_69 : memref<640x128xf32, #tpu.memory_space<vmem_shared>>) target(%dma_start3A_67 : memref<640x128xf32, #tpu.memory_space<hbm>>) target_semaphore(%run_scoped3A : memref<!tpu.dma_semaphore, #tpu.memory_space<semaphore_mem>>)
        %dma_wait3A = arith.constant 0 : i32
        %dma_wait3A_70 = tpu.memref_slice %arg4[%mul3A_66, %dma_wait3A] : memref<10240x128xf32, #tpu.memory_space<hbm>> -> memref<640x128xf32, #tpu.memory_space<hbm>>
        %dma_wait3A_71 = arith.constant 0 : i32
        %dma_wait3A_72 = tpu.memref_slice %arg8[%mul3A_64, %dma_wait3A_71] : memref<10240x128xf32, #tpu.memory_space<vmem_shared>> -> memref<640x128xf32, #tpu.memory_space<vmem_shared>>
        tpu.wait_dma2 semaphore(%run_scoped3A : memref<!tpu.dma_semaphore, #tpu.memory_space<semaphore_mem>>) src(%dma_wait3A_72 : memref<640x128xf32, #tpu.memory_space<vmem_shared>>) dst(%dma_wait3A_70 : memref<640x128xf32, #tpu.memory_space<hbm>>)
        tpu.yield
      }) : () -> ()
    } else {
    }
    %eq3A_51 = arith.constant 1 : i32
    %eq3A_52 = arith.cmpi eq, %arg0, %eq3A_51 : i32
    %convert_element_type3A_53 = arith.extui %eq3A_52 : i1 to i32
    %cond3A_54 = arith.constant 0 : i32
    %cond3A_55 = arith.cmpi ne, %convert_element_type3A_53, %cond3A_54 : i32
    scf.if %cond3A_55 {
      "tpu.region"() ({
        %run_scoped3A = tpu.sem_alloc : memref<!tpu.dma_semaphore, #tpu.memory_space<semaphore_mem>>
        %dma_start3A = arith.constant 0 : i32
        %dma_start3A_67 = arith.constant 0 : i32
        %dma_start3A_68 = tpu.memref_slice %arg3[%arg1, %dma_start3A, %dma_start3A_67] : memref<16x80x128xi32, #tpu.memory_space<hbm>> -> memref<1x80x128xi32, #tpu.memory_space<hbm>>
        %dma_start3A_69 = tpu.memref_squeeze %dma_start3A_68 : memref<1x80x128xi32, #tpu.memory_space<hbm>> -> memref<80x128xi32, #tpu.memory_space<hbm>>
        %dma_start3A_70 = arith.constant 0 : i32
        %dma_start3A_71 = arith.constant 0 : i32
        %dma_start3A_72 = tpu.memref_slice %arg3[%arg1, %dma_start3A_70, %dma_start3A_71] : memref<16x80x128xi32, #tpu.memory_space<hbm>> -> memref<1x80x128xi32, #tpu.memory_space<hbm>>
        %dma_start3A_73 = tpu.memref_squeeze %dma_start3A_72 : memref<1x80x128xi32, #tpu.memory_space<hbm>> -> memref<80x128xi32, #tpu.memory_space<hbm>>
        tpu.enqueue_dma source(%dma_start3A_73 : memref<80x128xi32, #tpu.memory_space<hbm>>) target(%arg6 : memref<80x128xi32, #tpu.memory_space<vmem>>) target_semaphore(%run_scoped3A : memref<!tpu.dma_semaphore, #tpu.memory_space<semaphore_mem>>)
        %dma_wait3A = arith.constant 0 : i32
        %dma_wait3A_74 = arith.constant 0 : i32
        %dma_wait3A_75 = tpu.memref_slice %arg3[%arg1, %dma_wait3A, %dma_wait3A_74] : memref<16x80x128xi32, #tpu.memory_space<hbm>> -> memref<1x80x128xi32, #tpu.memory_space<hbm>>
        %dma_wait3A_76 = tpu.memref_squeeze %dma_wait3A_75 : memref<1x80x128xi32, #tpu.memory_space<hbm>> -> memref<80x128xi32, #tpu.memory_space<hbm>>
        %dma_wait3A_77 = arith.constant 0 : i32
        %dma_wait3A_78 = arith.constant 0 : i32
        %dma_wait3A_79 = tpu.memref_slice %arg3[%arg1, %dma_wait3A_77, %dma_wait3A_78] : memref<16x80x128xi32, #tpu.memory_space<hbm>> -> memref<1x80x128xi32, #tpu.memory_space<hbm>>
        %dma_wait3A_80 = tpu.memref_squeeze %dma_wait3A_79 : memref<1x80x128xi32, #tpu.memory_space<hbm>> -> memref<80x128xi32, #tpu.memory_space<hbm>>
        tpu.wait_dma2 semaphore(%run_scoped3A : memref<!tpu.dma_semaphore, #tpu.memory_space<semaphore_mem>>) src(%dma_wait3A_80 : memref<80x128xi32, #tpu.memory_space<hbm>>) dst(%arg6 : memref<80x128xi32, #tpu.memory_space<vmem>>)
        tpu.yield
      }) : () -> ()
      %scan3A_56 = arith.constant 0 : i32
      %scan3A_57 = arith.constant 0 : i32
      %scan3A_58 = arith.constant 4 : i32
      %scan3A_59 = arith.addi %scan3A_57, %scan3A_58 : i32
      %scan3A_60 = arith.constant 1 : i32
      scf.for %scan3A_67 = %scan3A_57 to %scan3A_59 step %scan3A_60  : i32 {
        %scan3A_68 = arith.constant 0 : i32
        %scan3A_69 = arith.constant 0 : i32
        %scan3A_70 = arith.constant 20 : i32
        %scan3A_71 = arith.addi %scan3A_69, %scan3A_70 : i32
        %scan3A_72 = arith.constant 1 : i32
        scf.for %scan3A_80 = %scan3A_69 to %scan3A_71 step %scan3A_72  : i32 {
          %mul3A_81 = arith.constant 20 : i32
          %mul3A_82 = arith.muli %scan3A_67, %mul3A_81 : i32
          %add3A_83 = arith.addi %mul3A_82, %scan3A_80 : i32
          %dma_start3A = arith.constant 0 : i32
          %dma_start3A_84 = tpu.memref_slice %arg6[%add3A_83, %dma_start3A] : memref<80x128xi32, #tpu.memory_space<vmem>> -> memref<1x128xi32, #tpu.memory_space<vmem>>
          %dma_start3A_85 = tpu.memref_squeeze %dma_start3A_84 : memref<1x128xi32, #tpu.memory_space<vmem>> -> memref<128xi32, #tpu.memory_space<vmem>>
          %dma_start3A_86 = arith.constant 0 : i32
          %dma_start3A_87 = arith.constant 0 : i32
          %dma_start3A_88 = tpu.memref_slice %arg8[%dma_start3A_86, %dma_start3A_87] : memref<10240x128xf32, #tpu.memory_space<vmem_shared>> -> memref<10240x128xf32, #tpu.memory_space<vmem_shared>>
          tpu.enqueue_indirect_dma source(%arg7 : memref<128x128xf32, #tpu.memory_space<vmem>>) target(%dma_start3A_88 : memref<10240x128xf32, #tpu.memory_space<vmem_shared>>) offsets(%dma_start3A_85 : memref<128xi32, #tpu.memory_space<vmem>>) semaphore(%arg9 : memref<!tpu.dma_semaphore, #tpu.memory_space<semaphore_mem>>) {add = true}
        }
        %scan3A_73 = arith.constant 20 : i32
        %scan3A_74 = arith.constant 0 : i32
        %scan3A_75 = arith.constant 0 : i32
        %scan3A_76 = arith.constant 20 : i32
        %scan3A_77 = arith.addi %scan3A_75, %scan3A_76 : i32
        %scan3A_78 = arith.constant 1 : i32
        scf.for %scan3A_80 = %scan3A_75 to %scan3A_77 step %scan3A_78  : i32 {
          %mul3A_81 = arith.constant 20 : i32
          %mul3A_82 = arith.muli %scan3A_67, %mul3A_81 : i32
          %add3A_83 = arith.addi %mul3A_82, %scan3A_80 : i32
          %dma_wait3A = arith.constant 0 : i32
          %dma_wait3A_84 = tpu.memref_slice %arg6[%add3A_83, %dma_wait3A] : memref<80x128xi32, #tpu.memory_space<vmem>> -> memref<1x128xi32, #tpu.memory_space<vmem>>
          %dma_wait3A_85 = tpu.memref_squeeze %dma_wait3A_84 : memref<1x128xi32, #tpu.memory_space<vmem>> -> memref<128xi32, #tpu.memory_space<vmem>>
          %dma_wait3A_86 = arith.constant 0 : i32
          %dma_wait3A_87 = arith.constant 0 : i32
          %dma_wait3A_88 = tpu.memref_slice %arg8[%dma_wait3A_86, %dma_wait3A_87] : memref<10240x128xf32, #tpu.memory_space<vmem_shared>> -> memref<10240x128xf32, #tpu.memory_space<vmem_shared>>
          tpu.wait_indirect_dma semaphore(%arg9 : memref<!tpu.dma_semaphore, #tpu.memory_space<semaphore_mem>>) src(%arg7 : memref<128x128xf32, #tpu.memory_space<vmem>>) dst(%dma_wait3A_88 : memref<10240x128xf32, #tpu.memory_space<vmem_shared>>)
        }
        %scan3A_79 = arith.constant 20 : i32
      }
      %scan3A_61 = arith.constant 4 : i32
      %barrier3A_62 = arith.constant 0 : index
      tpu.barrier barrier_id(%barrier3A_62)
      %mul3A_63 = arith.constant 640 : i32
      %mul3A_64 = arith.muli %arg1, %mul3A_63 : i32
      %mul3A_65 = arith.constant 640 : i32
      %mul3A_66 = arith.muli %arg1, %mul3A_65 : i32
      "tpu.region"() ({
        %run_scoped3A = tpu.sem_alloc : memref<!tpu.dma_semaphore, #tpu.memory_space<semaphore_mem>>
        %dma_start3A = arith.constant 0 : i32
        %dma_start3A_67 = tpu.memref_slice %arg5[%mul3A_66, %dma_start3A] : memref<10240x128xf32, #tpu.memory_space<hbm>> -> memref<640x128xf32, #tpu.memory_space<hbm>>
        %dma_start3A_68 = arith.constant 0 : i32
        %dma_start3A_69 = tpu.memref_slice %arg8[%mul3A_64, %dma_start3A_68] : memref<10240x128xf32, #tpu.memory_space<vmem_shared>> -> memref<640x128xf32, #tpu.memory_space<vmem_shared>>
        tpu.enqueue_dma source(%dma_start3A_69 : memref<640x128xf32, #tpu.memory_space<vmem_shared>>) target(%dma_start3A_67 : memref<640x128xf32, #tpu.memory_space<hbm>>) target_semaphore(%run_scoped3A : memref<!tpu.dma_semaphore, #tpu.memory_space<semaphore_mem>>)
        %dma_wait3A = arith.constant 0 : i32
        %dma_wait3A_70 = tpu.memref_slice %arg5[%mul3A_66, %dma_wait3A] : memref<10240x128xf32, #tpu.memory_space<hbm>> -> memref<640x128xf32, #tpu.memory_space<hbm>>
        %dma_wait3A_71 = arith.constant 0 : i32
        %dma_wait3A_72 = tpu.memref_slice %arg8[%mul3A_64, %dma_wait3A_71] : memref<10240x128xf32, #tpu.memory_space<vmem_shared>> -> memref<640x128xf32, #tpu.memory_space<vmem_shared>>
        tpu.wait_dma2 semaphore(%run_scoped3A : memref<!tpu.dma_semaphore, #tpu.memory_space<semaphore_mem>>) src(%dma_wait3A_72 : memref<640x128xf32, #tpu.memory_space<vmem_shared>>) dst(%dma_wait3A_70 : memref<640x128xf32, #tpu.memory_space<hbm>>)
        tpu.yield
      }) : () -> ()
    } else {
    }
    return
  }
}

#map = affine_map<(d0, d1) -> (0, 0)>
#map1 = affine_map<(d0, d1) -> (0, 0, 0)>
module attributes {stable_mosaic.version = 14 : i64} {
  func.func @body(%arg0: i32, %arg1: i32, %arg2: memref<10240x128xf32, #tpu.memory_space<hbm>>, %arg3: memref<10240x128xf32, #tpu.memory_space<hbm>>, %arg4: memref<16x10176xi32, #tpu.memory_space<hbm>>, %arg5: memref<16x106x96xi32, #tpu.memory_space<hbm>>, %arg6: memref<10240x128xf32, #tpu.memory_space<hbm>>, %arg7: memref<10240x128xf32, #tpu.memory_space<hbm>>, %arg8: memref<10176xi32, #tpu.memory_space<vmem>>, %arg9: memref<106x96xi32, #tpu.memory_space<vmem>>, %arg10: memref<96x128xf32, #tpu.memory_space<vmem>>, %arg11: memref<96x128xf32, #tpu.memory_space<vmem>>, %arg12: memref<10240x128xf32, #tpu.memory_space<vmem_shared>>, %arg13: memref<!tpu.dma_semaphore, #tpu.memory_space<semaphore_mem>>, %arg14: memref<!tpu.dma_semaphore, #tpu.memory_space<semaphore_mem>>, %arg15: memref<!tpu.dma_semaphore, #tpu.memory_space<semaphore_mem>>) attributes {dimension_semantics = [#tpu.dimension_semantics<core_parallel>, #tpu.dimension_semantics<subcore_parallel>], iteration_bounds = array<i64: 2, 16>, scalar_prefetch = 0 : i64, scratch_operands = 8 : i64, tpu.core_type = #tpu.core_type<sc_vector_subcore>, window_params = [{transform_indices = #map}, {transform_indices = #map}, {transform_indices = #map}, {transform_indices = #map1}, {transform_indices = #map}, {transform_indices = #map}]} {
    %scan3A = arith.constant 0 : i32
    %scan3A_0 = arith.constant 0 : i32
    %scan3A_1 = arith.constant 768 : i32
    %scan3A_2 = arith.addi %scan3A_0, %scan3A_1 : i32
    %scan3A_3 = arith.constant 1 : i32
    scf.for %scan3A_50 = %scan3A_0 to %scan3A_2 step %scan3A_3  : i32 {
      %jit3A = arith.constant 8 : i32
      %div3A = arith.divsi %scan3A_50, %jit3A : i32
      %sign3A = arith.constant 0 : i32
      %sign3A_51 = arith.cmpi sgt, %scan3A_50, %sign3A : i32
      %sign3A_52 = arith.extui %sign3A_51 : i1 to i32
      %sign3A_53 = arith.constant 0 : i32
      %sign3A_54 = arith.cmpi slt, %scan3A_50, %sign3A_53 : i32
      %sign3A_55 = arith.extui %sign3A_54 : i1 to i32
      %sign3A_56 = arith.subi %sign3A_52, %sign3A_55 : i32
      %sign3A_57 = arith.constant 0 : i32
      %sign3A_58 = arith.cmpi sgt, %jit3A, %sign3A_57 : i32
      %sign3A_59 = arith.extui %sign3A_58 : i1 to i32
      %sign3A_60 = arith.constant 0 : i32
      %sign3A_61 = arith.cmpi slt, %jit3A, %sign3A_60 : i32
      %sign3A_62 = arith.extui %sign3A_61 : i1 to i32
      %sign3A_63 = arith.subi %sign3A_59, %sign3A_62 : i32
      %ne3A = arith.cmpi ne, %sign3A_56, %sign3A_63 : i32
      %rem3A = arith.remsi %scan3A_50, %jit3A : i32
      %ne3A_64 = arith.constant 0 : i32
      %ne3A_65 = arith.cmpi ne, %rem3A, %ne3A_64 : i32
      %and3A = arith.andi %ne3A, %ne3A_65 : i1
      %sub3A = arith.constant 1 : i32
      %sub3A_66 = arith.subi %div3A, %sub3A : i32
      %select_n3A = arith.select %and3A, %sub3A_66, %div3A : i32
      %jit3A_67 = arith.constant 8 : i32
      %eq3A_68 = arith.constant 0 : i32
      %eq3A_69 = arith.cmpi eq, %jit3A_67, %eq3A_68 : i32
      %jit3A_70 = arith.constant 1 : i32
      %select_n3A_71 = arith.select %eq3A_69, %jit3A_70, %jit3A_67 : i32
      %rem3A_72 = arith.remsi %scan3A_50, %select_n3A_71 : i32
      %ne3A_73 = arith.constant 0 : i32
      %ne3A_74 = arith.cmpi ne, %rem3A_72, %ne3A_73 : i32
      %lt3A = arith.constant 0 : i32
      %lt3A_75 = arith.cmpi slt, %rem3A_72, %lt3A : i32
      %lt3A_76 = arith.constant 0 : i32
      %lt3A_77 = arith.cmpi slt, %select_n3A_71, %lt3A_76 : i32
      %ne3A_78 = arith.xori %lt3A_75, %lt3A_77 : i1
      %and3A_79 = arith.andi %ne3A_78, %ne3A_74 : i1
      %add3A_80 = arith.addi %rem3A_72, %select_n3A_71 : i32
      %select_n3A_81 = arith.select %and3A_79, %add3A_80, %rem3A_72 : i32
      %broadcast_in_dim3A = arith.constant 0.000000e+00 : f32
      %broadcast_in_dim3A_82 = vector.broadcast %broadcast_in_dim3A : f32 to vector<16xf32>
      %mul3A_83 = arith.constant 16 : i32
      %mul3A_84 = arith.muli %select_n3A_81, %mul3A_83 : i32
      %swap3A = arith.index_cast %select_n3A : i32 to index
      %swap3A_85 = arith.index_cast %mul3A_84 : i32 to index
      %swap3A_86 = tpu.vector_load %arg10[%swap3A, %swap3A_85] {strides = array<i32>} : memref<96x128xf32, #tpu.memory_space<vmem>>, vector<1x16xf32>,
      %swap3A_87 = vector.shape_cast %swap3A_86 : vector<1x16xf32> to vector<16xf32>
      %swap3A_88 = vector.shape_cast %broadcast_in_dim3A_82 : vector<16xf32> to vector<1x16xf32>
      tpu.vector_store %arg10[%swap3A, %swap3A_85], %swap3A_88 {strides = array<i32>} : memref<96x128xf32, #tpu.memory_space<vmem>>, vector<1x16xf32>,
    }
    %scan3A_4 = arith.constant 768 : i32
    %mul3A = arith.constant 640 : i32
    %mul3A_5 = arith.muli %arg1, %mul3A : i32
    %add3A = arith.constant 0 : i32
    %add3A_6 = arith.addi %mul3A_5, %add3A : i32
    "tpu.region"() ({
      %run_scoped3A = tpu.sem_alloc : memref<!tpu.dma_semaphore, #tpu.memory_space<semaphore_mem>>
      %dma_start3A = arith.constant 0 : i32
      %dma_start3A_50 = arith.constant 0 : i32
      %dma_start3A_51 = tpu.memref_slice %arg10[%dma_start3A, %dma_start3A_50] : memref<96x128xf32, #tpu.memory_space<vmem>> -> memref<64x128xf32, #tpu.memory_space<vmem>>
      %dma_start3A_52 = arith.constant 0 : i32
      %dma_start3A_53 = tpu.memref_slice %arg12[%add3A_6, %dma_start3A_52] : memref<10240x128xf32, #tpu.memory_space<vmem_shared>> -> memref<64x128xf32, #tpu.memory_space<vmem_shared>>
      %dma_start3A_54 = arith.constant 0 : i32
      %dma_start3A_55 = tpu.memref_slice %arg12[%add3A_6, %dma_start3A_54] : memref<10240x128xf32, #tpu.memory_space<vmem_shared>> -> memref<64x128xf32, #tpu.memory_space<vmem_shared>>
      %dma_start3A_56 = arith.constant 0 : i32
      %dma_start3A_57 = arith.constant 0 : i32
      %dma_start3A_58 = tpu.memref_slice %arg10[%dma_start3A_56, %dma_start3A_57] : memref<96x128xf32, #tpu.memory_space<vmem>> -> memref<64x128xf32, #tpu.memory_space<vmem>>
      tpu.enqueue_dma source(%dma_start3A_58 : memref<64x128xf32, #tpu.memory_space<vmem>>) target(%dma_start3A_55 : memref<64x128xf32, #tpu.memory_space<vmem_shared>>) target_semaphore(%run_scoped3A : memref<!tpu.dma_semaphore, #tpu.memory_space<semaphore_mem>>)
      %dma_wait3A = arith.constant 0 : i32
      %dma_wait3A_59 = arith.constant 0 : i32
      %dma_wait3A_60 = tpu.memref_slice %arg10[%dma_wait3A, %dma_wait3A_59] : memref<96x128xf32, #tpu.memory_space<vmem>> -> memref<64x128xf32, #tpu.memory_space<vmem>>
      %dma_wait3A_61 = arith.constant 0 : i32
      %dma_wait3A_62 = tpu.memref_slice %arg12[%add3A_6, %dma_wait3A_61] : memref<10240x128xf32, #tpu.memory_space<vmem_shared>> -> memref<64x128xf32, #tpu.memory_space<vmem_shared>>
      %dma_wait3A_63 = arith.constant 0 : i32
      %dma_wait3A_64 = tpu.memref_slice %arg12[%add3A_6, %dma_wait3A_63] : memref<10240x128xf32, #tpu.memory_space<vmem_shared>> -> memref<64x128xf32, #tpu.memory_space<vmem_shared>>
      %dma_wait3A_65 = arith.constant 0 : i32
      %dma_wait3A_66 = arith.constant 0 : i32
      %dma_wait3A_67 = tpu.memref_slice %arg10[%dma_wait3A_65, %dma_wait3A_66] : memref<96x128xf32, #tpu.memory_space<vmem>> -> memref<64x128xf32, #tpu.memory_space<vmem>>
      tpu.wait_dma2 semaphore(%run_scoped3A : memref<!tpu.dma_semaphore, #tpu.memory_space<semaphore_mem>>) src(%dma_wait3A_67 : memref<64x128xf32, #tpu.memory_space<vmem>>) dst(%dma_wait3A_64 : memref<64x128xf32, #tpu.memory_space<vmem_shared>>)
      tpu.yield
    }) : () -> ()
    %mul3A_7 = arith.constant 640 : i32
    %mul3A_8 = arith.muli %arg1, %mul3A_7 : i32
    %add3A_9 = arith.constant 64 : i32
    %add3A_10 = arith.addi %mul3A_8, %add3A_9 : i32
    "tpu.region"() ({
      %run_scoped3A = tpu.sem_alloc : memref<!tpu.dma_semaphore, #tpu.memory_space<semaphore_mem>>
      %dma_start3A = arith.constant 0 : i32
      %dma_start3A_50 = arith.constant 0 : i32
      %dma_start3A_51 = tpu.memref_slice %arg10[%dma_start3A, %dma_start3A_50] : memref<96x128xf32, #tpu.memory_space<vmem>> -> memref<64x128xf32, #tpu.memory_space<vmem>>
      %dma_start3A_52 = arith.constant 0 : i32
      %dma_start3A_53 = tpu.memref_slice %arg12[%add3A_10, %dma_start3A_52] : memref<10240x128xf32, #tpu.memory_space<vmem_shared>> -> memref<64x128xf32, #tpu.memory_space<vmem_shared>>
      %dma_start3A_54 = arith.constant 0 : i32
      %dma_start3A_55 = tpu.memref_slice %arg12[%add3A_10, %dma_start3A_54] : memref<10240x128xf32, #tpu.memory_space<vmem_shared>> -> memref<64x128xf32, #tpu.memory_space<vmem_shared>>
      %dma_start3A_56 = arith.constant 0 : i32
      %dma_start3A_57 = arith.constant 0 : i32
      %dma_start3A_58 = tpu.memref_slice %arg10[%dma_start3A_56, %dma_start3A_57] : memref<96x128xf32, #tpu.memory_space<vmem>> -> memref<64x128xf32, #tpu.memory_space<vmem>>
      tpu.enqueue_dma source(%dma_start3A_58 : memref<64x128xf32, #tpu.memory_space<vmem>>) target(%dma_start3A_55 : memref<64x128xf32, #tpu.memory_space<vmem_shared>>) target_semaphore(%run_scoped3A : memref<!tpu.dma_semaphore, #tpu.memory_space<semaphore_mem>>)
      %dma_wait3A = arith.constant 0 : i32
      %dma_wait3A_59 = arith.constant 0 : i32
      %dma_wait3A_60 = tpu.memref_slice %arg10[%dma_wait3A, %dma_wait3A_59] : memref<96x128xf32, #tpu.memory_space<vmem>> -> memref<64x128xf32, #tpu.memory_space<vmem>>
      %dma_wait3A_61 = arith.constant 0 : i32
      %dma_wait3A_62 = tpu.memref_slice %arg12[%add3A_10, %dma_wait3A_61] : memref<10240x128xf32, #tpu.memory_space<vmem_shared>> -> memref<64x128xf32, #tpu.memory_space<vmem_shared>>
      %dma_wait3A_63 = arith.constant 0 : i32
      %dma_wait3A_64 = tpu.memref_slice %arg12[%add3A_10, %dma_wait3A_63] : memref<10240x128xf32, #tpu.memory_space<vmem_shared>> -> memref<64x128xf32, #tpu.memory_space<vmem_shared>>
      %dma_wait3A_65 = arith.constant 0 : i32
      %dma_wait3A_66 = arith.constant 0 : i32
      %dma_wait3A_67 = tpu.memref_slice %arg10[%dma_wait3A_65, %dma_wait3A_66] : memref<96x128xf32, #tpu.memory_space<vmem>> -> memref<64x128xf32, #tpu.memory_space<vmem>>
      tpu.wait_dma2 semaphore(%run_scoped3A : memref<!tpu.dma_semaphore, #tpu.memory_space<semaphore_mem>>) src(%dma_wait3A_67 : memref<64x128xf32, #tpu.memory_space<vmem>>) dst(%dma_wait3A_64 : memref<64x128xf32, #tpu.memory_space<vmem_shared>>)
      tpu.yield
    }) : () -> ()
    %mul3A_11 = arith.constant 640 : i32
    %mul3A_12 = arith.muli %arg1, %mul3A_11 : i32
    %add3A_13 = arith.constant 128 : i32
    %add3A_14 = arith.addi %mul3A_12, %add3A_13 : i32
    "tpu.region"() ({
      %run_scoped3A = tpu.sem_alloc : memref<!tpu.dma_semaphore, #tpu.memory_space<semaphore_mem>>
      %dma_start3A = arith.constant 0 : i32
      %dma_start3A_50 = arith.constant 0 : i32
      %dma_start3A_51 = tpu.memref_slice %arg10[%dma_start3A, %dma_start3A_50] : memref<96x128xf32, #tpu.memory_space<vmem>> -> memref<64x128xf32, #tpu.memory_space<vmem>>
      %dma_start3A_52 = arith.constant 0 : i32
      %dma_start3A_53 = tpu.memref_slice %arg12[%add3A_14, %dma_start3A_52] : memref<10240x128xf32, #tpu.memory_space<vmem_shared>> -> memref<64x128xf32, #tpu.memory_space<vmem_shared>>
      %dma_start3A_54 = arith.constant 0 : i32
      %dma_start3A_55 = tpu.memref_slice %arg12[%add3A_14, %dma_start3A_54] : memref<10240x128xf32, #tpu.memory_space<vmem_shared>> -> memref<64x128xf32, #tpu.memory_space<vmem_shared>>
      %dma_start3A_56 = arith.constant 0 : i32
      %dma_start3A_57 = arith.constant 0 : i32
      %dma_start3A_58 = tpu.memref_slice %arg10[%dma_start3A_56, %dma_start3A_57] : memref<96x128xf32, #tpu.memory_space<vmem>> -> memref<64x128xf32, #tpu.memory_space<vmem>>
      tpu.enqueue_dma source(%dma_start3A_58 : memref<64x128xf32, #tpu.memory_space<vmem>>) target(%dma_start3A_55 : memref<64x128xf32, #tpu.memory_space<vmem_shared>>) target_semaphore(%run_scoped3A : memref<!tpu.dma_semaphore, #tpu.memory_space<semaphore_mem>>)
      %dma_wait3A = arith.constant 0 : i32
      %dma_wait3A_59 = arith.constant 0 : i32
      %dma_wait3A_60 = tpu.memref_slice %arg10[%dma_wait3A, %dma_wait3A_59] : memref<96x128xf32, #tpu.memory_space<vmem>> -> memref<64x128xf32, #tpu.memory_space<vmem>>
      %dma_wait3A_61 = arith.constant 0 : i32
      %dma_wait3A_62 = tpu.memref_slice %arg12[%add3A_14, %dma_wait3A_61] : memref<10240x128xf32, #tpu.memory_space<vmem_shared>> -> memref<64x128xf32, #tpu.memory_space<vmem_shared>>
      %dma_wait3A_63 = arith.constant 0 : i32
      %dma_wait3A_64 = tpu.memref_slice %arg12[%add3A_14, %dma_wait3A_63] : memref<10240x128xf32, #tpu.memory_space<vmem_shared>> -> memref<64x128xf32, #tpu.memory_space<vmem_shared>>
      %dma_wait3A_65 = arith.constant 0 : i32
      %dma_wait3A_66 = arith.constant 0 : i32
      %dma_wait3A_67 = tpu.memref_slice %arg10[%dma_wait3A_65, %dma_wait3A_66] : memref<96x128xf32, #tpu.memory_space<vmem>> -> memref<64x128xf32, #tpu.memory_space<vmem>>
      tpu.wait_dma2 semaphore(%run_scoped3A : memref<!tpu.dma_semaphore, #tpu.memory_space<semaphore_mem>>) src(%dma_wait3A_67 : memref<64x128xf32, #tpu.memory_space<vmem>>) dst(%dma_wait3A_64 : memref<64x128xf32, #tpu.memory_space<vmem_shared>>)
      tpu.yield
    }) : () -> ()
    %mul3A_15 = arith.constant 640 : i32
    %mul3A_16 = arith.muli %arg1, %mul3A_15 : i32
    %add3A_17 = arith.constant 192 : i32
    %add3A_18 = arith.addi %mul3A_16, %add3A_17 : i32
    "tpu.region"() ({
      %run_scoped3A = tpu.sem_alloc : memref<!tpu.dma_semaphore, #tpu.memory_space<semaphore_mem>>
      %dma_start3A = arith.constant 0 : i32
      %dma_start3A_50 = arith.constant 0 : i32
      %dma_start3A_51 = tpu.memref_slice %arg10[%dma_start3A, %dma_start3A_50] : memref<96x128xf32, #tpu.memory_space<vmem>> -> memref<64x128xf32, #tpu.memory_space<vmem>>
      %dma_start3A_52 = arith.constant 0 : i32
      %dma_start3A_53 = tpu.memref_slice %arg12[%add3A_18, %dma_start3A_52] : memref<10240x128xf32, #tpu.memory_space<vmem_shared>> -> memref<64x128xf32, #tpu.memory_space<vmem_shared>>
      %dma_start3A_54 = arith.constant 0 : i32
      %dma_start3A_55 = tpu.memref_slice %arg12[%add3A_18, %dma_start3A_54] : memref<10240x128xf32, #tpu.memory_space<vmem_shared>> -> memref<64x128xf32, #tpu.memory_space<vmem_shared>>
      %dma_start3A_56 = arith.constant 0 : i32
      %dma_start3A_57 = arith.constant 0 : i32
      %dma_start3A_58 = tpu.memref_slice %arg10[%dma_start3A_56, %dma_start3A_57] : memref<96x128xf32, #tpu.memory_space<vmem>> -> memref<64x128xf32, #tpu.memory_space<vmem>>
      tpu.enqueue_dma source(%dma_start3A_58 : memref<64x128xf32, #tpu.memory_space<vmem>>) target(%dma_start3A_55 : memref<64x128xf32, #tpu.memory_space<vmem_shared>>) target_semaphore(%run_scoped3A : memref<!tpu.dma_semaphore, #tpu.memory_space<semaphore_mem>>)
      %dma_wait3A = arith.constant 0 : i32
      %dma_wait3A_59 = arith.constant 0 : i32
      %dma_wait3A_60 = tpu.memref_slice %arg10[%dma_wait3A, %dma_wait3A_59] : memref<96x128xf32, #tpu.memory_space<vmem>> -> memref<64x128xf32, #tpu.memory_space<vmem>>
      %dma_wait3A_61 = arith.constant 0 : i32
      %dma_wait3A_62 = tpu.memref_slice %arg12[%add3A_18, %dma_wait3A_61] : memref<10240x128xf32, #tpu.memory_space<vmem_shared>> -> memref<64x128xf32, #tpu.memory_space<vmem_shared>>
      %dma_wait3A_63 = arith.constant 0 : i32
      %dma_wait3A_64 = tpu.memref_slice %arg12[%add3A_18, %dma_wait3A_63] : memref<10240x128xf32, #tpu.memory_space<vmem_shared>> -> memref<64x128xf32, #tpu.memory_space<vmem_shared>>
      %dma_wait3A_65 = arith.constant 0 : i32
      %dma_wait3A_66 = arith.constant 0 : i32
      %dma_wait3A_67 = tpu.memref_slice %arg10[%dma_wait3A_65, %dma_wait3A_66] : memref<96x128xf32, #tpu.memory_space<vmem>> -> memref<64x128xf32, #tpu.memory_space<vmem>>
      tpu.wait_dma2 semaphore(%run_scoped3A : memref<!tpu.dma_semaphore, #tpu.memory_space<semaphore_mem>>) src(%dma_wait3A_67 : memref<64x128xf32, #tpu.memory_space<vmem>>) dst(%dma_wait3A_64 : memref<64x128xf32, #tpu.memory_space<vmem_shared>>)
      tpu.yield
    }) : () -> ()
    %mul3A_19 = arith.constant 640 : i32
    %mul3A_20 = arith.muli %arg1, %mul3A_19 : i32
    %add3A_21 = arith.constant 256 : i32
    %add3A_22 = arith.addi %mul3A_20, %add3A_21 : i32
    "tpu.region"() ({
      %run_scoped3A = tpu.sem_alloc : memref<!tpu.dma_semaphore, #tpu.memory_space<semaphore_mem>>
      %dma_start3A = arith.constant 0 : i32
      %dma_start3A_50 = arith.constant 0 : i32
      %dma_start3A_51 = tpu.memref_slice %arg10[%dma_start3A, %dma_start3A_50] : memref<96x128xf32, #tpu.memory_space<vmem>> -> memref<64x128xf32, #tpu.memory_space<vmem>>
      %dma_start3A_52 = arith.constant 0 : i32
      %dma_start3A_53 = tpu.memref_slice %arg12[%add3A_22, %dma_start3A_52] : memref<10240x128xf32, #tpu.memory_space<vmem_shared>> -> memref<64x128xf32, #tpu.memory_space<vmem_shared>>
      %dma_start3A_54 = arith.constant 0 : i32
      %dma_start3A_55 = tpu.memref_slice %arg12[%add3A_22, %dma_start3A_54] : memref<10240x128xf32, #tpu.memory_space<vmem_shared>> -> memref<64x128xf32, #tpu.memory_space<vmem_shared>>
      %dma_start3A_56 = arith.constant 0 : i32
      %dma_start3A_57 = arith.constant 0 : i32
      %dma_start3A_58 = tpu.memref_slice %arg10[%dma_start3A_56, %dma_start3A_57] : memref<96x128xf32, #tpu.memory_space<vmem>> -> memref<64x128xf32, #tpu.memory_space<vmem>>
      tpu.enqueue_dma source(%dma_start3A_58 : memref<64x128xf32, #tpu.memory_space<vmem>>) target(%dma_start3A_55 : memref<64x128xf32, #tpu.memory_space<vmem_shared>>) target_semaphore(%run_scoped3A : memref<!tpu.dma_semaphore, #tpu.memory_space<semaphore_mem>>)
      %dma_wait3A = arith.constant 0 : i32
      %dma_wait3A_59 = arith.constant 0 : i32
      %dma_wait3A_60 = tpu.memref_slice %arg10[%dma_wait3A, %dma_wait3A_59] : memref<96x128xf32, #tpu.memory_space<vmem>> -> memref<64x128xf32, #tpu.memory_space<vmem>>
      %dma_wait3A_61 = arith.constant 0 : i32
      %dma_wait3A_62 = tpu.memref_slice %arg12[%add3A_22, %dma_wait3A_61] : memref<10240x128xf32, #tpu.memory_space<vmem_shared>> -> memref<64x128xf32, #tpu.memory_space<vmem_shared>>
      %dma_wait3A_63 = arith.constant 0 : i32
      %dma_wait3A_64 = tpu.memref_slice %arg12[%add3A_22, %dma_wait3A_63] : memref<10240x128xf32, #tpu.memory_space<vmem_shared>> -> memref<64x128xf32, #tpu.memory_space<vmem_shared>>
      %dma_wait3A_65 = arith.constant 0 : i32
      %dma_wait3A_66 = arith.constant 0 : i32
      %dma_wait3A_67 = tpu.memref_slice %arg10[%dma_wait3A_65, %dma_wait3A_66] : memref<96x128xf32, #tpu.memory_space<vmem>> -> memref<64x128xf32, #tpu.memory_space<vmem>>
      tpu.wait_dma2 semaphore(%run_scoped3A : memref<!tpu.dma_semaphore, #tpu.memory_space<semaphore_mem>>) src(%dma_wait3A_67 : memref<64x128xf32, #tpu.memory_space<vmem>>) dst(%dma_wait3A_64 : memref<64x128xf32, #tpu.memory_space<vmem_shared>>)
      tpu.yield
    }) : () -> ()
    %mul3A_23 = arith.constant 640 : i32
    %mul3A_24 = arith.muli %arg1, %mul3A_23 : i32
    %add3A_25 = arith.constant 320 : i32
    %add3A_26 = arith.addi %mul3A_24, %add3A_25 : i32
    "tpu.region"() ({
      %run_scoped3A = tpu.sem_alloc : memref<!tpu.dma_semaphore, #tpu.memory_space<semaphore_mem>>
      %dma_start3A = arith.constant 0 : i32
      %dma_start3A_50 = arith.constant 0 : i32
      %dma_start3A_51 = tpu.memref_slice %arg10[%dma_start3A, %dma_start3A_50] : memref<96x128xf32, #tpu.memory_space<vmem>> -> memref<64x128xf32, #tpu.memory_space<vmem>>
      %dma_start3A_52 = arith.constant 0 : i32
      %dma_start3A_53 = tpu.memref_slice %arg12[%add3A_26, %dma_start3A_52] : memref<10240x128xf32, #tpu.memory_space<vmem_shared>> -> memref<64x128xf32, #tpu.memory_space<vmem_shared>>
      %dma_start3A_54 = arith.constant 0 : i32
      %dma_start3A_55 = tpu.memref_slice %arg12[%add3A_26, %dma_start3A_54] : memref<10240x128xf32, #tpu.memory_space<vmem_shared>> -> memref<64x128xf32, #tpu.memory_space<vmem_shared>>
      %dma_start3A_56 = arith.constant 0 : i32
      %dma_start3A_57 = arith.constant 0 : i32
      %dma_start3A_58 = tpu.memref_slice %arg10[%dma_start3A_56, %dma_start3A_57] : memref<96x128xf32, #tpu.memory_space<vmem>> -> memref<64x128xf32, #tpu.memory_space<vmem>>
      tpu.enqueue_dma source(%dma_start3A_58 : memref<64x128xf32, #tpu.memory_space<vmem>>) target(%dma_start3A_55 : memref<64x128xf32, #tpu.memory_space<vmem_shared>>) target_semaphore(%run_scoped3A : memref<!tpu.dma_semaphore, #tpu.memory_space<semaphore_mem>>)
      %dma_wait3A = arith.constant 0 : i32
      %dma_wait3A_59 = arith.constant 0 : i32
      %dma_wait3A_60 = tpu.memref_slice %arg10[%dma_wait3A, %dma_wait3A_59] : memref<96x128xf32, #tpu.memory_space<vmem>> -> memref<64x128xf32, #tpu.memory_space<vmem>>
      %dma_wait3A_61 = arith.constant 0 : i32
      %dma_wait3A_62 = tpu.memref_slice %arg12[%add3A_26, %dma_wait3A_61] : memref<10240x128xf32, #tpu.memory_space<vmem_shared>> -> memref<64x128xf32, #tpu.memory_space<vmem_shared>>
      %dma_wait3A_63 = arith.constant 0 : i32
      %dma_wait3A_64 = tpu.memref_slice %arg12[%add3A_26, %dma_wait3A_63] : memref<10240x128xf32, #tpu.memory_space<vmem_shared>> -> memref<64x128xf32, #tpu.memory_space<vmem_shared>>
      %dma_wait3A_65 = arith.constant 0 : i32
      %dma_wait3A_66 = arith.constant 0 : i32
      %dma_wait3A_67 = tpu.memref_slice %arg10[%dma_wait3A_65, %dma_wait3A_66] : memref<96x128xf32, #tpu.memory_space<vmem>> -> memref<64x128xf32, #tpu.memory_space<vmem>>
      tpu.wait_dma2 semaphore(%run_scoped3A : memref<!tpu.dma_semaphore, #tpu.memory_space<semaphore_mem>>) src(%dma_wait3A_67 : memref<64x128xf32, #tpu.memory_space<vmem>>) dst(%dma_wait3A_64 : memref<64x128xf32, #tpu.memory_space<vmem_shared>>)
      tpu.yield
    }) : () -> ()
    %mul3A_27 = arith.constant 640 : i32
    %mul3A_28 = arith.muli %arg1, %mul3A_27 : i32
    %add3A_29 = arith.constant 384 : i32
    %add3A_30 = arith.addi %mul3A_28, %add3A_29 : i32
    "tpu.region"() ({
      %run_scoped3A = tpu.sem_alloc : memref<!tpu.dma_semaphore, #tpu.memory_space<semaphore_mem>>
      %dma_start3A = arith.constant 0 : i32
      %dma_start3A_50 = arith.constant 0 : i32
      %dma_start3A_51 = tpu.memref_slice %arg10[%dma_start3A, %dma_start3A_50] : memref<96x128xf32, #tpu.memory_space<vmem>> -> memref<64x128xf32, #tpu.memory_space<vmem>>
      %dma_start3A_52 = arith.constant 0 : i32
      %dma_start3A_53 = tpu.memref_slice %arg12[%add3A_30, %dma_start3A_52] : memref<10240x128xf32, #tpu.memory_space<vmem_shared>> -> memref<64x128xf32, #tpu.memory_space<vmem_shared>>
      %dma_start3A_54 = arith.constant 0 : i32
      %dma_start3A_55 = tpu.memref_slice %arg12[%add3A_30, %dma_start3A_54] : memref<10240x128xf32, #tpu.memory_space<vmem_shared>> -> memref<64x128xf32, #tpu.memory_space<vmem_shared>>
      %dma_start3A_56 = arith.constant 0 : i32
      %dma_start3A_57 = arith.constant 0 : i32
      %dma_start3A_58 = tpu.memref_slice %arg10[%dma_start3A_56, %dma_start3A_57] : memref<96x128xf32, #tpu.memory_space<vmem>> -> memref<64x128xf32, #tpu.memory_space<vmem>>
      tpu.enqueue_dma source(%dma_start3A_58 : memref<64x128xf32, #tpu.memory_space<vmem>>) target(%dma_start3A_55 : memref<64x128xf32, #tpu.memory_space<vmem_shared>>) target_semaphore(%run_scoped3A : memref<!tpu.dma_semaphore, #tpu.memory_space<semaphore_mem>>)
      %dma_wait3A = arith.constant 0 : i32
      %dma_wait3A_59 = arith.constant 0 : i32
      %dma_wait3A_60 = tpu.memref_slice %arg10[%dma_wait3A, %dma_wait3A_59] : memref<96x128xf32, #tpu.memory_space<vmem>> -> memref<64x128xf32, #tpu.memory_space<vmem>>
      %dma_wait3A_61 = arith.constant 0 : i32
      %dma_wait3A_62 = tpu.memref_slice %arg12[%add3A_30, %dma_wait3A_61] : memref<10240x128xf32, #tpu.memory_space<vmem_shared>> -> memref<64x128xf32, #tpu.memory_space<vmem_shared>>
      %dma_wait3A_63 = arith.constant 0 : i32
      %dma_wait3A_64 = tpu.memref_slice %arg12[%add3A_30, %dma_wait3A_63] : memref<10240x128xf32, #tpu.memory_space<vmem_shared>> -> memref<64x128xf32, #tpu.memory_space<vmem_shared>>
      %dma_wait3A_65 = arith.constant 0 : i32
      %dma_wait3A_66 = arith.constant 0 : i32
      %dma_wait3A_67 = tpu.memref_slice %arg10[%dma_wait3A_65, %dma_wait3A_66] : memref<96x128xf32, #tpu.memory_space<vmem>> -> memref<64x128xf32, #tpu.memory_space<vmem>>
      tpu.wait_dma2 semaphore(%run_scoped3A : memref<!tpu.dma_semaphore, #tpu.memory_space<semaphore_mem>>) src(%dma_wait3A_67 : memref<64x128xf32, #tpu.memory_space<vmem>>) dst(%dma_wait3A_64 : memref<64x128xf32, #tpu.memory_space<vmem_shared>>)
      tpu.yield
    }) : () -> ()
    %mul3A_31 = arith.constant 640 : i32
    %mul3A_32 = arith.muli %arg1, %mul3A_31 : i32
    %add3A_33 = arith.constant 448 : i32
    %add3A_34 = arith.addi %mul3A_32, %add3A_33 : i32
    "tpu.region"() ({
      %run_scoped3A = tpu.sem_alloc : memref<!tpu.dma_semaphore, #tpu.memory_space<semaphore_mem>>
      %dma_start3A = arith.constant 0 : i32
      %dma_start3A_50 = arith.constant 0 : i32
      %dma_start3A_51 = tpu.memref_slice %arg10[%dma_start3A, %dma_start3A_50] : memref<96x128xf32, #tpu.memory_space<vmem>> -> memref<64x128xf32, #tpu.memory_space<vmem>>
      %dma_start3A_52 = arith.constant 0 : i32
      %dma_start3A_53 = tpu.memref_slice %arg12[%add3A_34, %dma_start3A_52] : memref<10240x128xf32, #tpu.memory_space<vmem_shared>> -> memref<64x128xf32, #tpu.memory_space<vmem_shared>>
      %dma_start3A_54 = arith.constant 0 : i32
      %dma_start3A_55 = tpu.memref_slice %arg12[%add3A_34, %dma_start3A_54] : memref<10240x128xf32, #tpu.memory_space<vmem_shared>> -> memref<64x128xf32, #tpu.memory_space<vmem_shared>>
      %dma_start3A_56 = arith.constant 0 : i32
      %dma_start3A_57 = arith.constant 0 : i32
      %dma_start3A_58 = tpu.memref_slice %arg10[%dma_start3A_56, %dma_start3A_57] : memref<96x128xf32, #tpu.memory_space<vmem>> -> memref<64x128xf32, #tpu.memory_space<vmem>>
      tpu.enqueue_dma source(%dma_start3A_58 : memref<64x128xf32, #tpu.memory_space<vmem>>) target(%dma_start3A_55 : memref<64x128xf32, #tpu.memory_space<vmem_shared>>) target_semaphore(%run_scoped3A : memref<!tpu.dma_semaphore, #tpu.memory_space<semaphore_mem>>)
      %dma_wait3A = arith.constant 0 : i32
      %dma_wait3A_59 = arith.constant 0 : i32
      %dma_wait3A_60 = tpu.memref_slice %arg10[%dma_wait3A, %dma_wait3A_59] : memref<96x128xf32, #tpu.memory_space<vmem>> -> memref<64x128xf32, #tpu.memory_space<vmem>>
      %dma_wait3A_61 = arith.constant 0 : i32
      %dma_wait3A_62 = tpu.memref_slice %arg12[%add3A_34, %dma_wait3A_61] : memref<10240x128xf32, #tpu.memory_space<vmem_shared>> -> memref<64x128xf32, #tpu.memory_space<vmem_shared>>
      %dma_wait3A_63 = arith.constant 0 : i32
      %dma_wait3A_64 = tpu.memref_slice %arg12[%add3A_34, %dma_wait3A_63] : memref<10240x128xf32, #tpu.memory_space<vmem_shared>> -> memref<64x128xf32, #tpu.memory_space<vmem_shared>>
      %dma_wait3A_65 = arith.constant 0 : i32
      %dma_wait3A_66 = arith.constant 0 : i32
      %dma_wait3A_67 = tpu.memref_slice %arg10[%dma_wait3A_65, %dma_wait3A_66] : memref<96x128xf32, #tpu.memory_space<vmem>> -> memref<64x128xf32, #tpu.memory_space<vmem>>
      tpu.wait_dma2 semaphore(%run_scoped3A : memref<!tpu.dma_semaphore, #tpu.memory_space<semaphore_mem>>) src(%dma_wait3A_67 : memref<64x128xf32, #tpu.memory_space<vmem>>) dst(%dma_wait3A_64 : memref<64x128xf32, #tpu.memory_space<vmem_shared>>)
      tpu.yield
    }) : () -> ()
    %mul3A_35 = arith.constant 640 : i32
    %mul3A_36 = arith.muli %arg1, %mul3A_35 : i32
    %add3A_37 = arith.constant 512 : i32
    %add3A_38 = arith.addi %mul3A_36, %add3A_37 : i32
    "tpu.region"() ({
      %run_scoped3A = tpu.sem_alloc : memref<!tpu.dma_semaphore, #tpu.memory_space<semaphore_mem>>
      %dma_start3A = arith.constant 0 : i32
      %dma_start3A_50 = arith.constant 0 : i32
      %dma_start3A_51 = tpu.memref_slice %arg10[%dma_start3A, %dma_start3A_50] : memref<96x128xf32, #tpu.memory_space<vmem>> -> memref<64x128xf32, #tpu.memory_space<vmem>>
      %dma_start3A_52 = arith.constant 0 : i32
      %dma_start3A_53 = tpu.memref_slice %arg12[%add3A_38, %dma_start3A_52] : memref<10240x128xf32, #tpu.memory_space<vmem_shared>> -> memref<64x128xf32, #tpu.memory_space<vmem_shared>>
      %dma_start3A_54 = arith.constant 0 : i32
      %dma_start3A_55 = tpu.memref_slice %arg12[%add3A_38, %dma_start3A_54] : memref<10240x128xf32, #tpu.memory_space<vmem_shared>> -> memref<64x128xf32, #tpu.memory_space<vmem_shared>>
      %dma_start3A_56 = arith.constant 0 : i32
      %dma_start3A_57 = arith.constant 0 : i32
      %dma_start3A_58 = tpu.memref_slice %arg10[%dma_start3A_56, %dma_start3A_57] : memref<96x128xf32, #tpu.memory_space<vmem>> -> memref<64x128xf32, #tpu.memory_space<vmem>>
      tpu.enqueue_dma source(%dma_start3A_58 : memref<64x128xf32, #tpu.memory_space<vmem>>) target(%dma_start3A_55 : memref<64x128xf32, #tpu.memory_space<vmem_shared>>) target_semaphore(%run_scoped3A : memref<!tpu.dma_semaphore, #tpu.memory_space<semaphore_mem>>)
      %dma_wait3A = arith.constant 0 : i32
      %dma_wait3A_59 = arith.constant 0 : i32
      %dma_wait3A_60 = tpu.memref_slice %arg10[%dma_wait3A, %dma_wait3A_59] : memref<96x128xf32, #tpu.memory_space<vmem>> -> memref<64x128xf32, #tpu.memory_space<vmem>>
      %dma_wait3A_61 = arith.constant 0 : i32
      %dma_wait3A_62 = tpu.memref_slice %arg12[%add3A_38, %dma_wait3A_61] : memref<10240x128xf32, #tpu.memory_space<vmem_shared>> -> memref<64x128xf32, #tpu.memory_space<vmem_shared>>
      %dma_wait3A_63 = arith.constant 0 : i32
      %dma_wait3A_64 = tpu.memref_slice %arg12[%add3A_38, %dma_wait3A_63] : memref<10240x128xf32, #tpu.memory_space<vmem_shared>> -> memref<64x128xf32, #tpu.memory_space<vmem_shared>>
      %dma_wait3A_65 = arith.constant 0 : i32
      %dma_wait3A_66 = arith.constant 0 : i32
      %dma_wait3A_67 = tpu.memref_slice %arg10[%dma_wait3A_65, %dma_wait3A_66] : memref<96x128xf32, #tpu.memory_space<vmem>> -> memref<64x128xf32, #tpu.memory_space<vmem>>
      tpu.wait_dma2 semaphore(%run_scoped3A : memref<!tpu.dma_semaphore, #tpu.memory_space<semaphore_mem>>) src(%dma_wait3A_67 : memref<64x128xf32, #tpu.memory_space<vmem>>) dst(%dma_wait3A_64 : memref<64x128xf32, #tpu.memory_space<vmem_shared>>)
      tpu.yield
    }) : () -> ()
    %mul3A_39 = arith.constant 640 : i32
    %mul3A_40 = arith.muli %arg1, %mul3A_39 : i32
    %add3A_41 = arith.constant 576 : i32
    %add3A_42 = arith.addi %mul3A_40, %add3A_41 : i32
    "tpu.region"() ({
      %run_scoped3A = tpu.sem_alloc : memref<!tpu.dma_semaphore, #tpu.memory_space<semaphore_mem>>
      %dma_start3A = arith.constant 0 : i32
      %dma_start3A_50 = arith.constant 0 : i32
      %dma_start3A_51 = tpu.memref_slice %arg10[%dma_start3A, %dma_start3A_50] : memref<96x128xf32, #tpu.memory_space<vmem>> -> memref<64x128xf32, #tpu.memory_space<vmem>>
      %dma_start3A_52 = arith.constant 0 : i32
      %dma_start3A_53 = tpu.memref_slice %arg12[%add3A_42, %dma_start3A_52] : memref<10240x128xf32, #tpu.memory_space<vmem_shared>> -> memref<64x128xf32, #tpu.memory_space<vmem_shared>>
      %dma_start3A_54 = arith.constant 0 : i32
      %dma_start3A_55 = tpu.memref_slice %arg12[%add3A_42, %dma_start3A_54] : memref<10240x128xf32, #tpu.memory_space<vmem_shared>> -> memref<64x128xf32, #tpu.memory_space<vmem_shared>>
      %dma_start3A_56 = arith.constant 0 : i32
      %dma_start3A_57 = arith.constant 0 : i32
      %dma_start3A_58 = tpu.memref_slice %arg10[%dma_start3A_56, %dma_start3A_57] : memref<96x128xf32, #tpu.memory_space<vmem>> -> memref<64x128xf32, #tpu.memory_space<vmem>>
      tpu.enqueue_dma source(%dma_start3A_58 : memref<64x128xf32, #tpu.memory_space<vmem>>) target(%dma_start3A_55 : memref<64x128xf32, #tpu.memory_space<vmem_shared>>) target_semaphore(%run_scoped3A : memref<!tpu.dma_semaphore, #tpu.memory_space<semaphore_mem>>)
      %dma_wait3A = arith.constant 0 : i32
      %dma_wait3A_59 = arith.constant 0 : i32
      %dma_wait3A_60 = tpu.memref_slice %arg10[%dma_wait3A, %dma_wait3A_59] : memref<96x128xf32, #tpu.memory_space<vmem>> -> memref<64x128xf32, #tpu.memory_space<vmem>>
      %dma_wait3A_61 = arith.constant 0 : i32
      %dma_wait3A_62 = tpu.memref_slice %arg12[%add3A_42, %dma_wait3A_61] : memref<10240x128xf32, #tpu.memory_space<vmem_shared>> -> memref<64x128xf32, #tpu.memory_space<vmem_shared>>
      %dma_wait3A_63 = arith.constant 0 : i32
      %dma_wait3A_64 = tpu.memref_slice %arg12[%add3A_42, %dma_wait3A_63] : memref<10240x128xf32, #tpu.memory_space<vmem_shared>> -> memref<64x128xf32, #tpu.memory_space<vmem_shared>>
      %dma_wait3A_65 = arith.constant 0 : i32
      %dma_wait3A_66 = arith.constant 0 : i32
      %dma_wait3A_67 = tpu.memref_slice %arg10[%dma_wait3A_65, %dma_wait3A_66] : memref<96x128xf32, #tpu.memory_space<vmem>> -> memref<64x128xf32, #tpu.memory_space<vmem>>
      tpu.wait_dma2 semaphore(%run_scoped3A : memref<!tpu.dma_semaphore, #tpu.memory_space<semaphore_mem>>) src(%dma_wait3A_67 : memref<64x128xf32, #tpu.memory_space<vmem>>) dst(%dma_wait3A_64 : memref<64x128xf32, #tpu.memory_space<vmem_shared>>)
      tpu.yield
    }) : () -> ()
    %barrier3A = arith.constant 0 : index
    tpu.barrier barrier_id(%barrier3A)
    %eq3A = arith.constant 0 : i32
    %eq3A_43 = arith.cmpi eq, %arg0, %eq3A : i32
    %convert_element_type3A = arith.extui %eq3A_43 : i1 to i32
    %cond3A = arith.constant 0 : i32
    %cond3A_44 = arith.cmpi ne, %convert_element_type3A, %cond3A : i32
    scf.if %cond3A_44 {
      "tpu.region"() ({
        %run_scoped3A = tpu.sem_alloc : memref<!tpu.dma_semaphore, #tpu.memory_space<semaphore_mem>>
        %dma_start3A_65 = arith.constant 0 : i32
        %dma_start3A_66 = tpu.memref_slice %arg4[%arg1, %dma_start3A_65] : memref<16x10176xi32, #tpu.memory_space<hbm>> -> memref<1x10176xi32, #tpu.memory_space<hbm>>
        %dma_start3A_67 = tpu.memref_squeeze %dma_start3A_66 : memref<1x10176xi32, #tpu.memory_space<hbm>> -> memref<10176xi32, #tpu.memory_space<hbm>>
        %dma_start3A_68 = arith.constant 0 : i32
        %dma_start3A_69 = tpu.memref_slice %arg4[%arg1, %dma_start3A_68] : memref<16x10176xi32, #tpu.memory_space<hbm>> -> memref<1x10176xi32, #tpu.memory_space<hbm>>
        %dma_start3A_70 = tpu.memref_squeeze %dma_start3A_69 : memref<1x10176xi32, #tpu.memory_space<hbm>> -> memref<10176xi32, #tpu.memory_space<hbm>>
        tpu.enqueue_dma source(%dma_start3A_70 : memref<10176xi32, #tpu.memory_space<hbm>>) target(%arg8 : memref<10176xi32, #tpu.memory_space<vmem>>) target_semaphore(%run_scoped3A : memref<!tpu.dma_semaphore, #tpu.memory_space<semaphore_mem>>)
        %dma_wait3A = arith.constant 0 : i32
        %dma_wait3A_71 = tpu.memref_slice %arg4[%arg1, %dma_wait3A] : memref<16x10176xi32, #tpu.memory_space<hbm>> -> memref<1x10176xi32, #tpu.memory_space<hbm>>
        %dma_wait3A_72 = tpu.memref_squeeze %dma_wait3A_71 : memref<1x10176xi32, #tpu.memory_space<hbm>> -> memref<10176xi32, #tpu.memory_space<hbm>>
        %dma_wait3A_73 = arith.constant 0 : i32
        %dma_wait3A_74 = tpu.memref_slice %arg4[%arg1, %dma_wait3A_73] : memref<16x10176xi32, #tpu.memory_space<hbm>> -> memref<1x10176xi32, #tpu.memory_space<hbm>>
        %dma_wait3A_75 = tpu.memref_squeeze %dma_wait3A_74 : memref<1x10176xi32, #tpu.memory_space<hbm>> -> memref<10176xi32, #tpu.memory_space<hbm>>
        tpu.wait_dma2 semaphore(%run_scoped3A : memref<!tpu.dma_semaphore, #tpu.memory_space<semaphore_mem>>) src(%dma_wait3A_75 : memref<10176xi32, #tpu.memory_space<hbm>>) dst(%arg8 : memref<10176xi32, #tpu.memory_space<vmem>>)
        tpu.yield
      }) : () -> ()
      "tpu.region"() ({
        %run_scoped3A = tpu.sem_alloc : memref<!tpu.dma_semaphore, #tpu.memory_space<semaphore_mem>>
        %dma_start3A_65 = arith.constant 0 : i32
        %dma_start3A_66 = arith.constant 0 : i32
        %dma_start3A_67 = tpu.memref_slice %arg5[%arg1, %dma_start3A_65, %dma_start3A_66] : memref<16x106x96xi32, #tpu.memory_space<hbm>> -> memref<1x106x96xi32, #tpu.memory_space<hbm>>
        %dma_start3A_68 = tpu.memref_squeeze %dma_start3A_67 : memref<1x106x96xi32, #tpu.memory_space<hbm>> -> memref<106x96xi32, #tpu.memory_space<hbm>>
        %dma_start3A_69 = arith.constant 0 : i32
        %dma_start3A_70 = arith.constant 0 : i32
        %dma_start3A_71 = tpu.memref_slice %arg5[%arg1, %dma_start3A_69, %dma_start3A_70] : memref<16x106x96xi32, #tpu.memory_space<hbm>> -> memref<1x106x96xi32, #tpu.memory_space<hbm>>
        %dma_start3A_72 = tpu.memref_squeeze %dma_start3A_71 : memref<1x106x96xi32, #tpu.memory_space<hbm>> -> memref<106x96xi32, #tpu.memory_space<hbm>>
        tpu.enqueue_dma source(%dma_start3A_72 : memref<106x96xi32, #tpu.memory_space<hbm>>) target(%arg9 : memref<106x96xi32, #tpu.memory_space<vmem>>) target_semaphore(%run_scoped3A : memref<!tpu.dma_semaphore, #tpu.memory_space<semaphore_mem>>)
        %dma_wait3A = arith.constant 0 : i32
        %dma_wait3A_73 = arith.constant 0 : i32
        %dma_wait3A_74 = tpu.memref_slice %arg5[%arg1, %dma_wait3A, %dma_wait3A_73] : memref<16x106x96xi32, #tpu.memory_space<hbm>> -> memref<1x106x96xi32, #tpu.memory_space<hbm>>
        %dma_wait3A_75 = tpu.memref_squeeze %dma_wait3A_74 : memref<1x106x96xi32, #tpu.memory_space<hbm>> -> memref<106x96xi32, #tpu.memory_space<hbm>>
        %dma_wait3A_76 = arith.constant 0 : i32
        %dma_wait3A_77 = arith.constant 0 : i32
        %dma_wait3A_78 = tpu.memref_slice %arg5[%arg1, %dma_wait3A_76, %dma_wait3A_77] : memref<16x106x96xi32, #tpu.memory_space<hbm>> -> memref<1x106x96xi32, #tpu.memory_space<hbm>>
        %dma_wait3A_79 = tpu.memref_squeeze %dma_wait3A_78 : memref<1x106x96xi32, #tpu.memory_space<hbm>> -> memref<106x96xi32, #tpu.memory_space<hbm>>
        tpu.wait_dma2 semaphore(%run_scoped3A : memref<!tpu.dma_semaphore, #tpu.memory_space<semaphore_mem>>) src(%dma_wait3A_79 : memref<106x96xi32, #tpu.memory_space<hbm>>) dst(%arg9 : memref<106x96xi32, #tpu.memory_space<vmem>>)
        tpu.yield
      }) : () -> ()
      %dma_start3A = arith.constant 0 : i32
      %dma_start3A_50 = tpu.memref_slice %arg8[%dma_start3A] : memref<10176xi32, #tpu.memory_space<vmem>> -> memref<96xi32, #tpu.memory_space<vmem>>
      %dma_start3A_51 = arith.constant 0 : i32
      %dma_start3A_52 = arith.constant 0 : i32
      %dma_start3A_53 = tpu.memref_slice %arg2[%dma_start3A_51, %dma_start3A_52] : memref<10240x128xf32, #tpu.memory_space<hbm>> -> memref<10240x128xf32, #tpu.memory_space<hbm>>
      tpu.enqueue_indirect_dma source(%dma_start3A_53 : memref<10240x128xf32, #tpu.memory_space<hbm>>) target(%arg10 : memref<96x128xf32, #tpu.memory_space<vmem>>) offsets(%dma_start3A_50 : memref<96xi32, #tpu.memory_space<vmem>>) semaphore(%arg13 : memref<!tpu.dma_semaphore, #tpu.memory_space<semaphore_mem>>)
      %scan3A_54 = arith.constant 0 : i32
      %scan3A_55 = arith.constant 0 : i32
      %scan3A_56 = arith.constant 53 : i32
      %scan3A_57 = arith.addi %scan3A_55, %scan3A_56 : i32
      %scan3A_58 = arith.constant 1 : i32
      scf.for %scan3A_65 = %scan3A_55 to %scan3A_57 step %scan3A_58  : i32 {
        %mul3A_66 = arith.constant 2 : i32
        %mul3A_67 = arith.muli %mul3A_66, %scan3A_65 : i32
        %mul3A_68 = arith.constant 96 : i32
        %mul3A_69 = arith.muli %mul3A_67, %mul3A_68 : i32
        %dma_wait3A = tpu.memref_slice %arg8[%mul3A_69] : memref<10176xi32, #tpu.memory_space<vmem>> -> memref<96xi32, #tpu.memory_space<vmem>>
        %dma_wait3A_70 = arith.constant 0 : i32
        %dma_wait3A_71 = arith.constant 0 : i32
        %dma_wait3A_72 = tpu.memref_slice %arg2[%dma_wait3A_70, %dma_wait3A_71] : memref<10240x128xf32, #tpu.memory_space<hbm>> -> memref<10240x128xf32, #tpu.memory_space<hbm>>
        tpu.wait_indirect_dma semaphore(%arg13 : memref<!tpu.dma_semaphore, #tpu.memory_space<semaphore_mem>>) src(%dma_wait3A_72 : memref<10240x128xf32, #tpu.memory_space<hbm>>) dst(%arg10 : memref<96x128xf32, #tpu.memory_space<vmem>>)
        %add3A_73 = arith.constant 1 : i32
        %add3A_74 = arith.addi %mul3A_67, %add3A_73 : i32
        %mul3A_75 = arith.constant 96 : i32
        %mul3A_76 = arith.muli %add3A_74, %mul3A_75 : i32
        %dma_start3A_77 = tpu.memref_slice %arg8[%mul3A_76] : memref<10176xi32, #tpu.memory_space<vmem>> -> memref<96xi32, #tpu.memory_space<vmem>>
        %dma_start3A_78 = arith.constant 0 : i32
        %dma_start3A_79 = arith.constant 0 : i32
        %dma_start3A_80 = tpu.memref_slice %arg2[%dma_start3A_78, %dma_start3A_79] : memref<10240x128xf32, #tpu.memory_space<hbm>> -> memref<10240x128xf32, #tpu.memory_space<hbm>>
        tpu.enqueue_indirect_dma source(%dma_start3A_80 : memref<10240x128xf32, #tpu.memory_space<hbm>>) target(%arg11 : memref<96x128xf32, #tpu.memory_space<vmem>>) offsets(%dma_start3A_77 : memref<96xi32, #tpu.memory_space<vmem>>) semaphore(%arg13 : memref<!tpu.dma_semaphore, #tpu.memory_space<semaphore_mem>>)
        "tpu.region"() ({
          %run_scoped3A = tpu.sem_alloc : memref<!tpu.dma_semaphore, #tpu.memory_space<semaphore_mem>>
          %dma_start3A_97 = arith.constant 0 : i32
          %dma_start3A_98 = tpu.memref_slice %arg9[%mul3A_67, %dma_start3A_97] : memref<106x96xi32, #tpu.memory_space<vmem>> -> memref<1x96xi32, #tpu.memory_space<vmem>>
          %dma_start3A_99 = tpu.memref_squeeze %dma_start3A_98 : memref<1x96xi32, #tpu.memory_space<vmem>> -> memref<96xi32, #tpu.memory_space<vmem>>
          %dma_start3A_100 = arith.constant 0 : i32
          %dma_start3A_101 = arith.constant 0 : i32
          %dma_start3A_102 = tpu.memref_slice %arg12[%dma_start3A_100, %dma_start3A_101] : memref<10240x128xf32, #tpu.memory_space<vmem_shared>> -> memref<10240x128xf32, #tpu.memory_space<vmem_shared>>
          tpu.enqueue_indirect_dma source(%arg10 : memref<96x128xf32, #tpu.memory_space<vmem>>) target(%dma_start3A_102 : memref<10240x128xf32, #tpu.memory_space<vmem_shared>>) offsets(%dma_start3A_99 : memref<96xi32, #tpu.memory_space<vmem>>) semaphore(%run_scoped3A : memref<!tpu.dma_semaphore, #tpu.memory_space<semaphore_mem>>) {add = true}
          %dma_wait3A_103 = arith.constant 0 : i32
          %dma_wait3A_104 = tpu.memref_slice %arg9[%mul3A_67, %dma_wait3A_103] : memref<106x96xi32, #tpu.memory_space<vmem>> -> memref<1x96xi32, #tpu.memory_space<vmem>>
          %dma_wait3A_105 = tpu.memref_squeeze %dma_wait3A_104 : memref<1x96xi32, #tpu.memory_space<vmem>> -> memref<96xi32, #tpu.memory_space<vmem>>
          %dma_wait3A_106 = arith.constant 0 : i32
          %dma_wait3A_107 = arith.constant 0 : i32
          %dma_wait3A_108 = tpu.memref_slice %arg12[%dma_wait3A_106, %dma_wait3A_107] : memref<10240x128xf32, #tpu.memory_space<vmem_shared>> -> memref<10240x128xf32, #tpu.memory_space<vmem_shared>>
          tpu.wait_indirect_dma semaphore(%run_scoped3A : memref<!tpu.dma_semaphore, #tpu.memory_space<semaphore_mem>>) src(%arg10 : memref<96x128xf32, #tpu.memory_space<vmem>>) dst(%dma_wait3A_108 : memref<10240x128xf32, #tpu.memory_space<vmem_shared>>)
          tpu.yield
        }) : () -> ()
        %add3A_81 = arith.constant 1 : i32
        %add3A_82 = arith.addi %mul3A_67, %add3A_81 : i32
        %mul3A_83 = arith.constant 96 : i32
        %mul3A_84 = arith.muli %add3A_82, %mul3A_83 : i32
        %dma_wait3A_85 = tpu.memref_slice %arg8[%mul3A_84] : memref<10176xi32, #tpu.memory_space<vmem>> -> memref<96xi32, #tpu.memory_space<vmem>>
        %dma_wait3A_86 = arith.constant 0 : i32
        %dma_wait3A_87 = arith.constant 0 : i32
        %dma_wait3A_88 = tpu.memref_slice %arg2[%dma_wait3A_86, %dma_wait3A_87] : memref<10240x128xf32, #tpu.memory_space<hbm>> -> memref<10240x128xf32, #tpu.memory_space<hbm>>
        tpu.wait_indirect_dma semaphore(%arg13 : memref<!tpu.dma_semaphore, #tpu.memory_space<semaphore_mem>>) src(%dma_wait3A_88 : memref<10240x128xf32, #tpu.memory_space<hbm>>) dst(%arg11 : memref<96x128xf32, #tpu.memory_space<vmem>>)
        %add3A_89 = arith.constant 2 : i32
        %add3A_90 = arith.addi %mul3A_67, %add3A_89 : i32
        %lt3A = arith.constant 106 : i32
        %lt3A_91 = arith.cmpi slt, %add3A_90, %lt3A : i32
        %convert_element_type3A_92 = arith.extui %lt3A_91 : i1 to i32
        %cond3A_93 = arith.constant 0 : i32
        %cond3A_94 = arith.cmpi ne, %convert_element_type3A_92, %cond3A_93 : i32
        scf.if %cond3A_94 {
          %add3A_97 = arith.constant 2 : i32
          %add3A_98 = arith.addi %mul3A_67, %add3A_97 : i32
          %mul3A_99 = arith.constant 96 : i32
          %mul3A_100 = arith.muli %add3A_98, %mul3A_99 : i32
          %dma_start3A_101 = tpu.memref_slice %arg8[%mul3A_100] : memref<10176xi32, #tpu.memory_space<vmem>> -> memref<96xi32, #tpu.memory_space<vmem>>
          %dma_start3A_102 = arith.constant 0 : i32
          %dma_start3A_103 = arith.constant 0 : i32
          %dma_start3A_104 = tpu.memref_slice %arg2[%dma_start3A_102, %dma_start3A_103] : memref<10240x128xf32, #tpu.memory_space<hbm>> -> memref<10240x128xf32, #tpu.memory_space<hbm>>
          tpu.enqueue_indirect_dma source(%dma_start3A_104 : memref<10240x128xf32, #tpu.memory_space<hbm>>) target(%arg10 : memref<96x128xf32, #tpu.memory_space<vmem>>) offsets(%dma_start3A_101 : memref<96xi32, #tpu.memory_space<vmem>>) semaphore(%arg13 : memref<!tpu.dma_semaphore, #tpu.memory_space<semaphore_mem>>)
        } else {
        }
        %add3A_95 = arith.constant 1 : i32
        %add3A_96 = arith.addi %mul3A_67, %add3A_95 : i32
        "tpu.region"() ({
          %run_scoped3A = tpu.sem_alloc : memref<!tpu.dma_semaphore, #tpu.memory_space<semaphore_mem>>
          %dma_start3A_97 = arith.constant 0 : i32
          %dma_start3A_98 = tpu.memref_slice %arg9[%add3A_96, %dma_start3A_97] : memref<106x96xi32, #tpu.memory_space<vmem>> -> memref<1x96xi32, #tpu.memory_space<vmem>>
          %dma_start3A_99 = tpu.memref_squeeze %dma_start3A_98 : memref<1x96xi32, #tpu.memory_space<vmem>> -> memref<96xi32, #tpu.memory_space<vmem>>
          %dma_start3A_100 = arith.constant 0 : i32
          %dma_start3A_101 = arith.constant 0 : i32
          %dma_start3A_102 = tpu.memref_slice %arg12[%dma_start3A_100, %dma_start3A_101] : memref<10240x128xf32, #tpu.memory_space<vmem_shared>> -> memref<10240x128xf32, #tpu.memory_space<vmem_shared>>
          tpu.enqueue_indirect_dma source(%arg11 : memref<96x128xf32, #tpu.memory_space<vmem>>) target(%dma_start3A_102 : memref<10240x128xf32, #tpu.memory_space<vmem_shared>>) offsets(%dma_start3A_99 : memref<96xi32, #tpu.memory_space<vmem>>) semaphore(%run_scoped3A : memref<!tpu.dma_semaphore, #tpu.memory_space<semaphore_mem>>) {add = true}
          %dma_wait3A_103 = arith.constant 0 : i32
          %dma_wait3A_104 = tpu.memref_slice %arg9[%add3A_96, %dma_wait3A_103] : memref<106x96xi32, #tpu.memory_space<vmem>> -> memref<1x96xi32, #tpu.memory_space<vmem>>
          %dma_wait3A_105 = tpu.memref_squeeze %dma_wait3A_104 : memref<1x96xi32, #tpu.memory_space<vmem>> -> memref<96xi32, #tpu.memory_space<vmem>>
          %dma_wait3A_106 = arith.constant 0 : i32
          %dma_wait3A_107 = arith.constant 0 : i32
          %dma_wait3A_108 = tpu.memref_slice %arg12[%dma_wait3A_106, %dma_wait3A_107] : memref<10240x128xf32, #tpu.memory_space<vmem_shared>> -> memref<10240x128xf32, #tpu.memory_space<vmem_shared>>
          tpu.wait_indirect_dma semaphore(%run_scoped3A : memref<!tpu.dma_semaphore, #tpu.memory_space<semaphore_mem>>) src(%arg11 : memref<96x128xf32, #tpu.memory_space<vmem>>) dst(%dma_wait3A_108 : memref<10240x128xf32, #tpu.memory_space<vmem_shared>>)
          tpu.yield
        }) : () -> ()
      }
      %scan3A_59 = arith.constant 53 : i32
      %barrier3A_60 = arith.constant 0 : index
      tpu.barrier barrier_id(%barrier3A_60)
      %mul3A_61 = arith.constant 640 : i32
      %mul3A_62 = arith.muli %arg1, %mul3A_61 : i32
      %mul3A_63 = arith.constant 640 : i32
      %mul3A_64 = arith.muli %arg1, %mul3A_63 : i32
      "tpu.region"() ({
        %run_scoped3A = tpu.sem_alloc : memref<!tpu.dma_semaphore, #tpu.memory_space<semaphore_mem>>
        %dma_start3A_65 = arith.constant 0 : i32
        %dma_start3A_66 = tpu.memref_slice %arg6[%mul3A_64, %dma_start3A_65] : memref<10240x128xf32, #tpu.memory_space<hbm>> -> memref<640x128xf32, #tpu.memory_space<hbm>>
        %dma_start3A_67 = arith.constant 0 : i32
        %dma_start3A_68 = tpu.memref_slice %arg12[%mul3A_62, %dma_start3A_67] : memref<10240x128xf32, #tpu.memory_space<vmem_shared>> -> memref<640x128xf32, #tpu.memory_space<vmem_shared>>
        tpu.enqueue_dma source(%dma_start3A_68 : memref<640x128xf32, #tpu.memory_space<vmem_shared>>) target(%dma_start3A_66 : memref<640x128xf32, #tpu.memory_space<hbm>>) target_semaphore(%run_scoped3A : memref<!tpu.dma_semaphore, #tpu.memory_space<semaphore_mem>>)
        %dma_wait3A = arith.constant 0 : i32
        %dma_wait3A_69 = tpu.memref_slice %arg6[%mul3A_64, %dma_wait3A] : memref<10240x128xf32, #tpu.memory_space<hbm>> -> memref<640x128xf32, #tpu.memory_space<hbm>>
        %dma_wait3A_70 = arith.constant 0 : i32
        %dma_wait3A_71 = tpu.memref_slice %arg12[%mul3A_62, %dma_wait3A_70] : memref<10240x128xf32, #tpu.memory_space<vmem_shared>> -> memref<640x128xf32, #tpu.memory_space<vmem_shared>>
        tpu.wait_dma2 semaphore(%run_scoped3A : memref<!tpu.dma_semaphore, #tpu.memory_space<semaphore_mem>>) src(%dma_wait3A_71 : memref<640x128xf32, #tpu.memory_space<vmem_shared>>) dst(%dma_wait3A_69 : memref<640x128xf32, #tpu.memory_space<hbm>>)
        tpu.yield
      }) : () -> ()
    } else {
    }
    %eq3A_45 = arith.constant 1 : i32
    %eq3A_46 = arith.cmpi eq, %arg0, %eq3A_45 : i32
    %convert_element_type3A_47 = arith.extui %eq3A_46 : i1 to i32
    %cond3A_48 = arith.constant 0 : i32
    %cond3A_49 = arith.cmpi ne, %convert_element_type3A_47, %cond3A_48 : i32
    scf.if %cond3A_49 {
      "tpu.region"() ({
        %run_scoped3A = tpu.sem_alloc : memref<!tpu.dma_semaphore, #tpu.memory_space<semaphore_mem>>
        %dma_start3A_65 = arith.constant 0 : i32
        %dma_start3A_66 = tpu.memref_slice %arg4[%arg1, %dma_start3A_65] : memref<16x10176xi32, #tpu.memory_space<hbm>> -> memref<1x10176xi32, #tpu.memory_space<hbm>>
        %dma_start3A_67 = tpu.memref_squeeze %dma_start3A_66 : memref<1x10176xi32, #tpu.memory_space<hbm>> -> memref<10176xi32, #tpu.memory_space<hbm>>
        %dma_start3A_68 = arith.constant 0 : i32
        %dma_start3A_69 = tpu.memref_slice %arg4[%arg1, %dma_start3A_68] : memref<16x10176xi32, #tpu.memory_space<hbm>> -> memref<1x10176xi32, #tpu.memory_space<hbm>>
        %dma_start3A_70 = tpu.memref_squeeze %dma_start3A_69 : memref<1x10176xi32, #tpu.memory_space<hbm>> -> memref<10176xi32, #tpu.memory_space<hbm>>
        tpu.enqueue_dma source(%dma_start3A_70 : memref<10176xi32, #tpu.memory_space<hbm>>) target(%arg8 : memref<10176xi32, #tpu.memory_space<vmem>>) target_semaphore(%run_scoped3A : memref<!tpu.dma_semaphore, #tpu.memory_space<semaphore_mem>>)
        %dma_wait3A = arith.constant 0 : i32
        %dma_wait3A_71 = tpu.memref_slice %arg4[%arg1, %dma_wait3A] : memref<16x10176xi32, #tpu.memory_space<hbm>> -> memref<1x10176xi32, #tpu.memory_space<hbm>>
        %dma_wait3A_72 = tpu.memref_squeeze %dma_wait3A_71 : memref<1x10176xi32, #tpu.memory_space<hbm>> -> memref<10176xi32, #tpu.memory_space<hbm>>
        %dma_wait3A_73 = arith.constant 0 : i32
        %dma_wait3A_74 = tpu.memref_slice %arg4[%arg1, %dma_wait3A_73] : memref<16x10176xi32, #tpu.memory_space<hbm>> -> memref<1x10176xi32, #tpu.memory_space<hbm>>
        %dma_wait3A_75 = tpu.memref_squeeze %dma_wait3A_74 : memref<1x10176xi32, #tpu.memory_space<hbm>> -> memref<10176xi32, #tpu.memory_space<hbm>>
        tpu.wait_dma2 semaphore(%run_scoped3A : memref<!tpu.dma_semaphore, #tpu.memory_space<semaphore_mem>>) src(%dma_wait3A_75 : memref<10176xi32, #tpu.memory_space<hbm>>) dst(%arg8 : memref<10176xi32, #tpu.memory_space<vmem>>)
        tpu.yield
      }) : () -> ()
      "tpu.region"() ({
        %run_scoped3A = tpu.sem_alloc : memref<!tpu.dma_semaphore, #tpu.memory_space<semaphore_mem>>
        %dma_start3A_65 = arith.constant 0 : i32
        %dma_start3A_66 = arith.constant 0 : i32
        %dma_start3A_67 = tpu.memref_slice %arg5[%arg1, %dma_start3A_65, %dma_start3A_66] : memref<16x106x96xi32, #tpu.memory_space<hbm>> -> memref<1x106x96xi32, #tpu.memory_space<hbm>>
        %dma_start3A_68 = tpu.memref_squeeze %dma_start3A_67 : memref<1x106x96xi32, #tpu.memory_space<hbm>> -> memref<106x96xi32, #tpu.memory_space<hbm>>
        %dma_start3A_69 = arith.constant 0 : i32
        %dma_start3A_70 = arith.constant 0 : i32
        %dma_start3A_71 = tpu.memref_slice %arg5[%arg1, %dma_start3A_69, %dma_start3A_70] : memref<16x106x96xi32, #tpu.memory_space<hbm>> -> memref<1x106x96xi32, #tpu.memory_space<hbm>>
        %dma_start3A_72 = tpu.memref_squeeze %dma_start3A_71 : memref<1x106x96xi32, #tpu.memory_space<hbm>> -> memref<106x96xi32, #tpu.memory_space<hbm>>
        tpu.enqueue_dma source(%dma_start3A_72 : memref<106x96xi32, #tpu.memory_space<hbm>>) target(%arg9 : memref<106x96xi32, #tpu.memory_space<vmem>>) target_semaphore(%run_scoped3A : memref<!tpu.dma_semaphore, #tpu.memory_space<semaphore_mem>>)
        %dma_wait3A = arith.constant 0 : i32
        %dma_wait3A_73 = arith.constant 0 : i32
        %dma_wait3A_74 = tpu.memref_slice %arg5[%arg1, %dma_wait3A, %dma_wait3A_73] : memref<16x106x96xi32, #tpu.memory_space<hbm>> -> memref<1x106x96xi32, #tpu.memory_space<hbm>>
        %dma_wait3A_75 = tpu.memref_squeeze %dma_wait3A_74 : memref<1x106x96xi32, #tpu.memory_space<hbm>> -> memref<106x96xi32, #tpu.memory_space<hbm>>
        %dma_wait3A_76 = arith.constant 0 : i32
        %dma_wait3A_77 = arith.constant 0 : i32
        %dma_wait3A_78 = tpu.memref_slice %arg5[%arg1, %dma_wait3A_76, %dma_wait3A_77] : memref<16x106x96xi32, #tpu.memory_space<hbm>> -> memref<1x106x96xi32, #tpu.memory_space<hbm>>
        %dma_wait3A_79 = tpu.memref_squeeze %dma_wait3A_78 : memref<1x106x96xi32, #tpu.memory_space<hbm>> -> memref<106x96xi32, #tpu.memory_space<hbm>>
        tpu.wait_dma2 semaphore(%run_scoped3A : memref<!tpu.dma_semaphore, #tpu.memory_space<semaphore_mem>>) src(%dma_wait3A_79 : memref<106x96xi32, #tpu.memory_space<hbm>>) dst(%arg9 : memref<106x96xi32, #tpu.memory_space<vmem>>)
        tpu.yield
      }) : () -> ()
      %dma_start3A = arith.constant 0 : i32
      %dma_start3A_50 = tpu.memref_slice %arg8[%dma_start3A] : memref<10176xi32, #tpu.memory_space<vmem>> -> memref<96xi32, #tpu.memory_space<vmem>>
      %dma_start3A_51 = arith.constant 0 : i32
      %dma_start3A_52 = arith.constant 0 : i32
      %dma_start3A_53 = tpu.memref_slice %arg3[%dma_start3A_51, %dma_start3A_52] : memref<10240x128xf32, #tpu.memory_space<hbm>> -> memref<10240x128xf32, #tpu.memory_space<hbm>>
      tpu.enqueue_indirect_dma source(%dma_start3A_53 : memref<10240x128xf32, #tpu.memory_space<hbm>>) target(%arg10 : memref<96x128xf32, #tpu.memory_space<vmem>>) offsets(%dma_start3A_50 : memref<96xi32, #tpu.memory_space<vmem>>) semaphore(%arg13 : memref<!tpu.dma_semaphore, #tpu.memory_space<semaphore_mem>>)
      %scan3A_54 = arith.constant 0 : i32
      %scan3A_55 = arith.constant 0 : i32
      %scan3A_56 = arith.constant 53 : i32
      %scan3A_57 = arith.addi %scan3A_55, %scan3A_56 : i32
      %scan3A_58 = arith.constant 1 : i32
      scf.for %scan3A_65 = %scan3A_55 to %scan3A_57 step %scan3A_58  : i32 {
        %mul3A_66 = arith.constant 2 : i32
        %mul3A_67 = arith.muli %mul3A_66, %scan3A_65 : i32
        %mul3A_68 = arith.constant 96 : i32
        %mul3A_69 = arith.muli %mul3A_67, %mul3A_68 : i32
        %dma_wait3A = tpu.memref_slice %arg8[%mul3A_69] : memref<10176xi32, #tpu.memory_space<vmem>> -> memref<96xi32, #tpu.memory_space<vmem>>
        %dma_wait3A_70 = arith.constant 0 : i32
        %dma_wait3A_71 = arith.constant 0 : i32
        %dma_wait3A_72 = tpu.memref_slice %arg3[%dma_wait3A_70, %dma_wait3A_71] : memref<10240x128xf32, #tpu.memory_space<hbm>> -> memref<10240x128xf32, #tpu.memory_space<hbm>>
        tpu.wait_indirect_dma semaphore(%arg13 : memref<!tpu.dma_semaphore, #tpu.memory_space<semaphore_mem>>) src(%dma_wait3A_72 : memref<10240x128xf32, #tpu.memory_space<hbm>>) dst(%arg10 : memref<96x128xf32, #tpu.memory_space<vmem>>)
        %add3A_73 = arith.constant 1 : i32
        %add3A_74 = arith.addi %mul3A_67, %add3A_73 : i32
        %mul3A_75 = arith.constant 96 : i32
        %mul3A_76 = arith.muli %add3A_74, %mul3A_75 : i32
        %dma_start3A_77 = tpu.memref_slice %arg8[%mul3A_76] : memref<10176xi32, #tpu.memory_space<vmem>> -> memref<96xi32, #tpu.memory_space<vmem>>
        %dma_start3A_78 = arith.constant 0 : i32
        %dma_start3A_79 = arith.constant 0 : i32
        %dma_start3A_80 = tpu.memref_slice %arg3[%dma_start3A_78, %dma_start3A_79] : memref<10240x128xf32, #tpu.memory_space<hbm>> -> memref<10240x128xf32, #tpu.memory_space<hbm>>
        tpu.enqueue_indirect_dma source(%dma_start3A_80 : memref<10240x128xf32, #tpu.memory_space<hbm>>) target(%arg11 : memref<96x128xf32, #tpu.memory_space<vmem>>) offsets(%dma_start3A_77 : memref<96xi32, #tpu.memory_space<vmem>>) semaphore(%arg13 : memref<!tpu.dma_semaphore, #tpu.memory_space<semaphore_mem>>)
        "tpu.region"() ({
          %run_scoped3A = tpu.sem_alloc : memref<!tpu.dma_semaphore, #tpu.memory_space<semaphore_mem>>
          %dma_start3A_97 = arith.constant 0 : i32
          %dma_start3A_98 = tpu.memref_slice %arg9[%mul3A_67, %dma_start3A_97] : memref<106x96xi32, #tpu.memory_space<vmem>> -> memref<1x96xi32, #tpu.memory_space<vmem>>
          %dma_start3A_99 = tpu.memref_squeeze %dma_start3A_98 : memref<1x96xi32, #tpu.memory_space<vmem>> -> memref<96xi32, #tpu.memory_space<vmem>>
          %dma_start3A_100 = arith.constant 0 : i32
          %dma_start3A_101 = arith.constant 0 : i32
          %dma_start3A_102 = tpu.memref_slice %arg12[%dma_start3A_100, %dma_start3A_101] : memref<10240x128xf32, #tpu.memory_space<vmem_shared>> -> memref<10240x128xf32, #tpu.memory_space<vmem_shared>>
          tpu.enqueue_indirect_dma source(%arg10 : memref<96x128xf32, #tpu.memory_space<vmem>>) target(%dma_start3A_102 : memref<10240x128xf32, #tpu.memory_space<vmem_shared>>) offsets(%dma_start3A_99 : memref<96xi32, #tpu.memory_space<vmem>>) semaphore(%run_scoped3A : memref<!tpu.dma_semaphore, #tpu.memory_space<semaphore_mem>>) {add = true}
          %dma_wait3A_103 = arith.constant 0 : i32
          %dma_wait3A_104 = tpu.memref_slice %arg9[%mul3A_67, %dma_wait3A_103] : memref<106x96xi32, #tpu.memory_space<vmem>> -> memref<1x96xi32, #tpu.memory_space<vmem>>
          %dma_wait3A_105 = tpu.memref_squeeze %dma_wait3A_104 : memref<1x96xi32, #tpu.memory_space<vmem>> -> memref<96xi32, #tpu.memory_space<vmem>>
          %dma_wait3A_106 = arith.constant 0 : i32
          %dma_wait3A_107 = arith.constant 0 : i32
          %dma_wait3A_108 = tpu.memref_slice %arg12[%dma_wait3A_106, %dma_wait3A_107] : memref<10240x128xf32, #tpu.memory_space<vmem_shared>> -> memref<10240x128xf32, #tpu.memory_space<vmem_shared>>
          tpu.wait_indirect_dma semaphore(%run_scoped3A : memref<!tpu.dma_semaphore, #tpu.memory_space<semaphore_mem>>) src(%arg10 : memref<96x128xf32, #tpu.memory_space<vmem>>) dst(%dma_wait3A_108 : memref<10240x128xf32, #tpu.memory_space<vmem_shared>>)
          tpu.yield
        }) : () -> ()
        %add3A_81 = arith.constant 1 : i32
        %add3A_82 = arith.addi %mul3A_67, %add3A_81 : i32
        %mul3A_83 = arith.constant 96 : i32
        %mul3A_84 = arith.muli %add3A_82, %mul3A_83 : i32
        %dma_wait3A_85 = tpu.memref_slice %arg8[%mul3A_84] : memref<10176xi32, #tpu.memory_space<vmem>> -> memref<96xi32, #tpu.memory_space<vmem>>
        %dma_wait3A_86 = arith.constant 0 : i32
        %dma_wait3A_87 = arith.constant 0 : i32
        %dma_wait3A_88 = tpu.memref_slice %arg3[%dma_wait3A_86, %dma_wait3A_87] : memref<10240x128xf32, #tpu.memory_space<hbm>> -> memref<10240x128xf32, #tpu.memory_space<hbm>>
        tpu.wait_indirect_dma semaphore(%arg13 : memref<!tpu.dma_semaphore, #tpu.memory_space<semaphore_mem>>) src(%dma_wait3A_88 : memref<10240x128xf32, #tpu.memory_space<hbm>>) dst(%arg11 : memref<96x128xf32, #tpu.memory_space<vmem>>)
        %add3A_89 = arith.constant 2 : i32
        %add3A_90 = arith.addi %mul3A_67, %add3A_89 : i32
        %lt3A = arith.constant 106 : i32
        %lt3A_91 = arith.cmpi slt, %add3A_90, %lt3A : i32
        %convert_element_type3A_92 = arith.extui %lt3A_91 : i1 to i32
        %cond3A_93 = arith.constant 0 : i32
        %cond3A_94 = arith.cmpi ne, %convert_element_type3A_92, %cond3A_93 : i32
        scf.if %cond3A_94 {
          %add3A_97 = arith.constant 2 : i32
          %add3A_98 = arith.addi %mul3A_67, %add3A_97 : i32
          %mul3A_99 = arith.constant 96 : i32
          %mul3A_100 = arith.muli %add3A_98, %mul3A_99 : i32
          %dma_start3A_101 = tpu.memref_slice %arg8[%mul3A_100] : memref<10176xi32, #tpu.memory_space<vmem>> -> memref<96xi32, #tpu.memory_space<vmem>>
          %dma_start3A_102 = arith.constant 0 : i32
          %dma_start3A_103 = arith.constant 0 : i32
          %dma_start3A_104 = tpu.memref_slice %arg3[%dma_start3A_102, %dma_start3A_103] : memref<10240x128xf32, #tpu.memory_space<hbm>> -> memref<10240x128xf32, #tpu.memory_space<hbm>>
          tpu.enqueue_indirect_dma source(%dma_start3A_104 : memref<10240x128xf32, #tpu.memory_space<hbm>>) target(%arg10 : memref<96x128xf32, #tpu.memory_space<vmem>>) offsets(%dma_start3A_101 : memref<96xi32, #tpu.memory_space<vmem>>) semaphore(%arg13 : memref<!tpu.dma_semaphore, #tpu.memory_space<semaphore_mem>>)
        } else {
        }
        %add3A_95 = arith.constant 1 : i32
        %add3A_96 = arith.addi %mul3A_67, %add3A_95 : i32
        "tpu.region"() ({
          %run_scoped3A = tpu.sem_alloc : memref<!tpu.dma_semaphore, #tpu.memory_space<semaphore_mem>>
          %dma_start3A_97 = arith.constant 0 : i32
          %dma_start3A_98 = tpu.memref_slice %arg9[%add3A_96, %dma_start3A_97] : memref<106x96xi32, #tpu.memory_space<vmem>> -> memref<1x96xi32, #tpu.memory_space<vmem>>
          %dma_start3A_99 = tpu.memref_squeeze %dma_start3A_98 : memref<1x96xi32, #tpu.memory_space<vmem>> -> memref<96xi32, #tpu.memory_space<vmem>>
          %dma_start3A_100 = arith.constant 0 : i32
          %dma_start3A_101 = arith.constant 0 : i32
          %dma_start3A_102 = tpu.memref_slice %arg12[%dma_start3A_100, %dma_start3A_101] : memref<10240x128xf32, #tpu.memory_space<vmem_shared>> -> memref<10240x128xf32, #tpu.memory_space<vmem_shared>>
          tpu.enqueue_indirect_dma source(%arg11 : memref<96x128xf32, #tpu.memory_space<vmem>>) target(%dma_start3A_102 : memref<10240x128xf32, #tpu.memory_space<vmem_shared>>) offsets(%dma_start3A_99 : memref<96xi32, #tpu.memory_space<vmem>>) semaphore(%run_scoped3A : memref<!tpu.dma_semaphore, #tpu.memory_space<semaphore_mem>>) {add = true}
          %dma_wait3A_103 = arith.constant 0 : i32
          %dma_wait3A_104 = tpu.memref_slice %arg9[%add3A_96, %dma_wait3A_103] : memref<106x96xi32, #tpu.memory_space<vmem>> -> memref<1x96xi32, #tpu.memory_space<vmem>>
          %dma_wait3A_105 = tpu.memref_squeeze %dma_wait3A_104 : memref<1x96xi32, #tpu.memory_space<vmem>> -> memref<96xi32, #tpu.memory_space<vmem>>
          %dma_wait3A_106 = arith.constant 0 : i32
          %dma_wait3A_107 = arith.constant 0 : i32
          %dma_wait3A_108 = tpu.memref_slice %arg12[%dma_wait3A_106, %dma_wait3A_107] : memref<10240x128xf32, #tpu.memory_space<vmem_shared>> -> memref<10240x128xf32, #tpu.memory_space<vmem_shared>>
          tpu.wait_indirect_dma semaphore(%run_scoped3A : memref<!tpu.dma_semaphore, #tpu.memory_space<semaphore_mem>>) src(%arg11 : memref<96x128xf32, #tpu.memory_space<vmem>>) dst(%dma_wait3A_108 : memref<10240x128xf32, #tpu.memory_space<vmem_shared>>)
          tpu.yield
        }) : () -> ()
      }
      %scan3A_59 = arith.constant 53 : i32
      %barrier3A_60 = arith.constant 0 : index
      tpu.barrier barrier_id(%barrier3A_60)
      %mul3A_61 = arith.constant 640 : i32
      %mul3A_62 = arith.muli %arg1, %mul3A_61 : i32
      %mul3A_63 = arith.constant 640 : i32
      %mul3A_64 = arith.muli %arg1, %mul3A_63 : i32
      "tpu.region"() ({
        %run_scoped3A = tpu.sem_alloc : memref<!tpu.dma_semaphore, #tpu.memory_space<semaphore_mem>>
        %dma_start3A_65 = arith.constant 0 : i32
        %dma_start3A_66 = tpu.memref_slice %arg7[%mul3A_64, %dma_start3A_65] : memref<10240x128xf32, #tpu.memory_space<hbm>> -> memref<640x128xf32, #tpu.memory_space<hbm>>
        %dma_start3A_67 = arith.constant 0 : i32
        %dma_start3A_68 = tpu.memref_slice %arg12[%mul3A_62, %dma_start3A_67] : memref<10240x128xf32, #tpu.memory_space<vmem_shared>> -> memref<640x128xf32, #tpu.memory_space<vmem_shared>>
        tpu.enqueue_dma source(%dma_start3A_68 : memref<640x128xf32, #tpu.memory_space<vmem_shared>>) target(%dma_start3A_66 : memref<640x128xf32, #tpu.memory_space<hbm>>) target_semaphore(%run_scoped3A : memref<!tpu.dma_semaphore, #tpu.memory_space<semaphore_mem>>)
        %dma_wait3A = arith.constant 0 : i32
        %dma_wait3A_69 = tpu.memref_slice %arg7[%mul3A_64, %dma_wait3A] : memref<10240x128xf32, #tpu.memory_space<hbm>> -> memref<640x128xf32, #tpu.memory_space<hbm>>
        %dma_wait3A_70 = arith.constant 0 : i32
        %dma_wait3A_71 = tpu.memref_slice %arg12[%mul3A_62, %dma_wait3A_70] : memref<10240x128xf32, #tpu.memory_space<vmem_shared>> -> memref<640x128xf32, #tpu.memory_space<vmem_shared>>
        tpu.wait_dma2 semaphore(%run_scoped3A : memref<!tpu.dma_semaphore, #tpu.memory_space<semaphore_mem>>) src(%dma_wait3A_71 : memref<640x128xf32, #tpu.memory_space<vmem_shared>>) dst(%dma_wait3A_69 : memref<640x128xf32, #tpu.memory_space<hbm>>)
        tpu.yield
      }) : () -> ()
    } else {
    }
    return
  }
}

#map = affine_map<(d0, d1) -> (0, 0)>
#map1 = affine_map<(d0, d1) -> (0, 0, 0)>
module attributes {stable_mosaic.version = 14 : i64} {
  func.func @body(%arg0: i32, %arg1: i32, %arg2: memref<50000x128xf32, #tpu.memory_space<hbm>>, %arg3: memref<50000x128xf32, #tpu.memory_space<hbm>>, %arg4: memref<16x12544xi32, #tpu.memory_space<hbm>>, %arg5: memref<16x98x128xi32, #tpu.memory_space<hbm>>, %arg6: memref<10240x128xf32, #tpu.memory_space<hbm>>, %arg7: memref<10240x128xf32, #tpu.memory_space<hbm>>, %arg8: memref<12544xi32, #tpu.memory_space<vmem>>, %arg9: memref<2x128xi32, #tpu.memory_space<vmem>>, %arg10: memref<128x128xf32, #tpu.memory_space<vmem>>, %arg11: memref<128x128xf32, #tpu.memory_space<vmem>>, %arg12: memref<10240x128xf32, #tpu.memory_space<vmem_shared>>, %arg13: memref<!tpu.dma_semaphore, #tpu.memory_space<semaphore_mem>>, %arg14: memref<!tpu.dma_semaphore, #tpu.memory_space<semaphore_mem>>, %arg15: memref<!tpu.dma_semaphore, #tpu.memory_space<semaphore_mem>>) attributes {dimension_semantics = [#tpu.dimension_semantics<core_parallel>, #tpu.dimension_semantics<subcore_parallel>], iteration_bounds = array<i64: 2, 16>, scalar_prefetch = 0 : i64, scratch_operands = 8 : i64, tpu.core_type = #tpu.core_type<sc_vector_subcore>, window_params = [{transform_indices = #map}, {transform_indices = #map}, {transform_indices = #map}, {transform_indices = #map1}, {transform_indices = #map}, {transform_indices = #map}]} {
    %scan3A = arith.constant 0 : i32
    %scan3A_0 = arith.constant 0 : i32
    %scan3A_1 = arith.constant 1024 : i32
    %scan3A_2 = arith.addi %scan3A_0, %scan3A_1 : i32
    %scan3A_3 = arith.constant 1 : i32
    scf.for %scan3A_50 = %scan3A_0 to %scan3A_2 step %scan3A_3  : i32 {
      %jit3A = arith.constant 8 : i32
      %div3A = arith.divsi %scan3A_50, %jit3A : i32
      %sign3A = arith.constant 0 : i32
      %sign3A_51 = arith.cmpi sgt, %scan3A_50, %sign3A : i32
      %sign3A_52 = arith.extui %sign3A_51 : i1 to i32
      %sign3A_53 = arith.constant 0 : i32
      %sign3A_54 = arith.cmpi slt, %scan3A_50, %sign3A_53 : i32
      %sign3A_55 = arith.extui %sign3A_54 : i1 to i32
      %sign3A_56 = arith.subi %sign3A_52, %sign3A_55 : i32
      %sign3A_57 = arith.constant 0 : i32
      %sign3A_58 = arith.cmpi sgt, %jit3A, %sign3A_57 : i32
      %sign3A_59 = arith.extui %sign3A_58 : i1 to i32
      %sign3A_60 = arith.constant 0 : i32
      %sign3A_61 = arith.cmpi slt, %jit3A, %sign3A_60 : i32
      %sign3A_62 = arith.extui %sign3A_61 : i1 to i32
      %sign3A_63 = arith.subi %sign3A_59, %sign3A_62 : i32
      %ne3A = arith.cmpi ne, %sign3A_56, %sign3A_63 : i32
      %rem3A = arith.remsi %scan3A_50, %jit3A : i32
      %ne3A_64 = arith.constant 0 : i32
      %ne3A_65 = arith.cmpi ne, %rem3A, %ne3A_64 : i32
      %and3A = arith.andi %ne3A, %ne3A_65 : i1
      %sub3A = arith.constant 1 : i32
      %sub3A_66 = arith.subi %div3A, %sub3A : i32
      %select_n3A = arith.select %and3A, %sub3A_66, %div3A : i32
      %jit3A_67 = arith.constant 8 : i32
      %eq3A_68 = arith.constant 0 : i32
      %eq3A_69 = arith.cmpi eq, %jit3A_67, %eq3A_68 : i32
      %jit3A_70 = arith.constant 1 : i32
      %select_n3A_71 = arith.select %eq3A_69, %jit3A_70, %jit3A_67 : i32
      %rem3A_72 = arith.remsi %scan3A_50, %select_n3A_71 : i32
      %ne3A_73 = arith.constant 0 : i32
      %ne3A_74 = arith.cmpi ne, %rem3A_72, %ne3A_73 : i32
      %lt3A = arith.constant 0 : i32
      %lt3A_75 = arith.cmpi slt, %rem3A_72, %lt3A : i32
      %lt3A_76 = arith.constant 0 : i32
      %lt3A_77 = arith.cmpi slt, %select_n3A_71, %lt3A_76 : i32
      %ne3A_78 = arith.xori %lt3A_75, %lt3A_77 : i1
      %and3A_79 = arith.andi %ne3A_78, %ne3A_74 : i1
      %add3A_80 = arith.addi %rem3A_72, %select_n3A_71 : i32
      %select_n3A_81 = arith.select %and3A_79, %add3A_80, %rem3A_72 : i32
      %broadcast_in_dim3A = arith.constant 0.000000e+00 : f32
      %broadcast_in_dim3A_82 = vector.broadcast %broadcast_in_dim3A : f32 to vector<16xf32>
      %mul3A_83 = arith.constant 16 : i32
      %mul3A_84 = arith.muli %select_n3A_81, %mul3A_83 : i32
      %swap3A = arith.index_cast %select_n3A : i32 to index
      %swap3A_85 = arith.index_cast %mul3A_84 : i32 to index
      %swap3A_86 = tpu.vector_load %arg10[%swap3A, %swap3A_85] {strides = array<i32>} : memref<128x128xf32, #tpu.memory_space<vmem>>, vector<1x16xf32>,
      %swap3A_87 = vector.shape_cast %swap3A_86 : vector<1x16xf32> to vector<16xf32>
      %swap3A_88 = vector.shape_cast %broadcast_in_dim3A_82 : vector<16xf32> to vector<1x16xf32>
      tpu.vector_store %arg10[%swap3A, %swap3A_85], %swap3A_88 {strides = array<i32>} : memref<128x128xf32, #tpu.memory_space<vmem>>, vector<1x16xf32>,
    }
    %scan3A_4 = arith.constant 1024 : i32
    %mul3A = arith.constant 640 : i32
    %mul3A_5 = arith.muli %arg1, %mul3A : i32
    %add3A = arith.constant 0 : i32
    %add3A_6 = arith.addi %mul3A_5, %add3A : i32
    "tpu.region"() ({
      %run_scoped3A = tpu.sem_alloc : memref<!tpu.dma_semaphore, #tpu.memory_space<semaphore_mem>>
      %dma_start3A = arith.constant 0 : i32
      %dma_start3A_50 = arith.constant 0 : i32
      %dma_start3A_51 = tpu.memref_slice %arg10[%dma_start3A, %dma_start3A_50] : memref<128x128xf32, #tpu.memory_space<vmem>> -> memref<64x128xf32, #tpu.memory_space<vmem>>
      %dma_start3A_52 = arith.constant 0 : i32
      %dma_start3A_53 = tpu.memref_slice %arg12[%add3A_6, %dma_start3A_52] : memref<10240x128xf32, #tpu.memory_space<vmem_shared>> -> memref<64x128xf32, #tpu.memory_space<vmem_shared>>
      %dma_start3A_54 = arith.constant 0 : i32
      %dma_start3A_55 = tpu.memref_slice %arg12[%add3A_6, %dma_start3A_54] : memref<10240x128xf32, #tpu.memory_space<vmem_shared>> -> memref<64x128xf32, #tpu.memory_space<vmem_shared>>
      %dma_start3A_56 = arith.constant 0 : i32
      %dma_start3A_57 = arith.constant 0 : i32
      %dma_start3A_58 = tpu.memref_slice %arg10[%dma_start3A_56, %dma_start3A_57] : memref<128x128xf32, #tpu.memory_space<vmem>> -> memref<64x128xf32, #tpu.memory_space<vmem>>
      tpu.enqueue_dma source(%dma_start3A_58 : memref<64x128xf32, #tpu.memory_space<vmem>>) target(%dma_start3A_55 : memref<64x128xf32, #tpu.memory_space<vmem_shared>>) target_semaphore(%run_scoped3A : memref<!tpu.dma_semaphore, #tpu.memory_space<semaphore_mem>>)
      %dma_wait3A = arith.constant 0 : i32
      %dma_wait3A_59 = arith.constant 0 : i32
      %dma_wait3A_60 = tpu.memref_slice %arg10[%dma_wait3A, %dma_wait3A_59] : memref<128x128xf32, #tpu.memory_space<vmem>> -> memref<64x128xf32, #tpu.memory_space<vmem>>
      %dma_wait3A_61 = arith.constant 0 : i32
      %dma_wait3A_62 = tpu.memref_slice %arg12[%add3A_6, %dma_wait3A_61] : memref<10240x128xf32, #tpu.memory_space<vmem_shared>> -> memref<64x128xf32, #tpu.memory_space<vmem_shared>>
      %dma_wait3A_63 = arith.constant 0 : i32
      %dma_wait3A_64 = tpu.memref_slice %arg12[%add3A_6, %dma_wait3A_63] : memref<10240x128xf32, #tpu.memory_space<vmem_shared>> -> memref<64x128xf32, #tpu.memory_space<vmem_shared>>
      %dma_wait3A_65 = arith.constant 0 : i32
      %dma_wait3A_66 = arith.constant 0 : i32
      %dma_wait3A_67 = tpu.memref_slice %arg10[%dma_wait3A_65, %dma_wait3A_66] : memref<128x128xf32, #tpu.memory_space<vmem>> -> memref<64x128xf32, #tpu.memory_space<vmem>>
      tpu.wait_dma2 semaphore(%run_scoped3A : memref<!tpu.dma_semaphore, #tpu.memory_space<semaphore_mem>>) src(%dma_wait3A_67 : memref<64x128xf32, #tpu.memory_space<vmem>>) dst(%dma_wait3A_64 : memref<64x128xf32, #tpu.memory_space<vmem_shared>>)
      tpu.yield
    }) : () -> ()
    %mul3A_7 = arith.constant 640 : i32
    %mul3A_8 = arith.muli %arg1, %mul3A_7 : i32
    %add3A_9 = arith.constant 64 : i32
    %add3A_10 = arith.addi %mul3A_8, %add3A_9 : i32
    "tpu.region"() ({
      %run_scoped3A = tpu.sem_alloc : memref<!tpu.dma_semaphore, #tpu.memory_space<semaphore_mem>>
      %dma_start3A = arith.constant 0 : i32
      %dma_start3A_50 = arith.constant 0 : i32
      %dma_start3A_51 = tpu.memref_slice %arg10[%dma_start3A, %dma_start3A_50] : memref<128x128xf32, #tpu.memory_space<vmem>> -> memref<64x128xf32, #tpu.memory_space<vmem>>
      %dma_start3A_52 = arith.constant 0 : i32
      %dma_start3A_53 = tpu.memref_slice %arg12[%add3A_10, %dma_start3A_52] : memref<10240x128xf32, #tpu.memory_space<vmem_shared>> -> memref<64x128xf32, #tpu.memory_space<vmem_shared>>
      %dma_start3A_54 = arith.constant 0 : i32
      %dma_start3A_55 = tpu.memref_slice %arg12[%add3A_10, %dma_start3A_54] : memref<10240x128xf32, #tpu.memory_space<vmem_shared>> -> memref<64x128xf32, #tpu.memory_space<vmem_shared>>
      %dma_start3A_56 = arith.constant 0 : i32
      %dma_start3A_57 = arith.constant 0 : i32
      %dma_start3A_58 = tpu.memref_slice %arg10[%dma_start3A_56, %dma_start3A_57] : memref<128x128xf32, #tpu.memory_space<vmem>> -> memref<64x128xf32, #tpu.memory_space<vmem>>
      tpu.enqueue_dma source(%dma_start3A_58 : memref<64x128xf32, #tpu.memory_space<vmem>>) target(%dma_start3A_55 : memref<64x128xf32, #tpu.memory_space<vmem_shared>>) target_semaphore(%run_scoped3A : memref<!tpu.dma_semaphore, #tpu.memory_space<semaphore_mem>>)
      %dma_wait3A = arith.constant 0 : i32
      %dma_wait3A_59 = arith.constant 0 : i32
      %dma_wait3A_60 = tpu.memref_slice %arg10[%dma_wait3A, %dma_wait3A_59] : memref<128x128xf32, #tpu.memory_space<vmem>> -> memref<64x128xf32, #tpu.memory_space<vmem>>
      %dma_wait3A_61 = arith.constant 0 : i32
      %dma_wait3A_62 = tpu.memref_slice %arg12[%add3A_10, %dma_wait3A_61] : memref<10240x128xf32, #tpu.memory_space<vmem_shared>> -> memref<64x128xf32, #tpu.memory_space<vmem_shared>>
      %dma_wait3A_63 = arith.constant 0 : i32
      %dma_wait3A_64 = tpu.memref_slice %arg12[%add3A_10, %dma_wait3A_63] : memref<10240x128xf32, #tpu.memory_space<vmem_shared>> -> memref<64x128xf32, #tpu.memory_space<vmem_shared>>
      %dma_wait3A_65 = arith.constant 0 : i32
      %dma_wait3A_66 = arith.constant 0 : i32
      %dma_wait3A_67 = tpu.memref_slice %arg10[%dma_wait3A_65, %dma_wait3A_66] : memref<128x128xf32, #tpu.memory_space<vmem>> -> memref<64x128xf32, #tpu.memory_space<vmem>>
      tpu.wait_dma2 semaphore(%run_scoped3A : memref<!tpu.dma_semaphore, #tpu.memory_space<semaphore_mem>>) src(%dma_wait3A_67 : memref<64x128xf32, #tpu.memory_space<vmem>>) dst(%dma_wait3A_64 : memref<64x128xf32, #tpu.memory_space<vmem_shared>>)
      tpu.yield
    }) : () -> ()
    %mul3A_11 = arith.constant 640 : i32
    %mul3A_12 = arith.muli %arg1, %mul3A_11 : i32
    %add3A_13 = arith.constant 128 : i32
    %add3A_14 = arith.addi %mul3A_12, %add3A_13 : i32
    "tpu.region"() ({
      %run_scoped3A = tpu.sem_alloc : memref<!tpu.dma_semaphore, #tpu.memory_space<semaphore_mem>>
      %dma_start3A = arith.constant 0 : i32
      %dma_start3A_50 = arith.constant 0 : i32
      %dma_start3A_51 = tpu.memref_slice %arg10[%dma_start3A, %dma_start3A_50] : memref<128x128xf32, #tpu.memory_space<vmem>> -> memref<64x128xf32, #tpu.memory_space<vmem>>
      %dma_start3A_52 = arith.constant 0 : i32
      %dma_start3A_53 = tpu.memref_slice %arg12[%add3A_14, %dma_start3A_52] : memref<10240x128xf32, #tpu.memory_space<vmem_shared>> -> memref<64x128xf32, #tpu.memory_space<vmem_shared>>
      %dma_start3A_54 = arith.constant 0 : i32
      %dma_start3A_55 = tpu.memref_slice %arg12[%add3A_14, %dma_start3A_54] : memref<10240x128xf32, #tpu.memory_space<vmem_shared>> -> memref<64x128xf32, #tpu.memory_space<vmem_shared>>
      %dma_start3A_56 = arith.constant 0 : i32
      %dma_start3A_57 = arith.constant 0 : i32
      %dma_start3A_58 = tpu.memref_slice %arg10[%dma_start3A_56, %dma_start3A_57] : memref<128x128xf32, #tpu.memory_space<vmem>> -> memref<64x128xf32, #tpu.memory_space<vmem>>
      tpu.enqueue_dma source(%dma_start3A_58 : memref<64x128xf32, #tpu.memory_space<vmem>>) target(%dma_start3A_55 : memref<64x128xf32, #tpu.memory_space<vmem_shared>>) target_semaphore(%run_scoped3A : memref<!tpu.dma_semaphore, #tpu.memory_space<semaphore_mem>>)
      %dma_wait3A = arith.constant 0 : i32
      %dma_wait3A_59 = arith.constant 0 : i32
      %dma_wait3A_60 = tpu.memref_slice %arg10[%dma_wait3A, %dma_wait3A_59] : memref<128x128xf32, #tpu.memory_space<vmem>> -> memref<64x128xf32, #tpu.memory_space<vmem>>
      %dma_wait3A_61 = arith.constant 0 : i32
      %dma_wait3A_62 = tpu.memref_slice %arg12[%add3A_14, %dma_wait3A_61] : memref<10240x128xf32, #tpu.memory_space<vmem_shared>> -> memref<64x128xf32, #tpu.memory_space<vmem_shared>>
      %dma_wait3A_63 = arith.constant 0 : i32
      %dma_wait3A_64 = tpu.memref_slice %arg12[%add3A_14, %dma_wait3A_63] : memref<10240x128xf32, #tpu.memory_space<vmem_shared>> -> memref<64x128xf32, #tpu.memory_space<vmem_shared>>
      %dma_wait3A_65 = arith.constant 0 : i32
      %dma_wait3A_66 = arith.constant 0 : i32
      %dma_wait3A_67 = tpu.memref_slice %arg10[%dma_wait3A_65, %dma_wait3A_66] : memref<128x128xf32, #tpu.memory_space<vmem>> -> memref<64x128xf32, #tpu.memory_space<vmem>>
      tpu.wait_dma2 semaphore(%run_scoped3A : memref<!tpu.dma_semaphore, #tpu.memory_space<semaphore_mem>>) src(%dma_wait3A_67 : memref<64x128xf32, #tpu.memory_space<vmem>>) dst(%dma_wait3A_64 : memref<64x128xf32, #tpu.memory_space<vmem_shared>>)
      tpu.yield
    }) : () -> ()
    %mul3A_15 = arith.constant 640 : i32
    %mul3A_16 = arith.muli %arg1, %mul3A_15 : i32
    %add3A_17 = arith.constant 192 : i32
    %add3A_18 = arith.addi %mul3A_16, %add3A_17 : i32
    "tpu.region"() ({
      %run_scoped3A = tpu.sem_alloc : memref<!tpu.dma_semaphore, #tpu.memory_space<semaphore_mem>>
      %dma_start3A = arith.constant 0 : i32
      %dma_start3A_50 = arith.constant 0 : i32
      %dma_start3A_51 = tpu.memref_slice %arg10[%dma_start3A, %dma_start3A_50] : memref<128x128xf32, #tpu.memory_space<vmem>> -> memref<64x128xf32, #tpu.memory_space<vmem>>
      %dma_start3A_52 = arith.constant 0 : i32
      %dma_start3A_53 = tpu.memref_slice %arg12[%add3A_18, %dma_start3A_52] : memref<10240x128xf32, #tpu.memory_space<vmem_shared>> -> memref<64x128xf32, #tpu.memory_space<vmem_shared>>
      %dma_start3A_54 = arith.constant 0 : i32
      %dma_start3A_55 = tpu.memref_slice %arg12[%add3A_18, %dma_start3A_54] : memref<10240x128xf32, #tpu.memory_space<vmem_shared>> -> memref<64x128xf32, #tpu.memory_space<vmem_shared>>
      %dma_start3A_56 = arith.constant 0 : i32
      %dma_start3A_57 = arith.constant 0 : i32
      %dma_start3A_58 = tpu.memref_slice %arg10[%dma_start3A_56, %dma_start3A_57] : memref<128x128xf32, #tpu.memory_space<vmem>> -> memref<64x128xf32, #tpu.memory_space<vmem>>
      tpu.enqueue_dma source(%dma_start3A_58 : memref<64x128xf32, #tpu.memory_space<vmem>>) target(%dma_start3A_55 : memref<64x128xf32, #tpu.memory_space<vmem_shared>>) target_semaphore(%run_scoped3A : memref<!tpu.dma_semaphore, #tpu.memory_space<semaphore_mem>>)
      %dma_wait3A = arith.constant 0 : i32
      %dma_wait3A_59 = arith.constant 0 : i32
      %dma_wait3A_60 = tpu.memref_slice %arg10[%dma_wait3A, %dma_wait3A_59] : memref<128x128xf32, #tpu.memory_space<vmem>> -> memref<64x128xf32, #tpu.memory_space<vmem>>
      %dma_wait3A_61 = arith.constant 0 : i32
      %dma_wait3A_62 = tpu.memref_slice %arg12[%add3A_18, %dma_wait3A_61] : memref<10240x128xf32, #tpu.memory_space<vmem_shared>> -> memref<64x128xf32, #tpu.memory_space<vmem_shared>>
      %dma_wait3A_63 = arith.constant 0 : i32
      %dma_wait3A_64 = tpu.memref_slice %arg12[%add3A_18, %dma_wait3A_63] : memref<10240x128xf32, #tpu.memory_space<vmem_shared>> -> memref<64x128xf32, #tpu.memory_space<vmem_shared>>
      %dma_wait3A_65 = arith.constant 0 : i32
      %dma_wait3A_66 = arith.constant 0 : i32
      %dma_wait3A_67 = tpu.memref_slice %arg10[%dma_wait3A_65, %dma_wait3A_66] : memref<128x128xf32, #tpu.memory_space<vmem>> -> memref<64x128xf32, #tpu.memory_space<vmem>>
      tpu.wait_dma2 semaphore(%run_scoped3A : memref<!tpu.dma_semaphore, #tpu.memory_space<semaphore_mem>>) src(%dma_wait3A_67 : memref<64x128xf32, #tpu.memory_space<vmem>>) dst(%dma_wait3A_64 : memref<64x128xf32, #tpu.memory_space<vmem_shared>>)
      tpu.yield
    }) : () -> ()
    %mul3A_19 = arith.constant 640 : i32
    %mul3A_20 = arith.muli %arg1, %mul3A_19 : i32
    %add3A_21 = arith.constant 256 : i32
    %add3A_22 = arith.addi %mul3A_20, %add3A_21 : i32
    "tpu.region"() ({
      %run_scoped3A = tpu.sem_alloc : memref<!tpu.dma_semaphore, #tpu.memory_space<semaphore_mem>>
      %dma_start3A = arith.constant 0 : i32
      %dma_start3A_50 = arith.constant 0 : i32
      %dma_start3A_51 = tpu.memref_slice %arg10[%dma_start3A, %dma_start3A_50] : memref<128x128xf32, #tpu.memory_space<vmem>> -> memref<64x128xf32, #tpu.memory_space<vmem>>
      %dma_start3A_52 = arith.constant 0 : i32
      %dma_start3A_53 = tpu.memref_slice %arg12[%add3A_22, %dma_start3A_52] : memref<10240x128xf32, #tpu.memory_space<vmem_shared>> -> memref<64x128xf32, #tpu.memory_space<vmem_shared>>
      %dma_start3A_54 = arith.constant 0 : i32
      %dma_start3A_55 = tpu.memref_slice %arg12[%add3A_22, %dma_start3A_54] : memref<10240x128xf32, #tpu.memory_space<vmem_shared>> -> memref<64x128xf32, #tpu.memory_space<vmem_shared>>
      %dma_start3A_56 = arith.constant 0 : i32
      %dma_start3A_57 = arith.constant 0 : i32
      %dma_start3A_58 = tpu.memref_slice %arg10[%dma_start3A_56, %dma_start3A_57] : memref<128x128xf32, #tpu.memory_space<vmem>> -> memref<64x128xf32, #tpu.memory_space<vmem>>
      tpu.enqueue_dma source(%dma_start3A_58 : memref<64x128xf32, #tpu.memory_space<vmem>>) target(%dma_start3A_55 : memref<64x128xf32, #tpu.memory_space<vmem_shared>>) target_semaphore(%run_scoped3A : memref<!tpu.dma_semaphore, #tpu.memory_space<semaphore_mem>>)
      %dma_wait3A = arith.constant 0 : i32
      %dma_wait3A_59 = arith.constant 0 : i32
      %dma_wait3A_60 = tpu.memref_slice %arg10[%dma_wait3A, %dma_wait3A_59] : memref<128x128xf32, #tpu.memory_space<vmem>> -> memref<64x128xf32, #tpu.memory_space<vmem>>
      %dma_wait3A_61 = arith.constant 0 : i32
      %dma_wait3A_62 = tpu.memref_slice %arg12[%add3A_22, %dma_wait3A_61] : memref<10240x128xf32, #tpu.memory_space<vmem_shared>> -> memref<64x128xf32, #tpu.memory_space<vmem_shared>>
      %dma_wait3A_63 = arith.constant 0 : i32
      %dma_wait3A_64 = tpu.memref_slice %arg12[%add3A_22, %dma_wait3A_63] : memref<10240x128xf32, #tpu.memory_space<vmem_shared>> -> memref<64x128xf32, #tpu.memory_space<vmem_shared>>
      %dma_wait3A_65 = arith.constant 0 : i32
      %dma_wait3A_66 = arith.constant 0 : i32
      %dma_wait3A_67 = tpu.memref_slice %arg10[%dma_wait3A_65, %dma_wait3A_66] : memref<128x128xf32, #tpu.memory_space<vmem>> -> memref<64x128xf32, #tpu.memory_space<vmem>>
      tpu.wait_dma2 semaphore(%run_scoped3A : memref<!tpu.dma_semaphore, #tpu.memory_space<semaphore_mem>>) src(%dma_wait3A_67 : memref<64x128xf32, #tpu.memory_space<vmem>>) dst(%dma_wait3A_64 : memref<64x128xf32, #tpu.memory_space<vmem_shared>>)
      tpu.yield
    }) : () -> ()
    %mul3A_23 = arith.constant 640 : i32
    %mul3A_24 = arith.muli %arg1, %mul3A_23 : i32
    %add3A_25 = arith.constant 320 : i32
    %add3A_26 = arith.addi %mul3A_24, %add3A_25 : i32
    "tpu.region"() ({
      %run_scoped3A = tpu.sem_alloc : memref<!tpu.dma_semaphore, #tpu.memory_space<semaphore_mem>>
      %dma_start3A = arith.constant 0 : i32
      %dma_start3A_50 = arith.constant 0 : i32
      %dma_start3A_51 = tpu.memref_slice %arg10[%dma_start3A, %dma_start3A_50] : memref<128x128xf32, #tpu.memory_space<vmem>> -> memref<64x128xf32, #tpu.memory_space<vmem>>
      %dma_start3A_52 = arith.constant 0 : i32
      %dma_start3A_53 = tpu.memref_slice %arg12[%add3A_26, %dma_start3A_52] : memref<10240x128xf32, #tpu.memory_space<vmem_shared>> -> memref<64x128xf32, #tpu.memory_space<vmem_shared>>
      %dma_start3A_54 = arith.constant 0 : i32
      %dma_start3A_55 = tpu.memref_slice %arg12[%add3A_26, %dma_start3A_54] : memref<10240x128xf32, #tpu.memory_space<vmem_shared>> -> memref<64x128xf32, #tpu.memory_space<vmem_shared>>
      %dma_start3A_56 = arith.constant 0 : i32
      %dma_start3A_57 = arith.constant 0 : i32
      %dma_start3A_58 = tpu.memref_slice %arg10[%dma_start3A_56, %dma_start3A_57] : memref<128x128xf32, #tpu.memory_space<vmem>> -> memref<64x128xf32, #tpu.memory_space<vmem>>
      tpu.enqueue_dma source(%dma_start3A_58 : memref<64x128xf32, #tpu.memory_space<vmem>>) target(%dma_start3A_55 : memref<64x128xf32, #tpu.memory_space<vmem_shared>>) target_semaphore(%run_scoped3A : memref<!tpu.dma_semaphore, #tpu.memory_space<semaphore_mem>>)
      %dma_wait3A = arith.constant 0 : i32
      %dma_wait3A_59 = arith.constant 0 : i32
      %dma_wait3A_60 = tpu.memref_slice %arg10[%dma_wait3A, %dma_wait3A_59] : memref<128x128xf32, #tpu.memory_space<vmem>> -> memref<64x128xf32, #tpu.memory_space<vmem>>
      %dma_wait3A_61 = arith.constant 0 : i32
      %dma_wait3A_62 = tpu.memref_slice %arg12[%add3A_26, %dma_wait3A_61] : memref<10240x128xf32, #tpu.memory_space<vmem_shared>> -> memref<64x128xf32, #tpu.memory_space<vmem_shared>>
      %dma_wait3A_63 = arith.constant 0 : i32
      %dma_wait3A_64 = tpu.memref_slice %arg12[%add3A_26, %dma_wait3A_63] : memref<10240x128xf32, #tpu.memory_space<vmem_shared>> -> memref<64x128xf32, #tpu.memory_space<vmem_shared>>
      %dma_wait3A_65 = arith.constant 0 : i32
      %dma_wait3A_66 = arith.constant 0 : i32
      %dma_wait3A_67 = tpu.memref_slice %arg10[%dma_wait3A_65, %dma_wait3A_66] : memref<128x128xf32, #tpu.memory_space<vmem>> -> memref<64x128xf32, #tpu.memory_space<vmem>>
      tpu.wait_dma2 semaphore(%run_scoped3A : memref<!tpu.dma_semaphore, #tpu.memory_space<semaphore_mem>>) src(%dma_wait3A_67 : memref<64x128xf32, #tpu.memory_space<vmem>>) dst(%dma_wait3A_64 : memref<64x128xf32, #tpu.memory_space<vmem_shared>>)
      tpu.yield
    }) : () -> ()
    %mul3A_27 = arith.constant 640 : i32
    %mul3A_28 = arith.muli %arg1, %mul3A_27 : i32
    %add3A_29 = arith.constant 384 : i32
    %add3A_30 = arith.addi %mul3A_28, %add3A_29 : i32
    "tpu.region"() ({
      %run_scoped3A = tpu.sem_alloc : memref<!tpu.dma_semaphore, #tpu.memory_space<semaphore_mem>>
      %dma_start3A = arith.constant 0 : i32
      %dma_start3A_50 = arith.constant 0 : i32
      %dma_start3A_51 = tpu.memref_slice %arg10[%dma_start3A, %dma_start3A_50] : memref<128x128xf32, #tpu.memory_space<vmem>> -> memref<64x128xf32, #tpu.memory_space<vmem>>
      %dma_start3A_52 = arith.constant 0 : i32
      %dma_start3A_53 = tpu.memref_slice %arg12[%add3A_30, %dma_start3A_52] : memref<10240x128xf32, #tpu.memory_space<vmem_shared>> -> memref<64x128xf32, #tpu.memory_space<vmem_shared>>
      %dma_start3A_54 = arith.constant 0 : i32
      %dma_start3A_55 = tpu.memref_slice %arg12[%add3A_30, %dma_start3A_54] : memref<10240x128xf32, #tpu.memory_space<vmem_shared>> -> memref<64x128xf32, #tpu.memory_space<vmem_shared>>
      %dma_start3A_56 = arith.constant 0 : i32
      %dma_start3A_57 = arith.constant 0 : i32
      %dma_start3A_58 = tpu.memref_slice %arg10[%dma_start3A_56, %dma_start3A_57] : memref<128x128xf32, #tpu.memory_space<vmem>> -> memref<64x128xf32, #tpu.memory_space<vmem>>
      tpu.enqueue_dma source(%dma_start3A_58 : memref<64x128xf32, #tpu.memory_space<vmem>>) target(%dma_start3A_55 : memref<64x128xf32, #tpu.memory_space<vmem_shared>>) target_semaphore(%run_scoped3A : memref<!tpu.dma_semaphore, #tpu.memory_space<semaphore_mem>>)
      %dma_wait3A = arith.constant 0 : i32
      %dma_wait3A_59 = arith.constant 0 : i32
      %dma_wait3A_60 = tpu.memref_slice %arg10[%dma_wait3A, %dma_wait3A_59] : memref<128x128xf32, #tpu.memory_space<vmem>> -> memref<64x128xf32, #tpu.memory_space<vmem>>
      %dma_wait3A_61 = arith.constant 0 : i32
      %dma_wait3A_62 = tpu.memref_slice %arg12[%add3A_30, %dma_wait3A_61] : memref<10240x128xf32, #tpu.memory_space<vmem_shared>> -> memref<64x128xf32, #tpu.memory_space<vmem_shared>>
      %dma_wait3A_63 = arith.constant 0 : i32
      %dma_wait3A_64 = tpu.memref_slice %arg12[%add3A_30, %dma_wait3A_63] : memref<10240x128xf32, #tpu.memory_space<vmem_shared>> -> memref<64x128xf32, #tpu.memory_space<vmem_shared>>
      %dma_wait3A_65 = arith.constant 0 : i32
      %dma_wait3A_66 = arith.constant 0 : i32
      %dma_wait3A_67 = tpu.memref_slice %arg10[%dma_wait3A_65, %dma_wait3A_66] : memref<128x128xf32, #tpu.memory_space<vmem>> -> memref<64x128xf32, #tpu.memory_space<vmem>>
      tpu.wait_dma2 semaphore(%run_scoped3A : memref<!tpu.dma_semaphore, #tpu.memory_space<semaphore_mem>>) src(%dma_wait3A_67 : memref<64x128xf32, #tpu.memory_space<vmem>>) dst(%dma_wait3A_64 : memref<64x128xf32, #tpu.memory_space<vmem_shared>>)
      tpu.yield
    }) : () -> ()
    %mul3A_31 = arith.constant 640 : i32
    %mul3A_32 = arith.muli %arg1, %mul3A_31 : i32
    %add3A_33 = arith.constant 448 : i32
    %add3A_34 = arith.addi %mul3A_32, %add3A_33 : i32
    "tpu.region"() ({
      %run_scoped3A = tpu.sem_alloc : memref<!tpu.dma_semaphore, #tpu.memory_space<semaphore_mem>>
      %dma_start3A = arith.constant 0 : i32
      %dma_start3A_50 = arith.constant 0 : i32
      %dma_start3A_51 = tpu.memref_slice %arg10[%dma_start3A, %dma_start3A_50] : memref<128x128xf32, #tpu.memory_space<vmem>> -> memref<64x128xf32, #tpu.memory_space<vmem>>
      %dma_start3A_52 = arith.constant 0 : i32
      %dma_start3A_53 = tpu.memref_slice %arg12[%add3A_34, %dma_start3A_52] : memref<10240x128xf32, #tpu.memory_space<vmem_shared>> -> memref<64x128xf32, #tpu.memory_space<vmem_shared>>
      %dma_start3A_54 = arith.constant 0 : i32
      %dma_start3A_55 = tpu.memref_slice %arg12[%add3A_34, %dma_start3A_54] : memref<10240x128xf32, #tpu.memory_space<vmem_shared>> -> memref<64x128xf32, #tpu.memory_space<vmem_shared>>
      %dma_start3A_56 = arith.constant 0 : i32
      %dma_start3A_57 = arith.constant 0 : i32
      %dma_start3A_58 = tpu.memref_slice %arg10[%dma_start3A_56, %dma_start3A_57] : memref<128x128xf32, #tpu.memory_space<vmem>> -> memref<64x128xf32, #tpu.memory_space<vmem>>
      tpu.enqueue_dma source(%dma_start3A_58 : memref<64x128xf32, #tpu.memory_space<vmem>>) target(%dma_start3A_55 : memref<64x128xf32, #tpu.memory_space<vmem_shared>>) target_semaphore(%run_scoped3A : memref<!tpu.dma_semaphore, #tpu.memory_space<semaphore_mem>>)
      %dma_wait3A = arith.constant 0 : i32
      %dma_wait3A_59 = arith.constant 0 : i32
      %dma_wait3A_60 = tpu.memref_slice %arg10[%dma_wait3A, %dma_wait3A_59] : memref<128x128xf32, #tpu.memory_space<vmem>> -> memref<64x128xf32, #tpu.memory_space<vmem>>
      %dma_wait3A_61 = arith.constant 0 : i32
      %dma_wait3A_62 = tpu.memref_slice %arg12[%add3A_34, %dma_wait3A_61] : memref<10240x128xf32, #tpu.memory_space<vmem_shared>> -> memref<64x128xf32, #tpu.memory_space<vmem_shared>>
      %dma_wait3A_63 = arith.constant 0 : i32
      %dma_wait3A_64 = tpu.memref_slice %arg12[%add3A_34, %dma_wait3A_63] : memref<10240x128xf32, #tpu.memory_space<vmem_shared>> -> memref<64x128xf32, #tpu.memory_space<vmem_shared>>
      %dma_wait3A_65 = arith.constant 0 : i32
      %dma_wait3A_66 = arith.constant 0 : i32
      %dma_wait3A_67 = tpu.memref_slice %arg10[%dma_wait3A_65, %dma_wait3A_66] : memref<128x128xf32, #tpu.memory_space<vmem>> -> memref<64x128xf32, #tpu.memory_space<vmem>>
      tpu.wait_dma2 semaphore(%run_scoped3A : memref<!tpu.dma_semaphore, #tpu.memory_space<semaphore_mem>>) src(%dma_wait3A_67 : memref<64x128xf32, #tpu.memory_space<vmem>>) dst(%dma_wait3A_64 : memref<64x128xf32, #tpu.memory_space<vmem_shared>>)
      tpu.yield
    }) : () -> ()
    %mul3A_35 = arith.constant 640 : i32
    %mul3A_36 = arith.muli %arg1, %mul3A_35 : i32
    %add3A_37 = arith.constant 512 : i32
    %add3A_38 = arith.addi %mul3A_36, %add3A_37 : i32
    "tpu.region"() ({
      %run_scoped3A = tpu.sem_alloc : memref<!tpu.dma_semaphore, #tpu.memory_space<semaphore_mem>>
      %dma_start3A = arith.constant 0 : i32
      %dma_start3A_50 = arith.constant 0 : i32
      %dma_start3A_51 = tpu.memref_slice %arg10[%dma_start3A, %dma_start3A_50] : memref<128x128xf32, #tpu.memory_space<vmem>> -> memref<64x128xf32, #tpu.memory_space<vmem>>
      %dma_start3A_52 = arith.constant 0 : i32
      %dma_start3A_53 = tpu.memref_slice %arg12[%add3A_38, %dma_start3A_52] : memref<10240x128xf32, #tpu.memory_space<vmem_shared>> -> memref<64x128xf32, #tpu.memory_space<vmem_shared>>
      %dma_start3A_54 = arith.constant 0 : i32
      %dma_start3A_55 = tpu.memref_slice %arg12[%add3A_38, %dma_start3A_54] : memref<10240x128xf32, #tpu.memory_space<vmem_shared>> -> memref<64x128xf32, #tpu.memory_space<vmem_shared>>
      %dma_start3A_56 = arith.constant 0 : i32
      %dma_start3A_57 = arith.constant 0 : i32
      %dma_start3A_58 = tpu.memref_slice %arg10[%dma_start3A_56, %dma_start3A_57] : memref<128x128xf32, #tpu.memory_space<vmem>> -> memref<64x128xf32, #tpu.memory_space<vmem>>
      tpu.enqueue_dma source(%dma_start3A_58 : memref<64x128xf32, #tpu.memory_space<vmem>>) target(%dma_start3A_55 : memref<64x128xf32, #tpu.memory_space<vmem_shared>>) target_semaphore(%run_scoped3A : memref<!tpu.dma_semaphore, #tpu.memory_space<semaphore_mem>>)
      %dma_wait3A = arith.constant 0 : i32
      %dma_wait3A_59 = arith.constant 0 : i32
      %dma_wait3A_60 = tpu.memref_slice %arg10[%dma_wait3A, %dma_wait3A_59] : memref<128x128xf32, #tpu.memory_space<vmem>> -> memref<64x128xf32, #tpu.memory_space<vmem>>
      %dma_wait3A_61 = arith.constant 0 : i32
      %dma_wait3A_62 = tpu.memref_slice %arg12[%add3A_38, %dma_wait3A_61] : memref<10240x128xf32, #tpu.memory_space<vmem_shared>> -> memref<64x128xf32, #tpu.memory_space<vmem_shared>>
      %dma_wait3A_63 = arith.constant 0 : i32
      %dma_wait3A_64 = tpu.memref_slice %arg12[%add3A_38, %dma_wait3A_63] : memref<10240x128xf32, #tpu.memory_space<vmem_shared>> -> memref<64x128xf32, #tpu.memory_space<vmem_shared>>
      %dma_wait3A_65 = arith.constant 0 : i32
      %dma_wait3A_66 = arith.constant 0 : i32
      %dma_wait3A_67 = tpu.memref_slice %arg10[%dma_wait3A_65, %dma_wait3A_66] : memref<128x128xf32, #tpu.memory_space<vmem>> -> memref<64x128xf32, #tpu.memory_space<vmem>>
      tpu.wait_dma2 semaphore(%run_scoped3A : memref<!tpu.dma_semaphore, #tpu.memory_space<semaphore_mem>>) src(%dma_wait3A_67 : memref<64x128xf32, #tpu.memory_space<vmem>>) dst(%dma_wait3A_64 : memref<64x128xf32, #tpu.memory_space<vmem_shared>>)
      tpu.yield
    }) : () -> ()
    %mul3A_39 = arith.constant 640 : i32
    %mul3A_40 = arith.muli %arg1, %mul3A_39 : i32
    %add3A_41 = arith.constant 576 : i32
    %add3A_42 = arith.addi %mul3A_40, %add3A_41 : i32
    "tpu.region"() ({
      %run_scoped3A = tpu.sem_alloc : memref<!tpu.dma_semaphore, #tpu.memory_space<semaphore_mem>>
      %dma_start3A = arith.constant 0 : i32
      %dma_start3A_50 = arith.constant 0 : i32
      %dma_start3A_51 = tpu.memref_slice %arg10[%dma_start3A, %dma_start3A_50] : memref<128x128xf32, #tpu.memory_space<vmem>> -> memref<64x128xf32, #tpu.memory_space<vmem>>
      %dma_start3A_52 = arith.constant 0 : i32
      %dma_start3A_53 = tpu.memref_slice %arg12[%add3A_42, %dma_start3A_52] : memref<10240x128xf32, #tpu.memory_space<vmem_shared>> -> memref<64x128xf32, #tpu.memory_space<vmem_shared>>
      %dma_start3A_54 = arith.constant 0 : i32
      %dma_start3A_55 = tpu.memref_slice %arg12[%add3A_42, %dma_start3A_54] : memref<10240x128xf32, #tpu.memory_space<vmem_shared>> -> memref<64x128xf32, #tpu.memory_space<vmem_shared>>
      %dma_start3A_56 = arith.constant 0 : i32
      %dma_start3A_57 = arith.constant 0 : i32
      %dma_start3A_58 = tpu.memref_slice %arg10[%dma_start3A_56, %dma_start3A_57] : memref<128x128xf32, #tpu.memory_space<vmem>> -> memref<64x128xf32, #tpu.memory_space<vmem>>
      tpu.enqueue_dma source(%dma_start3A_58 : memref<64x128xf32, #tpu.memory_space<vmem>>) target(%dma_start3A_55 : memref<64x128xf32, #tpu.memory_space<vmem_shared>>) target_semaphore(%run_scoped3A : memref<!tpu.dma_semaphore, #tpu.memory_space<semaphore_mem>>)
      %dma_wait3A = arith.constant 0 : i32
      %dma_wait3A_59 = arith.constant 0 : i32
      %dma_wait3A_60 = tpu.memref_slice %arg10[%dma_wait3A, %dma_wait3A_59] : memref<128x128xf32, #tpu.memory_space<vmem>> -> memref<64x128xf32, #tpu.memory_space<vmem>>
      %dma_wait3A_61 = arith.constant 0 : i32
      %dma_wait3A_62 = tpu.memref_slice %arg12[%add3A_42, %dma_wait3A_61] : memref<10240x128xf32, #tpu.memory_space<vmem_shared>> -> memref<64x128xf32, #tpu.memory_space<vmem_shared>>
      %dma_wait3A_63 = arith.constant 0 : i32
      %dma_wait3A_64 = tpu.memref_slice %arg12[%add3A_42, %dma_wait3A_63] : memref<10240x128xf32, #tpu.memory_space<vmem_shared>> -> memref<64x128xf32, #tpu.memory_space<vmem_shared>>
      %dma_wait3A_65 = arith.constant 0 : i32
      %dma_wait3A_66 = arith.constant 0 : i32
      %dma_wait3A_67 = tpu.memref_slice %arg10[%dma_wait3A_65, %dma_wait3A_66] : memref<128x128xf32, #tpu.memory_space<vmem>> -> memref<64x128xf32, #tpu.memory_space<vmem>>
      tpu.wait_dma2 semaphore(%run_scoped3A : memref<!tpu.dma_semaphore, #tpu.memory_space<semaphore_mem>>) src(%dma_wait3A_67 : memref<64x128xf32, #tpu.memory_space<vmem>>) dst(%dma_wait3A_64 : memref<64x128xf32, #tpu.memory_space<vmem_shared>>)
      tpu.yield
    }) : () -> ()
    %barrier3A = arith.constant 0 : index
    tpu.barrier barrier_id(%barrier3A)
    %eq3A = arith.constant 0 : i32
    %eq3A_43 = arith.cmpi eq, %arg0, %eq3A : i32
    %convert_element_type3A = arith.extui %eq3A_43 : i1 to i32
    %cond3A = arith.constant 0 : i32
    %cond3A_44 = arith.cmpi ne, %convert_element_type3A, %cond3A : i32
    scf.if %cond3A_44 {
      "tpu.region"() ({
        %run_scoped3A = tpu.sem_alloc : memref<!tpu.dma_semaphore, #tpu.memory_space<semaphore_mem>>
        %dma_start3A_85 = arith.constant 0 : i32
        %dma_start3A_86 = tpu.memref_slice %arg4[%arg1, %dma_start3A_85] : memref<16x12544xi32, #tpu.memory_space<hbm>> -> memref<1x12544xi32, #tpu.memory_space<hbm>>
        %dma_start3A_87 = tpu.memref_squeeze %dma_start3A_86 : memref<1x12544xi32, #tpu.memory_space<hbm>> -> memref<12544xi32, #tpu.memory_space<hbm>>
        %dma_start3A_88 = arith.constant 0 : i32
        %dma_start3A_89 = tpu.memref_slice %arg4[%arg1, %dma_start3A_88] : memref<16x12544xi32, #tpu.memory_space<hbm>> -> memref<1x12544xi32, #tpu.memory_space<hbm>>
        %dma_start3A_90 = tpu.memref_squeeze %dma_start3A_89 : memref<1x12544xi32, #tpu.memory_space<hbm>> -> memref<12544xi32, #tpu.memory_space<hbm>>
        tpu.enqueue_dma source(%dma_start3A_90 : memref<12544xi32, #tpu.memory_space<hbm>>) target(%arg8 : memref<12544xi32, #tpu.memory_space<vmem>>) target_semaphore(%run_scoped3A : memref<!tpu.dma_semaphore, #tpu.memory_space<semaphore_mem>>)
        %dma_wait3A_91 = arith.constant 0 : i32
        %dma_wait3A_92 = tpu.memref_slice %arg4[%arg1, %dma_wait3A_91] : memref<16x12544xi32, #tpu.memory_space<hbm>> -> memref<1x12544xi32, #tpu.memory_space<hbm>>
        %dma_wait3A_93 = tpu.memref_squeeze %dma_wait3A_92 : memref<1x12544xi32, #tpu.memory_space<hbm>> -> memref<12544xi32, #tpu.memory_space<hbm>>
        %dma_wait3A_94 = arith.constant 0 : i32
        %dma_wait3A_95 = tpu.memref_slice %arg4[%arg1, %dma_wait3A_94] : memref<16x12544xi32, #tpu.memory_space<hbm>> -> memref<1x12544xi32, #tpu.memory_space<hbm>>
        %dma_wait3A_96 = tpu.memref_squeeze %dma_wait3A_95 : memref<1x12544xi32, #tpu.memory_space<hbm>> -> memref<12544xi32, #tpu.memory_space<hbm>>
        tpu.wait_dma2 semaphore(%run_scoped3A : memref<!tpu.dma_semaphore, #tpu.memory_space<semaphore_mem>>) src(%dma_wait3A_96 : memref<12544xi32, #tpu.memory_space<hbm>>) dst(%arg8 : memref<12544xi32, #tpu.memory_space<vmem>>)
        tpu.yield
      }) : () -> ()
      %dma_start3A = arith.constant 0 : i32
      %dma_start3A_50 = arith.constant 0 : i32
      %dma_start3A_51 = arith.constant 0 : i32
      %dma_start3A_52 = tpu.memref_slice %arg9[%dma_start3A_50, %dma_start3A_51] : memref<2x128xi32, #tpu.memory_space<vmem>> -> memref<1x128xi32, #tpu.memory_space<vmem>>
      %dma_start3A_53 = tpu.memref_squeeze %dma_start3A_52 : memref<1x128xi32, #tpu.memory_space<vmem>> -> memref<128xi32, #tpu.memory_space<vmem>>
      %dma_start3A_54 = arith.constant 0 : i32
      %dma_start3A_55 = tpu.memref_slice %arg5[%arg1, %dma_start3A, %dma_start3A_54] : memref<16x98x128xi32, #tpu.memory_space<hbm>> -> memref<1x1x128xi32, #tpu.memory_space<hbm>>
      %dma_start3A_56 = tpu.memref_squeeze %dma_start3A_55 : memref<1x1x128xi32, #tpu.memory_space<hbm>> -> memref<128xi32, #tpu.memory_space<hbm>>
      %dma_start3A_57 = arith.constant 0 : i32
      %dma_start3A_58 = tpu.memref_slice %arg9[%dma_start3A_50, %dma_start3A_57] : memref<2x128xi32, #tpu.memory_space<vmem>> -> memref<1x128xi32, #tpu.memory_space<vmem>>
      %dma_start3A_59 = tpu.memref_squeeze %dma_start3A_58 : memref<1x128xi32, #tpu.memory_space<vmem>> -> memref<128xi32, #tpu.memory_space<vmem>>
      %dma_start3A_60 = arith.constant 0 : i32
      %dma_start3A_61 = tpu.memref_slice %arg5[%arg1, %dma_start3A, %dma_start3A_60] : memref<16x98x128xi32, #tpu.memory_space<hbm>> -> memref<1x1x128xi32, #tpu.memory_space<hbm>>
      %dma_start3A_62 = tpu.memref_squeeze %dma_start3A_61 : memref<1x1x128xi32, #tpu.memory_space<hbm>> -> memref<128xi32, #tpu.memory_space<hbm>>
      tpu.enqueue_dma source(%dma_start3A_62 : memref<128xi32, #tpu.memory_space<hbm>>) target(%dma_start3A_59 : memref<128xi32, #tpu.memory_space<vmem>>) target_semaphore(%arg14 : memref<!tpu.dma_semaphore, #tpu.memory_space<semaphore_mem>>)
      %dma_start3A_63 = arith.constant 0 : i32
      %dma_start3A_64 = tpu.memref_slice %arg8[%dma_start3A_63] : memref<12544xi32, #tpu.memory_space<vmem>> -> memref<128xi32, #tpu.memory_space<vmem>>
      %dma_start3A_65 = arith.constant 0 : i32
      %dma_start3A_66 = arith.constant 0 : i32
      %dma_start3A_67 = tpu.memref_slice %arg2[%dma_start3A_65, %dma_start3A_66] : memref<50000x128xf32, #tpu.memory_space<hbm>> -> memref<50000x128xf32, #tpu.memory_space<hbm>>
      tpu.enqueue_indirect_dma source(%dma_start3A_67 : memref<50000x128xf32, #tpu.memory_space<hbm>>) target(%arg10 : memref<128x128xf32, #tpu.memory_space<vmem>>) offsets(%dma_start3A_64 : memref<128xi32, #tpu.memory_space<vmem>>) semaphore(%arg13 : memref<!tpu.dma_semaphore, #tpu.memory_space<semaphore_mem>>)
      %scan3A_68 = arith.constant 0 : i32
      %scan3A_69 = arith.constant 0 : i32
      %scan3A_70 = arith.constant 49 : i32
      %scan3A_71 = arith.addi %scan3A_69, %scan3A_70 : i32
      %scan3A_72 = arith.constant 1 : i32
      scf.for %scan3A_85 = %scan3A_69 to %scan3A_71 step %scan3A_72  : i32 {
        %mul3A_86 = arith.constant 2 : i32
        %mul3A_87 = arith.muli %mul3A_86, %scan3A_85 : i32
        %mul3A_88 = arith.constant 128 : i32
        %mul3A_89 = arith.muli %mul3A_87, %mul3A_88 : i32
        %dma_wait3A_90 = tpu.memref_slice %arg8[%mul3A_89] : memref<12544xi32, #tpu.memory_space<vmem>> -> memref<128xi32, #tpu.memory_space<vmem>>
        %dma_wait3A_91 = arith.constant 0 : i32
        %dma_wait3A_92 = arith.constant 0 : i32
        %dma_wait3A_93 = tpu.memref_slice %arg2[%dma_wait3A_91, %dma_wait3A_92] : memref<50000x128xf32, #tpu.memory_space<hbm>> -> memref<50000x128xf32, #tpu.memory_space<hbm>>
        tpu.wait_indirect_dma semaphore(%arg13 : memref<!tpu.dma_semaphore, #tpu.memory_space<semaphore_mem>>) src(%dma_wait3A_93 : memref<50000x128xf32, #tpu.memory_space<hbm>>) dst(%arg10 : memref<128x128xf32, #tpu.memory_space<vmem>>)
        %dma_wait3A_94 = arith.constant 0 : i32
        %dma_wait3A_95 = arith.constant 0 : i32
        %dma_wait3A_96 = tpu.memref_slice %arg9[%dma_wait3A_94, %dma_wait3A_95] : memref<2x128xi32, #tpu.memory_space<vmem>> -> memref<1x128xi32, #tpu.memory_space<vmem>>
        %dma_wait3A_97 = tpu.memref_squeeze %dma_wait3A_96 : memref<1x128xi32, #tpu.memory_space<vmem>> -> memref<128xi32, #tpu.memory_space<vmem>>
        %dma_wait3A_98 = arith.constant 0 : i32
        %dma_wait3A_99 = tpu.memref_slice %arg5[%arg1, %mul3A_87, %dma_wait3A_98] : memref<16x98x128xi32, #tpu.memory_space<hbm>> -> memref<1x1x128xi32, #tpu.memory_space<hbm>>
        %dma_wait3A_100 = tpu.memref_squeeze %dma_wait3A_99 : memref<1x1x128xi32, #tpu.memory_space<hbm>> -> memref<128xi32, #tpu.memory_space<hbm>>
        %dma_wait3A_101 = arith.constant 0 : i32
        %dma_wait3A_102 = tpu.memref_slice %arg9[%dma_wait3A_94, %dma_wait3A_101] : memref<2x128xi32, #tpu.memory_space<vmem>> -> memref<1x128xi32, #tpu.memory_space<vmem>>
        %dma_wait3A_103 = tpu.memref_squeeze %dma_wait3A_102 : memref<1x128xi32, #tpu.memory_space<vmem>> -> memref<128xi32, #tpu.memory_space<vmem>>
        %dma_wait3A_104 = arith.constant 0 : i32
        %dma_wait3A_105 = tpu.memref_slice %arg5[%arg1, %mul3A_87, %dma_wait3A_104] : memref<16x98x128xi32, #tpu.memory_space<hbm>> -> memref<1x1x128xi32, #tpu.memory_space<hbm>>
        %dma_wait3A_106 = tpu.memref_squeeze %dma_wait3A_105 : memref<1x1x128xi32, #tpu.memory_space<hbm>> -> memref<128xi32, #tpu.memory_space<hbm>>
        tpu.wait_dma2 semaphore(%arg14 : memref<!tpu.dma_semaphore, #tpu.memory_space<semaphore_mem>>) src(%dma_wait3A_106 : memref<128xi32, #tpu.memory_space<hbm>>) dst(%dma_wait3A_103 : memref<128xi32, #tpu.memory_space<vmem>>)
        %gt3A = arith.constant 0 : i32
        %gt3A_107 = arith.cmpi sgt, %mul3A_87, %gt3A : i32
        %convert_element_type3A_108 = arith.extui %gt3A_107 : i1 to i32
        %cond3A_109 = arith.constant 0 : i32
        %cond3A_110 = arith.cmpi ne, %convert_element_type3A_108, %cond3A_109 : i32
        scf.if %cond3A_110 {
          %dma_wait3A_184 = arith.constant 1 : i32
          %dma_wait3A_185 = arith.constant 0 : i32
          %dma_wait3A_186 = tpu.memref_slice %arg9[%dma_wait3A_184, %dma_wait3A_185] : memref<2x128xi32, #tpu.memory_space<vmem>> -> memref<1x128xi32, #tpu.memory_space<vmem>>
          %dma_wait3A_187 = tpu.memref_squeeze %dma_wait3A_186 : memref<1x128xi32, #tpu.memory_space<vmem>> -> memref<128xi32, #tpu.memory_space<vmem>>
          %dma_wait3A_188 = arith.constant 0 : i32
          %dma_wait3A_189 = arith.constant 0 : i32
          %dma_wait3A_190 = tpu.memref_slice %arg12[%dma_wait3A_188, %dma_wait3A_189] : memref<10240x128xf32, #tpu.memory_space<vmem_shared>> -> memref<10240x128xf32, #tpu.memory_space<vmem_shared>>
          tpu.wait_indirect_dma semaphore(%arg15 : memref<!tpu.dma_semaphore, #tpu.memory_space<semaphore_mem>>) src(%arg11 : memref<128x128xf32, #tpu.memory_space<vmem>>) dst(%dma_wait3A_190 : memref<10240x128xf32, #tpu.memory_space<vmem_shared>>)
        } else {
        }
        %add3A_111 = arith.constant 1 : i32
        %add3A_112 = arith.addi %mul3A_87, %add3A_111 : i32
        %dma_start3A_113 = arith.constant 1 : i32
        %dma_start3A_114 = arith.constant 0 : i32
        %dma_start3A_115 = tpu.memref_slice %arg9[%dma_start3A_113, %dma_start3A_114] : memref<2x128xi32, #tpu.memory_space<vmem>> -> memref<1x128xi32, #tpu.memory_space<vmem>>
        %dma_start3A_116 = tpu.memref_squeeze %dma_start3A_115 : memref<1x128xi32, #tpu.memory_space<vmem>> -> memref<128xi32, #tpu.memory_space<vmem>>
        %dma_start3A_117 = arith.constant 0 : i32
        %dma_start3A_118 = tpu.memref_slice %arg5[%arg1, %add3A_112, %dma_start3A_117] : memref<16x98x128xi32, #tpu.memory_space<hbm>> -> memref<1x1x128xi32, #tpu.memory_space<hbm>>
        %dma_start3A_119 = tpu.memref_squeeze %dma_start3A_118 : memref<1x1x128xi32, #tpu.memory_space<hbm>> -> memref<128xi32, #tpu.memory_space<hbm>>
        %dma_start3A_120 = arith.constant 0 : i32
        %dma_start3A_121 = tpu.memref_slice %arg9[%dma_start3A_113, %dma_start3A_120] : memref<2x128xi32, #tpu.memory_space<vmem>> -> memref<1x128xi32, #tpu.memory_space<vmem>>
        %dma_start3A_122 = tpu.memref_squeeze %dma_start3A_121 : memref<1x128xi32, #tpu.memory_space<vmem>> -> memref<128xi32, #tpu.memory_space<vmem>>
        %dma_start3A_123 = arith.constant 0 : i32
        %dma_start3A_124 = tpu.memref_slice %arg5[%arg1, %add3A_112, %dma_start3A_123] : memref<16x98x128xi32, #tpu.memory_space<hbm>> -> memref<1x1x128xi32, #tpu.memory_space<hbm>>
        %dma_start3A_125 = tpu.memref_squeeze %dma_start3A_124 : memref<1x1x128xi32, #tpu.memory_space<hbm>> -> memref<128xi32, #tpu.memory_space<hbm>>
        tpu.enqueue_dma source(%dma_start3A_125 : memref<128xi32, #tpu.memory_space<hbm>>) target(%dma_start3A_122 : memref<128xi32, #tpu.memory_space<vmem>>) target_semaphore(%arg14 : memref<!tpu.dma_semaphore, #tpu.memory_space<semaphore_mem>>)
        %add3A_126 = arith.constant 1 : i32
        %add3A_127 = arith.addi %mul3A_87, %add3A_126 : i32
        %mul3A_128 = arith.constant 128 : i32
        %mul3A_129 = arith.muli %add3A_127, %mul3A_128 : i32
        %dma_start3A_130 = tpu.memref_slice %arg8[%mul3A_129] : memref<12544xi32, #tpu.memory_space<vmem>> -> memref<128xi32, #tpu.memory_space<vmem>>
        %dma_start3A_131 = arith.constant 0 : i32
        %dma_start3A_132 = arith.constant 0 : i32
        %dma_start3A_133 = tpu.memref_slice %arg2[%dma_start3A_131, %dma_start3A_132] : memref<50000x128xf32, #tpu.memory_space<hbm>> -> memref<50000x128xf32, #tpu.memory_space<hbm>>
        tpu.enqueue_indirect_dma source(%dma_start3A_133 : memref<50000x128xf32, #tpu.memory_space<hbm>>) target(%arg11 : memref<128x128xf32, #tpu.memory_space<vmem>>) offsets(%dma_start3A_130 : memref<128xi32, #tpu.memory_space<vmem>>) semaphore(%arg13 : memref<!tpu.dma_semaphore, #tpu.memory_space<semaphore_mem>>)
        %dma_start3A_134 = arith.constant 0 : i32
        %dma_start3A_135 = arith.constant 0 : i32
        %dma_start3A_136 = tpu.memref_slice %arg9[%dma_start3A_134, %dma_start3A_135] : memref<2x128xi32, #tpu.memory_space<vmem>> -> memref<1x128xi32, #tpu.memory_space<vmem>>
        %dma_start3A_137 = tpu.memref_squeeze %dma_start3A_136 : memref<1x128xi32, #tpu.memory_space<vmem>> -> memref<128xi32, #tpu.memory_space<vmem>>
        %dma_start3A_138 = arith.constant 0 : i32
        %dma_start3A_139 = arith.constant 0 : i32
        %dma_start3A_140 = tpu.memref_slice %arg12[%dma_start3A_138, %dma_start3A_139] : memref<10240x128xf32, #tpu.memory_space<vmem_shared>> -> memref<10240x128xf32, #tpu.memory_space<vmem_shared>>
        tpu.enqueue_indirect_dma source(%arg10 : memref<128x128xf32, #tpu.memory_space<vmem>>) target(%dma_start3A_140 : memref<10240x128xf32, #tpu.memory_space<vmem_shared>>) offsets(%dma_start3A_137 : memref<128xi32, #tpu.memory_space<vmem>>) semaphore(%arg15 : memref<!tpu.dma_semaphore, #tpu.memory_space<semaphore_mem>>) {add = true}
        %add3A_141 = arith.constant 1 : i32
        %add3A_142 = arith.addi %mul3A_87, %add3A_141 : i32
        %mul3A_143 = arith.constant 128 : i32
        %mul3A_144 = arith.muli %add3A_142, %mul3A_143 : i32
        %dma_wait3A_145 = tpu.memref_slice %arg8[%mul3A_144] : memref<12544xi32, #tpu.memory_space<vmem>> -> memref<128xi32, #tpu.memory_space<vmem>>
        %dma_wait3A_146 = arith.constant 0 : i32
        %dma_wait3A_147 = arith.constant 0 : i32
        %dma_wait3A_148 = tpu.memref_slice %arg2[%dma_wait3A_146, %dma_wait3A_147] : memref<50000x128xf32, #tpu.memory_space<hbm>> -> memref<50000x128xf32, #tpu.memory_space<hbm>>
        tpu.wait_indirect_dma semaphore(%arg13 : memref<!tpu.dma_semaphore, #tpu.memory_space<semaphore_mem>>) src(%dma_wait3A_148 : memref<50000x128xf32, #tpu.memory_space<hbm>>) dst(%arg11 : memref<128x128xf32, #tpu.memory_space<vmem>>)
        %add3A_149 = arith.constant 1 : i32
        %add3A_150 = arith.addi %mul3A_87, %add3A_149 : i32
        %dma_wait3A_151 = arith.constant 1 : i32
        %dma_wait3A_152 = arith.constant 0 : i32
        %dma_wait3A_153 = tpu.memref_slice %arg9[%dma_wait3A_151, %dma_wait3A_152] : memref<2x128xi32, #tpu.memory_space<vmem>> -> memref<1x128xi32, #tpu.memory_space<vmem>>
        %dma_wait3A_154 = tpu.memref_squeeze %dma_wait3A_153 : memref<1x128xi32, #tpu.memory_space<vmem>> -> memref<128xi32, #tpu.memory_space<vmem>>
        %dma_wait3A_155 = arith.constant 0 : i32
        %dma_wait3A_156 = tpu.memref_slice %arg5[%arg1, %add3A_150, %dma_wait3A_155] : memref<16x98x128xi32, #tpu.memory_space<hbm>> -> memref<1x1x128xi32, #tpu.memory_space<hbm>>
        %dma_wait3A_157 = tpu.memref_squeeze %dma_wait3A_156 : memref<1x1x128xi32, #tpu.memory_space<hbm>> -> memref<128xi32, #tpu.memory_space<hbm>>
        %dma_wait3A_158 = arith.constant 0 : i32
        %dma_wait3A_159 = tpu.memref_slice %arg9[%dma_wait3A_151, %dma_wait3A_158] : memref<2x128xi32, #tpu.memory_space<vmem>> -> memref<1x128xi32, #tpu.memory_space<vmem>>
        %dma_wait3A_160 = tpu.memref_squeeze %dma_wait3A_159 : memref<1x128xi32, #tpu.memory_space<vmem>> -> memref<128xi32, #tpu.memory_space<vmem>>
        %dma_wait3A_161 = arith.constant 0 : i32
        %dma_wait3A_162 = tpu.memref_slice %arg5[%arg1, %add3A_150, %dma_wait3A_161] : memref<16x98x128xi32, #tpu.memory_space<hbm>> -> memref<1x1x128xi32, #tpu.memory_space<hbm>>
        %dma_wait3A_163 = tpu.memref_squeeze %dma_wait3A_162 : memref<1x1x128xi32, #tpu.memory_space<hbm>> -> memref<128xi32, #tpu.memory_space<hbm>>
        tpu.wait_dma2 semaphore(%arg14 : memref<!tpu.dma_semaphore, #tpu.memory_space<semaphore_mem>>) src(%dma_wait3A_163 : memref<128xi32, #tpu.memory_space<hbm>>) dst(%dma_wait3A_160 : memref<128xi32, #tpu.memory_space<vmem>>)
        %dma_wait3A_164 = arith.constant 0 : i32
        %dma_wait3A_165 = arith.constant 0 : i32
        %dma_wait3A_166 = tpu.memref_slice %arg9[%dma_wait3A_164, %dma_wait3A_165] : memref<2x128xi32, #tpu.memory_space<vmem>> -> memref<1x128xi32, #tpu.memory_space<vmem>>
        %dma_wait3A_167 = tpu.memref_squeeze %dma_wait3A_166 : memref<1x128xi32, #tpu.memory_space<vmem>> -> memref<128xi32, #tpu.memory_space<vmem>>
        %dma_wait3A_168 = arith.constant 0 : i32
        %dma_wait3A_169 = arith.constant 0 : i32
        %dma_wait3A_170 = tpu.memref_slice %arg12[%dma_wait3A_168, %dma_wait3A_169] : memref<10240x128xf32, #tpu.memory_space<vmem_shared>> -> memref<10240x128xf32, #tpu.memory_space<vmem_shared>>
        tpu.wait_indirect_dma semaphore(%arg15 : memref<!tpu.dma_semaphore, #tpu.memory_space<semaphore_mem>>) src(%arg10 : memref<128x128xf32, #tpu.memory_space<vmem>>) dst(%dma_wait3A_170 : memref<10240x128xf32, #tpu.memory_space<vmem_shared>>)
        %add3A_171 = arith.constant 2 : i32
        %add3A_172 = arith.addi %mul3A_87, %add3A_171 : i32
        %lt3A = arith.constant 98 : i32
        %lt3A_173 = arith.cmpi slt, %add3A_172, %lt3A : i32
        %convert_element_type3A_174 = arith.extui %lt3A_173 : i1 to i32
        %cond3A_175 = arith.constant 0 : i32
        %cond3A_176 = arith.cmpi ne, %convert_element_type3A_174, %cond3A_175 : i32
        scf.if %cond3A_176 {
          %add3A_184 = arith.constant 2 : i32
          %add3A_185 = arith.addi %mul3A_87, %add3A_184 : i32
          %dma_start3A_186 = arith.constant 0 : i32
          %dma_start3A_187 = arith.constant 0 : i32
          %dma_start3A_188 = tpu.memref_slice %arg9[%dma_start3A_186, %dma_start3A_187] : memref<2x128xi32, #tpu.memory_space<vmem>> -> memref<1x128xi32, #tpu.memory_space<vmem>>
          %dma_start3A_189 = tpu.memref_squeeze %dma_start3A_188 : memref<1x128xi32, #tpu.memory_space<vmem>> -> memref<128xi32, #tpu.memory_space<vmem>>
          %dma_start3A_190 = arith.constant 0 : i32
          %dma_start3A_191 = tpu.memref_slice %arg5[%arg1, %add3A_185, %dma_start3A_190] : memref<16x98x128xi32, #tpu.memory_space<hbm>> -> memref<1x1x128xi32, #tpu.memory_space<hbm>>
          %dma_start3A_192 = tpu.memref_squeeze %dma_start3A_191 : memref<1x1x128xi32, #tpu.memory_space<hbm>> -> memref<128xi32, #tpu.memory_space<hbm>>
          %dma_start3A_193 = arith.constant 0 : i32
          %dma_start3A_194 = tpu.memref_slice %arg9[%dma_start3A_186, %dma_start3A_193] : memref<2x128xi32, #tpu.memory_space<vmem>> -> memref<1x128xi32, #tpu.memory_space<vmem>>
          %dma_start3A_195 = tpu.memref_squeeze %dma_start3A_194 : memref<1x128xi32, #tpu.memory_space<vmem>> -> memref<128xi32, #tpu.memory_space<vmem>>
          %dma_start3A_196 = arith.constant 0 : i32
          %dma_start3A_197 = tpu.memref_slice %arg5[%arg1, %add3A_185, %dma_start3A_196] : memref<16x98x128xi32, #tpu.memory_space<hbm>> -> memref<1x1x128xi32, #tpu.memory_space<hbm>>
          %dma_start3A_198 = tpu.memref_squeeze %dma_start3A_197 : memref<1x1x128xi32, #tpu.memory_space<hbm>> -> memref<128xi32, #tpu.memory_space<hbm>>
          tpu.enqueue_dma source(%dma_start3A_198 : memref<128xi32, #tpu.memory_space<hbm>>) target(%dma_start3A_195 : memref<128xi32, #tpu.memory_space<vmem>>) target_semaphore(%arg14 : memref<!tpu.dma_semaphore, #tpu.memory_space<semaphore_mem>>)
          %add3A_199 = arith.constant 2 : i32
          %add3A_200 = arith.addi %mul3A_87, %add3A_199 : i32
          %mul3A_201 = arith.constant 128 : i32
          %mul3A_202 = arith.muli %add3A_200, %mul3A_201 : i32
          %dma_start3A_203 = tpu.memref_slice %arg8[%mul3A_202] : memref<12544xi32, #tpu.memory_space<vmem>> -> memref<128xi32, #tpu.memory_space<vmem>>
          %dma_start3A_204 = arith.constant 0 : i32
          %dma_start3A_205 = arith.constant 0 : i32
          %dma_start3A_206 = tpu.memref_slice %arg2[%dma_start3A_204, %dma_start3A_205] : memref<50000x128xf32, #tpu.memory_space<hbm>> -> memref<50000x128xf32, #tpu.memory_space<hbm>>
          tpu.enqueue_indirect_dma source(%dma_start3A_206 : memref<50000x128xf32, #tpu.memory_space<hbm>>) target(%arg10 : memref<128x128xf32, #tpu.memory_space<vmem>>) offsets(%dma_start3A_203 : memref<128xi32, #tpu.memory_space<vmem>>) semaphore(%arg13 : memref<!tpu.dma_semaphore, #tpu.memory_space<semaphore_mem>>)
        } else {
        }
        %dma_start3A_177 = arith.constant 1 : i32
        %dma_start3A_178 = arith.constant 0 : i32
        %dma_start3A_179 = tpu.memref_slice %arg9[%dma_start3A_177, %dma_start3A_178] : memref<2x128xi32, #tpu.memory_space<vmem>> -> memref<1x128xi32, #tpu.memory_space<vmem>>
        %dma_start3A_180 = tpu.memref_squeeze %dma_start3A_179 : memref<1x128xi32, #tpu.memory_space<vmem>> -> memref<128xi32, #tpu.memory_space<vmem>>
        %dma_start3A_181 = arith.constant 0 : i32
        %dma_start3A_182 = arith.constant 0 : i32
        %dma_start3A_183 = tpu.memref_slice %arg12[%dma_start3A_181, %dma_start3A_182] : memref<10240x128xf32, #tpu.memory_space<vmem_shared>> -> memref<10240x128xf32, #tpu.memory_space<vmem_shared>>
        tpu.enqueue_indirect_dma source(%arg11 : memref<128x128xf32, #tpu.memory_space<vmem>>) target(%dma_start3A_183 : memref<10240x128xf32, #tpu.memory_space<vmem_shared>>) offsets(%dma_start3A_180 : memref<128xi32, #tpu.memory_space<vmem>>) semaphore(%arg15 : memref<!tpu.dma_semaphore, #tpu.memory_space<semaphore_mem>>) {add = true}
      }
      %scan3A_73 = arith.constant 49 : i32
      %dma_wait3A = arith.constant 1 : i32
      %dma_wait3A_74 = arith.constant 0 : i32
      %dma_wait3A_75 = tpu.memref_slice %arg9[%dma_wait3A, %dma_wait3A_74] : memref<2x128xi32, #tpu.memory_space<vmem>> -> memref<1x128xi32, #tpu.memory_space<vmem>>
      %dma_wait3A_76 = tpu.memref_squeeze %dma_wait3A_75 : memref<1x128xi32, #tpu.memory_space<vmem>> -> memref<128xi32, #tpu.memory_space<vmem>>
      %dma_wait3A_77 = arith.constant 0 : i32
      %dma_wait3A_78 = arith.constant 0 : i32
      %dma_wait3A_79 = tpu.memref_slice %arg12[%dma_wait3A_77, %dma_wait3A_78] : memref<10240x128xf32, #tpu.memory_space<vmem_shared>> -> memref<10240x128xf32, #tpu.memory_space<vmem_shared>>
      tpu.wait_indirect_dma semaphore(%arg15 : memref<!tpu.dma_semaphore, #tpu.memory_space<semaphore_mem>>) src(%arg11 : memref<128x128xf32, #tpu.memory_space<vmem>>) dst(%dma_wait3A_79 : memref<10240x128xf32, #tpu.memory_space<vmem_shared>>)
      %barrier3A_80 = arith.constant 0 : index
      tpu.barrier barrier_id(%barrier3A_80)
      %mul3A_81 = arith.constant 640 : i32
      %mul3A_82 = arith.muli %arg1, %mul3A_81 : i32
      %mul3A_83 = arith.constant 640 : i32
      %mul3A_84 = arith.muli %arg1, %mul3A_83 : i32
      "tpu.region"() ({
        %run_scoped3A = tpu.sem_alloc : memref<!tpu.dma_semaphore, #tpu.memory_space<semaphore_mem>>
        %dma_start3A_85 = arith.constant 0 : i32
        %dma_start3A_86 = tpu.memref_slice %arg6[%mul3A_84, %dma_start3A_85] : memref<10240x128xf32, #tpu.memory_space<hbm>> -> memref<640x128xf32, #tpu.memory_space<hbm>>
        %dma_start3A_87 = arith.constant 0 : i32
        %dma_start3A_88 = tpu.memref_slice %arg12[%mul3A_82, %dma_start3A_87] : memref<10240x128xf32, #tpu.memory_space<vmem_shared>> -> memref<640x128xf32, #tpu.memory_space<vmem_shared>>
        tpu.enqueue_dma source(%dma_start3A_88 : memref<640x128xf32, #tpu.memory_space<vmem_shared>>) target(%dma_start3A_86 : memref<640x128xf32, #tpu.memory_space<hbm>>) target_semaphore(%run_scoped3A : memref<!tpu.dma_semaphore, #tpu.memory_space<semaphore_mem>>)
        %dma_wait3A_89 = arith.constant 0 : i32
        %dma_wait3A_90 = tpu.memref_slice %arg6[%mul3A_84, %dma_wait3A_89] : memref<10240x128xf32, #tpu.memory_space<hbm>> -> memref<640x128xf32, #tpu.memory_space<hbm>>
        %dma_wait3A_91 = arith.constant 0 : i32
        %dma_wait3A_92 = tpu.memref_slice %arg12[%mul3A_82, %dma_wait3A_91] : memref<10240x128xf32, #tpu.memory_space<vmem_shared>> -> memref<640x128xf32, #tpu.memory_space<vmem_shared>>
        tpu.wait_dma2 semaphore(%run_scoped3A : memref<!tpu.dma_semaphore, #tpu.memory_space<semaphore_mem>>) src(%dma_wait3A_92 : memref<640x128xf32, #tpu.memory_space<vmem_shared>>) dst(%dma_wait3A_90 : memref<640x128xf32, #tpu.memory_space<hbm>>)
        tpu.yield
      }) : () -> ()
    } else {
    }
    %eq3A_45 = arith.constant 1 : i32
    %eq3A_46 = arith.cmpi eq, %arg0, %eq3A_45 : i32
    %convert_element_type3A_47 = arith.extui %eq3A_46 : i1 to i32
    %cond3A_48 = arith.constant 0 : i32
    %cond3A_49 = arith.cmpi ne, %convert_element_type3A_47, %cond3A_48 : i32
    scf.if %cond3A_49 {
      "tpu.region"() ({
        %run_scoped3A = tpu.sem_alloc : memref<!tpu.dma_semaphore, #tpu.memory_space<semaphore_mem>>
        %dma_start3A_85 = arith.constant 0 : i32
        %dma_start3A_86 = tpu.memref_slice %arg4[%arg1, %dma_start3A_85] : memref<16x12544xi32, #tpu.memory_space<hbm>> -> memref<1x12544xi32, #tpu.memory_space<hbm>>
        %dma_start3A_87 = tpu.memref_squeeze %dma_start3A_86 : memref<1x12544xi32, #tpu.memory_space<hbm>> -> memref<12544xi32, #tpu.memory_space<hbm>>
        %dma_start3A_88 = arith.constant 0 : i32
        %dma_start3A_89 = tpu.memref_slice %arg4[%arg1, %dma_start3A_88] : memref<16x12544xi32, #tpu.memory_space<hbm>> -> memref<1x12544xi32, #tpu.memory_space<hbm>>
        %dma_start3A_90 = tpu.memref_squeeze %dma_start3A_89 : memref<1x12544xi32, #tpu.memory_space<hbm>> -> memref<12544xi32, #tpu.memory_space<hbm>>
        tpu.enqueue_dma source(%dma_start3A_90 : memref<12544xi32, #tpu.memory_space<hbm>>) target(%arg8 : memref<12544xi32, #tpu.memory_space<vmem>>) target_semaphore(%run_scoped3A : memref<!tpu.dma_semaphore, #tpu.memory_space<semaphore_mem>>)
        %dma_wait3A_91 = arith.constant 0 : i32
        %dma_wait3A_92 = tpu.memref_slice %arg4[%arg1, %dma_wait3A_91] : memref<16x12544xi32, #tpu.memory_space<hbm>> -> memref<1x12544xi32, #tpu.memory_space<hbm>>
        %dma_wait3A_93 = tpu.memref_squeeze %dma_wait3A_92 : memref<1x12544xi32, #tpu.memory_space<hbm>> -> memref<12544xi32, #tpu.memory_space<hbm>>
        %dma_wait3A_94 = arith.constant 0 : i32
        %dma_wait3A_95 = tpu.memref_slice %arg4[%arg1, %dma_wait3A_94] : memref<16x12544xi32, #tpu.memory_space<hbm>> -> memref<1x12544xi32, #tpu.memory_space<hbm>>
        %dma_wait3A_96 = tpu.memref_squeeze %dma_wait3A_95 : memref<1x12544xi32, #tpu.memory_space<hbm>> -> memref<12544xi32, #tpu.memory_space<hbm>>
        tpu.wait_dma2 semaphore(%run_scoped3A : memref<!tpu.dma_semaphore, #tpu.memory_space<semaphore_mem>>) src(%dma_wait3A_96 : memref<12544xi32, #tpu.memory_space<hbm>>) dst(%arg8 : memref<12544xi32, #tpu.memory_space<vmem>>)
        tpu.yield
      }) : () -> ()
      %dma_start3A = arith.constant 0 : i32
      %dma_start3A_50 = arith.constant 0 : i32
      %dma_start3A_51 = arith.constant 0 : i32
      %dma_start3A_52 = tpu.memref_slice %arg9[%dma_start3A_50, %dma_start3A_51] : memref<2x128xi32, #tpu.memory_space<vmem>> -> memref<1x128xi32, #tpu.memory_space<vmem>>
      %dma_start3A_53 = tpu.memref_squeeze %dma_start3A_52 : memref<1x128xi32, #tpu.memory_space<vmem>> -> memref<128xi32, #tpu.memory_space<vmem>>
      %dma_start3A_54 = arith.constant 0 : i32
      %dma_start3A_55 = tpu.memref_slice %arg5[%arg1, %dma_start3A, %dma_start3A_54] : memref<16x98x128xi32, #tpu.memory_space<hbm>> -> memref<1x1x128xi32, #tpu.memory_space<hbm>>
      %dma_start3A_56 = tpu.memref_squeeze %dma_start3A_55 : memref<1x1x128xi32, #tpu.memory_space<hbm>> -> memref<128xi32, #tpu.memory_space<hbm>>
      %dma_start3A_57 = arith.constant 0 : i32
      %dma_start3A_58 = tpu.memref_slice %arg9[%dma_start3A_50, %dma_start3A_57] : memref<2x128xi32, #tpu.memory_space<vmem>> -> memref<1x128xi32, #tpu.memory_space<vmem>>
      %dma_start3A_59 = tpu.memref_squeeze %dma_start3A_58 : memref<1x128xi32, #tpu.memory_space<vmem>> -> memref<128xi32, #tpu.memory_space<vmem>>
      %dma_start3A_60 = arith.constant 0 : i32
      %dma_start3A_61 = tpu.memref_slice %arg5[%arg1, %dma_start3A, %dma_start3A_60] : memref<16x98x128xi32, #tpu.memory_space<hbm>> -> memref<1x1x128xi32, #tpu.memory_space<hbm>>
      %dma_start3A_62 = tpu.memref_squeeze %dma_start3A_61 : memref<1x1x128xi32, #tpu.memory_space<hbm>> -> memref<128xi32, #tpu.memory_space<hbm>>
      tpu.enqueue_dma source(%dma_start3A_62 : memref<128xi32, #tpu.memory_space<hbm>>) target(%dma_start3A_59 : memref<128xi32, #tpu.memory_space<vmem>>) target_semaphore(%arg14 : memref<!tpu.dma_semaphore, #tpu.memory_space<semaphore_mem>>)
      %dma_start3A_63 = arith.constant 0 : i32
      %dma_start3A_64 = tpu.memref_slice %arg8[%dma_start3A_63] : memref<12544xi32, #tpu.memory_space<vmem>> -> memref<128xi32, #tpu.memory_space<vmem>>
      %dma_start3A_65 = arith.constant 0 : i32
      %dma_start3A_66 = arith.constant 0 : i32
      %dma_start3A_67 = tpu.memref_slice %arg3[%dma_start3A_65, %dma_start3A_66] : memref<50000x128xf32, #tpu.memory_space<hbm>> -> memref<50000x128xf32, #tpu.memory_space<hbm>>
      tpu.enqueue_indirect_dma source(%dma_start3A_67 : memref<50000x128xf32, #tpu.memory_space<hbm>>) target(%arg10 : memref<128x128xf32, #tpu.memory_space<vmem>>) offsets(%dma_start3A_64 : memref<128xi32, #tpu.memory_space<vmem>>) semaphore(%arg13 : memref<!tpu.dma_semaphore, #tpu.memory_space<semaphore_mem>>)
      %scan3A_68 = arith.constant 0 : i32
      %scan3A_69 = arith.constant 0 : i32
      %scan3A_70 = arith.constant 49 : i32
      %scan3A_71 = arith.addi %scan3A_69, %scan3A_70 : i32
      %scan3A_72 = arith.constant 1 : i32
      scf.for %scan3A_85 = %scan3A_69 to %scan3A_71 step %scan3A_72  : i32 {
        %mul3A_86 = arith.constant 2 : i32
        %mul3A_87 = arith.muli %mul3A_86, %scan3A_85 : i32
        %mul3A_88 = arith.constant 128 : i32
        %mul3A_89 = arith.muli %mul3A_87, %mul3A_88 : i32
        %dma_wait3A_90 = tpu.memref_slice %arg8[%mul3A_89] : memref<12544xi32, #tpu.memory_space<vmem>> -> memref<128xi32, #tpu.memory_space<vmem>>
        %dma_wait3A_91 = arith.constant 0 : i32
        %dma_wait3A_92 = arith.constant 0 : i32
        %dma_wait3A_93 = tpu.memref_slice %arg3[%dma_wait3A_91, %dma_wait3A_92] : memref<50000x128xf32, #tpu.memory_space<hbm>> -> memref<50000x128xf32, #tpu.memory_space<hbm>>
        tpu.wait_indirect_dma semaphore(%arg13 : memref<!tpu.dma_semaphore, #tpu.memory_space<semaphore_mem>>) src(%dma_wait3A_93 : memref<50000x128xf32, #tpu.memory_space<hbm>>) dst(%arg10 : memref<128x128xf32, #tpu.memory_space<vmem>>)
        %dma_wait3A_94 = arith.constant 0 : i32
        %dma_wait3A_95 = arith.constant 0 : i32
        %dma_wait3A_96 = tpu.memref_slice %arg9[%dma_wait3A_94, %dma_wait3A_95] : memref<2x128xi32, #tpu.memory_space<vmem>> -> memref<1x128xi32, #tpu.memory_space<vmem>>
        %dma_wait3A_97 = tpu.memref_squeeze %dma_wait3A_96 : memref<1x128xi32, #tpu.memory_space<vmem>> -> memref<128xi32, #tpu.memory_space<vmem>>
        %dma_wait3A_98 = arith.constant 0 : i32
        %dma_wait3A_99 = tpu.memref_slice %arg5[%arg1, %mul3A_87, %dma_wait3A_98] : memref<16x98x128xi32, #tpu.memory_space<hbm>> -> memref<1x1x128xi32, #tpu.memory_space<hbm>>
        %dma_wait3A_100 = tpu.memref_squeeze %dma_wait3A_99 : memref<1x1x128xi32, #tpu.memory_space<hbm>> -> memref<128xi32, #tpu.memory_space<hbm>>
        %dma_wait3A_101 = arith.constant 0 : i32
        %dma_wait3A_102 = tpu.memref_slice %arg9[%dma_wait3A_94, %dma_wait3A_101] : memref<2x128xi32, #tpu.memory_space<vmem>> -> memref<1x128xi32, #tpu.memory_space<vmem>>
        %dma_wait3A_103 = tpu.memref_squeeze %dma_wait3A_102 : memref<1x128xi32, #tpu.memory_space<vmem>> -> memref<128xi32, #tpu.memory_space<vmem>>
        %dma_wait3A_104 = arith.constant 0 : i32
        %dma_wait3A_105 = tpu.memref_slice %arg5[%arg1, %mul3A_87, %dma_wait3A_104] : memref<16x98x128xi32, #tpu.memory_space<hbm>> -> memref<1x1x128xi32, #tpu.memory_space<hbm>>
        %dma_wait3A_106 = tpu.memref_squeeze %dma_wait3A_105 : memref<1x1x128xi32, #tpu.memory_space<hbm>> -> memref<128xi32, #tpu.memory_space<hbm>>
        tpu.wait_dma2 semaphore(%arg14 : memref<!tpu.dma_semaphore, #tpu.memory_space<semaphore_mem>>) src(%dma_wait3A_106 : memref<128xi32, #tpu.memory_space<hbm>>) dst(%dma_wait3A_103 : memref<128xi32, #tpu.memory_space<vmem>>)
        %gt3A = arith.constant 0 : i32
        %gt3A_107 = arith.cmpi sgt, %mul3A_87, %gt3A : i32
        %convert_element_type3A_108 = arith.extui %gt3A_107 : i1 to i32
        %cond3A_109 = arith.constant 0 : i32
        %cond3A_110 = arith.cmpi ne, %convert_element_type3A_108, %cond3A_109 : i32
        scf.if %cond3A_110 {
          %dma_wait3A_184 = arith.constant 1 : i32
          %dma_wait3A_185 = arith.constant 0 : i32
          %dma_wait3A_186 = tpu.memref_slice %arg9[%dma_wait3A_184, %dma_wait3A_185] : memref<2x128xi32, #tpu.memory_space<vmem>> -> memref<1x128xi32, #tpu.memory_space<vmem>>
          %dma_wait3A_187 = tpu.memref_squeeze %dma_wait3A_186 : memref<1x128xi32, #tpu.memory_space<vmem>> -> memref<128xi32, #tpu.memory_space<vmem>>
          %dma_wait3A_188 = arith.constant 0 : i32
          %dma_wait3A_189 = arith.constant 0 : i32
          %dma_wait3A_190 = tpu.memref_slice %arg12[%dma_wait3A_188, %dma_wait3A_189] : memref<10240x128xf32, #tpu.memory_space<vmem_shared>> -> memref<10240x128xf32, #tpu.memory_space<vmem_shared>>
          tpu.wait_indirect_dma semaphore(%arg15 : memref<!tpu.dma_semaphore, #tpu.memory_space<semaphore_mem>>) src(%arg11 : memref<128x128xf32, #tpu.memory_space<vmem>>) dst(%dma_wait3A_190 : memref<10240x128xf32, #tpu.memory_space<vmem_shared>>)
        } else {
        }
        %add3A_111 = arith.constant 1 : i32
        %add3A_112 = arith.addi %mul3A_87, %add3A_111 : i32
        %dma_start3A_113 = arith.constant 1 : i32
        %dma_start3A_114 = arith.constant 0 : i32
        %dma_start3A_115 = tpu.memref_slice %arg9[%dma_start3A_113, %dma_start3A_114] : memref<2x128xi32, #tpu.memory_space<vmem>> -> memref<1x128xi32, #tpu.memory_space<vmem>>
        %dma_start3A_116 = tpu.memref_squeeze %dma_start3A_115 : memref<1x128xi32, #tpu.memory_space<vmem>> -> memref<128xi32, #tpu.memory_space<vmem>>
        %dma_start3A_117 = arith.constant 0 : i32
        %dma_start3A_118 = tpu.memref_slice %arg5[%arg1, %add3A_112, %dma_start3A_117] : memref<16x98x128xi32, #tpu.memory_space<hbm>> -> memref<1x1x128xi32, #tpu.memory_space<hbm>>
        %dma_start3A_119 = tpu.memref_squeeze %dma_start3A_118 : memref<1x1x128xi32, #tpu.memory_space<hbm>> -> memref<128xi32, #tpu.memory_space<hbm>>
        %dma_start3A_120 = arith.constant 0 : i32
        %dma_start3A_121 = tpu.memref_slice %arg9[%dma_start3A_113, %dma_start3A_120] : memref<2x128xi32, #tpu.memory_space<vmem>> -> memref<1x128xi32, #tpu.memory_space<vmem>>
        %dma_start3A_122 = tpu.memref_squeeze %dma_start3A_121 : memref<1x128xi32, #tpu.memory_space<vmem>> -> memref<128xi32, #tpu.memory_space<vmem>>
        %dma_start3A_123 = arith.constant 0 : i32
        %dma_start3A_124 = tpu.memref_slice %arg5[%arg1, %add3A_112, %dma_start3A_123] : memref<16x98x128xi32, #tpu.memory_space<hbm>> -> memref<1x1x128xi32, #tpu.memory_space<hbm>>
        %dma_start3A_125 = tpu.memref_squeeze %dma_start3A_124 : memref<1x1x128xi32, #tpu.memory_space<hbm>> -> memref<128xi32, #tpu.memory_space<hbm>>
        tpu.enqueue_dma source(%dma_start3A_125 : memref<128xi32, #tpu.memory_space<hbm>>) target(%dma_start3A_122 : memref<128xi32, #tpu.memory_space<vmem>>) target_semaphore(%arg14 : memref<!tpu.dma_semaphore, #tpu.memory_space<semaphore_mem>>)
        %add3A_126 = arith.constant 1 : i32
        %add3A_127 = arith.addi %mul3A_87, %add3A_126 : i32
        %mul3A_128 = arith.constant 128 : i32
        %mul3A_129 = arith.muli %add3A_127, %mul3A_128 : i32
        %dma_start3A_130 = tpu.memref_slice %arg8[%mul3A_129] : memref<12544xi32, #tpu.memory_space<vmem>> -> memref<128xi32, #tpu.memory_space<vmem>>
        %dma_start3A_131 = arith.constant 0 : i32
        %dma_start3A_132 = arith.constant 0 : i32
        %dma_start3A_133 = tpu.memref_slice %arg3[%dma_start3A_131, %dma_start3A_132] : memref<50000x128xf32, #tpu.memory_space<hbm>> -> memref<50000x128xf32, #tpu.memory_space<hbm>>
        tpu.enqueue_indirect_dma source(%dma_start3A_133 : memref<50000x128xf32, #tpu.memory_space<hbm>>) target(%arg11 : memref<128x128xf32, #tpu.memory_space<vmem>>) offsets(%dma_start3A_130 : memref<128xi32, #tpu.memory_space<vmem>>) semaphore(%arg13 : memref<!tpu.dma_semaphore, #tpu.memory_space<semaphore_mem>>)
        %dma_start3A_134 = arith.constant 0 : i32
        %dma_start3A_135 = arith.constant 0 : i32
        %dma_start3A_136 = tpu.memref_slice %arg9[%dma_start3A_134, %dma_start3A_135] : memref<2x128xi32, #tpu.memory_space<vmem>> -> memref<1x128xi32, #tpu.memory_space<vmem>>
        %dma_start3A_137 = tpu.memref_squeeze %dma_start3A_136 : memref<1x128xi32, #tpu.memory_space<vmem>> -> memref<128xi32, #tpu.memory_space<vmem>>
        %dma_start3A_138 = arith.constant 0 : i32
        %dma_start3A_139 = arith.constant 0 : i32
        %dma_start3A_140 = tpu.memref_slice %arg12[%dma_start3A_138, %dma_start3A_139] : memref<10240x128xf32, #tpu.memory_space<vmem_shared>> -> memref<10240x128xf32, #tpu.memory_space<vmem_shared>>
        tpu.enqueue_indirect_dma source(%arg10 : memref<128x128xf32, #tpu.memory_space<vmem>>) target(%dma_start3A_140 : memref<10240x128xf32, #tpu.memory_space<vmem_shared>>) offsets(%dma_start3A_137 : memref<128xi32, #tpu.memory_space<vmem>>) semaphore(%arg15 : memref<!tpu.dma_semaphore, #tpu.memory_space<semaphore_mem>>) {add = true}
        %add3A_141 = arith.constant 1 : i32
        %add3A_142 = arith.addi %mul3A_87, %add3A_141 : i32
        %mul3A_143 = arith.constant 128 : i32
        %mul3A_144 = arith.muli %add3A_142, %mul3A_143 : i32
        %dma_wait3A_145 = tpu.memref_slice %arg8[%mul3A_144] : memref<12544xi32, #tpu.memory_space<vmem>> -> memref<128xi32, #tpu.memory_space<vmem>>
        %dma_wait3A_146 = arith.constant 0 : i32
        %dma_wait3A_147 = arith.constant 0 : i32
        %dma_wait3A_148 = tpu.memref_slice %arg3[%dma_wait3A_146, %dma_wait3A_147] : memref<50000x128xf32, #tpu.memory_space<hbm>> -> memref<50000x128xf32, #tpu.memory_space<hbm>>
        tpu.wait_indirect_dma semaphore(%arg13 : memref<!tpu.dma_semaphore, #tpu.memory_space<semaphore_mem>>) src(%dma_wait3A_148 : memref<50000x128xf32, #tpu.memory_space<hbm>>) dst(%arg11 : memref<128x128xf32, #tpu.memory_space<vmem>>)
        %add3A_149 = arith.constant 1 : i32
        %add3A_150 = arith.addi %mul3A_87, %add3A_149 : i32
        %dma_wait3A_151 = arith.constant 1 : i32
        %dma_wait3A_152 = arith.constant 0 : i32
        %dma_wait3A_153 = tpu.memref_slice %arg9[%dma_wait3A_151, %dma_wait3A_152] : memref<2x128xi32, #tpu.memory_space<vmem>> -> memref<1x128xi32, #tpu.memory_space<vmem>>
        %dma_wait3A_154 = tpu.memref_squeeze %dma_wait3A_153 : memref<1x128xi32, #tpu.memory_space<vmem>> -> memref<128xi32, #tpu.memory_space<vmem>>
        %dma_wait3A_155 = arith.constant 0 : i32
        %dma_wait3A_156 = tpu.memref_slice %arg5[%arg1, %add3A_150, %dma_wait3A_155] : memref<16x98x128xi32, #tpu.memory_space<hbm>> -> memref<1x1x128xi32, #tpu.memory_space<hbm>>
        %dma_wait3A_157 = tpu.memref_squeeze %dma_wait3A_156 : memref<1x1x128xi32, #tpu.memory_space<hbm>> -> memref<128xi32, #tpu.memory_space<hbm>>
        %dma_wait3A_158 = arith.constant 0 : i32
        %dma_wait3A_159 = tpu.memref_slice %arg9[%dma_wait3A_151, %dma_wait3A_158] : memref<2x128xi32, #tpu.memory_space<vmem>> -> memref<1x128xi32, #tpu.memory_space<vmem>>
        %dma_wait3A_160 = tpu.memref_squeeze %dma_wait3A_159 : memref<1x128xi32, #tpu.memory_space<vmem>> -> memref<128xi32, #tpu.memory_space<vmem>>
        %dma_wait3A_161 = arith.constant 0 : i32
        %dma_wait3A_162 = tpu.memref_slice %arg5[%arg1, %add3A_150, %dma_wait3A_161] : memref<16x98x128xi32, #tpu.memory_space<hbm>> -> memref<1x1x128xi32, #tpu.memory_space<hbm>>
        %dma_wait3A_163 = tpu.memref_squeeze %dma_wait3A_162 : memref<1x1x128xi32, #tpu.memory_space<hbm>> -> memref<128xi32, #tpu.memory_space<hbm>>
        tpu.wait_dma2 semaphore(%arg14 : memref<!tpu.dma_semaphore, #tpu.memory_space<semaphore_mem>>) src(%dma_wait3A_163 : memref<128xi32, #tpu.memory_space<hbm>>) dst(%dma_wait3A_160 : memref<128xi32, #tpu.memory_space<vmem>>)
        %dma_wait3A_164 = arith.constant 0 : i32
        %dma_wait3A_165 = arith.constant 0 : i32
        %dma_wait3A_166 = tpu.memref_slice %arg9[%dma_wait3A_164, %dma_wait3A_165] : memref<2x128xi32, #tpu.memory_space<vmem>> -> memref<1x128xi32, #tpu.memory_space<vmem>>
        %dma_wait3A_167 = tpu.memref_squeeze %dma_wait3A_166 : memref<1x128xi32, #tpu.memory_space<vmem>> -> memref<128xi32, #tpu.memory_space<vmem>>
        %dma_wait3A_168 = arith.constant 0 : i32
        %dma_wait3A_169 = arith.constant 0 : i32
        %dma_wait3A_170 = tpu.memref_slice %arg12[%dma_wait3A_168, %dma_wait3A_169] : memref<10240x128xf32, #tpu.memory_space<vmem_shared>> -> memref<10240x128xf32, #tpu.memory_space<vmem_shared>>
        tpu.wait_indirect_dma semaphore(%arg15 : memref<!tpu.dma_semaphore, #tpu.memory_space<semaphore_mem>>) src(%arg10 : memref<128x128xf32, #tpu.memory_space<vmem>>) dst(%dma_wait3A_170 : memref<10240x128xf32, #tpu.memory_space<vmem_shared>>)
        %add3A_171 = arith.constant 2 : i32
        %add3A_172 = arith.addi %mul3A_87, %add3A_171 : i32
        %lt3A = arith.constant 98 : i32
        %lt3A_173 = arith.cmpi slt, %add3A_172, %lt3A : i32
        %convert_element_type3A_174 = arith.extui %lt3A_173 : i1 to i32
        %cond3A_175 = arith.constant 0 : i32
        %cond3A_176 = arith.cmpi ne, %convert_element_type3A_174, %cond3A_175 : i32
        scf.if %cond3A_176 {
          %add3A_184 = arith.constant 2 : i32
          %add3A_185 = arith.addi %mul3A_87, %add3A_184 : i32
          %dma_start3A_186 = arith.constant 0 : i32
          %dma_start3A_187 = arith.constant 0 : i32
          %dma_start3A_188 = tpu.memref_slice %arg9[%dma_start3A_186, %dma_start3A_187] : memref<2x128xi32, #tpu.memory_space<vmem>> -> memref<1x128xi32, #tpu.memory_space<vmem>>
          %dma_start3A_189 = tpu.memref_squeeze %dma_start3A_188 : memref<1x128xi32, #tpu.memory_space<vmem>> -> memref<128xi32, #tpu.memory_space<vmem>>
          %dma_start3A_190 = arith.constant 0 : i32
          %dma_start3A_191 = tpu.memref_slice %arg5[%arg1, %add3A_185, %dma_start3A_190] : memref<16x98x128xi32, #tpu.memory_space<hbm>> -> memref<1x1x128xi32, #tpu.memory_space<hbm>>
          %dma_start3A_192 = tpu.memref_squeeze %dma_start3A_191 : memref<1x1x128xi32, #tpu.memory_space<hbm>> -> memref<128xi32, #tpu.memory_space<hbm>>
          %dma_start3A_193 = arith.constant 0 : i32
          %dma_start3A_194 = tpu.memref_slice %arg9[%dma_start3A_186, %dma_start3A_193] : memref<2x128xi32, #tpu.memory_space<vmem>> -> memref<1x128xi32, #tpu.memory_space<vmem>>
          %dma_start3A_195 = tpu.memref_squeeze %dma_start3A_194 : memref<1x128xi32, #tpu.memory_space<vmem>> -> memref<128xi32, #tpu.memory_space<vmem>>
          %dma_start3A_196 = arith.constant 0 : i32
          %dma_start3A_197 = tpu.memref_slice %arg5[%arg1, %add3A_185, %dma_start3A_196] : memref<16x98x128xi32, #tpu.memory_space<hbm>> -> memref<1x1x128xi32, #tpu.memory_space<hbm>>
          %dma_start3A_198 = tpu.memref_squeeze %dma_start3A_197 : memref<1x1x128xi32, #tpu.memory_space<hbm>> -> memref<128xi32, #tpu.memory_space<hbm>>
          tpu.enqueue_dma source(%dma_start3A_198 : memref<128xi32, #tpu.memory_space<hbm>>) target(%dma_start3A_195 : memref<128xi32, #tpu.memory_space<vmem>>) target_semaphore(%arg14 : memref<!tpu.dma_semaphore, #tpu.memory_space<semaphore_mem>>)
          %add3A_199 = arith.constant 2 : i32
          %add3A_200 = arith.addi %mul3A_87, %add3A_199 : i32
          %mul3A_201 = arith.constant 128 : i32
          %mul3A_202 = arith.muli %add3A_200, %mul3A_201 : i32
          %dma_start3A_203 = tpu.memref_slice %arg8[%mul3A_202] : memref<12544xi32, #tpu.memory_space<vmem>> -> memref<128xi32, #tpu.memory_space<vmem>>
          %dma_start3A_204 = arith.constant 0 : i32
          %dma_start3A_205 = arith.constant 0 : i32
          %dma_start3A_206 = tpu.memref_slice %arg3[%dma_start3A_204, %dma_start3A_205] : memref<50000x128xf32, #tpu.memory_space<hbm>> -> memref<50000x128xf32, #tpu.memory_space<hbm>>
          tpu.enqueue_indirect_dma source(%dma_start3A_206 : memref<50000x128xf32, #tpu.memory_space<hbm>>) target(%arg10 : memref<128x128xf32, #tpu.memory_space<vmem>>) offsets(%dma_start3A_203 : memref<128xi32, #tpu.memory_space<vmem>>) semaphore(%arg13 : memref<!tpu.dma_semaphore, #tpu.memory_space<semaphore_mem>>)
        } else {
        }
        %dma_start3A_177 = arith.constant 1 : i32
        %dma_start3A_178 = arith.constant 0 : i32
        %dma_start3A_179 = tpu.memref_slice %arg9[%dma_start3A_177, %dma_start3A_178] : memref<2x128xi32, #tpu.memory_space<vmem>> -> memref<1x128xi32, #tpu.memory_space<vmem>>
        %dma_start3A_180 = tpu.memref_squeeze %dma_start3A_179 : memref<1x128xi32, #tpu.memory_space<vmem>> -> memref<128xi32, #tpu.memory_space<vmem>>
        %dma_start3A_181 = arith.constant 0 : i32
        %dma_start3A_182 = arith.constant 0 : i32
        %dma_start3A_183 = tpu.memref_slice %arg12[%dma_start3A_181, %dma_start3A_182] : memref<10240x128xf32, #tpu.memory_space<vmem_shared>> -> memref<10240x128xf32, #tpu.memory_space<vmem_shared>>
        tpu.enqueue_indirect_dma source(%arg11 : memref<128x128xf32, #tpu.memory_space<vmem>>) target(%dma_start3A_183 : memref<10240x128xf32, #tpu.memory_space<vmem_shared>>) offsets(%dma_start3A_180 : memref<128xi32, #tpu.memory_space<vmem>>) semaphore(%arg15 : memref<!tpu.dma_semaphore, #tpu.memory_space<semaphore_mem>>) {add = true}
      }
      %scan3A_73 = arith.constant 49 : i32
      %dma_wait3A = arith.constant 1 : i32
      %dma_wait3A_74 = arith.constant 0 : i32
      %dma_wait3A_75 = tpu.memref_slice %arg9[%dma_wait3A, %dma_wait3A_74] : memref<2x128xi32, #tpu.memory_space<vmem>> -> memref<1x128xi32, #tpu.memory_space<vmem>>
      %dma_wait3A_76 = tpu.memref_squeeze %dma_wait3A_75 : memref<1x128xi32, #tpu.memory_space<vmem>> -> memref<128xi32, #tpu.memory_space<vmem>>
      %dma_wait3A_77 = arith.constant 0 : i32
      %dma_wait3A_78 = arith.constant 0 : i32
      %dma_wait3A_79 = tpu.memref_slice %arg12[%dma_wait3A_77, %dma_wait3A_78] : memref<10240x128xf32, #tpu.memory_space<vmem_shared>> -> memref<10240x128xf32, #tpu.memory_space<vmem_shared>>
      tpu.wait_indirect_dma semaphore(%arg15 : memref<!tpu.dma_semaphore, #tpu.memory_space<semaphore_mem>>) src(%arg11 : memref<128x128xf32, #tpu.memory_space<vmem>>) dst(%dma_wait3A_79 : memref<10240x128xf32, #tpu.memory_space<vmem_shared>>)
      %barrier3A_80 = arith.constant 0 : index
      tpu.barrier barrier_id(%barrier3A_80)
      %mul3A_81 = arith.constant 640 : i32
      %mul3A_82 = arith.muli %arg1, %mul3A_81 : i32
      %mul3A_83 = arith.constant 640 : i32
      %mul3A_84 = arith.muli %arg1, %mul3A_83 : i32
      "tpu.region"() ({
        %run_scoped3A = tpu.sem_alloc : memref<!tpu.dma_semaphore, #tpu.memory_space<semaphore_mem>>
        %dma_start3A_85 = arith.constant 0 : i32
        %dma_start3A_86 = tpu.memref_slice %arg7[%mul3A_84, %dma_start3A_85] : memref<10240x128xf32, #tpu.memory_space<hbm>> -> memref<640x128xf32, #tpu.memory_space<hbm>>
        %dma_start3A_87 = arith.constant 0 : i32
        %dma_start3A_88 = tpu.memref_slice %arg12[%mul3A_82, %dma_start3A_87] : memref<10240x128xf32, #tpu.memory_space<vmem_shared>> -> memref<640x128xf32, #tpu.memory_space<vmem_shared>>
        tpu.enqueue_dma source(%dma_start3A_88 : memref<640x128xf32, #tpu.memory_space<vmem_shared>>) target(%dma_start3A_86 : memref<640x128xf32, #tpu.memory_space<hbm>>) target_semaphore(%run_scoped3A : memref<!tpu.dma_semaphore, #tpu.memory_space<semaphore_mem>>)
        %dma_wait3A_89 = arith.constant 0 : i32
        %dma_wait3A_90 = tpu.memref_slice %arg7[%mul3A_84, %dma_wait3A_89] : memref<10240x128xf32, #tpu.memory_space<hbm>> -> memref<640x128xf32, #tpu.memory_space<hbm>>
        %dma_wait3A_91 = arith.constant 0 : i32
        %dma_wait3A_92 = tpu.memref_slice %arg12[%mul3A_82, %dma_wait3A_91] : memref<10240x128xf32, #tpu.memory_space<vmem_shared>> -> memref<640x128xf32, #tpu.memory_space<vmem_shared>>
        tpu.wait_dma2 semaphore(%run_scoped3A : memref<!tpu.dma_semaphore, #tpu.memory_space<semaphore_mem>>) src(%dma_wait3A_92 : memref<640x128xf32, #tpu.memory_space<vmem_shared>>) dst(%dma_wait3A_90 : memref<640x128xf32, #tpu.memory_space<hbm>>)
        tpu.yield
      }) : () -> ()
    } else {
    }
    return
  }
}

#map = affine_map<(d0, d1) -> (0, 0)>
#map1 = affine_map<(d0, d1) -> (0, 0, 0)>
module attributes {stable_mosaic.version = 14 : i64} {
  func.func @body(%arg0: i32, %arg1: i32, %arg2: memref<10240x128xf32, #tpu.memory_space<hbm>>, %arg3: memref<10240x128xf32, #tpu.memory_space<hbm>>, %arg4: memref<16x10176xi32, #tpu.memory_space<hbm>>, %arg5: memref<16x106x96xi32, #tpu.memory_space<hbm>>, %arg6: memref<10240x128xf32, #tpu.memory_space<hbm>>, %arg7: memref<10240x128xf32, #tpu.memory_space<hbm>>, %arg8: memref<10176xi32, #tpu.memory_space<vmem>>, %arg9: memref<106x96xi32, #tpu.memory_space<vmem>>, %arg10: memref<96x128xf32, #tpu.memory_space<vmem>>, %arg11: memref<96x128xf32, #tpu.memory_space<vmem>>, %arg12: memref<10240x128xf32, #tpu.memory_space<vmem_shared>>, %arg13: memref<!tpu.dma_semaphore, #tpu.memory_space<semaphore_mem>>, %arg14: memref<!tpu.dma_semaphore, #tpu.memory_space<semaphore_mem>>, %arg15: memref<!tpu.dma_semaphore, #tpu.memory_space<semaphore_mem>>) attributes {dimension_semantics = [#tpu.dimension_semantics<core_parallel>, #tpu.dimension_semantics<subcore_parallel>], iteration_bounds = array<i64: 2, 16>, scalar_prefetch = 0 : i64, scratch_operands = 8 : i64, tpu.core_type = #tpu.core_type<sc_vector_subcore>, window_params = [{transform_indices = #map}, {transform_indices = #map}, {transform_indices = #map}, {transform_indices = #map1}, {transform_indices = #map}, {transform_indices = #map}]} {
    %scan3A = arith.constant 0 : i32
    %scan3A_0 = arith.constant 0 : i32
    %scan3A_1 = arith.constant 768 : i32
    %scan3A_2 = arith.addi %scan3A_0, %scan3A_1 : i32
    %scan3A_3 = arith.constant 1 : i32
    scf.for %scan3A_50 = %scan3A_0 to %scan3A_2 step %scan3A_3  : i32 {
      %jit3A = arith.constant 8 : i32
      %div3A = arith.divsi %scan3A_50, %jit3A : i32
      %sign3A = arith.constant 0 : i32
      %sign3A_51 = arith.cmpi sgt, %scan3A_50, %sign3A : i32
      %sign3A_52 = arith.extui %sign3A_51 : i1 to i32
      %sign3A_53 = arith.constant 0 : i32
      %sign3A_54 = arith.cmpi slt, %scan3A_50, %sign3A_53 : i32
      %sign3A_55 = arith.extui %sign3A_54 : i1 to i32
      %sign3A_56 = arith.subi %sign3A_52, %sign3A_55 : i32
      %sign3A_57 = arith.constant 0 : i32
      %sign3A_58 = arith.cmpi sgt, %jit3A, %sign3A_57 : i32
      %sign3A_59 = arith.extui %sign3A_58 : i1 to i32
      %sign3A_60 = arith.constant 0 : i32
      %sign3A_61 = arith.cmpi slt, %jit3A, %sign3A_60 : i32
      %sign3A_62 = arith.extui %sign3A_61 : i1 to i32
      %sign3A_63 = arith.subi %sign3A_59, %sign3A_62 : i32
      %ne3A = arith.cmpi ne, %sign3A_56, %sign3A_63 : i32
      %rem3A = arith.remsi %scan3A_50, %jit3A : i32
      %ne3A_64 = arith.constant 0 : i32
      %ne3A_65 = arith.cmpi ne, %rem3A, %ne3A_64 : i32
      %and3A = arith.andi %ne3A, %ne3A_65 : i1
      %sub3A = arith.constant 1 : i32
      %sub3A_66 = arith.subi %div3A, %sub3A : i32
      %select_n3A = arith.select %and3A, %sub3A_66, %div3A : i32
      %jit3A_67 = arith.constant 8 : i32
      %eq3A_68 = arith.constant 0 : i32
      %eq3A_69 = arith.cmpi eq, %jit3A_67, %eq3A_68 : i32
      %jit3A_70 = arith.constant 1 : i32
      %select_n3A_71 = arith.select %eq3A_69, %jit3A_70, %jit3A_67 : i32
      %rem3A_72 = arith.remsi %scan3A_50, %select_n3A_71 : i32
      %ne3A_73 = arith.constant 0 : i32
      %ne3A_74 = arith.cmpi ne, %rem3A_72, %ne3A_73 : i32
      %lt3A = arith.constant 0 : i32
      %lt3A_75 = arith.cmpi slt, %rem3A_72, %lt3A : i32
      %lt3A_76 = arith.constant 0 : i32
      %lt3A_77 = arith.cmpi slt, %select_n3A_71, %lt3A_76 : i32
      %ne3A_78 = arith.xori %lt3A_75, %lt3A_77 : i1
      %and3A_79 = arith.andi %ne3A_78, %ne3A_74 : i1
      %add3A_80 = arith.addi %rem3A_72, %select_n3A_71 : i32
      %select_n3A_81 = arith.select %and3A_79, %add3A_80, %rem3A_72 : i32
      %broadcast_in_dim3A = arith.constant 0.000000e+00 : f32
      %broadcast_in_dim3A_82 = vector.broadcast %broadcast_in_dim3A : f32 to vector<16xf32>
      %mul3A_83 = arith.constant 16 : i32
      %mul3A_84 = arith.muli %select_n3A_81, %mul3A_83 : i32
      %swap3A = arith.index_cast %select_n3A : i32 to index
      %swap3A_85 = arith.index_cast %mul3A_84 : i32 to index
      %swap3A_86 = tpu.vector_load %arg10[%swap3A, %swap3A_85] {strides = array<i32>} : memref<96x128xf32, #tpu.memory_space<vmem>>, vector<1x16xf32>,
      %swap3A_87 = vector.shape_cast %swap3A_86 : vector<1x16xf32> to vector<16xf32>
      %swap3A_88 = vector.shape_cast %broadcast_in_dim3A_82 : vector<16xf32> to vector<1x16xf32>
      tpu.vector_store %arg10[%swap3A, %swap3A_85], %swap3A_88 {strides = array<i32>} : memref<96x128xf32, #tpu.memory_space<vmem>>, vector<1x16xf32>,
    }
    %scan3A_4 = arith.constant 768 : i32
    %mul3A = arith.constant 640 : i32
    %mul3A_5 = arith.muli %arg1, %mul3A : i32
    %add3A = arith.constant 0 : i32
    %add3A_6 = arith.addi %mul3A_5, %add3A : i32
    "tpu.region"() ({
      %run_scoped3A = tpu.sem_alloc : memref<!tpu.dma_semaphore, #tpu.memory_space<semaphore_mem>>
      %dma_start3A = arith.constant 0 : i32
      %dma_start3A_50 = arith.constant 0 : i32
      %dma_start3A_51 = tpu.memref_slice %arg10[%dma_start3A, %dma_start3A_50] : memref<96x128xf32, #tpu.memory_space<vmem>> -> memref<64x128xf32, #tpu.memory_space<vmem>>
      %dma_start3A_52 = arith.constant 0 : i32
      %dma_start3A_53 = tpu.memref_slice %arg12[%add3A_6, %dma_start3A_52] : memref<10240x128xf32, #tpu.memory_space<vmem_shared>> -> memref<64x128xf32, #tpu.memory_space<vmem_shared>>
      %dma_start3A_54 = arith.constant 0 : i32
      %dma_start3A_55 = tpu.memref_slice %arg12[%add3A_6, %dma_start3A_54] : memref<10240x128xf32, #tpu.memory_space<vmem_shared>> -> memref<64x128xf32, #tpu.memory_space<vmem_shared>>
      %dma_start3A_56 = arith.constant 0 : i32
      %dma_start3A_57 = arith.constant 0 : i32
      %dma_start3A_58 = tpu.memref_slice %arg10[%dma_start3A_56, %dma_start3A_57] : memref<96x128xf32, #tpu.memory_space<vmem>> -> memref<64x128xf32, #tpu.memory_space<vmem>>
      tpu.enqueue_dma source(%dma_start3A_58 : memref<64x128xf32, #tpu.memory_space<vmem>>) target(%dma_start3A_55 : memref<64x128xf32, #tpu.memory_space<vmem_shared>>) target_semaphore(%run_scoped3A : memref<!tpu.dma_semaphore, #tpu.memory_space<semaphore_mem>>)
      %dma_wait3A = arith.constant 0 : i32
      %dma_wait3A_59 = arith.constant 0 : i32
      %dma_wait3A_60 = tpu.memref_slice %arg10[%dma_wait3A, %dma_wait3A_59] : memref<96x128xf32, #tpu.memory_space<vmem>> -> memref<64x128xf32, #tpu.memory_space<vmem>>
      %dma_wait3A_61 = arith.constant 0 : i32
      %dma_wait3A_62 = tpu.memref_slice %arg12[%add3A_6, %dma_wait3A_61] : memref<10240x128xf32, #tpu.memory_space<vmem_shared>> -> memref<64x128xf32, #tpu.memory_space<vmem_shared>>
      %dma_wait3A_63 = arith.constant 0 : i32
      %dma_wait3A_64 = tpu.memref_slice %arg12[%add3A_6, %dma_wait3A_63] : memref<10240x128xf32, #tpu.memory_space<vmem_shared>> -> memref<64x128xf32, #tpu.memory_space<vmem_shared>>
      %dma_wait3A_65 = arith.constant 0 : i32
      %dma_wait3A_66 = arith.constant 0 : i32
      %dma_wait3A_67 = tpu.memref_slice %arg10[%dma_wait3A_65, %dma_wait3A_66] : memref<96x128xf32, #tpu.memory_space<vmem>> -> memref<64x128xf32, #tpu.memory_space<vmem>>
      tpu.wait_dma2 semaphore(%run_scoped3A : memref<!tpu.dma_semaphore, #tpu.memory_space<semaphore_mem>>) src(%dma_wait3A_67 : memref<64x128xf32, #tpu.memory_space<vmem>>) dst(%dma_wait3A_64 : memref<64x128xf32, #tpu.memory_space<vmem_shared>>)
      tpu.yield
    }) : () -> ()
    %mul3A_7 = arith.constant 640 : i32
    %mul3A_8 = arith.muli %arg1, %mul3A_7 : i32
    %add3A_9 = arith.constant 64 : i32
    %add3A_10 = arith.addi %mul3A_8, %add3A_9 : i32
    "tpu.region"() ({
      %run_scoped3A = tpu.sem_alloc : memref<!tpu.dma_semaphore, #tpu.memory_space<semaphore_mem>>
      %dma_start3A = arith.constant 0 : i32
      %dma_start3A_50 = arith.constant 0 : i32
      %dma_start3A_51 = tpu.memref_slice %arg10[%dma_start3A, %dma_start3A_50] : memref<96x128xf32, #tpu.memory_space<vmem>> -> memref<64x128xf32, #tpu.memory_space<vmem>>
      %dma_start3A_52 = arith.constant 0 : i32
      %dma_start3A_53 = tpu.memref_slice %arg12[%add3A_10, %dma_start3A_52] : memref<10240x128xf32, #tpu.memory_space<vmem_shared>> -> memref<64x128xf32, #tpu.memory_space<vmem_shared>>
      %dma_start3A_54 = arith.constant 0 : i32
      %dma_start3A_55 = tpu.memref_slice %arg12[%add3A_10, %dma_start3A_54] : memref<10240x128xf32, #tpu.memory_space<vmem_shared>> -> memref<64x128xf32, #tpu.memory_space<vmem_shared>>
      %dma_start3A_56 = arith.constant 0 : i32
      %dma_start3A_57 = arith.constant 0 : i32
      %dma_start3A_58 = tpu.memref_slice %arg10[%dma_start3A_56, %dma_start3A_57] : memref<96x128xf32, #tpu.memory_space<vmem>> -> memref<64x128xf32, #tpu.memory_space<vmem>>
      tpu.enqueue_dma source(%dma_start3A_58 : memref<64x128xf32, #tpu.memory_space<vmem>>) target(%dma_start3A_55 : memref<64x128xf32, #tpu.memory_space<vmem_shared>>) target_semaphore(%run_scoped3A : memref<!tpu.dma_semaphore, #tpu.memory_space<semaphore_mem>>)
      %dma_wait3A = arith.constant 0 : i32
      %dma_wait3A_59 = arith.constant 0 : i32
      %dma_wait3A_60 = tpu.memref_slice %arg10[%dma_wait3A, %dma_wait3A_59] : memref<96x128xf32, #tpu.memory_space<vmem>> -> memref<64x128xf32, #tpu.memory_space<vmem>>
      %dma_wait3A_61 = arith.constant 0 : i32
      %dma_wait3A_62 = tpu.memref_slice %arg12[%add3A_10, %dma_wait3A_61] : memref<10240x128xf32, #tpu.memory_space<vmem_shared>> -> memref<64x128xf32, #tpu.memory_space<vmem_shared>>
      %dma_wait3A_63 = arith.constant 0 : i32
      %dma_wait3A_64 = tpu.memref_slice %arg12[%add3A_10, %dma_wait3A_63] : memref<10240x128xf32, #tpu.memory_space<vmem_shared>> -> memref<64x128xf32, #tpu.memory_space<vmem_shared>>
      %dma_wait3A_65 = arith.constant 0 : i32
      %dma_wait3A_66 = arith.constant 0 : i32
      %dma_wait3A_67 = tpu.memref_slice %arg10[%dma_wait3A_65, %dma_wait3A_66] : memref<96x128xf32, #tpu.memory_space<vmem>> -> memref<64x128xf32, #tpu.memory_space<vmem>>
      tpu.wait_dma2 semaphore(%run_scoped3A : memref<!tpu.dma_semaphore, #tpu.memory_space<semaphore_mem>>) src(%dma_wait3A_67 : memref<64x128xf32, #tpu.memory_space<vmem>>) dst(%dma_wait3A_64 : memref<64x128xf32, #tpu.memory_space<vmem_shared>>)
      tpu.yield
    }) : () -> ()
    %mul3A_11 = arith.constant 640 : i32
    %mul3A_12 = arith.muli %arg1, %mul3A_11 : i32
    %add3A_13 = arith.constant 128 : i32
    %add3A_14 = arith.addi %mul3A_12, %add3A_13 : i32
    "tpu.region"() ({
      %run_scoped3A = tpu.sem_alloc : memref<!tpu.dma_semaphore, #tpu.memory_space<semaphore_mem>>
      %dma_start3A = arith.constant 0 : i32
      %dma_start3A_50 = arith.constant 0 : i32
      %dma_start3A_51 = tpu.memref_slice %arg10[%dma_start3A, %dma_start3A_50] : memref<96x128xf32, #tpu.memory_space<vmem>> -> memref<64x128xf32, #tpu.memory_space<vmem>>
      %dma_start3A_52 = arith.constant 0 : i32
      %dma_start3A_53 = tpu.memref_slice %arg12[%add3A_14, %dma_start3A_52] : memref<10240x128xf32, #tpu.memory_space<vmem_shared>> -> memref<64x128xf32, #tpu.memory_space<vmem_shared>>
      %dma_start3A_54 = arith.constant 0 : i32
      %dma_start3A_55 = tpu.memref_slice %arg12[%add3A_14, %dma_start3A_54] : memref<10240x128xf32, #tpu.memory_space<vmem_shared>> -> memref<64x128xf32, #tpu.memory_space<vmem_shared>>
      %dma_start3A_56 = arith.constant 0 : i32
      %dma_start3A_57 = arith.constant 0 : i32
      %dma_start3A_58 = tpu.memref_slice %arg10[%dma_start3A_56, %dma_start3A_57] : memref<96x128xf32, #tpu.memory_space<vmem>> -> memref<64x128xf32, #tpu.memory_space<vmem>>
      tpu.enqueue_dma source(%dma_start3A_58 : memref<64x128xf32, #tpu.memory_space<vmem>>) target(%dma_start3A_55 : memref<64x128xf32, #tpu.memory_space<vmem_shared>>) target_semaphore(%run_scoped3A : memref<!tpu.dma_semaphore, #tpu.memory_space<semaphore_mem>>)
      %dma_wait3A = arith.constant 0 : i32
      %dma_wait3A_59 = arith.constant 0 : i32
      %dma_wait3A_60 = tpu.memref_slice %arg10[%dma_wait3A, %dma_wait3A_59] : memref<96x128xf32, #tpu.memory_space<vmem>> -> memref<64x128xf32, #tpu.memory_space<vmem>>
      %dma_wait3A_61 = arith.constant 0 : i32
      %dma_wait3A_62 = tpu.memref_slice %arg12[%add3A_14, %dma_wait3A_61] : memref<10240x128xf32, #tpu.memory_space<vmem_shared>> -> memref<64x128xf32, #tpu.memory_space<vmem_shared>>
      %dma_wait3A_63 = arith.constant 0 : i32
      %dma_wait3A_64 = tpu.memref_slice %arg12[%add3A_14, %dma_wait3A_63] : memref<10240x128xf32, #tpu.memory_space<vmem_shared>> -> memref<64x128xf32, #tpu.memory_space<vmem_shared>>
      %dma_wait3A_65 = arith.constant 0 : i32
      %dma_wait3A_66 = arith.constant 0 : i32
      %dma_wait3A_67 = tpu.memref_slice %arg10[%dma_wait3A_65, %dma_wait3A_66] : memref<96x128xf32, #tpu.memory_space<vmem>> -> memref<64x128xf32, #tpu.memory_space<vmem>>
      tpu.wait_dma2 semaphore(%run_scoped3A : memref<!tpu.dma_semaphore, #tpu.memory_space<semaphore_mem>>) src(%dma_wait3A_67 : memref<64x128xf32, #tpu.memory_space<vmem>>) dst(%dma_wait3A_64 : memref<64x128xf32, #tpu.memory_space<vmem_shared>>)
      tpu.yield
    }) : () -> ()
    %mul3A_15 = arith.constant 640 : i32
    %mul3A_16 = arith.muli %arg1, %mul3A_15 : i32
    %add3A_17 = arith.constant 192 : i32
    %add3A_18 = arith.addi %mul3A_16, %add3A_17 : i32
    "tpu.region"() ({
      %run_scoped3A = tpu.sem_alloc : memref<!tpu.dma_semaphore, #tpu.memory_space<semaphore_mem>>
      %dma_start3A = arith.constant 0 : i32
      %dma_start3A_50 = arith.constant 0 : i32
      %dma_start3A_51 = tpu.memref_slice %arg10[%dma_start3A, %dma_start3A_50] : memref<96x128xf32, #tpu.memory_space<vmem>> -> memref<64x128xf32, #tpu.memory_space<vmem>>
      %dma_start3A_52 = arith.constant 0 : i32
      %dma_start3A_53 = tpu.memref_slice %arg12[%add3A_18, %dma_start3A_52] : memref<10240x128xf32, #tpu.memory_space<vmem_shared>> -> memref<64x128xf32, #tpu.memory_space<vmem_shared>>
      %dma_start3A_54 = arith.constant 0 : i32
      %dma_start3A_55 = tpu.memref_slice %arg12[%add3A_18, %dma_start3A_54] : memref<10240x128xf32, #tpu.memory_space<vmem_shared>> -> memref<64x128xf32, #tpu.memory_space<vmem_shared>>
      %dma_start3A_56 = arith.constant 0 : i32
      %dma_start3A_57 = arith.constant 0 : i32
      %dma_start3A_58 = tpu.memref_slice %arg10[%dma_start3A_56, %dma_start3A_57] : memref<96x128xf32, #tpu.memory_space<vmem>> -> memref<64x128xf32, #tpu.memory_space<vmem>>
      tpu.enqueue_dma source(%dma_start3A_58 : memref<64x128xf32, #tpu.memory_space<vmem>>) target(%dma_start3A_55 : memref<64x128xf32, #tpu.memory_space<vmem_shared>>) target_semaphore(%run_scoped3A : memref<!tpu.dma_semaphore, #tpu.memory_space<semaphore_mem>>)
      %dma_wait3A = arith.constant 0 : i32
      %dma_wait3A_59 = arith.constant 0 : i32
      %dma_wait3A_60 = tpu.memref_slice %arg10[%dma_wait3A, %dma_wait3A_59] : memref<96x128xf32, #tpu.memory_space<vmem>> -> memref<64x128xf32, #tpu.memory_space<vmem>>
      %dma_wait3A_61 = arith.constant 0 : i32
      %dma_wait3A_62 = tpu.memref_slice %arg12[%add3A_18, %dma_wait3A_61] : memref<10240x128xf32, #tpu.memory_space<vmem_shared>> -> memref<64x128xf32, #tpu.memory_space<vmem_shared>>
      %dma_wait3A_63 = arith.constant 0 : i32
      %dma_wait3A_64 = tpu.memref_slice %arg12[%add3A_18, %dma_wait3A_63] : memref<10240x128xf32, #tpu.memory_space<vmem_shared>> -> memref<64x128xf32, #tpu.memory_space<vmem_shared>>
      %dma_wait3A_65 = arith.constant 0 : i32
      %dma_wait3A_66 = arith.constant 0 : i32
      %dma_wait3A_67 = tpu.memref_slice %arg10[%dma_wait3A_65, %dma_wait3A_66] : memref<96x128xf32, #tpu.memory_space<vmem>> -> memref<64x128xf32, #tpu.memory_space<vmem>>
      tpu.wait_dma2 semaphore(%run_scoped3A : memref<!tpu.dma_semaphore, #tpu.memory_space<semaphore_mem>>) src(%dma_wait3A_67 : memref<64x128xf32, #tpu.memory_space<vmem>>) dst(%dma_wait3A_64 : memref<64x128xf32, #tpu.memory_space<vmem_shared>>)
      tpu.yield
    }) : () -> ()
    %mul3A_19 = arith.constant 640 : i32
    %mul3A_20 = arith.muli %arg1, %mul3A_19 : i32
    %add3A_21 = arith.constant 256 : i32
    %add3A_22 = arith.addi %mul3A_20, %add3A_21 : i32
    "tpu.region"() ({
      %run_scoped3A = tpu.sem_alloc : memref<!tpu.dma_semaphore, #tpu.memory_space<semaphore_mem>>
      %dma_start3A = arith.constant 0 : i32
      %dma_start3A_50 = arith.constant 0 : i32
      %dma_start3A_51 = tpu.memref_slice %arg10[%dma_start3A, %dma_start3A_50] : memref<96x128xf32, #tpu.memory_space<vmem>> -> memref<64x128xf32, #tpu.memory_space<vmem>>
      %dma_start3A_52 = arith.constant 0 : i32
      %dma_start3A_53 = tpu.memref_slice %arg12[%add3A_22, %dma_start3A_52] : memref<10240x128xf32, #tpu.memory_space<vmem_shared>> -> memref<64x128xf32, #tpu.memory_space<vmem_shared>>
      %dma_start3A_54 = arith.constant 0 : i32
      %dma_start3A_55 = tpu.memref_slice %arg12[%add3A_22, %dma_start3A_54] : memref<10240x128xf32, #tpu.memory_space<vmem_shared>> -> memref<64x128xf32, #tpu.memory_space<vmem_shared>>
      %dma_start3A_56 = arith.constant 0 : i32
      %dma_start3A_57 = arith.constant 0 : i32
      %dma_start3A_58 = tpu.memref_slice %arg10[%dma_start3A_56, %dma_start3A_57] : memref<96x128xf32, #tpu.memory_space<vmem>> -> memref<64x128xf32, #tpu.memory_space<vmem>>
      tpu.enqueue_dma source(%dma_start3A_58 : memref<64x128xf32, #tpu.memory_space<vmem>>) target(%dma_start3A_55 : memref<64x128xf32, #tpu.memory_space<vmem_shared>>) target_semaphore(%run_scoped3A : memref<!tpu.dma_semaphore, #tpu.memory_space<semaphore_mem>>)
      %dma_wait3A = arith.constant 0 : i32
      %dma_wait3A_59 = arith.constant 0 : i32
      %dma_wait3A_60 = tpu.memref_slice %arg10[%dma_wait3A, %dma_wait3A_59] : memref<96x128xf32, #tpu.memory_space<vmem>> -> memref<64x128xf32, #tpu.memory_space<vmem>>
      %dma_wait3A_61 = arith.constant 0 : i32
      %dma_wait3A_62 = tpu.memref_slice %arg12[%add3A_22, %dma_wait3A_61] : memref<10240x128xf32, #tpu.memory_space<vmem_shared>> -> memref<64x128xf32, #tpu.memory_space<vmem_shared>>
      %dma_wait3A_63 = arith.constant 0 : i32
      %dma_wait3A_64 = tpu.memref_slice %arg12[%add3A_22, %dma_wait3A_63] : memref<10240x128xf32, #tpu.memory_space<vmem_shared>> -> memref<64x128xf32, #tpu.memory_space<vmem_shared>>
      %dma_wait3A_65 = arith.constant 0 : i32
      %dma_wait3A_66 = arith.constant 0 : i32
      %dma_wait3A_67 = tpu.memref_slice %arg10[%dma_wait3A_65, %dma_wait3A_66] : memref<96x128xf32, #tpu.memory_space<vmem>> -> memref<64x128xf32, #tpu.memory_space<vmem>>
      tpu.wait_dma2 semaphore(%run_scoped3A : memref<!tpu.dma_semaphore, #tpu.memory_space<semaphore_mem>>) src(%dma_wait3A_67 : memref<64x128xf32, #tpu.memory_space<vmem>>) dst(%dma_wait3A_64 : memref<64x128xf32, #tpu.memory_space<vmem_shared>>)
      tpu.yield
    }) : () -> ()
    %mul3A_23 = arith.constant 640 : i32
    %mul3A_24 = arith.muli %arg1, %mul3A_23 : i32
    %add3A_25 = arith.constant 320 : i32
    %add3A_26 = arith.addi %mul3A_24, %add3A_25 : i32
    "tpu.region"() ({
      %run_scoped3A = tpu.sem_alloc : memref<!tpu.dma_semaphore, #tpu.memory_space<semaphore_mem>>
      %dma_start3A = arith.constant 0 : i32
      %dma_start3A_50 = arith.constant 0 : i32
      %dma_start3A_51 = tpu.memref_slice %arg10[%dma_start3A, %dma_start3A_50] : memref<96x128xf32, #tpu.memory_space<vmem>> -> memref<64x128xf32, #tpu.memory_space<vmem>>
      %dma_start3A_52 = arith.constant 0 : i32
      %dma_start3A_53 = tpu.memref_slice %arg12[%add3A_26, %dma_start3A_52] : memref<10240x128xf32, #tpu.memory_space<vmem_shared>> -> memref<64x128xf32, #tpu.memory_space<vmem_shared>>
      %dma_start3A_54 = arith.constant 0 : i32
      %dma_start3A_55 = tpu.memref_slice %arg12[%add3A_26, %dma_start3A_54] : memref<10240x128xf32, #tpu.memory_space<vmem_shared>> -> memref<64x128xf32, #tpu.memory_space<vmem_shared>>
      %dma_start3A_56 = arith.constant 0 : i32
      %dma_start3A_57 = arith.constant 0 : i32
      %dma_start3A_58 = tpu.memref_slice %arg10[%dma_start3A_56, %dma_start3A_57] : memref<96x128xf32, #tpu.memory_space<vmem>> -> memref<64x128xf32, #tpu.memory_space<vmem>>
      tpu.enqueue_dma source(%dma_start3A_58 : memref<64x128xf32, #tpu.memory_space<vmem>>) target(%dma_start3A_55 : memref<64x128xf32, #tpu.memory_space<vmem_shared>>) target_semaphore(%run_scoped3A : memref<!tpu.dma_semaphore, #tpu.memory_space<semaphore_mem>>)
      %dma_wait3A = arith.constant 0 : i32
      %dma_wait3A_59 = arith.constant 0 : i32
      %dma_wait3A_60 = tpu.memref_slice %arg10[%dma_wait3A, %dma_wait3A_59] : memref<96x128xf32, #tpu.memory_space<vmem>> -> memref<64x128xf32, #tpu.memory_space<vmem>>
      %dma_wait3A_61 = arith.constant 0 : i32
      %dma_wait3A_62 = tpu.memref_slice %arg12[%add3A_26, %dma_wait3A_61] : memref<10240x128xf32, #tpu.memory_space<vmem_shared>> -> memref<64x128xf32, #tpu.memory_space<vmem_shared>>
      %dma_wait3A_63 = arith.constant 0 : i32
      %dma_wait3A_64 = tpu.memref_slice %arg12[%add3A_26, %dma_wait3A_63] : memref<10240x128xf32, #tpu.memory_space<vmem_shared>> -> memref<64x128xf32, #tpu.memory_space<vmem_shared>>
      %dma_wait3A_65 = arith.constant 0 : i32
      %dma_wait3A_66 = arith.constant 0 : i32
      %dma_wait3A_67 = tpu.memref_slice %arg10[%dma_wait3A_65, %dma_wait3A_66] : memref<96x128xf32, #tpu.memory_space<vmem>> -> memref<64x128xf32, #tpu.memory_space<vmem>>
      tpu.wait_dma2 semaphore(%run_scoped3A : memref<!tpu.dma_semaphore, #tpu.memory_space<semaphore_mem>>) src(%dma_wait3A_67 : memref<64x128xf32, #tpu.memory_space<vmem>>) dst(%dma_wait3A_64 : memref<64x128xf32, #tpu.memory_space<vmem_shared>>)
      tpu.yield
    }) : () -> ()
    %mul3A_27 = arith.constant 640 : i32
    %mul3A_28 = arith.muli %arg1, %mul3A_27 : i32
    %add3A_29 = arith.constant 384 : i32
    %add3A_30 = arith.addi %mul3A_28, %add3A_29 : i32
    "tpu.region"() ({
      %run_scoped3A = tpu.sem_alloc : memref<!tpu.dma_semaphore, #tpu.memory_space<semaphore_mem>>
      %dma_start3A = arith.constant 0 : i32
      %dma_start3A_50 = arith.constant 0 : i32
      %dma_start3A_51 = tpu.memref_slice %arg10[%dma_start3A, %dma_start3A_50] : memref<96x128xf32, #tpu.memory_space<vmem>> -> memref<64x128xf32, #tpu.memory_space<vmem>>
      %dma_start3A_52 = arith.constant 0 : i32
      %dma_start3A_53 = tpu.memref_slice %arg12[%add3A_30, %dma_start3A_52] : memref<10240x128xf32, #tpu.memory_space<vmem_shared>> -> memref<64x128xf32, #tpu.memory_space<vmem_shared>>
      %dma_start3A_54 = arith.constant 0 : i32
      %dma_start3A_55 = tpu.memref_slice %arg12[%add3A_30, %dma_start3A_54] : memref<10240x128xf32, #tpu.memory_space<vmem_shared>> -> memref<64x128xf32, #tpu.memory_space<vmem_shared>>
      %dma_start3A_56 = arith.constant 0 : i32
      %dma_start3A_57 = arith.constant 0 : i32
      %dma_start3A_58 = tpu.memref_slice %arg10[%dma_start3A_56, %dma_start3A_57] : memref<96x128xf32, #tpu.memory_space<vmem>> -> memref<64x128xf32, #tpu.memory_space<vmem>>
      tpu.enqueue_dma source(%dma_start3A_58 : memref<64x128xf32, #tpu.memory_space<vmem>>) target(%dma_start3A_55 : memref<64x128xf32, #tpu.memory_space<vmem_shared>>) target_semaphore(%run_scoped3A : memref<!tpu.dma_semaphore, #tpu.memory_space<semaphore_mem>>)
      %dma_wait3A = arith.constant 0 : i32
      %dma_wait3A_59 = arith.constant 0 : i32
      %dma_wait3A_60 = tpu.memref_slice %arg10[%dma_wait3A, %dma_wait3A_59] : memref<96x128xf32, #tpu.memory_space<vmem>> -> memref<64x128xf32, #tpu.memory_space<vmem>>
      %dma_wait3A_61 = arith.constant 0 : i32
      %dma_wait3A_62 = tpu.memref_slice %arg12[%add3A_30, %dma_wait3A_61] : memref<10240x128xf32, #tpu.memory_space<vmem_shared>> -> memref<64x128xf32, #tpu.memory_space<vmem_shared>>
      %dma_wait3A_63 = arith.constant 0 : i32
      %dma_wait3A_64 = tpu.memref_slice %arg12[%add3A_30, %dma_wait3A_63] : memref<10240x128xf32, #tpu.memory_space<vmem_shared>> -> memref<64x128xf32, #tpu.memory_space<vmem_shared>>
      %dma_wait3A_65 = arith.constant 0 : i32
      %dma_wait3A_66 = arith.constant 0 : i32
      %dma_wait3A_67 = tpu.memref_slice %arg10[%dma_wait3A_65, %dma_wait3A_66] : memref<96x128xf32, #tpu.memory_space<vmem>> -> memref<64x128xf32, #tpu.memory_space<vmem>>
      tpu.wait_dma2 semaphore(%run_scoped3A : memref<!tpu.dma_semaphore, #tpu.memory_space<semaphore_mem>>) src(%dma_wait3A_67 : memref<64x128xf32, #tpu.memory_space<vmem>>) dst(%dma_wait3A_64 : memref<64x128xf32, #tpu.memory_space<vmem_shared>>)
      tpu.yield
    }) : () -> ()
    %mul3A_31 = arith.constant 640 : i32
    %mul3A_32 = arith.muli %arg1, %mul3A_31 : i32
    %add3A_33 = arith.constant 448 : i32
    %add3A_34 = arith.addi %mul3A_32, %add3A_33 : i32
    "tpu.region"() ({
      %run_scoped3A = tpu.sem_alloc : memref<!tpu.dma_semaphore, #tpu.memory_space<semaphore_mem>>
      %dma_start3A = arith.constant 0 : i32
      %dma_start3A_50 = arith.constant 0 : i32
      %dma_start3A_51 = tpu.memref_slice %arg10[%dma_start3A, %dma_start3A_50] : memref<96x128xf32, #tpu.memory_space<vmem>> -> memref<64x128xf32, #tpu.memory_space<vmem>>
      %dma_start3A_52 = arith.constant 0 : i32
      %dma_start3A_53 = tpu.memref_slice %arg12[%add3A_34, %dma_start3A_52] : memref<10240x128xf32, #tpu.memory_space<vmem_shared>> -> memref<64x128xf32, #tpu.memory_space<vmem_shared>>
      %dma_start3A_54 = arith.constant 0 : i32
      %dma_start3A_55 = tpu.memref_slice %arg12[%add3A_34, %dma_start3A_54] : memref<10240x128xf32, #tpu.memory_space<vmem_shared>> -> memref<64x128xf32, #tpu.memory_space<vmem_shared>>
      %dma_start3A_56 = arith.constant 0 : i32
      %dma_start3A_57 = arith.constant 0 : i32
      %dma_start3A_58 = tpu.memref_slice %arg10[%dma_start3A_56, %dma_start3A_57] : memref<96x128xf32, #tpu.memory_space<vmem>> -> memref<64x128xf32, #tpu.memory_space<vmem>>
      tpu.enqueue_dma source(%dma_start3A_58 : memref<64x128xf32, #tpu.memory_space<vmem>>) target(%dma_start3A_55 : memref<64x128xf32, #tpu.memory_space<vmem_shared>>) target_semaphore(%run_scoped3A : memref<!tpu.dma_semaphore, #tpu.memory_space<semaphore_mem>>)
      %dma_wait3A = arith.constant 0 : i32
      %dma_wait3A_59 = arith.constant 0 : i32
      %dma_wait3A_60 = tpu.memref_slice %arg10[%dma_wait3A, %dma_wait3A_59] : memref<96x128xf32, #tpu.memory_space<vmem>> -> memref<64x128xf32, #tpu.memory_space<vmem>>
      %dma_wait3A_61 = arith.constant 0 : i32
      %dma_wait3A_62 = tpu.memref_slice %arg12[%add3A_34, %dma_wait3A_61] : memref<10240x128xf32, #tpu.memory_space<vmem_shared>> -> memref<64x128xf32, #tpu.memory_space<vmem_shared>>
      %dma_wait3A_63 = arith.constant 0 : i32
      %dma_wait3A_64 = tpu.memref_slice %arg12[%add3A_34, %dma_wait3A_63] : memref<10240x128xf32, #tpu.memory_space<vmem_shared>> -> memref<64x128xf32, #tpu.memory_space<vmem_shared>>
      %dma_wait3A_65 = arith.constant 0 : i32
      %dma_wait3A_66 = arith.constant 0 : i32
      %dma_wait3A_67 = tpu.memref_slice %arg10[%dma_wait3A_65, %dma_wait3A_66] : memref<96x128xf32, #tpu.memory_space<vmem>> -> memref<64x128xf32, #tpu.memory_space<vmem>>
      tpu.wait_dma2 semaphore(%run_scoped3A : memref<!tpu.dma_semaphore, #tpu.memory_space<semaphore_mem>>) src(%dma_wait3A_67 : memref<64x128xf32, #tpu.memory_space<vmem>>) dst(%dma_wait3A_64 : memref<64x128xf32, #tpu.memory_space<vmem_shared>>)
      tpu.yield
    }) : () -> ()
    %mul3A_35 = arith.constant 640 : i32
    %mul3A_36 = arith.muli %arg1, %mul3A_35 : i32
    %add3A_37 = arith.constant 512 : i32
    %add3A_38 = arith.addi %mul3A_36, %add3A_37 : i32
    "tpu.region"() ({
      %run_scoped3A = tpu.sem_alloc : memref<!tpu.dma_semaphore, #tpu.memory_space<semaphore_mem>>
      %dma_start3A = arith.constant 0 : i32
      %dma_start3A_50 = arith.constant 0 : i32
      %dma_start3A_51 = tpu.memref_slice %arg10[%dma_start3A, %dma_start3A_50] : memref<96x128xf32, #tpu.memory_space<vmem>> -> memref<64x128xf32, #tpu.memory_space<vmem>>
      %dma_start3A_52 = arith.constant 0 : i32
      %dma_start3A_53 = tpu.memref_slice %arg12[%add3A_38, %dma_start3A_52] : memref<10240x128xf32, #tpu.memory_space<vmem_shared>> -> memref<64x128xf32, #tpu.memory_space<vmem_shared>>
      %dma_start3A_54 = arith.constant 0 : i32
      %dma_start3A_55 = tpu.memref_slice %arg12[%add3A_38, %dma_start3A_54] : memref<10240x128xf32, #tpu.memory_space<vmem_shared>> -> memref<64x128xf32, #tpu.memory_space<vmem_shared>>
      %dma_start3A_56 = arith.constant 0 : i32
      %dma_start3A_57 = arith.constant 0 : i32
      %dma_start3A_58 = tpu.memref_slice %arg10[%dma_start3A_56, %dma_start3A_57] : memref<96x128xf32, #tpu.memory_space<vmem>> -> memref<64x128xf32, #tpu.memory_space<vmem>>
      tpu.enqueue_dma source(%dma_start3A_58 : memref<64x128xf32, #tpu.memory_space<vmem>>) target(%dma_start3A_55 : memref<64x128xf32, #tpu.memory_space<vmem_shared>>) target_semaphore(%run_scoped3A : memref<!tpu.dma_semaphore, #tpu.memory_space<semaphore_mem>>)
      %dma_wait3A = arith.constant 0 : i32
      %dma_wait3A_59 = arith.constant 0 : i32
      %dma_wait3A_60 = tpu.memref_slice %arg10[%dma_wait3A, %dma_wait3A_59] : memref<96x128xf32, #tpu.memory_space<vmem>> -> memref<64x128xf32, #tpu.memory_space<vmem>>
      %dma_wait3A_61 = arith.constant 0 : i32
      %dma_wait3A_62 = tpu.memref_slice %arg12[%add3A_38, %dma_wait3A_61] : memref<10240x128xf32, #tpu.memory_space<vmem_shared>> -> memref<64x128xf32, #tpu.memory_space<vmem_shared>>
      %dma_wait3A_63 = arith.constant 0 : i32
      %dma_wait3A_64 = tpu.memref_slice %arg12[%add3A_38, %dma_wait3A_63] : memref<10240x128xf32, #tpu.memory_space<vmem_shared>> -> memref<64x128xf32, #tpu.memory_space<vmem_shared>>
      %dma_wait3A_65 = arith.constant 0 : i32
      %dma_wait3A_66 = arith.constant 0 : i32
      %dma_wait3A_67 = tpu.memref_slice %arg10[%dma_wait3A_65, %dma_wait3A_66] : memref<96x128xf32, #tpu.memory_space<vmem>> -> memref<64x128xf32, #tpu.memory_space<vmem>>
      tpu.wait_dma2 semaphore(%run_scoped3A : memref<!tpu.dma_semaphore, #tpu.memory_space<semaphore_mem>>) src(%dma_wait3A_67 : memref<64x128xf32, #tpu.memory_space<vmem>>) dst(%dma_wait3A_64 : memref<64x128xf32, #tpu.memory_space<vmem_shared>>)
      tpu.yield
    }) : () -> ()
    %mul3A_39 = arith.constant 640 : i32
    %mul3A_40 = arith.muli %arg1, %mul3A_39 : i32
    %add3A_41 = arith.constant 576 : i32
    %add3A_42 = arith.addi %mul3A_40, %add3A_41 : i32
    "tpu.region"() ({
      %run_scoped3A = tpu.sem_alloc : memref<!tpu.dma_semaphore, #tpu.memory_space<semaphore_mem>>
      %dma_start3A = arith.constant 0 : i32
      %dma_start3A_50 = arith.constant 0 : i32
      %dma_start3A_51 = tpu.memref_slice %arg10[%dma_start3A, %dma_start3A_50] : memref<96x128xf32, #tpu.memory_space<vmem>> -> memref<64x128xf32, #tpu.memory_space<vmem>>
      %dma_start3A_52 = arith.constant 0 : i32
      %dma_start3A_53 = tpu.memref_slice %arg12[%add3A_42, %dma_start3A_52] : memref<10240x128xf32, #tpu.memory_space<vmem_shared>> -> memref<64x128xf32, #tpu.memory_space<vmem_shared>>
      %dma_start3A_54 = arith.constant 0 : i32
      %dma_start3A_55 = tpu.memref_slice %arg12[%add3A_42, %dma_start3A_54] : memref<10240x128xf32, #tpu.memory_space<vmem_shared>> -> memref<64x128xf32, #tpu.memory_space<vmem_shared>>
      %dma_start3A_56 = arith.constant 0 : i32
      %dma_start3A_57 = arith.constant 0 : i32
      %dma_start3A_58 = tpu.memref_slice %arg10[%dma_start3A_56, %dma_start3A_57] : memref<96x128xf32, #tpu.memory_space<vmem>> -> memref<64x128xf32, #tpu.memory_space<vmem>>
      tpu.enqueue_dma source(%dma_start3A_58 : memref<64x128xf32, #tpu.memory_space<vmem>>) target(%dma_start3A_55 : memref<64x128xf32, #tpu.memory_space<vmem_shared>>) target_semaphore(%run_scoped3A : memref<!tpu.dma_semaphore, #tpu.memory_space<semaphore_mem>>)
      %dma_wait3A = arith.constant 0 : i32
      %dma_wait3A_59 = arith.constant 0 : i32
      %dma_wait3A_60 = tpu.memref_slice %arg10[%dma_wait3A, %dma_wait3A_59] : memref<96x128xf32, #tpu.memory_space<vmem>> -> memref<64x128xf32, #tpu.memory_space<vmem>>
      %dma_wait3A_61 = arith.constant 0 : i32
      %dma_wait3A_62 = tpu.memref_slice %arg12[%add3A_42, %dma_wait3A_61] : memref<10240x128xf32, #tpu.memory_space<vmem_shared>> -> memref<64x128xf32, #tpu.memory_space<vmem_shared>>
      %dma_wait3A_63 = arith.constant 0 : i32
      %dma_wait3A_64 = tpu.memref_slice %arg12[%add3A_42, %dma_wait3A_63] : memref<10240x128xf32, #tpu.memory_space<vmem_shared>> -> memref<64x128xf32, #tpu.memory_space<vmem_shared>>
      %dma_wait3A_65 = arith.constant 0 : i32
      %dma_wait3A_66 = arith.constant 0 : i32
      %dma_wait3A_67 = tpu.memref_slice %arg10[%dma_wait3A_65, %dma_wait3A_66] : memref<96x128xf32, #tpu.memory_space<vmem>> -> memref<64x128xf32, #tpu.memory_space<vmem>>
      tpu.wait_dma2 semaphore(%run_scoped3A : memref<!tpu.dma_semaphore, #tpu.memory_space<semaphore_mem>>) src(%dma_wait3A_67 : memref<64x128xf32, #tpu.memory_space<vmem>>) dst(%dma_wait3A_64 : memref<64x128xf32, #tpu.memory_space<vmem_shared>>)
      tpu.yield
    }) : () -> ()
    %barrier3A = arith.constant 0 : index
    tpu.barrier barrier_id(%barrier3A)
    %eq3A = arith.constant 0 : i32
    %eq3A_43 = arith.cmpi eq, %arg0, %eq3A : i32
    %convert_element_type3A = arith.extui %eq3A_43 : i1 to i32
    %cond3A = arith.constant 0 : i32
    %cond3A_44 = arith.cmpi ne, %convert_element_type3A, %cond3A : i32
    scf.if %cond3A_44 {
      "tpu.region"() ({
        %run_scoped3A = tpu.sem_alloc : memref<!tpu.dma_semaphore, #tpu.memory_space<semaphore_mem>>
        %dma_start3A_65 = arith.constant 0 : i32
        %dma_start3A_66 = tpu.memref_slice %arg4[%arg1, %dma_start3A_65] : memref<16x10176xi32, #tpu.memory_space<hbm>> -> memref<1x10176xi32, #tpu.memory_space<hbm>>
        %dma_start3A_67 = tpu.memref_squeeze %dma_start3A_66 : memref<1x10176xi32, #tpu.memory_space<hbm>> -> memref<10176xi32, #tpu.memory_space<hbm>>
        %dma_start3A_68 = arith.constant 0 : i32
        %dma_start3A_69 = tpu.memref_slice %arg4[%arg1, %dma_start3A_68] : memref<16x10176xi32, #tpu.memory_space<hbm>> -> memref<1x10176xi32, #tpu.memory_space<hbm>>
        %dma_start3A_70 = tpu.memref_squeeze %dma_start3A_69 : memref<1x10176xi32, #tpu.memory_space<hbm>> -> memref<10176xi32, #tpu.memory_space<hbm>>
        tpu.enqueue_dma source(%dma_start3A_70 : memref<10176xi32, #tpu.memory_space<hbm>>) target(%arg8 : memref<10176xi32, #tpu.memory_space<vmem>>) target_semaphore(%run_scoped3A : memref<!tpu.dma_semaphore, #tpu.memory_space<semaphore_mem>>)
        %dma_wait3A = arith.constant 0 : i32
        %dma_wait3A_71 = tpu.memref_slice %arg4[%arg1, %dma_wait3A] : memref<16x10176xi32, #tpu.memory_space<hbm>> -> memref<1x10176xi32, #tpu.memory_space<hbm>>
        %dma_wait3A_72 = tpu.memref_squeeze %dma_wait3A_71 : memref<1x10176xi32, #tpu.memory_space<hbm>> -> memref<10176xi32, #tpu.memory_space<hbm>>
        %dma_wait3A_73 = arith.constant 0 : i32
        %dma_wait3A_74 = tpu.memref_slice %arg4[%arg1, %dma_wait3A_73] : memref<16x10176xi32, #tpu.memory_space<hbm>> -> memref<1x10176xi32, #tpu.memory_space<hbm>>
        %dma_wait3A_75 = tpu.memref_squeeze %dma_wait3A_74 : memref<1x10176xi32, #tpu.memory_space<hbm>> -> memref<10176xi32, #tpu.memory_space<hbm>>
        tpu.wait_dma2 semaphore(%run_scoped3A : memref<!tpu.dma_semaphore, #tpu.memory_space<semaphore_mem>>) src(%dma_wait3A_75 : memref<10176xi32, #tpu.memory_space<hbm>>) dst(%arg8 : memref<10176xi32, #tpu.memory_space<vmem>>)
        tpu.yield
      }) : () -> ()
      "tpu.region"() ({
        %run_scoped3A = tpu.sem_alloc : memref<!tpu.dma_semaphore, #tpu.memory_space<semaphore_mem>>
        %dma_start3A_65 = arith.constant 0 : i32
        %dma_start3A_66 = arith.constant 0 : i32
        %dma_start3A_67 = tpu.memref_slice %arg5[%arg1, %dma_start3A_65, %dma_start3A_66] : memref<16x106x96xi32, #tpu.memory_space<hbm>> -> memref<1x106x96xi32, #tpu.memory_space<hbm>>
        %dma_start3A_68 = tpu.memref_squeeze %dma_start3A_67 : memref<1x106x96xi32, #tpu.memory_space<hbm>> -> memref<106x96xi32, #tpu.memory_space<hbm>>
        %dma_start3A_69 = arith.constant 0 : i32
        %dma_start3A_70 = arith.constant 0 : i32
        %dma_start3A_71 = tpu.memref_slice %arg5[%arg1, %dma_start3A_69, %dma_start3A_70] : memref<16x106x96xi32, #tpu.memory_space<hbm>> -> memref<1x106x96xi32, #tpu.memory_space<hbm>>
        %dma_start3A_72 = tpu.memref_squeeze %dma_start3A_71 : memref<1x106x96xi32, #tpu.memory_space<hbm>> -> memref<106x96xi32, #tpu.memory_space<hbm>>
        tpu.enqueue_dma source(%dma_start3A_72 : memref<106x96xi32, #tpu.memory_space<hbm>>) target(%arg9 : memref<106x96xi32, #tpu.memory_space<vmem>>) target_semaphore(%run_scoped3A : memref<!tpu.dma_semaphore, #tpu.memory_space<semaphore_mem>>)
        %dma_wait3A = arith.constant 0 : i32
        %dma_wait3A_73 = arith.constant 0 : i32
        %dma_wait3A_74 = tpu.memref_slice %arg5[%arg1, %dma_wait3A, %dma_wait3A_73] : memref<16x106x96xi32, #tpu.memory_space<hbm>> -> memref<1x106x96xi32, #tpu.memory_space<hbm>>
        %dma_wait3A_75 = tpu.memref_squeeze %dma_wait3A_74 : memref<1x106x96xi32, #tpu.memory_space<hbm>> -> memref<106x96xi32, #tpu.memory_space<hbm>>
        %dma_wait3A_76 = arith.constant 0 : i32
        %dma_wait3A_77 = arith.constant 0 : i32
        %dma_wait3A_78 = tpu.memref_slice %arg5[%arg1, %dma_wait3A_76, %dma_wait3A_77] : memref<16x106x96xi32, #tpu.memory_space<hbm>> -> memref<1x106x96xi32, #tpu.memory_space<hbm>>
        %dma_wait3A_79 = tpu.memref_squeeze %dma_wait3A_78 : memref<1x106x96xi32, #tpu.memory_space<hbm>> -> memref<106x96xi32, #tpu.memory_space<hbm>>
        tpu.wait_dma2 semaphore(%run_scoped3A : memref<!tpu.dma_semaphore, #tpu.memory_space<semaphore_mem>>) src(%dma_wait3A_79 : memref<106x96xi32, #tpu.memory_space<hbm>>) dst(%arg9 : memref<106x96xi32, #tpu.memory_space<vmem>>)
        tpu.yield
      }) : () -> ()
      %dma_start3A = arith.constant 0 : i32
      %dma_start3A_50 = tpu.memref_slice %arg8[%dma_start3A] : memref<10176xi32, #tpu.memory_space<vmem>> -> memref<96xi32, #tpu.memory_space<vmem>>
      %dma_start3A_51 = arith.constant 0 : i32
      %dma_start3A_52 = arith.constant 0 : i32
      %dma_start3A_53 = tpu.memref_slice %arg2[%dma_start3A_51, %dma_start3A_52] : memref<10240x128xf32, #tpu.memory_space<hbm>> -> memref<10240x128xf32, #tpu.memory_space<hbm>>
      tpu.enqueue_indirect_dma source(%dma_start3A_53 : memref<10240x128xf32, #tpu.memory_space<hbm>>) target(%arg10 : memref<96x128xf32, #tpu.memory_space<vmem>>) offsets(%dma_start3A_50 : memref<96xi32, #tpu.memory_space<vmem>>) semaphore(%arg13 : memref<!tpu.dma_semaphore, #tpu.memory_space<semaphore_mem>>)
      %scan3A_54 = arith.constant 0 : i32
      %scan3A_55 = arith.constant 0 : i32
      %scan3A_56 = arith.constant 53 : i32
      %scan3A_57 = arith.addi %scan3A_55, %scan3A_56 : i32
      %scan3A_58 = arith.constant 1 : i32
      scf.for %scan3A_65 = %scan3A_55 to %scan3A_57 step %scan3A_58  : i32 {
        %mul3A_66 = arith.constant 2 : i32
        %mul3A_67 = arith.muli %mul3A_66, %scan3A_65 : i32
        %mul3A_68 = arith.constant 96 : i32
        %mul3A_69 = arith.muli %mul3A_67, %mul3A_68 : i32
        %dma_wait3A = tpu.memref_slice %arg8[%mul3A_69] : memref<10176xi32, #tpu.memory_space<vmem>> -> memref<96xi32, #tpu.memory_space<vmem>>
        %dma_wait3A_70 = arith.constant 0 : i32
        %dma_wait3A_71 = arith.constant 0 : i32
        %dma_wait3A_72 = tpu.memref_slice %arg2[%dma_wait3A_70, %dma_wait3A_71] : memref<10240x128xf32, #tpu.memory_space<hbm>> -> memref<10240x128xf32, #tpu.memory_space<hbm>>
        tpu.wait_indirect_dma semaphore(%arg13 : memref<!tpu.dma_semaphore, #tpu.memory_space<semaphore_mem>>) src(%dma_wait3A_72 : memref<10240x128xf32, #tpu.memory_space<hbm>>) dst(%arg10 : memref<96x128xf32, #tpu.memory_space<vmem>>)
        %add3A_73 = arith.constant 1 : i32
        %add3A_74 = arith.addi %mul3A_67, %add3A_73 : i32
        %mul3A_75 = arith.constant 96 : i32
        %mul3A_76 = arith.muli %add3A_74, %mul3A_75 : i32
        %dma_start3A_77 = tpu.memref_slice %arg8[%mul3A_76] : memref<10176xi32, #tpu.memory_space<vmem>> -> memref<96xi32, #tpu.memory_space<vmem>>
        %dma_start3A_78 = arith.constant 0 : i32
        %dma_start3A_79 = arith.constant 0 : i32
        %dma_start3A_80 = tpu.memref_slice %arg2[%dma_start3A_78, %dma_start3A_79] : memref<10240x128xf32, #tpu.memory_space<hbm>> -> memref<10240x128xf32, #tpu.memory_space<hbm>>
        tpu.enqueue_indirect_dma source(%dma_start3A_80 : memref<10240x128xf32, #tpu.memory_space<hbm>>) target(%arg11 : memref<96x128xf32, #tpu.memory_space<vmem>>) offsets(%dma_start3A_77 : memref<96xi32, #tpu.memory_space<vmem>>) semaphore(%arg13 : memref<!tpu.dma_semaphore, #tpu.memory_space<semaphore_mem>>)
        "tpu.region"() ({
          %run_scoped3A = tpu.sem_alloc : memref<!tpu.dma_semaphore, #tpu.memory_space<semaphore_mem>>
          %dma_start3A_97 = arith.constant 0 : i32
          %dma_start3A_98 = tpu.memref_slice %arg9[%mul3A_67, %dma_start3A_97] : memref<106x96xi32, #tpu.memory_space<vmem>> -> memref<1x96xi32, #tpu.memory_space<vmem>>
          %dma_start3A_99 = tpu.memref_squeeze %dma_start3A_98 : memref<1x96xi32, #tpu.memory_space<vmem>> -> memref<96xi32, #tpu.memory_space<vmem>>
          %dma_start3A_100 = arith.constant 0 : i32
          %dma_start3A_101 = arith.constant 0 : i32
          %dma_start3A_102 = tpu.memref_slice %arg12[%dma_start3A_100, %dma_start3A_101] : memref<10240x128xf32, #tpu.memory_space<vmem_shared>> -> memref<10240x128xf32, #tpu.memory_space<vmem_shared>>
          tpu.enqueue_indirect_dma source(%arg10 : memref<96x128xf32, #tpu.memory_space<vmem>>) target(%dma_start3A_102 : memref<10240x128xf32, #tpu.memory_space<vmem_shared>>) offsets(%dma_start3A_99 : memref<96xi32, #tpu.memory_space<vmem>>) semaphore(%run_scoped3A : memref<!tpu.dma_semaphore, #tpu.memory_space<semaphore_mem>>) {add = true}
          %dma_wait3A_103 = arith.constant 0 : i32
          %dma_wait3A_104 = tpu.memref_slice %arg9[%mul3A_67, %dma_wait3A_103] : memref<106x96xi32, #tpu.memory_space<vmem>> -> memref<1x96xi32, #tpu.memory_space<vmem>>
          %dma_wait3A_105 = tpu.memref_squeeze %dma_wait3A_104 : memref<1x96xi32, #tpu.memory_space<vmem>> -> memref<96xi32, #tpu.memory_space<vmem>>
          %dma_wait3A_106 = arith.constant 0 : i32
          %dma_wait3A_107 = arith.constant 0 : i32
          %dma_wait3A_108 = tpu.memref_slice %arg12[%dma_wait3A_106, %dma_wait3A_107] : memref<10240x128xf32, #tpu.memory_space<vmem_shared>> -> memref<10240x128xf32, #tpu.memory_space<vmem_shared>>
          tpu.wait_indirect_dma semaphore(%run_scoped3A : memref<!tpu.dma_semaphore, #tpu.memory_space<semaphore_mem>>) src(%arg10 : memref<96x128xf32, #tpu.memory_space<vmem>>) dst(%dma_wait3A_108 : memref<10240x128xf32, #tpu.memory_space<vmem_shared>>)
          tpu.yield
        }) : () -> ()
        %add3A_81 = arith.constant 1 : i32
        %add3A_82 = arith.addi %mul3A_67, %add3A_81 : i32
        %mul3A_83 = arith.constant 96 : i32
        %mul3A_84 = arith.muli %add3A_82, %mul3A_83 : i32
        %dma_wait3A_85 = tpu.memref_slice %arg8[%mul3A_84] : memref<10176xi32, #tpu.memory_space<vmem>> -> memref<96xi32, #tpu.memory_space<vmem>>
        %dma_wait3A_86 = arith.constant 0 : i32
        %dma_wait3A_87 = arith.constant 0 : i32
        %dma_wait3A_88 = tpu.memref_slice %arg2[%dma_wait3A_86, %dma_wait3A_87] : memref<10240x128xf32, #tpu.memory_space<hbm>> -> memref<10240x128xf32, #tpu.memory_space<hbm>>
        tpu.wait_indirect_dma semaphore(%arg13 : memref<!tpu.dma_semaphore, #tpu.memory_space<semaphore_mem>>) src(%dma_wait3A_88 : memref<10240x128xf32, #tpu.memory_space<hbm>>) dst(%arg11 : memref<96x128xf32, #tpu.memory_space<vmem>>)
        %add3A_89 = arith.constant 2 : i32
        %add3A_90 = arith.addi %mul3A_67, %add3A_89 : i32
        %lt3A = arith.constant 106 : i32
        %lt3A_91 = arith.cmpi slt, %add3A_90, %lt3A : i32
        %convert_element_type3A_92 = arith.extui %lt3A_91 : i1 to i32
        %cond3A_93 = arith.constant 0 : i32
        %cond3A_94 = arith.cmpi ne, %convert_element_type3A_92, %cond3A_93 : i32
        scf.if %cond3A_94 {
          %add3A_97 = arith.constant 2 : i32
          %add3A_98 = arith.addi %mul3A_67, %add3A_97 : i32
          %mul3A_99 = arith.constant 96 : i32
          %mul3A_100 = arith.muli %add3A_98, %mul3A_99 : i32
          %dma_start3A_101 = tpu.memref_slice %arg8[%mul3A_100] : memref<10176xi32, #tpu.memory_space<vmem>> -> memref<96xi32, #tpu.memory_space<vmem>>
          %dma_start3A_102 = arith.constant 0 : i32
          %dma_start3A_103 = arith.constant 0 : i32
          %dma_start3A_104 = tpu.memref_slice %arg2[%dma_start3A_102, %dma_start3A_103] : memref<10240x128xf32, #tpu.memory_space<hbm>> -> memref<10240x128xf32, #tpu.memory_space<hbm>>
          tpu.enqueue_indirect_dma source(%dma_start3A_104 : memref<10240x128xf32, #tpu.memory_space<hbm>>) target(%arg10 : memref<96x128xf32, #tpu.memory_space<vmem>>) offsets(%dma_start3A_101 : memref<96xi32, #tpu.memory_space<vmem>>) semaphore(%arg13 : memref<!tpu.dma_semaphore, #tpu.memory_space<semaphore_mem>>)
        } else {
        }
        %add3A_95 = arith.constant 1 : i32
        %add3A_96 = arith.addi %mul3A_67, %add3A_95 : i32
        "tpu.region"() ({
          %run_scoped3A = tpu.sem_alloc : memref<!tpu.dma_semaphore, #tpu.memory_space<semaphore_mem>>
          %dma_start3A_97 = arith.constant 0 : i32
          %dma_start3A_98 = tpu.memref_slice %arg9[%add3A_96, %dma_start3A_97] : memref<106x96xi32, #tpu.memory_space<vmem>> -> memref<1x96xi32, #tpu.memory_space<vmem>>
          %dma_start3A_99 = tpu.memref_squeeze %dma_start3A_98 : memref<1x96xi32, #tpu.memory_space<vmem>> -> memref<96xi32, #tpu.memory_space<vmem>>
          %dma_start3A_100 = arith.constant 0 : i32
          %dma_start3A_101 = arith.constant 0 : i32
          %dma_start3A_102 = tpu.memref_slice %arg12[%dma_start3A_100, %dma_start3A_101] : memref<10240x128xf32, #tpu.memory_space<vmem_shared>> -> memref<10240x128xf32, #tpu.memory_space<vmem_shared>>
          tpu.enqueue_indirect_dma source(%arg11 : memref<96x128xf32, #tpu.memory_space<vmem>>) target(%dma_start3A_102 : memref<10240x128xf32, #tpu.memory_space<vmem_shared>>) offsets(%dma_start3A_99 : memref<96xi32, #tpu.memory_space<vmem>>) semaphore(%run_scoped3A : memref<!tpu.dma_semaphore, #tpu.memory_space<semaphore_mem>>) {add = true}
          %dma_wait3A_103 = arith.constant 0 : i32
          %dma_wait3A_104 = tpu.memref_slice %arg9[%add3A_96, %dma_wait3A_103] : memref<106x96xi32, #tpu.memory_space<vmem>> -> memref<1x96xi32, #tpu.memory_space<vmem>>
          %dma_wait3A_105 = tpu.memref_squeeze %dma_wait3A_104 : memref<1x96xi32, #tpu.memory_space<vmem>> -> memref<96xi32, #tpu.memory_space<vmem>>
          %dma_wait3A_106 = arith.constant 0 : i32
          %dma_wait3A_107 = arith.constant 0 : i32
          %dma_wait3A_108 = tpu.memref_slice %arg12[%dma_wait3A_106, %dma_wait3A_107] : memref<10240x128xf32, #tpu.memory_space<vmem_shared>> -> memref<10240x128xf32, #tpu.memory_space<vmem_shared>>
          tpu.wait_indirect_dma semaphore(%run_scoped3A : memref<!tpu.dma_semaphore, #tpu.memory_space<semaphore_mem>>) src(%arg11 : memref<96x128xf32, #tpu.memory_space<vmem>>) dst(%dma_wait3A_108 : memref<10240x128xf32, #tpu.memory_space<vmem_shared>>)
          tpu.yield
        }) : () -> ()
      }
      %scan3A_59 = arith.constant 53 : i32
      %barrier3A_60 = arith.constant 0 : index
      tpu.barrier barrier_id(%barrier3A_60)
      %mul3A_61 = arith.constant 640 : i32
      %mul3A_62 = arith.muli %arg1, %mul3A_61 : i32
      %mul3A_63 = arith.constant 640 : i32
      %mul3A_64 = arith.muli %arg1, %mul3A_63 : i32
      "tpu.region"() ({
        %run_scoped3A = tpu.sem_alloc : memref<!tpu.dma_semaphore, #tpu.memory_space<semaphore_mem>>
        %dma_start3A_65 = arith.constant 0 : i32
        %dma_start3A_66 = tpu.memref_slice %arg6[%mul3A_64, %dma_start3A_65] : memref<10240x128xf32, #tpu.memory_space<hbm>> -> memref<640x128xf32, #tpu.memory_space<hbm>>
        %dma_start3A_67 = arith.constant 0 : i32
        %dma_start3A_68 = tpu.memref_slice %arg12[%mul3A_62, %dma_start3A_67] : memref<10240x128xf32, #tpu.memory_space<vmem_shared>> -> memref<640x128xf32, #tpu.memory_space<vmem_shared>>
        tpu.enqueue_dma source(%dma_start3A_68 : memref<640x128xf32, #tpu.memory_space<vmem_shared>>) target(%dma_start3A_66 : memref<640x128xf32, #tpu.memory_space<hbm>>) target_semaphore(%run_scoped3A : memref<!tpu.dma_semaphore, #tpu.memory_space<semaphore_mem>>)
        %dma_wait3A = arith.constant 0 : i32
        %dma_wait3A_69 = tpu.memref_slice %arg6[%mul3A_64, %dma_wait3A] : memref<10240x128xf32, #tpu.memory_space<hbm>> -> memref<640x128xf32, #tpu.memory_space<hbm>>
        %dma_wait3A_70 = arith.constant 0 : i32
        %dma_wait3A_71 = tpu.memref_slice %arg12[%mul3A_62, %dma_wait3A_70] : memref<10240x128xf32, #tpu.memory_space<vmem_shared>> -> memref<640x128xf32, #tpu.memory_space<vmem_shared>>
        tpu.wait_dma2 semaphore(%run_scoped3A : memref<!tpu.dma_semaphore, #tpu.memory_space<semaphore_mem>>) src(%dma_wait3A_71 : memref<640x128xf32, #tpu.memory_space<vmem_shared>>) dst(%dma_wait3A_69 : memref<640x128xf32, #tpu.memory_space<hbm>>)
        tpu.yield
      }) : () -> ()
    } else {
    }
    %eq3A_45 = arith.constant 1 : i32
    %eq3A_46 = arith.cmpi eq, %arg0, %eq3A_45 : i32
    %convert_element_type3A_47 = arith.extui %eq3A_46 : i1 to i32
    %cond3A_48 = arith.constant 0 : i32
    %cond3A_49 = arith.cmpi ne, %convert_element_type3A_47, %cond3A_48 : i32
    scf.if %cond3A_49 {
      "tpu.region"() ({
        %run_scoped3A = tpu.sem_alloc : memref<!tpu.dma_semaphore, #tpu.memory_space<semaphore_mem>>
        %dma_start3A_65 = arith.constant 0 : i32
        %dma_start3A_66 = tpu.memref_slice %arg4[%arg1, %dma_start3A_65] : memref<16x10176xi32, #tpu.memory_space<hbm>> -> memref<1x10176xi32, #tpu.memory_space<hbm>>
        %dma_start3A_67 = tpu.memref_squeeze %dma_start3A_66 : memref<1x10176xi32, #tpu.memory_space<hbm>> -> memref<10176xi32, #tpu.memory_space<hbm>>
        %dma_start3A_68 = arith.constant 0 : i32
        %dma_start3A_69 = tpu.memref_slice %arg4[%arg1, %dma_start3A_68] : memref<16x10176xi32, #tpu.memory_space<hbm>> -> memref<1x10176xi32, #tpu.memory_space<hbm>>
        %dma_start3A_70 = tpu.memref_squeeze %dma_start3A_69 : memref<1x10176xi32, #tpu.memory_space<hbm>> -> memref<10176xi32, #tpu.memory_space<hbm>>
        tpu.enqueue_dma source(%dma_start3A_70 : memref<10176xi32, #tpu.memory_space<hbm>>) target(%arg8 : memref<10176xi32, #tpu.memory_space<vmem>>) target_semaphore(%run_scoped3A : memref<!tpu.dma_semaphore, #tpu.memory_space<semaphore_mem>>)
        %dma_wait3A = arith.constant 0 : i32
        %dma_wait3A_71 = tpu.memref_slice %arg4[%arg1, %dma_wait3A] : memref<16x10176xi32, #tpu.memory_space<hbm>> -> memref<1x10176xi32, #tpu.memory_space<hbm>>
        %dma_wait3A_72 = tpu.memref_squeeze %dma_wait3A_71 : memref<1x10176xi32, #tpu.memory_space<hbm>> -> memref<10176xi32, #tpu.memory_space<hbm>>
        %dma_wait3A_73 = arith.constant 0 : i32
        %dma_wait3A_74 = tpu.memref_slice %arg4[%arg1, %dma_wait3A_73] : memref<16x10176xi32, #tpu.memory_space<hbm>> -> memref<1x10176xi32, #tpu.memory_space<hbm>>
        %dma_wait3A_75 = tpu.memref_squeeze %dma_wait3A_74 : memref<1x10176xi32, #tpu.memory_space<hbm>> -> memref<10176xi32, #tpu.memory_space<hbm>>
        tpu.wait_dma2 semaphore(%run_scoped3A : memref<!tpu.dma_semaphore, #tpu.memory_space<semaphore_mem>>) src(%dma_wait3A_75 : memref<10176xi32, #tpu.memory_space<hbm>>) dst(%arg8 : memref<10176xi32, #tpu.memory_space<vmem>>)
        tpu.yield
      }) : () -> ()
      "tpu.region"() ({
        %run_scoped3A = tpu.sem_alloc : memref<!tpu.dma_semaphore, #tpu.memory_space<semaphore_mem>>
        %dma_start3A_65 = arith.constant 0 : i32
        %dma_start3A_66 = arith.constant 0 : i32
        %dma_start3A_67 = tpu.memref_slice %arg5[%arg1, %dma_start3A_65, %dma_start3A_66] : memref<16x106x96xi32, #tpu.memory_space<hbm>> -> memref<1x106x96xi32, #tpu.memory_space<hbm>>
        %dma_start3A_68 = tpu.memref_squeeze %dma_start3A_67 : memref<1x106x96xi32, #tpu.memory_space<hbm>> -> memref<106x96xi32, #tpu.memory_space<hbm>>
        %dma_start3A_69 = arith.constant 0 : i32
        %dma_start3A_70 = arith.constant 0 : i32
        %dma_start3A_71 = tpu.memref_slice %arg5[%arg1, %dma_start3A_69, %dma_start3A_70] : memref<16x106x96xi32, #tpu.memory_space<hbm>> -> memref<1x106x96xi32, #tpu.memory_space<hbm>>
        %dma_start3A_72 = tpu.memref_squeeze %dma_start3A_71 : memref<1x106x96xi32, #tpu.memory_space<hbm>> -> memref<106x96xi32, #tpu.memory_space<hbm>>
        tpu.enqueue_dma source(%dma_start3A_72 : memref<106x96xi32, #tpu.memory_space<hbm>>) target(%arg9 : memref<106x96xi32, #tpu.memory_space<vmem>>) target_semaphore(%run_scoped3A : memref<!tpu.dma_semaphore, #tpu.memory_space<semaphore_mem>>)
        %dma_wait3A = arith.constant 0 : i32
        %dma_wait3A_73 = arith.constant 0 : i32
        %dma_wait3A_74 = tpu.memref_slice %arg5[%arg1, %dma_wait3A, %dma_wait3A_73] : memref<16x106x96xi32, #tpu.memory_space<hbm>> -> memref<1x106x96xi32, #tpu.memory_space<hbm>>
        %dma_wait3A_75 = tpu.memref_squeeze %dma_wait3A_74 : memref<1x106x96xi32, #tpu.memory_space<hbm>> -> memref<106x96xi32, #tpu.memory_space<hbm>>
        %dma_wait3A_76 = arith.constant 0 : i32
        %dma_wait3A_77 = arith.constant 0 : i32
        %dma_wait3A_78 = tpu.memref_slice %arg5[%arg1, %dma_wait3A_76, %dma_wait3A_77] : memref<16x106x96xi32, #tpu.memory_space<hbm>> -> memref<1x106x96xi32, #tpu.memory_space<hbm>>
        %dma_wait3A_79 = tpu.memref_squeeze %dma_wait3A_78 : memref<1x106x96xi32, #tpu.memory_space<hbm>> -> memref<106x96xi32, #tpu.memory_space<hbm>>
        tpu.wait_dma2 semaphore(%run_scoped3A : memref<!tpu.dma_semaphore, #tpu.memory_space<semaphore_mem>>) src(%dma_wait3A_79 : memref<106x96xi32, #tpu.memory_space<hbm>>) dst(%arg9 : memref<106x96xi32, #tpu.memory_space<vmem>>)
        tpu.yield
      }) : () -> ()
      %dma_start3A = arith.constant 0 : i32
      %dma_start3A_50 = tpu.memref_slice %arg8[%dma_start3A] : memref<10176xi32, #tpu.memory_space<vmem>> -> memref<96xi32, #tpu.memory_space<vmem>>
      %dma_start3A_51 = arith.constant 0 : i32
      %dma_start3A_52 = arith.constant 0 : i32
      %dma_start3A_53 = tpu.memref_slice %arg3[%dma_start3A_51, %dma_start3A_52] : memref<10240x128xf32, #tpu.memory_space<hbm>> -> memref<10240x128xf32, #tpu.memory_space<hbm>>
      tpu.enqueue_indirect_dma source(%dma_start3A_53 : memref<10240x128xf32, #tpu.memory_space<hbm>>) target(%arg10 : memref<96x128xf32, #tpu.memory_space<vmem>>) offsets(%dma_start3A_50 : memref<96xi32, #tpu.memory_space<vmem>>) semaphore(%arg13 : memref<!tpu.dma_semaphore, #tpu.memory_space<semaphore_mem>>)
      %scan3A_54 = arith.constant 0 : i32
      %scan3A_55 = arith.constant 0 : i32
      %scan3A_56 = arith.constant 53 : i32
      %scan3A_57 = arith.addi %scan3A_55, %scan3A_56 : i32
      %scan3A_58 = arith.constant 1 : i32
      scf.for %scan3A_65 = %scan3A_55 to %scan3A_57 step %scan3A_58  : i32 {
        %mul3A_66 = arith.constant 2 : i32
        %mul3A_67 = arith.muli %mul3A_66, %scan3A_65 : i32
        %mul3A_68 = arith.constant 96 : i32
        %mul3A_69 = arith.muli %mul3A_67, %mul3A_68 : i32
        %dma_wait3A = tpu.memref_slice %arg8[%mul3A_69] : memref<10176xi32, #tpu.memory_space<vmem>> -> memref<96xi32, #tpu.memory_space<vmem>>
        %dma_wait3A_70 = arith.constant 0 : i32
        %dma_wait3A_71 = arith.constant 0 : i32
        %dma_wait3A_72 = tpu.memref_slice %arg3[%dma_wait3A_70, %dma_wait3A_71] : memref<10240x128xf32, #tpu.memory_space<hbm>> -> memref<10240x128xf32, #tpu.memory_space<hbm>>
        tpu.wait_indirect_dma semaphore(%arg13 : memref<!tpu.dma_semaphore, #tpu.memory_space<semaphore_mem>>) src(%dma_wait3A_72 : memref<10240x128xf32, #tpu.memory_space<hbm>>) dst(%arg10 : memref<96x128xf32, #tpu.memory_space<vmem>>)
        %add3A_73 = arith.constant 1 : i32
        %add3A_74 = arith.addi %mul3A_67, %add3A_73 : i32
        %mul3A_75 = arith.constant 96 : i32
        %mul3A_76 = arith.muli %add3A_74, %mul3A_75 : i32
        %dma_start3A_77 = tpu.memref_slice %arg8[%mul3A_76] : memref<10176xi32, #tpu.memory_space<vmem>> -> memref<96xi32, #tpu.memory_space<vmem>>
        %dma_start3A_78 = arith.constant 0 : i32
        %dma_start3A_79 = arith.constant 0 : i32
        %dma_start3A_80 = tpu.memref_slice %arg3[%dma_start3A_78, %dma_start3A_79] : memref<10240x128xf32, #tpu.memory_space<hbm>> -> memref<10240x128xf32, #tpu.memory_space<hbm>>
        tpu.enqueue_indirect_dma source(%dma_start3A_80 : memref<10240x128xf32, #tpu.memory_space<hbm>>) target(%arg11 : memref<96x128xf32, #tpu.memory_space<vmem>>) offsets(%dma_start3A_77 : memref<96xi32, #tpu.memory_space<vmem>>) semaphore(%arg13 : memref<!tpu.dma_semaphore, #tpu.memory_space<semaphore_mem>>)
        "tpu.region"() ({
          %run_scoped3A = tpu.sem_alloc : memref<!tpu.dma_semaphore, #tpu.memory_space<semaphore_mem>>
          %dma_start3A_97 = arith.constant 0 : i32
          %dma_start3A_98 = tpu.memref_slice %arg9[%mul3A_67, %dma_start3A_97] : memref<106x96xi32, #tpu.memory_space<vmem>> -> memref<1x96xi32, #tpu.memory_space<vmem>>
          %dma_start3A_99 = tpu.memref_squeeze %dma_start3A_98 : memref<1x96xi32, #tpu.memory_space<vmem>> -> memref<96xi32, #tpu.memory_space<vmem>>
          %dma_start3A_100 = arith.constant 0 : i32
          %dma_start3A_101 = arith.constant 0 : i32
          %dma_start3A_102 = tpu.memref_slice %arg12[%dma_start3A_100, %dma_start3A_101] : memref<10240x128xf32, #tpu.memory_space<vmem_shared>> -> memref<10240x128xf32, #tpu.memory_space<vmem_shared>>
          tpu.enqueue_indirect_dma source(%arg10 : memref<96x128xf32, #tpu.memory_space<vmem>>) target(%dma_start3A_102 : memref<10240x128xf32, #tpu.memory_space<vmem_shared>>) offsets(%dma_start3A_99 : memref<96xi32, #tpu.memory_space<vmem>>) semaphore(%run_scoped3A : memref<!tpu.dma_semaphore, #tpu.memory_space<semaphore_mem>>) {add = true}
          %dma_wait3A_103 = arith.constant 0 : i32
          %dma_wait3A_104 = tpu.memref_slice %arg9[%mul3A_67, %dma_wait3A_103] : memref<106x96xi32, #tpu.memory_space<vmem>> -> memref<1x96xi32, #tpu.memory_space<vmem>>
          %dma_wait3A_105 = tpu.memref_squeeze %dma_wait3A_104 : memref<1x96xi32, #tpu.memory_space<vmem>> -> memref<96xi32, #tpu.memory_space<vmem>>
          %dma_wait3A_106 = arith.constant 0 : i32
          %dma_wait3A_107 = arith.constant 0 : i32
          %dma_wait3A_108 = tpu.memref_slice %arg12[%dma_wait3A_106, %dma_wait3A_107] : memref<10240x128xf32, #tpu.memory_space<vmem_shared>> -> memref<10240x128xf32, #tpu.memory_space<vmem_shared>>
          tpu.wait_indirect_dma semaphore(%run_scoped3A : memref<!tpu.dma_semaphore, #tpu.memory_space<semaphore_mem>>) src(%arg10 : memref<96x128xf32, #tpu.memory_space<vmem>>) dst(%dma_wait3A_108 : memref<10240x128xf32, #tpu.memory_space<vmem_shared>>)
          tpu.yield
        }) : () -> ()
        %add3A_81 = arith.constant 1 : i32
        %add3A_82 = arith.addi %mul3A_67, %add3A_81 : i32
        %mul3A_83 = arith.constant 96 : i32
        %mul3A_84 = arith.muli %add3A_82, %mul3A_83 : i32
        %dma_wait3A_85 = tpu.memref_slice %arg8[%mul3A_84] : memref<10176xi32, #tpu.memory_space<vmem>> -> memref<96xi32, #tpu.memory_space<vmem>>
        %dma_wait3A_86 = arith.constant 0 : i32
        %dma_wait3A_87 = arith.constant 0 : i32
        %dma_wait3A_88 = tpu.memref_slice %arg3[%dma_wait3A_86, %dma_wait3A_87] : memref<10240x128xf32, #tpu.memory_space<hbm>> -> memref<10240x128xf32, #tpu.memory_space<hbm>>
        tpu.wait_indirect_dma semaphore(%arg13 : memref<!tpu.dma_semaphore, #tpu.memory_space<semaphore_mem>>) src(%dma_wait3A_88 : memref<10240x128xf32, #tpu.memory_space<hbm>>) dst(%arg11 : memref<96x128xf32, #tpu.memory_space<vmem>>)
        %add3A_89 = arith.constant 2 : i32
        %add3A_90 = arith.addi %mul3A_67, %add3A_89 : i32
        %lt3A = arith.constant 106 : i32
        %lt3A_91 = arith.cmpi slt, %add3A_90, %lt3A : i32
        %convert_element_type3A_92 = arith.extui %lt3A_91 : i1 to i32
        %cond3A_93 = arith.constant 0 : i32
        %cond3A_94 = arith.cmpi ne, %convert_element_type3A_92, %cond3A_93 : i32
        scf.if %cond3A_94 {
          %add3A_97 = arith.constant 2 : i32
          %add3A_98 = arith.addi %mul3A_67, %add3A_97 : i32
          %mul3A_99 = arith.constant 96 : i32
          %mul3A_100 = arith.muli %add3A_98, %mul3A_99 : i32
          %dma_start3A_101 = tpu.memref_slice %arg8[%mul3A_100] : memref<10176xi32, #tpu.memory_space<vmem>> -> memref<96xi32, #tpu.memory_space<vmem>>
          %dma_start3A_102 = arith.constant 0 : i32
          %dma_start3A_103 = arith.constant 0 : i32
          %dma_start3A_104 = tpu.memref_slice %arg3[%dma_start3A_102, %dma_start3A_103] : memref<10240x128xf32, #tpu.memory_space<hbm>> -> memref<10240x128xf32, #tpu.memory_space<hbm>>
          tpu.enqueue_indirect_dma source(%dma_start3A_104 : memref<10240x128xf32, #tpu.memory_space<hbm>>) target(%arg10 : memref<96x128xf32, #tpu.memory_space<vmem>>) offsets(%dma_start3A_101 : memref<96xi32, #tpu.memory_space<vmem>>) semaphore(%arg13 : memref<!tpu.dma_semaphore, #tpu.memory_space<semaphore_mem>>)
        } else {
        }
        %add3A_95 = arith.constant 1 : i32
        %add3A_96 = arith.addi %mul3A_67, %add3A_95 : i32
        "tpu.region"() ({
          %run_scoped3A = tpu.sem_alloc : memref<!tpu.dma_semaphore, #tpu.memory_space<semaphore_mem>>
          %dma_start3A_97 = arith.constant 0 : i32
          %dma_start3A_98 = tpu.memref_slice %arg9[%add3A_96, %dma_start3A_97] : memref<106x96xi32, #tpu.memory_space<vmem>> -> memref<1x96xi32, #tpu.memory_space<vmem>>
          %dma_start3A_99 = tpu.memref_squeeze %dma_start3A_98 : memref<1x96xi32, #tpu.memory_space<vmem>> -> memref<96xi32, #tpu.memory_space<vmem>>
          %dma_start3A_100 = arith.constant 0 : i32
          %dma_start3A_101 = arith.constant 0 : i32
          %dma_start3A_102 = tpu.memref_slice %arg12[%dma_start3A_100, %dma_start3A_101] : memref<10240x128xf32, #tpu.memory_space<vmem_shared>> -> memref<10240x128xf32, #tpu.memory_space<vmem_shared>>
          tpu.enqueue_indirect_dma source(%arg11 : memref<96x128xf32, #tpu.memory_space<vmem>>) target(%dma_start3A_102 : memref<10240x128xf32, #tpu.memory_space<vmem_shared>>) offsets(%dma_start3A_99 : memref<96xi32, #tpu.memory_space<vmem>>) semaphore(%run_scoped3A : memref<!tpu.dma_semaphore, #tpu.memory_space<semaphore_mem>>) {add = true}
          %dma_wait3A_103 = arith.constant 0 : i32
          %dma_wait3A_104 = tpu.memref_slice %arg9[%add3A_96, %dma_wait3A_103] : memref<106x96xi32, #tpu.memory_space<vmem>> -> memref<1x96xi32, #tpu.memory_space<vmem>>
          %dma_wait3A_105 = tpu.memref_squeeze %dma_wait3A_104 : memref<1x96xi32, #tpu.memory_space<vmem>> -> memref<96xi32, #tpu.memory_space<vmem>>
          %dma_wait3A_106 = arith.constant 0 : i32
          %dma_wait3A_107 = arith.constant 0 : i32
          %dma_wait3A_108 = tpu.memref_slice %arg12[%dma_wait3A_106, %dma_wait3A_107] : memref<10240x128xf32, #tpu.memory_space<vmem_shared>> -> memref<10240x128xf32, #tpu.memory_space<vmem_shared>>
          tpu.wait_indirect_dma semaphore(%run_scoped3A : memref<!tpu.dma_semaphore, #tpu.memory_space<semaphore_mem>>) src(%arg11 : memref<96x128xf32, #tpu.memory_space<vmem>>) dst(%dma_wait3A_108 : memref<10240x128xf32, #tpu.memory_space<vmem_shared>>)
          tpu.yield
        }) : () -> ()
      }
      %scan3A_59 = arith.constant 53 : i32
      %barrier3A_60 = arith.constant 0 : index
      tpu.barrier barrier_id(%barrier3A_60)
      %mul3A_61 = arith.constant 640 : i32
      %mul3A_62 = arith.muli %arg1, %mul3A_61 : i32
      %mul3A_63 = arith.constant 640 : i32
      %mul3A_64 = arith.muli %arg1, %mul3A_63 : i32
      "tpu.region"() ({
        %run_scoped3A = tpu.sem_alloc : memref<!tpu.dma_semaphore, #tpu.memory_space<semaphore_mem>>
        %dma_start3A_65 = arith.constant 0 : i32
        %dma_start3A_66 = tpu.memref_slice %arg7[%mul3A_64, %dma_start3A_65] : memref<10240x128xf32, #tpu.memory_space<hbm>> -> memref<640x128xf32, #tpu.memory_space<hbm>>
        %dma_start3A_67 = arith.constant 0 : i32
        %dma_start3A_68 = tpu.memref_slice %arg12[%mul3A_62, %dma_start3A_67] : memref<10240x128xf32, #tpu.memory_space<vmem_shared>> -> memref<640x128xf32, #tpu.memory_space<vmem_shared>>
        tpu.enqueue_dma source(%dma_start3A_68 : memref<640x128xf32, #tpu.memory_space<vmem_shared>>) target(%dma_start3A_66 : memref<640x128xf32, #tpu.memory_space<hbm>>) target_semaphore(%run_scoped3A : memref<!tpu.dma_semaphore, #tpu.memory_space<semaphore_mem>>)
        %dma_wait3A = arith.constant 0 : i32
        %dma_wait3A_69 = tpu.memref_slice %arg7[%mul3A_64, %dma_wait3A] : memref<10240x128xf32, #tpu.memory_space<hbm>> -> memref<640x128xf32, #tpu.memory_space<hbm>>
        %dma_wait3A_70 = arith.constant 0 : i32
        %dma_wait3A_71 = tpu.memref_slice %arg12[%mul3A_62, %dma_wait3A_70] : memref<10240x128xf32, #tpu.memory_space<vmem_shared>> -> memref<640x128xf32, #tpu.memory_space<vmem_shared>>
        tpu.wait_dma2 semaphore(%run_scoped3A : memref<!tpu.dma_semaphore, #tpu.memory_space<semaphore_mem>>) src(%dma_wait3A_71 : memref<640x128xf32, #tpu.memory_space<vmem_shared>>) dst(%dma_wait3A_69 : memref<640x128xf32, #tpu.memory_space<hbm>>)
        tpu.yield
      }) : () -> ()
    } else {
    }
    return
  }
}

module attributes {stable_mosaic.version = 14 : i64} {
  func.func @_tc1_body(%arg0: i32, %arg1: memref<512x128xf32, #tpu.memory_space<vmem>>, %arg2: memref<512x128xf32, #tpu.memory_space<vmem>>, %arg3: memref<512x128xf32, #tpu.memory_space<vmem>>, %arg4: memref<256x256xf32, #tpu.memory_space<vmem>>, %arg5: memref<512x128xf32, #tpu.memory_space<vmem>>, %arg6: memref<512x128xf32, #tpu.memory_space<vmem>>) attributes {dimension_semantics = [#tpu.dimension_semantics<arbitrary>], iteration_bounds = array<i64: 20>, scalar_prefetch = 0 : i64, scratch_operands = 0 : i64, tpu.core_type = #tpu.core_type<tc>, window_params = [{transform_indices = @transform_0, window_bounds = array<i64: 512, 128>}, {transform_indices = @transform_1, window_bounds = array<i64: 512, 128>}, {transform_indices = @transform_2, window_bounds = array<i64: 512, 128>}, {pipeline_mode = #tpu.pipeline_mode<synchronous>, transform_indices = @transform_3, window_bounds = array<i64: 256, 256>}, {transform_indices = @transform_4, window_bounds = array<i64: 512, 128>}, {transform_indices = @transform_5, window_bounds = array<i64: 512, 128>}]} {
    %get3A = arith.constant 0 : index
    %get3A_0 = arith.constant 0 : index
    %get3A_1 = vector.load %arg1[%get3A, %get3A_0] : memref<512x128xf32, #tpu.memory_space<vmem>>, vector<512x128xf32>
    %get3A_2 = arith.constant 0 : index
    %get3A_3 = arith.constant 0 : index
    %get3A_4 = vector.load %arg2[%get3A_2, %get3A_3] : memref<512x128xf32, #tpu.memory_space<vmem>>, vector<512x128xf32>
    %concatenate3A = tpu.concatenate %get3A_1, %get3A_4 in 1 : vector<512x128xf32>, vector<512x128xf32> -> vector<512x256xf32>
    %get3A_5 = arith.constant 0 : index
    %get3A_6 = arith.constant 0 : index
    %get3A_7 = vector.load %arg3[%get3A_5, %get3A_6] : memref<512x128xf32, #tpu.memory_space<vmem>>, vector<512x128xf32>
    %slice3A = vector.extract_strided_slice %get3A_7 {offsets = [0, 0], sizes = [512, 1], strides = [1, 1]} : vector<512x128xf32> to vector<512x1xf32>
    %max3A = arith.constant 1.000000e+00 : f32
    %max3A_8 = vector.broadcast %max3A : f32 to vector<512x1xf32>
    %max3A_9 = arith.maximumf %slice3A, %max3A_8 : vector<512x1xf32>
    %rsqrt3A = math.rsqrt %max3A_9 : vector<512x1xf32>
    %mul3A = vector.broadcast %rsqrt3A : vector<512x1xf32> to vector<512x256xf32>
    %mul3A_10 = arith.mulf %concatenate3A, %mul3A : vector<512x256xf32>
    %get3A_11 = arith.constant 0 : index
    %get3A_12 = arith.constant 0 : index
    %get3A_13 = vector.load %arg4[%get3A_11, %get3A_12] : memref<256x256xf32, #tpu.memory_space<vmem>>, vector<256x256xf32>
    %dot_general3A = arith.constant dense<0.000000e+00> : vector<512x256xf32>
    %dot_general3A_14 = tpu.matmul %mul3A_10, %get3A_13, %dot_general3A {dimension_numbers = #tpu.dot_dimension_numbers<[1], [0], [0], [1], [0, 0, 1, 1], [], []>, transpose_lhs_hint = false} : vector<512x256xf32>, vector<256x256xf32>, vector<512x256xf32> -> vector<512x256xf32>
    %slice3A_15 = vector.extract_strided_slice %dot_general3A_14 {offsets = [0, 0], sizes = [512, 128], strides = [1, 1]} : vector<512x256xf32> to vector<512x128xf32>
    %swap3A = arith.constant 0 : index
    %swap3A_16 = arith.constant 0 : index
    %swap3A_17 = vector.load %arg5[%swap3A, %swap3A_16] : memref<512x128xf32, #tpu.memory_space<vmem>>, vector<512x128xf32>
    tpu.vector_store %arg5[%swap3A, %swap3A_16], %slice3A_15 {strides = array<i32>} : memref<512x128xf32, #tpu.memory_space<vmem>>, vector<512x128xf32>,
    %slice3A_18 = vector.extract_strided_slice %dot_general3A_14 {offsets = [0, 128], sizes = [512, 128], strides = [1, 1]} : vector<512x256xf32> to vector<512x128xf32>
    %swap3A_19 = arith.constant 0 : index
    %swap3A_20 = arith.constant 0 : index
    %swap3A_21 = vector.load %arg6[%swap3A_19, %swap3A_20] : memref<512x128xf32, #tpu.memory_space<vmem>>, vector<512x128xf32>
    tpu.vector_store %arg6[%swap3A_19, %swap3A_20], %slice3A_18 {strides = array<i32>} : memref<512x128xf32, #tpu.memory_space<vmem>>, vector<512x128xf32>,
    return
  }
  func.func @transform_0(%arg0: i32) -> (i32, i32) {
    %c0_i32 = arith.constant 0 : i32
    %c0_i32_0 = arith.constant 0 : i32
    return %arg0, %c0_i32 : i32, i32
  }
  func.func @transform_1(%arg0: i32) -> (i32, i32) {
    %c0_i32 = arith.constant 0 : i32
    %c0_i32_0 = arith.constant 0 : i32
    return %arg0, %c0_i32 : i32, i32
  }
  func.func @transform_2(%arg0: i32) -> (i32, i32) {
    %c0_i32 = arith.constant 0 : i32
    %c0_i32_0 = arith.constant 0 : i32
    return %arg0, %c0_i32 : i32, i32
  }
  func.func @transform_3(%arg0: i32) -> (i32, i32) {
    %c0_i32 = arith.constant 0 : i32
    %c0_i32_0 = arith.constant 0 : i32
    %c0_i32_1 = arith.constant 0 : i32
    return %c0_i32, %c0_i32_0 : i32, i32
  }
  func.func @transform_4(%arg0: i32) -> (i32, i32) {
    %c0_i32 = arith.constant 0 : i32
    %c0_i32_0 = arith.constant 0 : i32
    return %arg0, %c0_i32 : i32, i32
  }
  func.func @transform_5(%arg0: i32) -> (i32, i32) {
    %c0_i32 = arith.constant 0 : i32
    %c0_i32_0 = arith.constant 0 : i32
    return %arg0, %c0_i32 : i32, i32
  }
}

module attributes {stable_mosaic.version = 14 : i64} {
  func.func @_tc2_body(%arg0: i32, %arg1: memref<512x128xf32, #tpu.memory_space<vmem>>, %arg2: memref<512x128xf32, #tpu.memory_space<vmem>>, %arg3: memref<512x128xf32, #tpu.memory_space<vmem>>, %arg4: memref<512x128xf32, #tpu.memory_space<vmem>>, %arg5: memref<1x256xf32, #tpu.memory_space<vmem>>, %arg6: memref<256x256xf32, #tpu.memory_space<vmem>>, %arg7: memref<512x128xf32, #tpu.memory_space<vmem>>, %arg8: memref<512x128xf32, #tpu.memory_space<vmem>>) attributes {dimension_semantics = [#tpu.dimension_semantics<arbitrary>], iteration_bounds = array<i64: 20>, scalar_prefetch = 0 : i64, scratch_operands = 0 : i64, tpu.core_type = #tpu.core_type<tc>, window_params = [{transform_indices = @transform_0, window_bounds = array<i64: 512, 128>}, {transform_indices = @transform_1, window_bounds = array<i64: 512, 128>}, {transform_indices = @transform_2, window_bounds = array<i64: 512, 128>}, {transform_indices = @transform_3, window_bounds = array<i64: 512, 128>}, {pipeline_mode = #tpu.pipeline_mode<synchronous>, transform_indices = @transform_4, window_bounds = array<i64: 1, 256>}, {pipeline_mode = #tpu.pipeline_mode<synchronous>, transform_indices = @transform_5, window_bounds = array<i64: 256, 256>}, {transform_indices = @transform_6, window_bounds = array<i64: 512, 128>}, {transform_indices = @transform_7, window_bounds = array<i64: 512, 128>}]} {
    %get3A = arith.constant 0 : index
    %get3A_0 = arith.constant 0 : index
    %get3A_1 = vector.load %arg3[%get3A, %get3A_0] : memref<512x128xf32, #tpu.memory_space<vmem>>, vector<512x128xf32>
    %slice3A = vector.extract_strided_slice %get3A_1 {offsets = [0, 0], sizes = [512, 1], strides = [1, 1]} : vector<512x128xf32> to vector<512x1xf32>
    %max3A = arith.constant 1.000000e+00 : f32
    %max3A_2 = vector.broadcast %max3A : f32 to vector<512x1xf32>
    %max3A_3 = arith.maximumf %slice3A, %max3A_2 : vector<512x1xf32>
    %rsqrt3A = math.rsqrt %max3A_3 : vector<512x1xf32>
    %get3A_4 = arith.constant 0 : index
    %get3A_5 = arith.constant 0 : index
    %get3A_6 = vector.load %arg4[%get3A_4, %get3A_5] : memref<512x128xf32, #tpu.memory_space<vmem>>, vector<512x128xf32>
    %slice3A_7 = vector.extract_strided_slice %get3A_6 {offsets = [0, 0], sizes = [512, 1], strides = [1, 1]} : vector<512x128xf32> to vector<512x1xf32>
    %max3A_8 = arith.constant 1.000000e+00 : f32
    %max3A_9 = vector.broadcast %max3A_8 : f32 to vector<512x1xf32>
    %max3A_10 = arith.maximumf %slice3A_7, %max3A_9 : vector<512x1xf32>
    %rsqrt3A_11 = math.rsqrt %max3A_10 : vector<512x1xf32>
    %get3A_12 = arith.constant 0 : index
    %get3A_13 = arith.constant 0 : index
    %get3A_14 = vector.load %arg1[%get3A_12, %get3A_13] : memref<512x128xf32, #tpu.memory_space<vmem>>, vector<512x128xf32>
    %get3A_15 = arith.constant 0 : index
    %get3A_16 = arith.constant 0 : index
    %get3A_17 = vector.load %arg2[%get3A_15, %get3A_16] : memref<512x128xf32, #tpu.memory_space<vmem>>, vector<512x128xf32>
    %concatenate3A = tpu.concatenate %get3A_14, %get3A_17 in 1 : vector<512x128xf32>, vector<512x128xf32> -> vector<512x256xf32>
    %mul3A = vector.broadcast %rsqrt3A : vector<512x1xf32> to vector<512x256xf32>
    %mul3A_18 = arith.mulf %concatenate3A, %mul3A : vector<512x256xf32>
    %get3A_19 = arith.constant 0 : index
    %get3A_20 = arith.constant 0 : index
    %get3A_21 = vector.load %arg5[%get3A_19, %get3A_20] : memref<1x256xf32, #tpu.memory_space<vmem>>, vector<1x256xf32>
    %add3A = vector.broadcast %get3A_21 : vector<1x256xf32> to vector<512x256xf32>
    %add3A_22 = arith.addf %mul3A_18, %add3A : vector<512x256xf32>
    %max3A_23 = arith.constant 0.000000e+00 : f32
    %max3A_24 = vector.broadcast %max3A_23 : f32 to vector<512x256xf32>
    %max3A_25 = arith.maximumf %add3A_22, %max3A_24 : vector<512x256xf32>
    %mul3A_26 = vector.broadcast %rsqrt3A_11 : vector<512x1xf32> to vector<512x256xf32>
    %mul3A_27 = arith.mulf %max3A_25, %mul3A_26 : vector<512x256xf32>
    %get3A_28 = arith.constant 0 : index
    %get3A_29 = arith.constant 0 : index
    %get3A_30 = vector.load %arg6[%get3A_28, %get3A_29] : memref<256x256xf32, #tpu.memory_space<vmem>>, vector<256x256xf32>
    %dot_general3A = arith.constant dense<0.000000e+00> : vector<512x256xf32>
    %dot_general3A_31 = tpu.matmul %mul3A_27, %get3A_30, %dot_general3A {dimension_numbers = #tpu.dot_dimension_numbers<[1], [0], [0], [1], [0, 0, 1, 1], [], []>, transpose_lhs_hint = false} : vector<512x256xf32>, vector<256x256xf32>, vector<512x256xf32> -> vector<512x256xf32>
    %slice3A_32 = vector.extract_strided_slice %dot_general3A_31 {offsets = [0, 0], sizes = [512, 128], strides = [1, 1]} : vector<512x256xf32> to vector<512x128xf32>
    %swap3A = arith.constant 0 : index
    %swap3A_33 = arith.constant 0 : index
    %swap3A_34 = vector.load %arg7[%swap3A, %swap3A_33] : memref<512x128xf32, #tpu.memory_space<vmem>>, vector<512x128xf32>
    tpu.vector_store %arg7[%swap3A, %swap3A_33], %slice3A_32 {strides = array<i32>} : memref<512x128xf32, #tpu.memory_space<vmem>>, vector<512x128xf32>,
    %slice3A_35 = vector.extract_strided_slice %dot_general3A_31 {offsets = [0, 128], sizes = [512, 128], strides = [1, 1]} : vector<512x256xf32> to vector<512x128xf32>
    %swap3A_36 = arith.constant 0 : index
    %swap3A_37 = arith.constant 0 : index
    %swap3A_38 = vector.load %arg8[%swap3A_36, %swap3A_37] : memref<512x128xf32, #tpu.memory_space<vmem>>, vector<512x128xf32>
    tpu.vector_store %arg8[%swap3A_36, %swap3A_37], %slice3A_35 {strides = array<i32>} : memref<512x128xf32, #tpu.memory_space<vmem>>, vector<512x128xf32>,
    return
  }
  func.func @transform_0(%arg0: i32) -> (i32, i32) {
    %c0_i32 = arith.constant 0 : i32
    %c0_i32_0 = arith.constant 0 : i32
    return %arg0, %c0_i32 : i32, i32
  }
  func.func @transform_1(%arg0: i32) -> (i32, i32) {
    %c0_i32 = arith.constant 0 : i32
    %c0_i32_0 = arith.constant 0 : i32
    return %arg0, %c0_i32 : i32, i32
  }
  func.func @transform_2(%arg0: i32) -> (i32, i32) {
    %c0_i32 = arith.constant 0 : i32
    %c0_i32_0 = arith.constant 0 : i32
    return %arg0, %c0_i32 : i32, i32
  }
  func.func @transform_3(%arg0: i32) -> (i32, i32) {
    %c0_i32 = arith.constant 0 : i32
    %c0_i32_0 = arith.constant 0 : i32
    return %arg0, %c0_i32 : i32, i32
  }
  func.func @transform_4(%arg0: i32) -> (i32, i32) {
    %c0_i32 = arith.constant 0 : i32
    %c0_i32_0 = arith.constant 0 : i32
    %c0_i32_1 = arith.constant 0 : i32
    return %c0_i32, %c0_i32_0 : i32, i32
  }
  func.func @transform_5(%arg0: i32) -> (i32, i32) {
    %c0_i32 = arith.constant 0 : i32
    %c0_i32_0 = arith.constant 0 : i32
    %c0_i32_1 = arith.constant 0 : i32
    return %c0_i32, %c0_i32_0 : i32, i32
  }
  func.func @transform_6(%arg0: i32) -> (i32, i32) {
    %c0_i32 = arith.constant 0 : i32
    %c0_i32_0 = arith.constant 0 : i32
    return %arg0, %c0_i32 : i32, i32
  }
  func.func @transform_7(%arg0: i32) -> (i32, i32) {
    %c0_i32 = arith.constant 0 : i32
    %c0_i32_0 = arith.constant 0 : i32
    return %arg0, %c0_i32 : i32, i32
  }
}

module attributes {stable_mosaic.version = 14 : i64} {
  func.func @_tc3_body(%arg0: i32, %arg1: memref<512x128xf32, #tpu.memory_space<vmem>>, %arg2: memref<512x128xf32, #tpu.memory_space<vmem>>, %arg3: memref<512x128xf32, #tpu.memory_space<vmem>>, %arg4: memref<1x256xf32, #tpu.memory_space<vmem>>, %arg5: memref<512x256xf32, #tpu.memory_space<vmem>>, %arg6: memref<1x256xf32, #tpu.memory_space<vmem>>) attributes {dimension_semantics = [#tpu.dimension_semantics<arbitrary>], iteration_bounds = array<i64: 20>, scalar_prefetch = 0 : i64, scratch_operands = 0 : i64, tpu.core_type = #tpu.core_type<tc>, window_params = [{transform_indices = @transform_0, window_bounds = array<i64: 512, 128>}, {transform_indices = @transform_1, window_bounds = array<i64: 512, 128>}, {transform_indices = @transform_2, window_bounds = array<i64: 512, 128>}, {pipeline_mode = #tpu.pipeline_mode<synchronous>, transform_indices = @transform_3, window_bounds = array<i64: 1, 256>}, {transform_indices = @transform_4, window_bounds = array<i64: 512, 256>}, {pipeline_mode = #tpu.pipeline_mode<synchronous>, transform_indices = @transform_5, window_bounds = array<i64: 1, 256>}]} {
    %get3A = arith.constant 0 : index
    %get3A_0 = arith.constant 0 : index
    %get3A_1 = vector.load %arg3[%get3A, %get3A_0] : memref<512x128xf32, #tpu.memory_space<vmem>>, vector<512x128xf32>
    %slice3A = vector.extract_strided_slice %get3A_1 {offsets = [0, 0], sizes = [512, 1], strides = [1, 1]} : vector<512x128xf32> to vector<512x1xf32>
    %max3A = arith.constant 1.000000e+00 : f32
    %max3A_2 = vector.broadcast %max3A : f32 to vector<512x1xf32>
    %max3A_3 = arith.maximumf %slice3A, %max3A_2 : vector<512x1xf32>
    %rsqrt3A = math.rsqrt %max3A_3 : vector<512x1xf32>
    %get3A_4 = arith.constant 0 : index
    %get3A_5 = arith.constant 0 : index
    %get3A_6 = vector.load %arg1[%get3A_4, %get3A_5] : memref<512x128xf32, #tpu.memory_space<vmem>>, vector<512x128xf32>
    %get3A_7 = arith.constant 0 : index
    %get3A_8 = arith.constant 0 : index
    %get3A_9 = vector.load %arg2[%get3A_7, %get3A_8] : memref<512x128xf32, #tpu.memory_space<vmem>>, vector<512x128xf32>
    %concatenate3A = tpu.concatenate %get3A_6, %get3A_9 in 1 : vector<512x128xf32>, vector<512x128xf32> -> vector<512x256xf32>
    %mul3A = vector.broadcast %rsqrt3A : vector<512x1xf32> to vector<512x256xf32>
    %mul3A_10 = arith.mulf %concatenate3A, %mul3A : vector<512x256xf32>
    %get3A_11 = arith.constant 0 : index
    %get3A_12 = arith.constant 0 : index
    %get3A_13 = vector.load %arg4[%get3A_11, %get3A_12] : memref<1x256xf32, #tpu.memory_space<vmem>>, vector<1x256xf32>
    %add3A = vector.broadcast %get3A_13 : vector<1x256xf32> to vector<512x256xf32>
    %add3A_14 = arith.addf %mul3A_10, %add3A : vector<512x256xf32>
    %max3A_15 = arith.constant 0.000000e+00 : f32
    %max3A_16 = vector.broadcast %max3A_15 : f32 to vector<512x256xf32>
    %max3A_17 = arith.maximumf %add3A_14, %max3A_16 : vector<512x256xf32>
    %swap3A = arith.constant 0 : index
    %swap3A_18 = arith.constant 0 : index
    %swap3A_19 = vector.load %arg5[%swap3A, %swap3A_18] : memref<512x256xf32, #tpu.memory_space<vmem>>, vector<512x256xf32>
    tpu.vector_store %arg5[%swap3A, %swap3A_18], %max3A_17 {strides = array<i32>} : memref<512x256xf32, #tpu.memory_space<vmem>>, vector<512x256xf32>,
    %mul3A_20 = arith.constant 512 : i32
    %mul3A_21 = arith.muli %arg0, %mul3A_20 : i32
    %iota3A = tpu.iota {dimensions = array<i32: 0>} : vector<512x1xi32>
    %add3A_22 = vector.broadcast %mul3A_21 : i32 to vector<512x1xi32>
    %add3A_23 = arith.addi %add3A_22, %iota3A : vector<512x1xi32>
    %lt3A = arith.constant 10000 : i32
    %lt3A_24 = vector.broadcast %lt3A : i32 to vector<512x1xi32>
    %lt3A_25 = arith.cmpi slt, %add3A_23, %lt3A_24 : vector<512x1xi32>
    %jit3A = arith.constant 0.000000e+00 : f32
    %broadcast_in_dim3A = vector.shape_cast %lt3A_25 : vector<512x1xi1> to vector<512x1xi1>
    %broadcast_in_dim3A_26 = vector.broadcast %broadcast_in_dim3A : vector<512x1xi1> to vector<512x256xi1>
    %broadcast_in_dim3A_27 = vector.broadcast %jit3A : f32 to vector<512x256xf32>
    %select_n3A = arith.select %broadcast_in_dim3A_26, %max3A_17, %broadcast_in_dim3A_27 : vector<512x256xi1>, vector<512x256xf32>
    %reduce_sum3A = arith.constant dense<0.000000e+00> : vector<256xf32>
    %reduce_sum3A_28 = vector.multi_reduction <add>, %select_n3A, %reduce_sum3A [0] : vector<512x256xf32> to vector<256xf32>
    %broadcast_in_dim3A_29 = vector.shape_cast %reduce_sum3A_28 : vector<256xf32> to vector<1x256xf32>
    %mul3A_30 = arith.constant 9.99999974E-5 : f32
    %mul3A_31 = vector.broadcast %mul3A_30 : f32 to vector<1x256xf32>
    %mul3A_32 = arith.mulf %broadcast_in_dim3A_29, %mul3A_31 : vector<1x256xf32>
    %eq3A = arith.constant 0 : i32
    %eq3A_33 = arith.cmpi eq, %arg0, %eq3A : i32
    %convert_element_type3A = arith.extui %eq3A_33 : i1 to i32
    %cond3A = arith.constant 0 : i32
    %cond3A_34 = arith.cmpi ne, %convert_element_type3A, %cond3A : i32
    scf.if %cond3A_34 {
      %swap3A_39 = arith.constant 0 : index
      %swap3A_40 = arith.constant 0 : index
      %swap3A_41 = vector.load %arg6[%swap3A_39, %swap3A_40] : memref<1x256xf32, #tpu.memory_space<vmem>>, vector<1x256xf32>
      tpu.vector_store %arg6[%swap3A_39, %swap3A_40], %mul3A_32 {strides = array<i32>} : memref<1x256xf32, #tpu.memory_space<vmem>>, vector<1x256xf32>,
    } else {
    }
    %ne3A = arith.constant 0 : i32
    %ne3A_35 = arith.cmpi ne, %arg0, %ne3A : i32
    %convert_element_type3A_36 = arith.extui %ne3A_35 : i1 to i32
    %cond3A_37 = arith.constant 0 : i32
    %cond3A_38 = arith.cmpi ne, %convert_element_type3A_36, %cond3A_37 : i32
    scf.if %cond3A_38 {
      %get3A_39 = arith.constant 0 : index
      %get3A_40 = arith.constant 0 : index
      %get3A_41 = vector.load %arg6[%get3A_39, %get3A_40] : memref<1x256xf32, #tpu.memory_space<vmem>>, vector<1x256xf32>
      %add3A_42 = arith.addf %get3A_41, %mul3A_32 : vector<1x256xf32>
      %swap3A_43 = arith.constant 0 : index
      %swap3A_44 = arith.constant 0 : index
      %swap3A_45 = vector.load %arg6[%swap3A_43, %swap3A_44] : memref<1x256xf32, #tpu.memory_space<vmem>>, vector<1x256xf32>
      tpu.vector_store %arg6[%swap3A_43, %swap3A_44], %add3A_42 {strides = array<i32>} : memref<1x256xf32, #tpu.memory_space<vmem>>, vector<1x256xf32>,
    } else {
    }
    return
  }
  func.func @transform_0(%arg0: i32) -> (i32, i32) {
    %c0_i32 = arith.constant 0 : i32
    %c0_i32_0 = arith.constant 0 : i32
    return %arg0, %c0_i32 : i32, i32
  }
  func.func @transform_1(%arg0: i32) -> (i32, i32) {
    %c0_i32 = arith.constant 0 : i32
    %c0_i32_0 = arith.constant 0 : i32
    return %arg0, %c0_i32 : i32, i32
  }
  func.func @transform_2(%arg0: i32) -> (i32, i32) {
    %c0_i32 = arith.constant 0 : i32
    %c0_i32_0 = arith.constant 0 : i32
    return %arg0, %c0_i32 : i32, i32
  }
  func.func @transform_3(%arg0: i32) -> (i32, i32) {
    %c0_i32 = arith.constant 0 : i32
    %c0_i32_0 = arith.constant 0 : i32
    %c0_i32_1 = arith.constant 0 : i32
    return %c0_i32, %c0_i32_0 : i32, i32
  }
  func.func @transform_4(%arg0: i32) -> (i32, i32) {
    %c0_i32 = arith.constant 0 : i32
    %c0_i32_0 = arith.constant 0 : i32
    return %arg0, %c0_i32 : i32, i32
  }
  func.func @transform_5(%arg0: i32) -> (i32, i32) {
    %c0_i32 = arith.constant 0 : i32
    %c0_i32_0 = arith.constant 0 : i32
    %c0_i32_1 = arith.constant 0 : i32
    return %c0_i32, %c0_i32_0 : i32, i32
  }
}

</mosaic_0001>

<sc_bundles>
// kernel: kernel.12.cloned.1.call-start
scs
__scs_entry_jumppad:
0x0: {  	(pc) =	sbr.rel $0x88, $3  }
0x1: {  	(tag) =	ssettag $0x0;
	lr =	simm.s32 $0x1  }
0x2: {  	[smem:$0x3F97] =	sst lr;
	_ =	strace $0xD0000000  }
0x3: {  	_ = 	snop  }
0x4: {  	_ = 	snop  }
0x5: {  	_ = 	snop  }
0x6: {  	_ = 	snop  }
0x7: {  	_ = 	snop  }
__scs_overlays_trampoline_lowered:
0x8: {  	[smem:$0x3FA6] =	sst s0  }
0x9: {  	[smem:$0x3FA7] =	sst s1  }
0xa: {  	[smem:$0x3FA8] =	sst s2  }
0xb: {  	[smem:$0x3FA9] =	sst s3  }
0xc: {  	[smem:$0x3FAA] =	sst s4  }
0xd: {  	[smem:$0x3FAB] =	sst s5  }
0xe: {  	[smem:$0x3FAC] =	sst s6  }
0xf: {  	[smem:$0x3FAD] =	sst s7  }
0x10: {  	[smem:$0x3FAE] =	sst s8  }
0x11: {  	[smem:$0x3FAF] =	sst s9;
	s0 =	simm.s32 @!p0 $0x0  }
0x12: {  	s1 =	sld [smem:$0x3F95];
	s0 =	simm.s32 @p0 $0x1  }
0x13: {  	[smem:$0x3FB0] =	sst s0;
	s0 =	simm.s32 @!p1 $0x0  }
0x14: {  	s2 =	sld [smem:$0x3F94];
	s0 =	simm.s32 @p1 $0x1  }
0x15: {  	[smem:$0x3FB1] =	sst s0;
	s0 =	simm.s32 @!p2 $0x0  }
0x16: {  	s3 =	sld [smem:$0x3FDB];
	s0 =	simm.s32 @p2 $0x1  }
0x17: {  	s4 =	simm.s32 $0x1BF5;
	[smem:$0x3FB3] =	sst s0  }
0x18: {  	s0 =	sld [smem:$0x3F96];
	_ =	swait.ge [sflag:s4], $0x0  }
0x19: {  	s7 =	sld [smem:$0x3F97]  }
0x1a: {  	s8 =	sadd.s32 $0xFFFFE003, lr  }
0x1b: {  	s9 =	sadd.s32 $0xFFFFFEF7, lr;
	s5 =	simm.s32 $0xFFFFFFFF;
	p2 =	slt.u32 s8, $0xFFFFF086  }
0x1c: {  	p1 =	slt.u32 s9, $0xF7A;
	s5 =	simm.s32 @!p2 $0x0  }
0x1d: {  	s5 =	simm.s32 @p1 $0x1;
	p0 =	seq.s32 s7, s2  }
0x1e: {  	s7 =	smul.u32 @!p0 $0xF7A, s2;
	p2 =	seq.s32 @!p0 s5, $0x0  }
0x1f: {  	s9 =	smul.u32 $0xF7A, s1;
	s8 =	simm.s32 @!p0 $0x1BF5;
	p2 =	por !p2, p0  }
0x20: {  	[sflag:s8] =	ssyncset.s32 @!p0 $0xFFFFF086;
	s6 =	sadd.s32 @!p0 s3, s7;
	s7 =	simm.s32 @!p0 $0x108  }
0x21: {  	s3 =	sadd.s32 s3, s9;
	s6 =	sadd.s32 @!p0 $0x88, s6;
	s7 =	simm.s32 @p2 $0x1082  }
0x22: {  	[simem:s7], [sflag:s8] =	dma.local @!p0 [hbm:s6], $0xF7A  }
0x23: {  	s9 =	sor.u32 $0xD0000000, s2;
	s6 =	simm.s32 $0x108;
	_ =	swait.ge @!p0 [sflag:s8], $0x0  }
0x24: {  	s3 =	sadd.s32 $0x88, s3;
	s6 =	simm.s32 @!p1 $0x1082;
	[sflag:s4] =	ssyncset.s32 $0xFFFFF086  }
0x25: {  	[simem:s6], [sflag:s4] =	dma.local [hbm:s3], $0xF7A  }
0x26: {  	[smem:$0x3F97] =	sst s1;
	(tag) =	ssettag s2;
	_ =	strace s9  }
0x27: {  	s1 =	sld [smem:$0x3FA7]  }
0x28: {  	s2 =	sld [smem:$0x3FA8]  }
0x29: {  	s4 =	sld [smem:$0x3FAA]  }
0x2a: {  	p0 =	seq.s32 s5, $0x0;
	s5 =	sld [smem:$0x3FAB]  }
0x2b: {  	s6 =	sld [smem:$0x3FAC]  }
0x2c: {  	s7 =	sld [smem:$0x3FAD]  }
0x2d: {  	s3 =	simm.s32 $0x108;
	s8 =	sld [smem:$0x3FAE]  }
0x2e: {  	s3 =	simm.s32 @!p0 $0x1082;
	s9 =	sld [smem:$0x3FAF]  }
0x2f: {  	lr =	sadd.s32 s0, s3;
	s0 =	sld [smem:$0x3FA6]  }
0x30: {  	s3 =	sld [smem:$0x3FA9]  }
0x31: {  	[smem:$0x3FB2] =	sst s10  }
0x32: {  	s10 =	sld [smem:$0x3FB0];
	_ =	sdelay $0x3  }
0x33: {  	p0 =	seq.s32 s10, $0x1;
	s10 =	sld [smem:$0x3FB2];
	_ =	sdelay $0x3  }
0x34: {  	[smem:$0x3FB2] =	sst s10  }
0x35: {  	s10 =	sld [smem:$0x3FB1];
	_ =	sdelay $0x3  }
0x36: {  	p1 =	seq.s32 s10, $0x1;
	s10 =	sld [smem:$0x3FB2];
	_ =	sdelay $0x3  }
0x37: {  	[smem:$0x3FB2] =	sst s10  }
0x38: {  	s10 =	sld [smem:$0x3FB3]  }
0x39: {  	_ = 	snop;
	(pc) =	sbr.ind lr, $3  }
0x3a: {  	_ = 	snop  }
0x3b: {  	_ = 	snop  }
0x3c: {  	p2 =	seq.s32 s10, $0x1;
	s10 =	sld [smem:$0x3FB2]  }
0x3d: {  	_ =	shalt  }
0x3e: {  	_ =	shalt  }
0x3f: {  	_ =	shalt  }
0x40: {  	_ =	shalt  }
0x41: {  	_ =	shalt  }
0x42: {  	_ =	shalt  }
0x43: {  	_ =	shalt  }
0x44: {  	_ =	shalt  }
0x45: {  	_ =	shalt  }
0x46: {  	_ =	shalt  }
0x47: {  	_ =	shalt  }
0x48: {  	_ =	shalt  }
0x49: {  	_ =	shalt  }
0x4a: {  	_ =	shalt  }
0x4b: {  	_ =	shalt  }
0x4c: {  	_ =	shalt  }
0x4d: {  	_ =	shalt  }
0x4e: {  	_ =	shalt  }
0x4f: {  	_ =	shalt  }
0x50: {  	_ =	shalt  }
0x51: {  	_ =	shalt  }
0x52: {  	_ =	shalt  }
0x53: {  	_ =	shalt  }
0x54: {  	_ =	shalt  }
0x55: {  	_ =	shalt  }
0x56: {  	_ =	shalt  }
0x57: {  	_ =	shalt  }
0x58: {  	_ =	shalt  }
0x59: {  	_ =	shalt  }
0x5a: {  	_ =	shalt  }
0x5b: {  	_ =	shalt  }
0x5c: {  	_ =	shalt  }
0x5d: {  	_ =	shalt  }
0x5e: {  	_ =	shalt  }
0x5f: {  	_ =	shalt  }
0x60: {  	_ =	shalt  }
0x61: {  	_ =	shalt  }
0x62: {  	_ =	shalt  }
0x63: {  	_ =	shalt  }
0x64: {  	_ =	shalt  }
0x65: {  	_ =	shalt  }
0x66: {  	_ =	shalt  }
0x67: {  	_ =	shalt  }
0x68: {  	_ =	shalt  }
0x69: {  	_ =	shalt  }
0x6a: {  	_ =	shalt  }
0x6b: {  	_ =	shalt  }
0x6c: {  	_ =	shalt  }
0x6d: {  	_ =	shalt  }
0x6e: {  	_ =	shalt  }
0x6f: {  	_ =	shalt  }
0x70: {  	_ =	shalt  }
0x71: {  	_ =	shalt  }
0x72: {  	_ =	shalt  }
0x73: {  	_ =	shalt  }
0x74: {  	_ =	shalt  }
0x75: {  	_ =	shalt  }
0x76: {  	_ =	shalt  }
0x77: {  	_ =	shalt  }
0x78: {  	_ =	shalt  }
0x79: {  	_ =	shalt  }
0x7a: {  	_ =	shalt  }
0x7b: {  	_ =	shalt  }
0x7c: {  	_ =	shalt  }
0x7d: {  	_ =	shalt  }
0x7e: {  	_ =	shalt  }
0x7f: {  	_ =	shalt  }
0x80: {  	_ =	shalt  }
0x81: {  	_ =	shalt  }
0x82: {  	_ =	shalt  }
0x83: {  	_ =	shalt  }
0x84: {  	_ =	shalt  }
0x85: {  	_ =	shalt  }
0x86: {  	_ =	shalt  }
0x87: {  	_ =	shalt  }
.Lfunc_end0:
.L_simem_size_0:
called_computation.1_lowered:
.L_overlay_start_0:
0x88: {  	s2 =	sld [smem:$0x3FD9]  }
0x89: {  	s3 =	sld [smem:$0x3FFE];
	_ =	sdelay $0x1  }
0x8a: {  	s1 =	srdreg.scid  }
0x8b: {  	s0 =	sand.u32 $0x1, s1  }
0x8c: {  	s14 =	sshll.u32 s0, $0xA;
	s2 =	sadd.s32 s3, s2  }
0x8d: {  	s2 =	sadd.s32 s2, s14  }
0x8e: {  	[smem:$0x3FBE] =	sst s2  }
0x8f: {  	_ = 	snop  }
0x90: {  	s2 =	sld [smem:$0x3FD0];
	_ =	sdelay $0x2  }
0x91: {  	s15 =	simm.s32 $0xB;
	s4 =	simm.s32 $0x10  }
0x92: {  	[smem:s4], [sflag:s15] =	dma.local [hbm:s2], $0x1  }
0x93: {  	_ =	swait.eq [sflag:s15], $0x1  }
0x94: {  	[sflag:s15] =	ssyncset.done $0x0  }
0x95: {  	[sflag:s15] =	ssyncadd.s32 $0xFFFFFFFF  }
0x96: {  	s16 =	sld [smem:$0x10];
	(tm) =	ssettm $0x1  }
0x97: {  	s17 =	sld [smem:$0x3FFB];
	_ =	sdelay $0x3  }
0x98: {  	_ =	strace s17  }
0x99: {  	s3 =	sld [smem:$0x3FFC];
	_ =	sdelay $0x3  }
0x9a: {  	_ =	strace s3  }
0x9b: {  	s3 =	sld [smem:$0x3FFD];
	_ =	sdelay $0x3  }
0x9c: {  	_ =	strace s3  }
0x9d: {  	_ =	strace $0x8FFFFFFF  }
0x9e: {  	s18 =	sld [smem:$0x3FDB];
	_ =	sdelay $0x1  }
0x9f: {  	s19 =	simm.s32 $_scs_section_size  }
0xa0: {  	s5 =	simm.s32 $_size__tile_overlayer_lowered;
	s6 =	simm.s32 $_tile_overlayer_lowered  }
0xa1: {  	s22 =	simm.s32 $0x1BFF;
	s21 =	sshll.u32 s6, $0x1;
	s3 =	sadd.s32 s19, s18  }
0xa2: {  	s7 =	simm.s32 $0x0;
	s20 =	sshll.u32 s5, $0x1;
	s5 =	sadd.s32 s21, s3  }
0xa3: {  	[timem:s7], [sflag:s22] =	dma.local [hbm:s5], s20  }
0xa4: {  	_ =	swait.ge [sflag:s22], s20  }
0xa5: {  	s4 =	ssub.s32 $0x0, s20;
	[sflag:s22] =	ssyncset.done $0x0  }
0xa6: {  	[sflag:s22] =	ssyncadd.s32 s4;
	_ =	sdelay $0x1  }
0xa7: {  	s23 =	simm.s32 $0x1B8B  }
0xa8: {  	_ =	swait.ge [sflag:s23], $0x1  }
0xa9: {  	[sflag:s23] =	ssyncset.done $0x0  }
0xaa: {  	s25 =	simm.s32 $0x1B8E;
	s24 =	sld [smem:$0x3FFE];
	[sflag:s23] =	ssyncadd.s32 $0xFFFFFFFF  }
0xab: {  	s26 =	simm.s32 $execute0_lowered;
	[smem:$0x3FD2] =	sst s25  }
0xac: {  	s5 =	sshll.u32 s26, $0x1;
	_ =	strace $0x80000046;
	[dreg:$0x1] =	wrdreg $0xFFFFFFFF  }
0xad: {  	s28 =	simm.s32 $_size_execute0_lowered;
	s3 =	sadd.s32 s3, s5;
	[dreg:$0x0] =	wrdreg $0x0  }
0xae: {  	s5 =	sshll.u32 s28, $0x1;
	[dreg:$0x2] =	wrdreg s3  }
0xaf: {  	[dreg:$0x3] =	wrdreg s5  }
0xb0: {  	[dreg:$0x4] =	wrdreg $0xC0  }
0xb1: {  	_ =	task [dreg:s7], $0x5FFFF  }
0xb2: {  	[dreg:$0x1] =	wrdreg $0xFFFFFFFF  }
0xb3: {  	[dreg:$0x0] =	wrdreg $0x60  }
0xb4: {  	[dreg:$0x2] =	wrdreg s24  }
0xb5: {  	[dreg:$0x3] =	wrdreg s16  }
0xb6: {  	[dreg:$0x4] =	wrdreg $0xB2000  }
0xb7: {  	[dreg:$0x5] =	wrdreg $0xA  }
0xb8: {  	_ =	task.clear_ibuf [dreg:s7], $0x6FFFF;
	_ =	strace $0x90000046  }
0xb9: {  	s29 =	simm.s32 $0xA;
	_ =	strace $0x80000048  }
0xba: {  	_ =	swait.ge [sflag:s29], $0x1  }
0xbb: {  	[sflag:s29] =	ssyncadd.s32 $0xFFFFFFFF  }
0xbc: {  	_ =	strace $0x90000048  }
0xbd: {  	_ =	sfence  }
0xbe: {  	s30 =	sld [smem:$0x0];
	_ =	sdelay $0x2  }
0xbf: {  	s31 =	sshll.u32 s1, $0xD;
	s1 =	sshrl.u32 s1, $0x2  }
0xc0: {  	s3 =	sand.u32 $0x4000, s31;
	s1 =	sadd.s32 s1, s30  }
0xc1: {  	s0 =	sor.u32 s3, s0;
	s1 =	sshll.u32 s1, $0x11  }
0xc2: {  	s0 =	sor.u32 s1, s0  }
0xc3: {  	s0 =	sadd.s32 $0x8F2B, s0  }
0xc4: {  	[sflag:s0] =	ssyncadd.remote.s32 $0x1  }
0xc5: {  	_ =	sfence.sel $0xFFFF  }
0xc6: {  	[dreg:$0x0] =	wrdreg $0xFFFFFFFF;
	(pc) =	sbr.abs _section_cstart, $3  }
0xc7: {  	[dreg:$0x1] =	wrdreg $0xFFFFFFFF  }
0xc8: {  	_ =	task.clear_ibuf [dreg:s7], $0x2FFFF;
	_ =	strace $0x9FFFFFFF  }
0xc9: {  	(tm) =	ssettm $0x7FFFFFFF  }
tec
execute0_lowered:
.L_overlay_start_1:
0x0: {  	(tag) =	ssettag $0x1  }
0x1: {  	s0 =	rddreg [dreg:$0x0]  }
0x2: {  	s3 =	rddreg [dreg:$0x2];
	s11 =	stileid.u32  }
0x3: {  	s4 =	simm.s32 $0x0;
	s13 =	srdreg.scid;
	s28 =	simm.s32 $0x4  }
0x4: {  	s29 =	simm.s32 $0x80;
	s31 =	simm.s32 $0x3100;
	s30 =	simm.s32 $0x7200  }
0x5: {  	s1 =	sshrl.u32 s11, $0x3;
	[smem:$0x7FF] =	sst s4;
	s8 =	smul.u32 $0x50000, s11  }
0x6: {  	s2 =	sshll.u32 s11, $0x7;
	s5 =	sadd.s32 $0x4E00, s0;
	s15 =	smul.u32 $0x3400, s11  }
0x7: {  	s6 =	sadd.s32 $0xD4E00, s0;
	s7 =	sadd.s32 $0xCE600, s0;
	s1 =	smul.u32 $0x18800, s1  }
0x8: {  	_ =	strace $0x80000047;
	s2 =	sand.u32 $0x380, s2;
	s8 =	sshrl.u32 s8, $0x2  }
0x9: {  	s26 =	sshrl.u32 s15, $0x3;
	s1 =	sor.u32 s2, s1;
	s2 =	sand.u32 $0x1, s13  }
0xa: {  	s21 =	sadd.s32 s7, s26;
	s26 =	simm.s32 $0x3200;
	s1 =	sshrl.u32 s1, $0x3  }
0xb: {  	s9 =	ssub.s32 $0x2, s2;
	p0 =	seq.s32 s2, $0x1;
	s2 =	simm.s32 $0x2  }
0xc: {  	s1 =	sadd.s32 s1, s0;
	s10 =	sshrl.u32 s9, $0x1;
	s0 =	sadd.s32 $0x198400, s0  }
0xd: {  	[dreg:$0x4] =	wrdreg s0;
	s14 =	ssub.s32 s9, s10;
	s9 =	sadd.s32 s8, s3  }
0xe: {  	s20 =	sadd.s32 $0xC8400, s1;
	s0 =	simm.s32 $0x1;
	s1 =	simm.s32 $0x3  }
0xf: {  	s10 =	simm.s32 $0x0;
	s8 =	sadd.s32 $0x2000, s9;
	s22 =	sadd.s32 $0x4000, s9  }
0x10: {  	s23 =	sadd.s32 $0x6000, s9;
	s24 =	sadd.s32 $0x8000, s9;
	[dreg:$0x5] =	wrdreg s8  }
.Ltmp0:
0x11: {  	s25 =	sadd.s32 $0xA000, s9;
	[dreg:$0x6] =	wrdreg s22;
	(pc) =	sbr.rel .LBB2_1-.Ltmp0, $4  }
0x12: {  	s16 =	sadd.s32 $0xC000, s9;
	s17 =	sadd.s32 $0xE000, s9;
	[dreg:$0x7] =	wrdreg s23  }
0x13: {  	s18 =	sadd.s32 $0x10000, s9;
	s19 =	sadd.s32 $0x12000, s9;
	[dreg:$0x8] =	wrdreg s24  }
0x14: {  	[dreg:$0x9] =	wrdreg s25;
	s22 =	smul.u32 $0x2800, s11;
	s23 =	smax.u32 s14, $0x1  }
0x15: {  	v0 =	vimm.f32 $0.0e+00;
	s24 =	sadd.s32 $0x10, s21;
	s25 =	sadd.s32 $0x20, s21;
	s8 =	simm.s32 $0x3180  }
.LBB2_10:
0x16: {  	s11 =	rddreg [dreg:$0x4]  }
.LBB2_11:
0x17: {  	[spmem:s3] =	stream.indirect.scatter.add.f32 [tilespmem:s30], [sflag:$0x3], $0x80, s8, s29, $0xb8;
	[tilespmem:$0x1F200] =	vst v63  }
0x18: {  	s11 =	sadd.s32 s11, s22;
	s12 =	stileid.u32;
	_ =	swait.ge [sflag:s1], $0x4000  }
0x19: {  	s13 =	sshrl.u32 s9, $0x3;
	s10 =	sadd.s32 $0x1, s10;
	[sflag:s1] =	ssyncset.done $0x0  }
0x1a: {  	s12 =	sshll.u32 s12, $0x6;
	p1 =	sne.s32 s10, s23;
	[sflag:s1] =	ssyncadd.s32 $0xFFFFC000  }
.Ltmp1:
0x1b: {  	s12 =	sor.u32 $0x1C04, s12;
	[bflag:$0x0] =	sbarrier.arrive $0xFFFF;
	(pc) =	sbr.rel @!p1 .LBB2_12-.Ltmp1, $4  }
0x1c: {  	[hbm:s11], [sflag:s12] =	dma.local [spmem:s13], $0x2800  }
0x1d: {  	_ =	swait.ge [sflag:s28], $0x2800  }
0x1e: {  	[sflag:s28] =	ssyncset.done $0x0  }
0x1f: {  	[sflag:s28] =	ssyncadd.s32 $0xFFFFD800  }
.LBB2_1:
0x20: {  	s11 =	sand.u32 $0xFE00, s4  }
0x21: {  	s12 =	sand.u32 $0x70, s4;
	s13 =	sshrl.u32 s11, $0x2  }
0x22: {  	s11 =	simm.s32 $0x40;
	s13 =	sor.u32 s12, s13;
	s12 =	simm.s32 $0x0  }
.LBB2_2:
0x23: {  	p1 =	sne.s32 s11, $0xFFC0  }
0x24: {  	[tilespmem:s13+$0x3200] =	vst v0;
	s12 =	sadd.s32 $0x10, s12;
	s13 =	smov.u32 s11;
	s11 =	sadd.s32 $0x40, s11  }
.Ltmp2:
0x25: {  	(pc) =	sbr.rel @p1 .LBB2_2-.Ltmp2, $4  }
0x26: {  	_ = 	snop  }
0x27: {  	s13 =	sand.u32 $0xFE00, s13  }
0x28: {  	s14 =	sand.u32 $0x70, s12;
	s13 =	sshrl.u32 s13, $0x2  }
0x29: {  	s13 =	sor.u32 s14, s13  }
0x2a: {  	[tilespmem:s13+$0x3200] =	vst v0  }
0x2b: {  	[spmem:s9] =	stream.linear.scatter [tilespmem:s26], [sflag:$0x4], $0x2000, $0x38;
	[tilespmem:$0x1F200] =	vst v63  }
0x2c: {  	_ =	swait.ge [sflag:s28], $0x2000  }
0x2d: {  	[sflag:s28] =	ssyncset.done $0x0  }
0x2e: {  	s11 =	rddreg [dreg:$0x5];
	[sflag:s28] =	ssyncadd.s32 $0xFFFFE000  }
0x2f: {  	[spmem:s11] =	stream.linear.scatter [tilespmem:s26], [sflag:$0x4], $0x2000, $0x38;
	[tilespmem:$0x1F200] =	vst v63  }
0x30: {  	_ =	swait.ge [sflag:s28], $0x2000  }
0x31: {  	[sflag:s28] =	ssyncset.done $0x0  }
0x32: {  	s13 =	rddreg [dreg:$0x6];
	[sflag:s28] =	ssyncadd.s32 $0xFFFFE000  }
0x33: {  	[spmem:s13] =	stream.linear.scatter [tilespmem:s26], [sflag:$0x4], $0x2000, $0x38;
	[tilespmem:$0x1F200] =	vst v63  }
0x34: {  	_ =	swait.ge [sflag:s28], $0x2000  }
0x35: {  	[sflag:s28] =	ssyncset.done $0x0  }
0x36: {  	s14 =	rddreg [dreg:$0x7];
	[sflag:s28] =	ssyncadd.s32 $0xFFFFE000  }
0x37: {  	[spmem:s14] =	stream.linear.scatter [tilespmem:s26], [sflag:$0x4], $0x2000, $0x38;
	[tilespmem:$0x1F200] =	vst v63  }
0x38: {  	_ =	swait.ge [sflag:s28], $0x2000  }
0x39: {  	[sflag:s28] =	ssyncset.done $0x0  }
0x3a: {  	s12 =	rddreg [dreg:$0x8];
	[sflag:s28] =	ssyncadd.s32 $0xFFFFE000  }
0x3b: {  	[spmem:s12] =	stream.linear.scatter [tilespmem:s26], [sflag:$0x4], $0x2000, $0x38;
	[tilespmem:$0x1F200] =	vst v63  }
0x3c: {  	_ =	swait.ge [sflag:s28], $0x2000  }
0x3d: {  	[sflag:s28] =	ssyncset.done $0x0  }
0x3e: {  	s13 =	rddreg [dreg:$0x9];
	[sflag:s28] =	ssyncadd.s32 $0xFFFFE000  }
0x3f: {  	[spmem:s13] =	stream.linear.scatter [tilespmem:s26], [sflag:$0x4], $0x2000, $0x38;
	[tilespmem:$0x1F200] =	vst v63  }
0x40: {  	_ =	swait.ge [sflag:s28], $0x2000  }
0x41: {  	[sflag:s28] =	ssyncset.done $0x0  }
0x42: {  	[sflag:s28] =	ssyncadd.s32 $0xFFFFE000  }
0x43: {  	[spmem:s16] =	stream.linear.scatter [tilespmem:s26], [sflag:$0x4], $0x2000, $0x38;
	[tilespmem:$0x1F200] =	vst v63  }
0x44: {  	_ =	swait.ge [sflag:s28], $0x2000  }
0x45: {  	[sflag:s28] =	ssyncset.done $0x0  }
0x46: {  	[sflag:s28] =	ssyncadd.s32 $0xFFFFE000  }
0x47: {  	[spmem:s17] =	stream.linear.scatter [tilespmem:s26], [sflag:$0x4], $0x2000, $0x38;
	[tilespmem:$0x1F200] =	vst v63  }
0x48: {  	_ =	swait.ge [sflag:s28], $0x2000  }
0x49: {  	[sflag:s28] =	ssyncset.done $0x0  }
0x4a: {  	[sflag:s28] =	ssyncadd.s32 $0xFFFFE000  }
0x4b: {  	[spmem:s18] =	stream.linear.scatter [tilespmem:s26], [sflag:$0x4], $0x2000, $0x38;
	[tilespmem:$0x1F200] =	vst v63  }
0x4c: {  	_ =	swait.ge [sflag:s28], $0x2000  }
0x4d: {  	[sflag:s28] =	ssyncset.done $0x0  }
0x4e: {  	[sflag:s28] =	ssyncadd.s32 $0xFFFFE000  }
0x4f: {  	[spmem:s19] =	stream.linear.scatter [tilespmem:s26], [sflag:$0x4], $0x2000, $0x38;
	[tilespmem:$0x1F200] =	vst v63  }
0x50: {  	_ =	swait.ge [sflag:s28], $0x2000  }
0x51: {  	[sflag:s28] =	ssyncset.done $0x0  }
0x52: {  	[sflag:s28] =	ssyncadd.s32 $0xFFFFE000  }
0x53: {  	s14 =	simm.s32 $0x400;
	[bflag:$0x0] =	sbarrier.arrive $0xFFFF  }
0x54: {  	[tilespmem:s4], [sflag:$0x4] =	stream.strided.gather [hbm4b:s20+s29], $0x3100, s14, s29, $0x38;
	[tilespmem:$0x1F200] =	vst v63  }
.Ltmp3:
0x55: {  	_ = 	snop;
	(pc) =	sbr.rel @!p0 .LBB2_4-.Ltmp3, $4  }
0x56: {  	_ =	swait.ge [sflag:s28], $0x3100  }
0x57: {  	[sflag:s28] =	ssyncset.done $0x0  }
0x58: {  	[sflag:s28] =	ssyncadd.s32 $0xFFFFCF00  }
0x59: {  	[tilespmem:s31], [sflag:$0x2] =	stream.linear.gather [hbm4b:s21+s4], $0x80, $0x38;
	[tilespmem:$0x1F200] =	vst v63  }
0x5a: {  	[tilespmem:s26], [sflag:$0x1] =	stream.indirect.gather [hbm4b:s6+s29], $0x80, s4, s29, $0xb8;
	[tilespmem:$0x1F200] =	vst v63  }
0x5b: {  	_ =	swait.ge [sflag:s0], $0x4000  }
0x5c: {  	[sflag:s0] =	ssyncset.done $0x0  }
0x5d: {  	[sflag:s0] =	ssyncadd.s32 $0xFFFFC000  }
0x5e: {  	_ =	swait.ge [sflag:s2], $0x80  }
0x5f: {  	[sflag:s2] =	ssyncset.done $0x0  }
0x60: {  	[sflag:s2] =	ssyncadd.s32 $0xFFFFFF80  }
0x61: {  	[tilespmem:s8], [sflag:$0x2] =	stream.linear.gather [hbm4b:s24+s4], $0x80, $0x38;
	[tilespmem:$0x1F200] =	vst v63  }
0x62: {  	_ = 	snop  }
0x63: {  	[tilespmem:s30], [sflag:$0x1] =	stream.indirect.gather [hbm4b:s6+s29], $0x80, s29, s29, $0xb8;
	[tilespmem:$0x1F200] =	vst v63  }
0x64: {  	_ = 	snop  }
0x65: {  	[spmem:s3] =	stream.indirect.scatter.add.f32 [tilespmem:s26], [sflag:$0x3], $0x80, s31, s29, $0xb8;
	[tilespmem:$0x1F200] =	vst v63  }
0x66: {  	_ =	swait.ge [sflag:s0], $0x4000  }
0x67: {  	[sflag:s0] =	ssyncset.done $0x0  }
0x68: {  	[sflag:s0] =	ssyncadd.s32 $0xFFFFC000  }
0x69: {  	_ =	swait.ge [sflag:s2], $0x80  }
0x6a: {  	[sflag:s2] =	ssyncset.done $0x0  }
0x6b: {  	[sflag:s2] =	ssyncadd.s32 $0xFFFFFF80  }
0x6c: {  	_ =	swait.ge [sflag:s1], $0x4000  }
0x6d: {  	[sflag:s1] =	ssyncset.done $0x0  }
0x6e: {  	[sflag:s1] =	ssyncadd.s32 $0xFFFFC000  }
0x6f: {  	[tilespmem:s31], [sflag:$0x2] =	stream.linear.gather [hbm4b:s25+s4], $0x80, $0x38;
	[tilespmem:$0x1F200] =	vst v63  }
0x70: {  	s11 =	simm.s32 $0x100  }
0x71: {  	[tilespmem:s26], [sflag:$0x1] =	stream.indirect.gather [hbm4b:s6+s29], $0x80, s11, s29, $0xb8;
	[tilespmem:$0x1F200] =	vst v63  }
0x72: {  	s12 =	simm.s32 $0x180;
	s11 =	simm.s32 $0x200  }
0x73: {  	[spmem:s3] =	stream.indirect.scatter.add.f32 [tilespmem:s30], [sflag:$0x3], $0x80, s8, s29, $0xb8;
	[tilespmem:$0x1F200] =	vst v63  }
.LBB2_9:
0x74: {  	_ =	swait.ge [sflag:s0], $0x4000  }
0x75: {  	[sflag:s0] =	ssyncset.done $0x0  }
0x76: {  	[sflag:s0] =	ssyncadd.s32 $0xFFFFC000  }
0x77: {  	s13 =	sadd.s32 $0xFFFFFF00, s11;
	_ =	swait.ge [sflag:s2], $0x80  }
0x78: {  	s14 =	sadd.s32 $0xFFFFFF80, s11;
	s13 =	sand.u32 $0x3C00, s13;
	[sflag:s2] =	ssyncset.done $0x0  }
0x79: {  	s14 =	sand.u32 $0x380, s14;
	s13 =	sadd.s32 s15, s13;
	[sflag:s2] =	ssyncadd.s32 $0xFFFFFF80  }
0x7a: {  	s13 =	sor.u32 s13, s14;
	_ =	swait.ge [sflag:s1], $0x4000  }
0x7b: {  	s13 =	sshrl.u32 s13, $0x3;
	[sflag:s1] =	ssyncset.done $0x0  }
0x7c: {  	s13 =	sadd.s32 s7, s13;
	[sflag:s1] =	ssyncadd.s32 $0xFFFFC000  }
0x7d: {  	[tilespmem:s8], [sflag:$0x2] =	stream.linear.gather [hbm4b:s13+s4], $0x80, $0x38;
	[tilespmem:$0x1F200] =	vst v63  }
0x7e: {  	_ = 	snop  }
0x7f: {  	[tilespmem:s30], [sflag:$0x1] =	stream.indirect.gather [hbm4b:s6+s29], $0x80, s12, s29, $0xb8;
	[tilespmem:$0x1F200] =	vst v63  }
0x80: {  	_ = 	snop  }
0x81: {  	[spmem:s3] =	stream.indirect.scatter.add.f32 [tilespmem:s26], [sflag:$0x3], $0x80, s31, s29, $0xb8;
	[tilespmem:$0x1F200] =	vst v63  }
0x82: {  	_ =	swait.ge [sflag:s0], $0x4000  }
0x83: {  	[sflag:s0] =	ssyncset.done $0x0  }
0x84: {  	[sflag:s0] =	ssyncadd.s32 $0xFFFFC000  }
0x85: {  	p1 =	seq.s32 s11, $0x3100;
	_ =	swait.ge [sflag:s2], $0x80  }
.Ltmp4:
0x86: {  	[sflag:s2] =	ssyncset.done $0x0;
	(pc) =	sbr.rel @p1 .LBB2_10-.Ltmp4, $4  }
0x87: {  	[sflag:s2] =	ssyncadd.s32 $0xFFFFFF80  }
0x88: {  	_ =	swait.ge [sflag:s1], $0x4000  }
0x89: {  	[sflag:s1] =	ssyncset.done $0x0  }
0x8a: {  	[sflag:s1] =	ssyncadd.s32 $0xFFFFC000  }
0x8b: {  	s13 =	sand.u32 $0x7C00, s11  }
0x8c: {  	s14 =	sand.u32 $0x300, s11;
	s13 =	sadd.s32 s15, s13  }
0x8d: {  	s13 =	sor.u32 s14, s13  }
0x8e: {  	s13 =	sshrl.u32 s13, $0x3  }
0x8f: {  	s13 =	sadd.s32 s7, s13  }
0x90: {  	[tilespmem:s31], [sflag:$0x2] =	stream.linear.gather [hbm4b:s13+s4], $0x80, $0x38;
	[tilespmem:$0x1F200] =	vst v63  }
.Ltmp5:
0x91: {  	_ = 	snop;
	(pc) =	sbr.rel .LBB2_9-.Ltmp5, $4  }
0x92: {  	s14 =	sadd.s32 $0x80, s12  }
0x93: {  	[tilespmem:s26], [sflag:$0x1] =	stream.indirect.gather [hbm4b:s6+s29], $0x80, s14, s29, $0xb8;
	[tilespmem:$0x1F200] =	vst v63  }
0x94: {  	s11 =	sadd.s32 $0x100, s11;
	s12 =	sadd.s32 $0x100, s12  }
0x95: {  	[spmem:s3] =	stream.indirect.scatter.add.f32 [tilespmem:s30], [sflag:$0x3], $0x80, s8, s29, $0xb8;
	[tilespmem:$0x1F200] =	vst v63  }
.LBB2_4:
0x96: {  	[tilespmem:s26], [sflag:$0x1] =	stream.indirect.gather [hbm4b:s5+s29], $0x80, s4, s29, $0xb8;
	[tilespmem:$0x1F200] =	vst v63  }
0x97: {  	_ =	swait.ge [sflag:s0], $0x4000  }
0x98: {  	[sflag:s0] =	ssyncset.done $0x0  }
0x99: {  	[sflag:s0] =	ssyncadd.s32 $0xFFFFC000  }
0x9a: {  	_ =	swait.ge [sflag:s2], $0x80  }
0x9b: {  	[sflag:s2] =	ssyncset.done $0x0  }
0x9c: {  	[sflag:s2] =	ssyncadd.s32 $0xFFFFFF80  }
0x9d: {  	[tilespmem:s8], [sflag:$0x2] =	stream.linear.gather [hbm4b:s24+s4], $0x80, $0x38;
	[tilespmem:$0x1F200] =	vst v63  }
0x9e: {  	_ = 	snop  }
0x9f: {  	[tilespmem:s30], [sflag:$0x1] =	stream.indirect.gather [hbm4b:s5+s29], $0x80, s29, s29, $0xb8;
	[tilespmem:$0x1F200] =	vst v63  }
0xa0: {  	_ = 	snop  }
0xa1: {  	[spmem:s3] =	stream.indirect.scatter.add.f32 [tilespmem:s26], [sflag:$0x3], $0x80, s31, s29, $0xb8;
	[tilespmem:$0x1F200] =	vst v63  }
0xa2: {  	_ =	swait.ge [sflag:s0], $0x4000  }
0xa3: {  	[sflag:s0] =	ssyncset.done $0x0  }
0xa4: {  	[sflag:s0] =	ssyncadd.s32 $0xFFFFC000  }
0xa5: {  	_ =	swait.ge [sflag:s2], $0x80  }
0xa6: {  	[sflag:s2] =	ssyncset.done $0x0  }
0xa7: {  	[sflag:s2] =	ssyncadd.s32 $0xFFFFFF80  }
0xa8: {  	_ =	swait.ge [sflag:s1], $0x4000  }
0xa9: {  	[sflag:s1] =	ssyncset.done $0x0  }
0xaa: {  	[sflag:s1] =	ssyncadd.s32 $0xFFFFC000  }
0xab: {  	[tilespmem:s31], [sflag:$0x2] =	stream.linear.gather [hbm4b:s25+s4], $0x80, $0x38;
	[tilespmem:$0x1F200] =	vst v63  }
0xac: {  	s11 =	simm.s32 $0x100  }
0xad: {  	[tilespmem:s26], [sflag:$0x1] =	stream.indirect.gather [hbm4b:s5+s29], $0x80, s11, s29, $0xb8;
	[tilespmem:$0x1F200] =	vst v63  }
0xae: {  	s12 =	simm.s32 $0x180;
	s11 =	simm.s32 $0x200  }
0xaf: {  	[spmem:s3] =	stream.indirect.scatter.add.f32 [tilespmem:s30], [sflag:$0x3], $0x80, s8, s29, $0xb8;
	[tilespmem:$0x1F200] =	vst v63  }
.LBB2_5:
0xb0: {  	_ =	swait.ge [sflag:s0], $0x4000  }
0xb1: {  	[sflag:s0] =	ssyncset.done $0x0  }
0xb2: {  	[sflag:s0] =	ssyncadd.s32 $0xFFFFC000  }
0xb3: {  	s13 =	sadd.s32 $0xFFFFFF00, s11;
	_ =	swait.ge [sflag:s2], $0x80  }
0xb4: {  	s14 =	sadd.s32 $0xFFFFFF80, s11;
	s13 =	sand.u32 $0x3C00, s13;
	[sflag:s2] =	ssyncset.done $0x0  }
0xb5: {  	s14 =	sand.u32 $0x380, s14;
	s13 =	sadd.s32 s15, s13;
	[sflag:s2] =	ssyncadd.s32 $0xFFFFFF80  }
0xb6: {  	s13 =	sor.u32 s13, s14;
	_ =	swait.ge [sflag:s1], $0x4000  }
0xb7: {  	s13 =	sshrl.u32 s13, $0x3;
	[sflag:s1] =	ssyncset.done $0x0  }
0xb8: {  	s13 =	sadd.s32 s7, s13;
	[sflag:s1] =	ssyncadd.s32 $0xFFFFC000  }
0xb9: {  	[tilespmem:s8], [sflag:$0x2] =	stream.linear.gather [hbm4b:s13+s4], $0x80, $0x38;
	[tilespmem:$0x1F200] =	vst v63  }
0xba: {  	_ = 	snop  }
0xbb: {  	[tilespmem:s30], [sflag:$0x1] =	stream.indirect.gather [hbm4b:s5+s29], $0x80, s12, s29, $0xb8;
	[tilespmem:$0x1F200] =	vst v63  }
0xbc: {  	_ = 	snop  }
0xbd: {  	[spmem:s3] =	stream.indirect.scatter.add.f32 [tilespmem:s26], [sflag:$0x3], $0x80, s31, s29, $0xb8;
	[tilespmem:$0x1F200] =	vst v63  }
0xbe: {  	_ =	swait.ge [sflag:s0], $0x4000  }
0xbf: {  	[sflag:s0] =	ssyncset.done $0x0  }
0xc0: {  	[sflag:s0] =	ssyncadd.s32 $0xFFFFC000  }
0xc1: {  	p1 =	seq.s32 s11, $0x3100;
	_ =	swait.ge [sflag:s2], $0x80  }
.Ltmp6:
0xc2: {  	[sflag:s2] =	ssyncset.done $0x0;
	(pc) =	sbr.rel @p1 .LBB2_6-.Ltmp6, $4  }
0xc3: {  	[sflag:s2] =	ssyncadd.s32 $0xFFFFFF80  }
0xc4: {  	_ =	swait.ge [sflag:s1], $0x4000  }
0xc5: {  	[sflag:s1] =	ssyncset.done $0x0  }
0xc6: {  	[sflag:s1] =	ssyncadd.s32 $0xFFFFC000  }
0xc7: {  	s13 =	sand.u32 $0x7C00, s11  }
0xc8: {  	s14 =	sand.u32 $0x300, s11;
	s13 =	sadd.s32 s15, s13  }
0xc9: {  	s13 =	sor.u32 s14, s13  }
0xca: {  	s13 =	sshrl.u32 s13, $0x3  }
0xcb: {  	s13 =	sadd.s32 s7, s13  }
0xcc: {  	[tilespmem:s31], [sflag:$0x2] =	stream.linear.gather [hbm4b:s13+s4], $0x80, $0x38;
	[tilespmem:$0x1F200] =	vst v63  }
.Ltmp7:
0xcd: {  	_ = 	snop;
	(pc) =	sbr.rel .LBB2_5-.Ltmp7, $4  }
0xce: {  	s14 =	sadd.s32 $0x80, s12  }
0xcf: {  	[tilespmem:s26], [sflag:$0x1] =	stream.indirect.gather [hbm4b:s5+s29], $0x80, s14, s29, $0xb8;
	[tilespmem:$0x1F200] =	vst v63  }
0xd0: {  	s11 =	sadd.s32 $0x100, s11;
	s12 =	sadd.s32 $0x100, s12  }
0xd1: {  	[spmem:s3] =	stream.indirect.scatter.add.f32 [tilespmem:s30], [sflag:$0x3], $0x80, s8, s29, $0xb8;
	[tilespmem:$0x1F200] =	vst v63  }
.LBB2_6:
.Ltmp8:
0xd2: {  	(pc) =	sbr.rel .LBB2_11-.Ltmp8, $2  }
0xd3: {  	_ =	sdelay $0x2  }
0xd4: {  	s11 =	rddreg [dreg:$0x1]  }
.LBB2_12:
0xd5: {  	_ =	sfence.sel $0x180000  }
0xd6: {  	[bflag:$0x0] =	sbarrier.arrive $0xFFFF  }
0xd7: {  	_ =	strace $0x90000047  }
0xd8: {  	s0 =	stileid.u32;
	[bflag:$0x2] =	sbarrier.arrive $0xFFFF  }
0xd9: {  	p0 =	sne.s32 s0, $0x0;
	s0 =	rddreg [dreg:$0x3]  }
0xda: {  	s0 =	sadd.s32 @!p0 $0x100000, s0  }
0xdb: {  	[sflag:s0] =	ssyncadd.tile.s32 @!p0 $0x1;
	_ =	shalt  }
.Lfunc_end2:
_tile_overlayer_lowered:
.L_overlay_start_2:
0xdc: {  	(tag) =	ssettag $0x2  }
0xdd: {  	s0 =	rddreg [dreg:$0x0];
	s2 =	stileid.u32  }
0xde: {  	s1 =	rddreg [dreg:$0x1];
	p0 =	sne.s32 s2, $0x0  }
0xdf: {  	s3 =	rddreg [dreg:$0x2];
	[bflag:$0x3] =	sbarrier.arrive $0xFFFF;
	s2 =	simm.s32 @!p0 $0x1C04  }
0xe0: {  	[timem:s3], [sflag:s2] =	dma.local @!p0 [hbm:s0], s1  }
0xe1: {  	s0 =	simm.s32 @!p0 $0x4  }
0xe2: {  	_ =	swait.ge @!p0 [sflag:s0], s1  }
0xe3: {  	s1 =	ssub.s32 @!p0 $0x0, s1;
	[sflag:s0] =	ssyncset.done @!p0 $0x0  }
0xe4: {  	[sflag:s0] =	ssyncadd.s32 @!p0 s1  }
0xe5: {  	[bflag:$0x3] =	sbarrier.arrive $0xFFFF  }
0xe6: {  	_ =	shalt  }

// kernel: kernel.15.cloned.1.call-start
scs
__scs_entry_jumppad:
0x0: {  	(pc) =	sbr.rel $0x88, $3  }
0x1: {  	(tag) =	ssettag $0x0;
	lr =	simm.s32 $0x1  }
0x2: {  	[smem:$0x3F97] =	sst lr;
	_ =	strace $0xD0000000  }
0x3: {  	_ = 	snop  }
0x4: {  	_ = 	snop  }
0x5: {  	_ = 	snop  }
0x6: {  	_ = 	snop  }
0x7: {  	_ = 	snop  }
__scs_overlays_trampoline_lowered:
0x8: {  	[smem:$0x3FA6] =	sst s0  }
0x9: {  	[smem:$0x3FA7] =	sst s1  }
0xa: {  	[smem:$0x3FA8] =	sst s2  }
0xb: {  	[smem:$0x3FA9] =	sst s3  }
0xc: {  	[smem:$0x3FAA] =	sst s4  }
0xd: {  	[smem:$0x3FAB] =	sst s5  }
0xe: {  	[smem:$0x3FAC] =	sst s6  }
0xf: {  	[smem:$0x3FAD] =	sst s7  }
0x10: {  	[smem:$0x3FAE] =	sst s8  }
0x11: {  	[smem:$0x3FAF] =	sst s9;
	s0 =	simm.s32 @!p0 $0x0  }
0x12: {  	s1 =	sld [smem:$0x3F95];
	s0 =	simm.s32 @p0 $0x1  }
0x13: {  	[smem:$0x3FB0] =	sst s0;
	s0 =	simm.s32 @!p1 $0x0  }
0x14: {  	s2 =	sld [smem:$0x3F94];
	s0 =	simm.s32 @p1 $0x1  }
0x15: {  	[smem:$0x3FB1] =	sst s0;
	s0 =	simm.s32 @!p2 $0x0  }
0x16: {  	s3 =	sld [smem:$0x3FDB];
	s0 =	simm.s32 @p2 $0x1  }
0x17: {  	s4 =	simm.s32 $0x1BF5;
	[smem:$0x3FB3] =	sst s0  }
0x18: {  	s0 =	sld [smem:$0x3F96];
	_ =	swait.ge [sflag:s4], $0x0  }
0x19: {  	s7 =	sld [smem:$0x3F97]  }
0x1a: {  	s8 =	sadd.s32 $0xFFFFE003, lr  }
0x1b: {  	s9 =	sadd.s32 $0xFFFFFEF7, lr;
	s5 =	simm.s32 $0xFFFFFFFF;
	p2 =	slt.u32 s8, $0xFFFFF086  }
0x1c: {  	p1 =	slt.u32 s9, $0xF7A;
	s5 =	simm.s32 @!p2 $0x0  }
0x1d: {  	s5 =	simm.s32 @p1 $0x1;
	p0 =	seq.s32 s7, s2  }
0x1e: {  	s7 =	smul.u32 @!p0 $0xF7A, s2;
	p2 =	seq.s32 @!p0 s5, $0x0  }
0x1f: {  	s9 =	smul.u32 $0xF7A, s1;
	s8 =	simm.s32 @!p0 $0x1BF5;
	p2 =	por !p2, p0  }
0x20: {  	[sflag:s8] =	ssyncset.s32 @!p0 $0xFFFFF086;
	s6 =	sadd.s32 @!p0 s3, s7;
	s7 =	simm.s32 @!p0 $0x108  }
0x21: {  	s3 =	sadd.s32 s3, s9;
	s6 =	sadd.s32 @!p0 $0x88, s6;
	s7 =	simm.s32 @p2 $0x1082  }
0x22: {  	[simem:s7], [sflag:s8] =	dma.local @!p0 [hbm:s6], $0xF7A  }
0x23: {  	s9 =	sor.u32 $0xD0000000, s2;
	s6 =	simm.s32 $0x108;
	_ =	swait.ge @!p0 [sflag:s8], $0x0  }
0x24: {  	s3 =	sadd.s32 $0x88, s3;
	s6 =	simm.s32 @!p1 $0x1082;
	[sflag:s4] =	ssyncset.s32 $0xFFFFF086  }
0x25: {  	[simem:s6], [sflag:s4] =	dma.local [hbm:s3], $0xF7A  }
0x26: {  	[smem:$0x3F97] =	sst s1;
	(tag) =	ssettag s2;
	_ =	strace s9  }
0x27: {  	s1 =	sld [smem:$0x3FA7]  }
0x28: {  	s2 =	sld [smem:$0x3FA8]  }
0x29: {  	s4 =	sld [smem:$0x3FAA]  }
0x2a: {  	p0 =	seq.s32 s5, $0x0;
	s5 =	sld [smem:$0x3FAB]  }
0x2b: {  	s6 =	sld [smem:$0x3FAC]  }
0x2c: {  	s7 =	sld [smem:$0x3FAD]  }
0x2d: {  	s3 =	simm.s32 $0x108;
	s8 =	sld [smem:$0x3FAE]  }
0x2e: {  	s3 =	simm.s32 @!p0 $0x1082;
	s9 =	sld [smem:$0x3FAF]  }
0x2f: {  	lr =	sadd.s32 s0, s3;
	s0 =	sld [smem:$0x3FA6]  }
0x30: {  	s3 =	sld [smem:$0x3FA9]  }
0x31: {  	[smem:$0x3FB2] =	sst s10  }
0x32: {  	s10 =	sld [smem:$0x3FB0];
	_ =	sdelay $0x3  }
0x33: {  	p0 =	seq.s32 s10, $0x1;
	s10 =	sld [smem:$0x3FB2];
	_ =	sdelay $0x3  }
0x34: {  	[smem:$0x3FB2] =	sst s10  }
0x35: {  	s10 =	sld [smem:$0x3FB1];
	_ =	sdelay $0x3  }
0x36: {  	p1 =	seq.s32 s10, $0x1;
	s10 =	sld [smem:$0x3FB2];
	_ =	sdelay $0x3  }
0x37: {  	[smem:$0x3FB2] =	sst s10  }
0x38: {  	s10 =	sld [smem:$0x3FB3]  }
0x39: {  	_ = 	snop;
	(pc) =	sbr.ind lr, $3  }
0x3a: {  	_ = 	snop  }
0x3b: {  	_ = 	snop  }
0x3c: {  	p2 =	seq.s32 s10, $0x1;
	s10 =	sld [smem:$0x3FB2]  }
0x3d: {  	_ =	shalt  }
0x3e: {  	_ =	shalt  }
0x3f: {  	_ =	shalt  }
0x40: {  	_ =	shalt  }
0x41: {  	_ =	shalt  }
0x42: {  	_ =	shalt  }
0x43: {  	_ =	shalt  }
0x44: {  	_ =	shalt  }
0x45: {  	_ =	shalt  }
0x46: {  	_ =	shalt  }
0x47: {  	_ =	shalt  }
0x48: {  	_ =	shalt  }
0x49: {  	_ =	shalt  }
0x4a: {  	_ =	shalt  }
0x4b: {  	_ =	shalt  }
0x4c: {  	_ =	shalt  }
0x4d: {  	_ =	shalt  }
0x4e: {  	_ =	shalt  }
0x4f: {  	_ =	shalt  }
0x50: {  	_ =	shalt  }
0x51: {  	_ =	shalt  }
0x52: {  	_ =	shalt  }
0x53: {  	_ =	shalt  }
0x54: {  	_ =	shalt  }
0x55: {  	_ =	shalt  }
0x56: {  	_ =	shalt  }
0x57: {  	_ =	shalt  }
0x58: {  	_ =	shalt  }
0x59: {  	_ =	shalt  }
0x5a: {  	_ =	shalt  }
0x5b: {  	_ =	shalt  }
0x5c: {  	_ =	shalt  }
0x5d: {  	_ =	shalt  }
0x5e: {  	_ =	shalt  }
0x5f: {  	_ =	shalt  }
0x60: {  	_ =	shalt  }
0x61: {  	_ =	shalt  }
0x62: {  	_ =	shalt  }
0x63: {  	_ =	shalt  }
0x64: {  	_ =	shalt  }
0x65: {  	_ =	shalt  }
0x66: {  	_ =	shalt  }
0x67: {  	_ =	shalt  }
0x68: {  	_ =	shalt  }
0x69: {  	_ =	shalt  }
0x6a: {  	_ =	shalt  }
0x6b: {  	_ =	shalt  }
0x6c: {  	_ =	shalt  }
0x6d: {  	_ =	shalt  }
0x6e: {  	_ =	shalt  }
0x6f: {  	_ =	shalt  }
0x70: {  	_ =	shalt  }
0x71: {  	_ =	shalt  }
0x72: {  	_ =	shalt  }
0x73: {  	_ =	shalt  }
0x74: {  	_ =	shalt  }
0x75: {  	_ =	shalt  }
0x76: {  	_ =	shalt  }
0x77: {  	_ =	shalt  }
0x78: {  	_ =	shalt  }
0x79: {  	_ =	shalt  }
0x7a: {  	_ =	shalt  }
0x7b: {  	_ =	shalt  }
0x7c: {  	_ =	shalt  }
0x7d: {  	_ =	shalt  }
0x7e: {  	_ =	shalt  }
0x7f: {  	_ =	shalt  }
0x80: {  	_ =	shalt  }
0x81: {  	_ =	shalt  }
0x82: {  	_ =	shalt  }
0x83: {  	_ =	shalt  }
0x84: {  	_ =	shalt  }
0x85: {  	_ =	shalt  }
0x86: {  	_ =	shalt  }
0x87: {  	_ =	shalt  }
.Lfunc_end0:
.L_simem_size_0:
called_computation.2_lowered:
.L_overlay_start_0:
0x88: {  	s2 =	sld [smem:$0x3FD9]  }
0x89: {  	s3 =	sld [smem:$0x3FFE];
	_ =	sdelay $0x1  }
0x8a: {  	s1 =	srdreg.scid  }
0x8b: {  	s0 =	sand.u32 $0x1, s1  }
0x8c: {  	s14 =	sshll.u32 s0, $0xA;
	s2 =	sadd.s32 s3, s2  }
0x8d: {  	s2 =	sadd.s32 s2, s14  }
0x8e: {  	[smem:$0x3FBE] =	sst s2  }
0x8f: {  	_ = 	snop  }
0x90: {  	s2 =	sld [smem:$0x3FD0];
	_ =	sdelay $0x2  }
0x91: {  	s15 =	simm.s32 $0xB;
	s4 =	simm.s32 $0x10  }
0x92: {  	[smem:s4], [sflag:s15] =	dma.local [hbm:s2], $0x1  }
0x93: {  	_ =	swait.eq [sflag:s15], $0x1  }
0x94: {  	[sflag:s15] =	ssyncset.done $0x0  }
0x95: {  	[sflag:s15] =	ssyncadd.s32 $0xFFFFFFFF  }
0x96: {  	s16 =	sld [smem:$0x10];
	(tm) =	ssettm $0x1  }
0x97: {  	s17 =	sld [smem:$0x3FFB];
	_ =	sdelay $0x3  }
0x98: {  	_ =	strace s17  }
0x99: {  	s3 =	sld [smem:$0x3FFC];
	_ =	sdelay $0x3  }
0x9a: {  	_ =	strace s3  }
0x9b: {  	s3 =	sld [smem:$0x3FFD];
	_ =	sdelay $0x3  }
0x9c: {  	_ =	strace s3  }
0x9d: {  	_ =	strace $0x8FFFFFFF  }
0x9e: {  	s18 =	sld [smem:$0x3FDB];
	_ =	sdelay $0x1  }
0x9f: {  	s19 =	simm.s32 $_scs_section_size  }
0xa0: {  	s5 =	simm.s32 $_size__tile_overlayer_lowered;
	s6 =	simm.s32 $_tile_overlayer_lowered  }
0xa1: {  	s22 =	simm.s32 $0x1BFF;
	s21 =	sshll.u32 s6, $0x1;
	s3 =	sadd.s32 s19, s18  }
0xa2: {  	s7 =	simm.s32 $0x0;
	s20 =	sshll.u32 s5, $0x1;
	s5 =	sadd.s32 s21, s3  }
0xa3: {  	[timem:s7], [sflag:s22] =	dma.local [hbm:s5], s20  }
0xa4: {  	_ =	swait.ge [sflag:s22], s20  }
0xa5: {  	s4 =	ssub.s32 $0x0, s20;
	[sflag:s22] =	ssyncset.done $0x0  }
0xa6: {  	[sflag:s22] =	ssyncadd.s32 s4;
	_ =	sdelay $0x1  }
0xa7: {  	s23 =	simm.s32 $0x1B8B  }
0xa8: {  	_ =	swait.ge [sflag:s23], $0x1  }
0xa9: {  	[sflag:s23] =	ssyncset.done $0x0  }
0xaa: {  	s25 =	simm.s32 $0x1B8E;
	s24 =	sld [smem:$0x3FFE];
	[sflag:s23] =	ssyncadd.s32 $0xFFFFFFFF  }
0xab: {  	s26 =	simm.s32 $execute0_lowered;
	[smem:$0x3FD2] =	sst s25  }
0xac: {  	s5 =	sshll.u32 s26, $0x1;
	_ =	strace $0x8000004C;
	[dreg:$0x1] =	wrdreg $0xFFFFFFFF  }
0xad: {  	s28 =	simm.s32 $_size_execute0_lowered;
	s3 =	sadd.s32 s3, s5;
	[dreg:$0x0] =	wrdreg $0x0  }
0xae: {  	s5 =	sshll.u32 s28, $0x1;
	[dreg:$0x2] =	wrdreg s3  }
0xaf: {  	[dreg:$0x3] =	wrdreg s5  }
0xb0: {  	[dreg:$0x4] =	wrdreg $0xC0  }
0xb1: {  	_ =	task [dreg:s7], $0x5FFFF  }
0xb2: {  	[dreg:$0x1] =	wrdreg $0xFFFFFFFF  }
0xb3: {  	[dreg:$0x0] =	wrdreg $0x60  }
0xb4: {  	[dreg:$0x2] =	wrdreg s16  }
0xb5: {  	[dreg:$0x3] =	wrdreg s24  }
0xb6: {  	[dreg:$0x4] =	wrdreg $0xC0000  }
0xb7: {  	[dreg:$0x5] =	wrdreg $0x9  }
0xb8: {  	_ =	task.clear_ibuf [dreg:s7], $0x6FFFF;
	_ =	strace $0x9000004C  }
0xb9: {  	s29 =	simm.s32 $0x9;
	_ =	strace $0x8000004E  }
0xba: {  	_ =	swait.ge [sflag:s29], $0x1  }
0xbb: {  	[sflag:s29] =	ssyncadd.s32 $0xFFFFFFFF  }
0xbc: {  	_ =	strace $0x9000004E  }
0xbd: {  	_ =	sfence  }
0xbe: {  	s30 =	sld [smem:$0x0];
	_ =	sdelay $0x2  }
0xbf: {  	s31 =	sshll.u32 s1, $0xD;
	s1 =	sshrl.u32 s1, $0x2  }
0xc0: {  	s3 =	sand.u32 $0x4000, s31;
	s1 =	sadd.s32 s1, s30  }
0xc1: {  	s0 =	sor.u32 s3, s0;
	s1 =	sshll.u32 s1, $0x11  }
0xc2: {  	s0 =	sor.u32 s1, s0  }
0xc3: {  	s0 =	sadd.s32 $0x8F2B, s0  }
0xc4: {  	[sflag:s0] =	ssyncadd.remote.s32 $0x1  }
0xc5: {  	_ =	sfence.sel $0xFFFF  }
0xc6: {  	[dreg:$0x0] =	wrdreg $0xFFFFFFFF;
	(pc) =	sbr.abs _section_cstart, $3  }
0xc7: {  	[dreg:$0x1] =	wrdreg $0xFFFFFFFF  }
0xc8: {  	_ =	task.clear_ibuf [dreg:s7], $0x2FFFF;
	_ =	strace $0x9FFFFFFF  }
0xc9: {  	(tm) =	ssettm $0x7FFFFFFF  }
tec
execute0_lowered:
.L_overlay_start_1:
0x0: {  	(tag) =	ssettag $0x1  }
0x1: {  	s2 =	rddreg [dreg:$0x0]  }
0x2: {  	s0 =	rddreg [dreg:$0x1]  }
0x3: {  	s3 =	rddreg [dreg:$0x2];
	s1 =	stileid.u32  }
0x4: {  	s4 =	simm.s32 $0x0;
	s8 =	srdreg.scid;
	s22 =	simm.s32 $0x6000  }
0x5: {  	s28 =	simm.s32 $0x1;
	s29 =	simm.s32 $0x60;
	s24 =	smul.u32 $0x700, s1  }
0x6: {  	s30 =	simm.s32 $0x9000;
	s5 =	sshrl.u32 s1, $0x3;
	s9 =	smul.u32 $0x50000, s1  }
0x7: {  	[smem:$0x7FF] =	sst s4;
	s23 =	sshll.u32 s1, $0x7;
	s20 =	smul.u32 $0x2800, s1  }
0x8: {  	s18 =	sand.u32 $0x1, s8;
	s25 =	sadd.s32 $0x2CE00, s0;
	s6 =	smul.u32 $0x14000, s5  }
0x9: {  	_ =	strace $0x8000004D;
	s7 =	sand.u32 $0x380, s23;
	s5 =	sadd.s32 $0x4E00, s0  }
0xa: {  	[dreg:$0x4] =	wrdreg s25;
	s10 =	ssub.s32 $0x2, s18;
	p0 =	seq.s32 s18, $0x1  }
0xb: {  	s23 =	simm.s32 $0x2;
	s26 =	sshrl.u32 s9, $0x2;
	s31 =	sshrl.u32 s10, $0x1  }
0xc: {  	s6 =	sor.u32 s7, s6;
	s7 =	sadd.s32 s24, s0;
	s8 =	sadd.s32 s26, s3  }
0xd: {  	s6 =	sshrl.u32 s6, $0x3;
	s9 =	sadd.s32 $0x2000, s8;
	s11 =	sadd.s32 $0x6000, s8  }
0xe: {  	s12 =	sadd.s32 $0x8000, s8;
	s13 =	sadd.s32 $0xA000, s8;
	s14 =	sadd.s32 $0xC000, s8  }
.Ltmp0:
0xf: {  	s15 =	sadd.s32 $0xE000, s8;
	s16 =	sadd.s32 $0x10000, s8;
	(pc) =	sbr.rel .LBB2_1-.Ltmp0, $4  }
0x10: {  	s17 =	sadd.s32 $0x12000, s8;
	s6 =	sadd.s32 s6, s0;
	s0 =	sadd.s32 $0x54E00, s0  }
0x11: {  	s19 =	sadd.s32 $0x21A400, s7;
	s7 =	simm.s32 $0x0;
	[dreg:$0x5] =	wrdreg s0  }
0x12: {  	s0 =	ssub.s32 s10, s31;
	s10 =	sadd.s32 $0x4000, s8;
	s18 =	sadd.s32 $0x221400, s6  }
0x13: {  	v0 =	vimm.f32 $0.0e+00;
	s6 =	simm.s32 $0x5C80;
	s21 =	smax.u32 s0, $0x1;
	s0 =	simm.s32 $0x5C00  }
.LBB2_6:
0x14: {  	[sflag:s23] =	ssyncadd.s32 $0xFFFFD000  }
0x15: {  	_ =	swait.ge [sflag:s28], $0x3000  }
0x16: {  	[sflag:s28] =	ssyncset.done $0x0  }
0x17: {  	s24 =	simm.s32 $0x2760;
	[sflag:s28] =	ssyncadd.s32 $0xFFFFD000  }
0x18: {  	[tilespmem:s30], [sflag:$0x1] =	stream.indirect.gather [hbm4b:s2+s29], $0x80, s24, s29, $0xb8;
	v63 =	vld [tilespmem:$0x0]  }
0x19: {  	s24 =	rddreg [dreg:$0x4]  }
.LBB2_10:
0x1a: {  	[spmem:s3] =	stream.indirect.scatter.add.f32 [tilespmem:s22], [sflag:$0x2], $0x80, s0, s29, $0xb8;
	v63 =	vld [tilespmem:$0x0]  }
0x1b: {  	_ =	swait.ge [sflag:s23], $0x3000  }
0x1c: {  	[sflag:s23] =	ssyncset.done $0x0  }
0x1d: {  	[sflag:s23] =	ssyncadd.s32 $0xFFFFD000  }
0x1e: {  	_ =	swait.ge [sflag:s28], $0x3000  }
0x1f: {  	[sflag:s28] =	ssyncset.done $0x0  }
0x20: {  	[sflag:s28] =	ssyncadd.s32 $0xFFFFD000  }
0x21: {  	[spmem:s3] =	stream.indirect.scatter.add.f32 [tilespmem:s30], [sflag:$0x2], $0x80, s6, s29, $0xb8;
	v63 =	vld [tilespmem:$0x0]  }
0x22: {  	s24 =	sadd.s32 s24, s20;
	_ =	swait.ge [sflag:s23], $0x3000  }
0x23: {  	s25 =	sshll.u32 s1, $0x6;
	s7 =	sadd.s32 $0x1, s7;
	[sflag:s23] =	ssyncset.done $0x0  }
0x24: {  	s26 =	sshrl.u32 s8, $0x3;
	p1 =	sne.s32 s7, s21;
	[sflag:s23] =	ssyncadd.s32 $0xFFFFD000  }
.Ltmp1:
0x25: {  	s25 =	sor.u32 $0x1C02, s25;
	[bflag:$0x0] =	sbarrier.arrive $0xFFFF;
	(pc) =	sbr.rel @!p1 .LBB2_11-.Ltmp1, $4  }
0x26: {  	[hbm:s24], [sflag:s25] =	dma.local [spmem:s26], $0x2800  }
0x27: {  	_ =	swait.ge [sflag:s23], $0x2800  }
0x28: {  	[sflag:s23] =	ssyncset.done $0x0  }
0x29: {  	[sflag:s23] =	ssyncadd.s32 $0xFFFFD800  }
.LBB2_1:
0x2a: {  	s24 =	sand.u32 $0xFE00, s4  }
0x2b: {  	s25 =	sand.u32 $0x70, s4;
	s26 =	sshrl.u32 s24, $0x2  }
0x2c: {  	s24 =	simm.s32 $0x40;
	s26 =	sor.u32 s25, s26;
	s25 =	simm.s32 $0x0  }
.LBB2_2:
0x2d: {  	p1 =	sne.s32 s24, $0xBFC0  }
0x2e: {  	[tilespmem:s26+$0x6000] =	vst v0;
	s25 =	sadd.s32 $0x10, s25;
	s26 =	smov.u32 s24;
	s24 =	sadd.s32 $0x40, s24  }
.Ltmp2:
0x2f: {  	(pc) =	sbr.rel @p1 .LBB2_2-.Ltmp2, $4  }
0x30: {  	_ = 	snop  }
0x31: {  	s26 =	sand.u32 $0xFE00, s26  }
0x32: {  	s31 =	sand.u32 $0x70, s25;
	s26 =	sshrl.u32 s26, $0x2  }
0x33: {  	s26 =	sor.u32 s31, s26  }
0x34: {  	[tilespmem:s26+$0x6000] =	vst v0  }
0x35: {  	[spmem:s8] =	stream.linear.scatter [tilespmem:s22], [sflag:$0x2], $0x2000, $0x38;
	v63 =	vld [tilespmem:$0x0]  }
0x36: {  	_ =	swait.ge [sflag:s23], $0x2000  }
0x37: {  	[sflag:s23] =	ssyncset.done $0x0  }
0x38: {  	[sflag:s23] =	ssyncadd.s32 $0xFFFFE000  }
0x39: {  	[spmem:s9] =	stream.linear.scatter [tilespmem:s22], [sflag:$0x2], $0x2000, $0x38;
	v63 =	vld [tilespmem:$0x0]  }
0x3a: {  	_ =	swait.ge [sflag:s23], $0x2000  }
0x3b: {  	[sflag:s23] =	ssyncset.done $0x0  }
0x3c: {  	[sflag:s23] =	ssyncadd.s32 $0xFFFFE000  }
0x3d: {  	[spmem:s10] =	stream.linear.scatter [tilespmem:s22], [sflag:$0x2], $0x2000, $0x38;
	v63 =	vld [tilespmem:$0x0]  }
0x3e: {  	_ =	swait.ge [sflag:s23], $0x2000  }
0x3f: {  	[sflag:s23] =	ssyncset.done $0x0  }
0x40: {  	[sflag:s23] =	ssyncadd.s32 $0xFFFFE000  }
0x41: {  	[spmem:s11] =	stream.linear.scatter [tilespmem:s22], [sflag:$0x2], $0x2000, $0x38;
	v63 =	vld [tilespmem:$0x0]  }
0x42: {  	_ =	swait.ge [sflag:s23], $0x2000  }
0x43: {  	[sflag:s23] =	ssyncset.done $0x0  }
0x44: {  	[sflag:s23] =	ssyncadd.s32 $0xFFFFE000  }
0x45: {  	[spmem:s12] =	stream.linear.scatter [tilespmem:s22], [sflag:$0x2], $0x2000, $0x38;
	v63 =	vld [tilespmem:$0x0]  }
0x46: {  	_ =	swait.ge [sflag:s23], $0x2000  }
0x47: {  	[sflag:s23] =	ssyncset.done $0x0  }
0x48: {  	[sflag:s23] =	ssyncadd.s32 $0xFFFFE000  }
0x49: {  	[spmem:s13] =	stream.linear.scatter [tilespmem:s22], [sflag:$0x2], $0x2000, $0x38;
	v63 =	vld [tilespmem:$0x0]  }
0x4a: {  	_ =	swait.ge [sflag:s23], $0x2000  }
0x4b: {  	[sflag:s23] =	ssyncset.done $0x0  }
0x4c: {  	[sflag:s23] =	ssyncadd.s32 $0xFFFFE000  }
0x4d: {  	[spmem:s14] =	stream.linear.scatter [tilespmem:s22], [sflag:$0x2], $0x2000, $0x38;
	v63 =	vld [tilespmem:$0x0]  }
0x4e: {  	_ =	swait.ge [sflag:s23], $0x2000  }
0x4f: {  	[sflag:s23] =	ssyncset.done $0x0  }
0x50: {  	[sflag:s23] =	ssyncadd.s32 $0xFFFFE000  }
0x51: {  	[spmem:s15] =	stream.linear.scatter [tilespmem:s22], [sflag:$0x2], $0x2000, $0x38;
	v63 =	vld [tilespmem:$0x0]  }
0x52: {  	_ =	swait.ge [sflag:s23], $0x2000  }
0x53: {  	[sflag:s23] =	ssyncset.done $0x0  }
0x54: {  	[sflag:s23] =	ssyncadd.s32 $0xFFFFE000  }
0x55: {  	[spmem:s16] =	stream.linear.scatter [tilespmem:s22], [sflag:$0x2], $0x2000, $0x38;
	v63 =	vld [tilespmem:$0x0]  }
0x56: {  	_ =	swait.ge [sflag:s23], $0x2000  }
0x57: {  	[sflag:s23] =	ssyncset.done $0x0  }
0x58: {  	[sflag:s23] =	ssyncadd.s32 $0xFFFFE000  }
0x59: {  	[spmem:s17] =	stream.linear.scatter [tilespmem:s22], [sflag:$0x2], $0x2000, $0x38;
	v63 =	vld [tilespmem:$0x0]  }
0x5a: {  	_ =	swait.ge [sflag:s23], $0x2000  }
0x5b: {  	[sflag:s23] =	ssyncset.done $0x0  }
0x5c: {  	[sflag:s23] =	ssyncadd.s32 $0xFFFFE000  }
0x5d: {  	s24 =	simm.s32 $0x80;
	s25 =	simm.s32 $0x400;
	[bflag:$0x0] =	sbarrier.arrive $0xFFFF  }
0x5e: {  	[tilespmem:s4], [sflag:$0x2] =	stream.strided.gather [hbm4b:s18+s24], $0x2800, s25, s24, $0x38;
	v63 =	vld [tilespmem:$0x0]  }
0x5f: {  	_ =	swait.ge [sflag:s23], $0x2800  }
0x60: {  	[sflag:s23] =	ssyncset.done $0x0  }
.Ltmp3:
0x61: {  	s31 =	simm.s32 $0x2800;
	[sflag:s23] =	ssyncadd.s32 $0xFFFFD800;
	(pc) =	sbr.rel @!p0 .LBB2_4-.Ltmp3, $4  }
0x62: {  	[tilespmem:s31], [sflag:$0x2] =	stream.linear.gather [hbm4b:s19+s4], $0x3500, $0x38;
	v63 =	vld [tilespmem:$0x0]  }
0x63: {  	_ =	swait.ge [sflag:s23], $0x3500  }
0x64: {  	[sflag:s23] =	ssyncset.done $0x0  }
0x65: {  	s24 =	simm.s32 $0x60;
	s25 =	simm.s32 $0x0;
	[sflag:s23] =	ssyncadd.s32 $0xFFFFCB00  }
0x66: {  	[tilespmem:s22], [sflag:$0x1] =	stream.indirect.gather [hbm4b:s5+s24], $0x80, s25, s24, $0xb8;
	v63 =	vld [tilespmem:$0x0]  }
0x67: {  	_ =	swait.ge [sflag:s28], $0x3000  }
0x68: {  	[sflag:s28] =	ssyncset.done $0x0  }
0x69: {  	[sflag:s28] =	ssyncadd.s32 $0xFFFFD000  }
0x6a: {  	[tilespmem:s30], [sflag:$0x1] =	stream.indirect.gather [hbm4b:s5+s29], $0x80, s24, s29, $0xb8;
	v63 =	vld [tilespmem:$0x0]  }
0x6b: {  	s31 =	simm.s32 $0x2800  }
0x6c: {  	[spmem:s3] =	stream.indirect.scatter.add.f32 [tilespmem:s22], [sflag:$0x2], $0x80, s31, s29, $0xb8;
	v63 =	vld [tilespmem:$0x0]  }
0x6d: {  	_ =	swait.ge [sflag:s23], $0x3000  }
0x6e: {  	[sflag:s23] =	ssyncset.done $0x0  }
0x6f: {  	[sflag:s23] =	ssyncadd.s32 $0xFFFFD000  }
0x70: {  	_ =	swait.ge [sflag:s28], $0x3000  }
0x71: {  	[sflag:s28] =	ssyncset.done $0x0  }
0x72: {  	s26 =	simm.s32 $0xC0;
	[sflag:s28] =	ssyncadd.s32 $0xFFFFD000  }
0x73: {  	[tilespmem:s22], [sflag:$0x1] =	stream.indirect.gather [hbm4b:s5+s29], $0x80, s26, s29, $0xb8;
	v63 =	vld [tilespmem:$0x0]  }
0x74: {  	s31 =	simm.s32 $0x2880  }
0x75: {  	[spmem:s3] =	stream.indirect.scatter.add.f32 [tilespmem:s30], [sflag:$0x2], $0x80, s31, s29, $0xb8;
	v63 =	vld [tilespmem:$0x0]  }
0x76: {  	_ =	swait.ge [sflag:s23], $0x3000  }
0x77: {  	s25 =	simm.s32 $0x400;
	[sflag:s23] =	ssyncset.done $0x0  }
.LBB2_8:
0x78: {  	p1 =	sne.s32 s25, $0xCC00;
	[sflag:s23] =	ssyncadd.s32 $0xFFFFD000;
	s24 =	sadd.s32 $0xC0, s24  }
0x79: {  	s26 =	smov.u32 s25;
	s25 =	sadd.s32 $0x400, s25  }
0x7a: {  	_ =	swait.ge [sflag:s28], $0x3000  }
0x7b: {  	[sflag:s28] =	ssyncset.done $0x0  }
0x7c: {  	s26 =	sshra.s32 s26, $0x2;
	[sflag:s28] =	ssyncadd.s32 $0xFFFFD000  }
0x7d: {  	[tilespmem:s30], [sflag:$0x1] =	stream.indirect.gather [hbm4b:s5+s29], $0x80, s24, s29, $0xb8;
	v63 =	vld [tilespmem:$0x0]  }
0x7e: {  	s31 =	sadd.s32 $0x2800, s26  }
0x7f: {  	[spmem:s3] =	stream.indirect.scatter.add.f32 [tilespmem:s22], [sflag:$0x2], $0x80, s31, s29, $0xb8;
	v63 =	vld [tilespmem:$0x0]  }
0x80: {  	_ =	swait.ge [sflag:s23], $0x3000  }
0x81: {  	[sflag:s23] =	ssyncset.done $0x0  }
0x82: {  	[sflag:s23] =	ssyncadd.s32 $0xFFFFD000  }
0x83: {  	_ =	swait.ge [sflag:s28], $0x3000  }
0x84: {  	[sflag:s28] =	ssyncset.done $0x0  }
0x85: {  	s31 =	sadd.s32 $0x60, s24;
	[sflag:s28] =	ssyncadd.s32 $0xFFFFD000  }
0x86: {  	[tilespmem:s22], [sflag:$0x1] =	stream.indirect.gather [hbm4b:s5+s29], $0x80, s31, s29, $0xb8;
	v63 =	vld [tilespmem:$0x0]  }
.Ltmp4:
0x87: {  	_ = 	snop;
	(pc) =	sbr.rel @p1 .LBB2_8-.Ltmp4, $4  }
0x88: {  	s26 =	sadd.s32 $0x2880, s26  }
0x89: {  	[spmem:s3] =	stream.indirect.scatter.add.f32 [tilespmem:s30], [sflag:$0x2], $0x80, s26, s29, $0xb8;
	v63 =	vld [tilespmem:$0x0]  }
0x8a: {  	_ =	swait.ge [sflag:s23], $0x3000  }
0x8b: {  	[sflag:s23] =	ssyncset.done $0x0  }
0x8c: {  	[sflag:s23] =	ssyncadd.s32 $0xFFFFD000  }
.Ltmp5:
0x8d: {  	_ =	swait.ge [sflag:s28], $0x3000;
	(pc) =	sbr.rel .LBB2_10-.Ltmp5, $4  }
0x8e: {  	[sflag:s28] =	ssyncset.done $0x0  }
0x8f: {  	s24 =	simm.s32 $0x2760;
	[sflag:s28] =	ssyncadd.s32 $0xFFFFD000  }
0x90: {  	[tilespmem:s30], [sflag:$0x1] =	stream.indirect.gather [hbm4b:s5+s29], $0x80, s24, s29, $0xb8;
	v63 =	vld [tilespmem:$0x0]  }
0x91: {  	s24 =	rddreg [dreg:$0x5]  }
.LBB2_4:
0x92: {  	[tilespmem:s22], [sflag:$0x1] =	stream.indirect.gather [hbm4b:s2+s24], $0x80, s25, s24, $0xb8;
	v63 =	vld [tilespmem:$0x0]  }
0x93: {  	_ =	swait.ge [sflag:s28], $0x3000  }
0x94: {  	[sflag:s28] =	ssyncset.done $0x0  }
0x95: {  	[sflag:s28] =	ssyncadd.s32 $0xFFFFD000  }
0x96: {  	[tilespmem:s30], [sflag:$0x1] =	stream.indirect.gather [hbm4b:s2+s29], $0x80, s24, s29, $0xb8;
	v63 =	vld [tilespmem:$0x0]  }
0x97: {  	s31 =	simm.s32 $0x2800  }
0x98: {  	[spmem:s3] =	stream.indirect.scatter.add.f32 [tilespmem:s22], [sflag:$0x2], $0x80, s31, s29, $0xb8;
	v63 =	vld [tilespmem:$0x0]  }
0x99: {  	_ =	swait.ge [sflag:s23], $0x3000  }
0x9a: {  	[sflag:s23] =	ssyncset.done $0x0  }
0x9b: {  	[sflag:s23] =	ssyncadd.s32 $0xFFFFD000  }
0x9c: {  	_ =	swait.ge [sflag:s28], $0x3000  }
0x9d: {  	[sflag:s28] =	ssyncset.done $0x0  }
0x9e: {  	s26 =	simm.s32 $0xC0;
	[sflag:s28] =	ssyncadd.s32 $0xFFFFD000  }
0x9f: {  	[tilespmem:s22], [sflag:$0x1] =	stream.indirect.gather [hbm4b:s2+s29], $0x80, s26, s29, $0xb8;
	v63 =	vld [tilespmem:$0x0]  }
0xa0: {  	s31 =	simm.s32 $0x2880  }
0xa1: {  	[spmem:s3] =	stream.indirect.scatter.add.f32 [tilespmem:s30], [sflag:$0x2], $0x80, s31, s29, $0xb8;
	v63 =	vld [tilespmem:$0x0]  }
0xa2: {  	_ =	swait.ge [sflag:s23], $0x3000  }
0xa3: {  	s25 =	simm.s32 $0x400;
	[sflag:s23] =	ssyncset.done $0x0  }
.LBB2_5:
0xa4: {  	p1 =	sne.s32 s25, $0xCC00;
	[sflag:s23] =	ssyncadd.s32 $0xFFFFD000;
	s24 =	sadd.s32 $0xC0, s24  }
0xa5: {  	s26 =	smov.u32 s25;
	s25 =	sadd.s32 $0x400, s25  }
0xa6: {  	_ =	swait.ge [sflag:s28], $0x3000  }
0xa7: {  	[sflag:s28] =	ssyncset.done $0x0  }
0xa8: {  	s26 =	sshra.s32 s26, $0x2;
	[sflag:s28] =	ssyncadd.s32 $0xFFFFD000  }
0xa9: {  	[tilespmem:s30], [sflag:$0x1] =	stream.indirect.gather [hbm4b:s2+s29], $0x80, s24, s29, $0xb8;
	v63 =	vld [tilespmem:$0x0]  }
0xaa: {  	s31 =	sadd.s32 $0x2800, s26  }
0xab: {  	[spmem:s3] =	stream.indirect.scatter.add.f32 [tilespmem:s22], [sflag:$0x2], $0x80, s31, s29, $0xb8;
	v63 =	vld [tilespmem:$0x0]  }
0xac: {  	_ =	swait.ge [sflag:s23], $0x3000  }
0xad: {  	[sflag:s23] =	ssyncset.done $0x0  }
0xae: {  	[sflag:s23] =	ssyncadd.s32 $0xFFFFD000  }
0xaf: {  	_ =	swait.ge [sflag:s28], $0x3000  }
0xb0: {  	[sflag:s28] =	ssyncset.done $0x0  }
0xb1: {  	s31 =	sadd.s32 $0x60, s24;
	[sflag:s28] =	ssyncadd.s32 $0xFFFFD000  }
0xb2: {  	[tilespmem:s22], [sflag:$0x1] =	stream.indirect.gather [hbm4b:s2+s29], $0x80, s31, s29, $0xb8;
	v63 =	vld [tilespmem:$0x0]  }
.Ltmp6:
0xb3: {  	_ = 	snop;
	(pc) =	sbr.rel @p1 .LBB2_5-.Ltmp6, $4  }
0xb4: {  	s26 =	sadd.s32 $0x2880, s26  }
0xb5: {  	[spmem:s3] =	stream.indirect.scatter.add.f32 [tilespmem:s30], [sflag:$0x2], $0x80, s26, s29, $0xb8;
	v63 =	vld [tilespmem:$0x0]  }
0xb6: {  	_ =	swait.ge [sflag:s23], $0x3000  }
0xb7: {  	[sflag:s23] =	ssyncset.done $0x0  }
.Ltmp7:
0xb8: {  	_ = 	snop;
	(pc) =	sbr.rel .LBB2_6-.Ltmp7, $1  }
0xb9: {  	_ =	sdelay $0x3  }
.LBB2_11:
0xba: {  	_ =	sfence.sel $0x180000  }
0xbb: {  	[bflag:$0x0] =	sbarrier.arrive $0xFFFF  }
0xbc: {  	_ =	strace $0x9000004D  }
0xbd: {  	[bflag:$0x2] =	sbarrier.arrive $0xFFFF  }
0xbe: {  	p0 =	sne.s32 s1, $0x0;
	s0 =	rddreg [dreg:$0x3]  }
0xbf: {  	s0 =	sadd.s32 @!p0 $0x100000, s0  }
0xc0: {  	[sflag:s0] =	ssyncadd.tile.s32 @!p0 $0x1;
	_ =	shalt  }
.Lfunc_end2:
_tile_overlayer_lowered:
.L_overlay_start_2:
0xc1: {  	(tag) =	ssettag $0x2  }
0xc2: {  	s0 =	rddreg [dreg:$0x0];
	s2 =	stileid.u32  }
0xc3: {  	s1 =	rddreg [dreg:$0x1];
	p0 =	sne.s32 s2, $0x0  }
0xc4: {  	s3 =	rddreg [dreg:$0x2];
	[bflag:$0x3] =	sbarrier.arrive $0xFFFF;
	s2 =	simm.s32 @!p0 $0x1C02  }
0xc5: {  	[timem:s3], [sflag:s2] =	dma.local @!p0 [hbm:s0], s1  }
0xc6: {  	s0 =	simm.s32 @!p0 $0x2  }
0xc7: {  	_ =	swait.ge @!p0 [sflag:s0], s1  }
0xc8: {  	s1 =	ssub.s32 @!p0 $0x0, s1;
	[sflag:s0] =	ssyncset.done @!p0 $0x0  }
0xc9: {  	[sflag:s0] =	ssyncadd.s32 @!p0 s1  }
0xca: {  	[bflag:$0x3] =	sbarrier.arrive $0xFFFF  }
0xcb: {  	_ =	shalt  }

// kernel: kernel.18.cloned.1.call-start
scs
__scs_entry_jumppad:
0x0: {  	(pc) =	sbr.rel $0x88, $3  }
0x1: {  	(tag) =	ssettag $0x0;
	lr =	simm.s32 $0x1  }
0x2: {  	[smem:$0x3F97] =	sst lr;
	_ =	strace $0xD0000000  }
0x3: {  	_ = 	snop  }
0x4: {  	_ = 	snop  }
0x5: {  	_ = 	snop  }
0x6: {  	_ = 	snop  }
0x7: {  	_ = 	snop  }
__scs_overlays_trampoline_lowered:
0x8: {  	[smem:$0x3FA6] =	sst s0  }
0x9: {  	[smem:$0x3FA7] =	sst s1  }
0xa: {  	[smem:$0x3FA8] =	sst s2  }
0xb: {  	[smem:$0x3FA9] =	sst s3  }
0xc: {  	[smem:$0x3FAA] =	sst s4  }
0xd: {  	[smem:$0x3FAB] =	sst s5  }
0xe: {  	[smem:$0x3FAC] =	sst s6  }
0xf: {  	[smem:$0x3FAD] =	sst s7  }
0x10: {  	[smem:$0x3FAE] =	sst s8  }
0x11: {  	[smem:$0x3FAF] =	sst s9;
	s0 =	simm.s32 @!p0 $0x0  }
0x12: {  	s1 =	sld [smem:$0x3F95];
	s0 =	simm.s32 @p0 $0x1  }
0x13: {  	[smem:$0x3FB0] =	sst s0;
	s0 =	simm.s32 @!p1 $0x0  }
0x14: {  	s2 =	sld [smem:$0x3F94];
	s0 =	simm.s32 @p1 $0x1  }
0x15: {  	[smem:$0x3FB1] =	sst s0;
	s0 =	simm.s32 @!p2 $0x0  }
0x16: {  	s3 =	sld [smem:$0x3FDB];
	s0 =	simm.s32 @p2 $0x1  }
0x17: {  	s4 =	simm.s32 $0x1BF5;
	[smem:$0x3FB3] =	sst s0  }
0x18: {  	s0 =	sld [smem:$0x3F96];
	_ =	swait.ge [sflag:s4], $0x0  }
0x19: {  	s7 =	sld [smem:$0x3F97]  }
0x1a: {  	s8 =	sadd.s32 $0xFFFFE003, lr  }
0x1b: {  	s9 =	sadd.s32 $0xFFFFFEF7, lr;
	s5 =	simm.s32 $0xFFFFFFFF;
	p2 =	slt.u32 s8, $0xFFFFF086  }
0x1c: {  	p1 =	slt.u32 s9, $0xF7A;
	s5 =	simm.s32 @!p2 $0x0  }
0x1d: {  	s5 =	simm.s32 @p1 $0x1;
	p0 =	seq.s32 s7, s2  }
0x1e: {  	s7 =	smul.u32 @!p0 $0xF7A, s2;
	p2 =	seq.s32 @!p0 s5, $0x0  }
0x1f: {  	s9 =	smul.u32 $0xF7A, s1;
	s8 =	simm.s32 @!p0 $0x1BF5;
	p2 =	por !p2, p0  }
0x20: {  	[sflag:s8] =	ssyncset.s32 @!p0 $0xFFFFF086;
	s6 =	sadd.s32 @!p0 s3, s7;
	s7 =	simm.s32 @!p0 $0x108  }
0x21: {  	s3 =	sadd.s32 s3, s9;
	s6 =	sadd.s32 @!p0 $0x88, s6;
	s7 =	simm.s32 @p2 $0x1082  }
0x22: {  	[simem:s7], [sflag:s8] =	dma.local @!p0 [hbm:s6], $0xF7A  }
0x23: {  	s9 =	sor.u32 $0xD0000000, s2;
	s6 =	simm.s32 $0x108;
	_ =	swait.ge @!p0 [sflag:s8], $0x0  }
0x24: {  	s3 =	sadd.s32 $0x88, s3;
	s6 =	simm.s32 @!p1 $0x1082;
	[sflag:s4] =	ssyncset.s32 $0xFFFFF086  }
0x25: {  	[simem:s6], [sflag:s4] =	dma.local [hbm:s3], $0xF7A  }
0x26: {  	[smem:$0x3F97] =	sst s1;
	(tag) =	ssettag s2;
	_ =	strace s9  }
0x27: {  	s1 =	sld [smem:$0x3FA7]  }
0x28: {  	s2 =	sld [smem:$0x3FA8]  }
0x29: {  	s4 =	sld [smem:$0x3FAA]  }
0x2a: {  	p0 =	seq.s32 s5, $0x0;
	s5 =	sld [smem:$0x3FAB]  }
0x2b: {  	s6 =	sld [smem:$0x3FAC]  }
0x2c: {  	s7 =	sld [smem:$0x3FAD]  }
0x2d: {  	s3 =	simm.s32 $0x108;
	s8 =	sld [smem:$0x3FAE]  }
0x2e: {  	s3 =	simm.s32 @!p0 $0x1082;
	s9 =	sld [smem:$0x3FAF]  }
0x2f: {  	lr =	sadd.s32 s0, s3;
	s0 =	sld [smem:$0x3FA6]  }
0x30: {  	s3 =	sld [smem:$0x3FA9]  }
0x31: {  	[smem:$0x3FB2] =	sst s10  }
0x32: {  	s10 =	sld [smem:$0x3FB0];
	_ =	sdelay $0x3  }
0x33: {  	p0 =	seq.s32 s10, $0x1;
	s10 =	sld [smem:$0x3FB2];
	_ =	sdelay $0x3  }
0x34: {  	[smem:$0x3FB2] =	sst s10  }
0x35: {  	s10 =	sld [smem:$0x3FB1];
	_ =	sdelay $0x3  }
0x36: {  	p1 =	seq.s32 s10, $0x1;
	s10 =	sld [smem:$0x3FB2];
	_ =	sdelay $0x3  }
0x37: {  	[smem:$0x3FB2] =	sst s10  }
0x38: {  	s10 =	sld [smem:$0x3FB3]  }
0x39: {  	_ = 	snop;
	(pc) =	sbr.ind lr, $3  }
0x3a: {  	_ = 	snop  }
0x3b: {  	_ = 	snop  }
0x3c: {  	p2 =	seq.s32 s10, $0x1;
	s10 =	sld [smem:$0x3FB2]  }
0x3d: {  	_ =	shalt  }
0x3e: {  	_ =	shalt  }
0x3f: {  	_ =	shalt  }
0x40: {  	_ =	shalt  }
0x41: {  	_ =	shalt  }
0x42: {  	_ =	shalt  }
0x43: {  	_ =	shalt  }
0x44: {  	_ =	shalt  }
0x45: {  	_ =	shalt  }
0x46: {  	_ =	shalt  }
0x47: {  	_ =	shalt  }
0x48: {  	_ =	shalt  }
0x49: {  	_ =	shalt  }
0x4a: {  	_ =	shalt  }
0x4b: {  	_ =	shalt  }
0x4c: {  	_ =	shalt  }
0x4d: {  	_ =	shalt  }
0x4e: {  	_ =	shalt  }
0x4f: {  	_ =	shalt  }
0x50: {  	_ =	shalt  }
0x51: {  	_ =	shalt  }
0x52: {  	_ =	shalt  }
0x53: {  	_ =	shalt  }
0x54: {  	_ =	shalt  }
0x55: {  	_ =	shalt  }
0x56: {  	_ =	shalt  }
0x57: {  	_ =	shalt  }
0x58: {  	_ =	shalt  }
0x59: {  	_ =	shalt  }
0x5a: {  	_ =	shalt  }
0x5b: {  	_ =	shalt  }
0x5c: {  	_ =	shalt  }
0x5d: {  	_ =	shalt  }
0x5e: {  	_ =	shalt  }
0x5f: {  	_ =	shalt  }
0x60: {  	_ =	shalt  }
0x61: {  	_ =	shalt  }
0x62: {  	_ =	shalt  }
0x63: {  	_ =	shalt  }
0x64: {  	_ =	shalt  }
0x65: {  	_ =	shalt  }
0x66: {  	_ =	shalt  }
0x67: {  	_ =	shalt  }
0x68: {  	_ =	shalt  }
0x69: {  	_ =	shalt  }
0x6a: {  	_ =	shalt  }
0x6b: {  	_ =	shalt  }
0x6c: {  	_ =	shalt  }
0x6d: {  	_ =	shalt  }
0x6e: {  	_ =	shalt  }
0x6f: {  	_ =	shalt  }
0x70: {  	_ =	shalt  }
0x71: {  	_ =	shalt  }
0x72: {  	_ =	shalt  }
0x73: {  	_ =	shalt  }
0x74: {  	_ =	shalt  }
0x75: {  	_ =	shalt  }
0x76: {  	_ =	shalt  }
0x77: {  	_ =	shalt  }
0x78: {  	_ =	shalt  }
0x79: {  	_ =	shalt  }
0x7a: {  	_ =	shalt  }
0x7b: {  	_ =	shalt  }
0x7c: {  	_ =	shalt  }
0x7d: {  	_ =	shalt  }
0x7e: {  	_ =	shalt  }
0x7f: {  	_ =	shalt  }
0x80: {  	_ =	shalt  }
0x81: {  	_ =	shalt  }
0x82: {  	_ =	shalt  }
0x83: {  	_ =	shalt  }
0x84: {  	_ =	shalt  }
0x85: {  	_ =	shalt  }
0x86: {  	_ =	shalt  }
0x87: {  	_ =	shalt  }
.Lfunc_end0:
.L_simem_size_0:
called_computation.3_lowered:
.L_overlay_start_0:
0x88: {  	s2 =	sld [smem:$0x3FD9]  }
0x89: {  	s3 =	sld [smem:$0x3FFE];
	_ =	sdelay $0x1  }
0x8a: {  	s1 =	srdreg.scid  }
0x8b: {  	s0 =	sand.u32 $0x1, s1  }
0x8c: {  	s14 =	sshll.u32 s0, $0xA;
	s2 =	sadd.s32 s3, s2  }
0x8d: {  	s2 =	sadd.s32 s2, s14  }
0x8e: {  	[smem:$0x3FBE] =	sst s2  }
0x8f: {  	_ = 	snop  }
0x90: {  	s2 =	sld [smem:$0x3FD0];
	_ =	sdelay $0x2  }
0x91: {  	s15 =	simm.s32 $0xB;
	s4 =	simm.s32 $0x10  }
0x92: {  	[smem:s4], [sflag:s15] =	dma.local [hbm:s2], $0x1  }
0x93: {  	_ =	swait.eq [sflag:s15], $0x1  }
0x94: {  	[sflag:s15] =	ssyncset.done $0x0  }
0x95: {  	[sflag:s15] =	ssyncadd.s32 $0xFFFFFFFF  }
0x96: {  	s16 =	sld [smem:$0x10];
	(tm) =	ssettm $0x1  }
0x97: {  	s17 =	sld [smem:$0x3FFB];
	_ =	sdelay $0x3  }
0x98: {  	_ =	strace s17  }
0x99: {  	s3 =	sld [smem:$0x3FFC];
	_ =	sdelay $0x3  }
0x9a: {  	_ =	strace s3  }
0x9b: {  	s3 =	sld [smem:$0x3FFD];
	_ =	sdelay $0x3  }
0x9c: {  	_ =	strace s3  }
0x9d: {  	_ =	strace $0x8FFFFFFF  }
0x9e: {  	s18 =	sld [smem:$0x3FDB];
	_ =	sdelay $0x1  }
0x9f: {  	s19 =	simm.s32 $_scs_section_size  }
0xa0: {  	s5 =	simm.s32 $_size__tile_overlayer_lowered;
	s6 =	simm.s32 $_tile_overlayer_lowered  }
0xa1: {  	s22 =	simm.s32 $0x1BFF;
	s21 =	sshll.u32 s6, $0x1;
	s3 =	sadd.s32 s19, s18  }
0xa2: {  	s7 =	simm.s32 $0x0;
	s20 =	sshll.u32 s5, $0x1;
	s5 =	sadd.s32 s21, s3  }
0xa3: {  	[timem:s7], [sflag:s22] =	dma.local [hbm:s5], s20  }
0xa4: {  	_ =	swait.ge [sflag:s22], s20  }
0xa5: {  	s4 =	ssub.s32 $0x0, s20;
	[sflag:s22] =	ssyncset.done $0x0  }
0xa6: {  	[sflag:s22] =	ssyncadd.s32 s4;
	_ =	sdelay $0x1  }
0xa7: {  	s23 =	simm.s32 $0x1B8B  }
0xa8: {  	_ =	swait.ge [sflag:s23], $0x1  }
0xa9: {  	[sflag:s23] =	ssyncset.done $0x0  }
0xaa: {  	s25 =	simm.s32 $0x1B8E;
	s24 =	sld [smem:$0x3FFE];
	[sflag:s23] =	ssyncadd.s32 $0xFFFFFFFF  }
0xab: {  	s26 =	simm.s32 $execute0_lowered;
	[smem:$0x3FD2] =	sst s25  }
0xac: {  	s5 =	sshll.u32 s26, $0x1;
	_ =	strace $0x8000004F;
	[dreg:$0x1] =	wrdreg $0xFFFFFFFF  }
0xad: {  	s28 =	simm.s32 $_size_execute0_lowered;
	s3 =	sadd.s32 s3, s5;
	[dreg:$0x0] =	wrdreg $0x0  }
0xae: {  	s5 =	sshll.u32 s28, $0x1;
	[dreg:$0x2] =	wrdreg s3  }
0xaf: {  	[dreg:$0x3] =	wrdreg s5  }
0xb0: {  	[dreg:$0x4] =	wrdreg $0xC0  }
0xb1: {  	_ =	task [dreg:s7], $0x5FFFF  }
0xb2: {  	[dreg:$0x1] =	wrdreg $0xFFFFFFFF  }
0xb3: {  	[dreg:$0x0] =	wrdreg $0x60  }
0xb4: {  	[dreg:$0x2] =	wrdreg s16  }
0xb5: {  	[dreg:$0x3] =	wrdreg s24  }
0xb6: {  	[dreg:$0x4] =	wrdreg $0xC0000  }
0xb7: {  	[dreg:$0x5] =	wrdreg $0x9  }
0xb8: {  	_ =	task.clear_ibuf [dreg:s7], $0x6FFFF;
	_ =	strace $0x9000004F  }
0xb9: {  	s29 =	simm.s32 $0x9;
	_ =	strace $0x80000051  }
0xba: {  	_ =	swait.ge [sflag:s29], $0x1  }
0xbb: {  	[sflag:s29] =	ssyncadd.s32 $0xFFFFFFFF  }
0xbc: {  	_ =	strace $0x90000051  }
0xbd: {  	_ =	sfence  }
0xbe: {  	s30 =	sld [smem:$0x0];
	_ =	sdelay $0x2  }
0xbf: {  	s31 =	sshll.u32 s1, $0xD;
	s1 =	sshrl.u32 s1, $0x2  }
0xc0: {  	s3 =	sand.u32 $0x4000, s31;
	s1 =	sadd.s32 s1, s30  }
0xc1: {  	s0 =	sor.u32 s3, s0;
	s1 =	sshll.u32 s1, $0x11  }
0xc2: {  	s0 =	sor.u32 s1, s0  }
0xc3: {  	s0 =	sadd.s32 $0x8F2B, s0  }
0xc4: {  	[sflag:s0] =	ssyncadd.remote.s32 $0x1  }
0xc5: {  	_ =	sfence.sel $0xFFFF  }
0xc6: {  	[dreg:$0x0] =	wrdreg $0xFFFFFFFF;
	(pc) =	sbr.abs _section_cstart, $3  }
0xc7: {  	[dreg:$0x1] =	wrdreg $0xFFFFFFFF  }
0xc8: {  	_ =	task.clear_ibuf [dreg:s7], $0x2FFFF;
	_ =	strace $0x9FFFFFFF  }
0xc9: {  	(tm) =	ssettm $0x7FFFFFFF  }
tec
execute0_lowered:
.L_overlay_start_1:
0x0: {  	(tag) =	ssettag $0x1  }
0x1: {  	s2 =	rddreg [dreg:$0x0]  }
0x2: {  	s0 =	rddreg [dreg:$0x1]  }
0x3: {  	s3 =	rddreg [dreg:$0x2];
	s1 =	stileid.u32  }
0x4: {  	s4 =	simm.s32 $0x0;
	s8 =	srdreg.scid;
	s22 =	simm.s32 $0x6000  }
0x5: {  	s28 =	simm.s32 $0x1;
	s29 =	simm.s32 $0x60;
	s24 =	smul.u32 $0x700, s1  }
0x6: {  	s30 =	simm.s32 $0x9000;
	s5 =	sshrl.u32 s1, $0x3;
	s9 =	smul.u32 $0x50000, s1  }
0x7: {  	[smem:$0x7FF] =	sst s4;
	s23 =	sshll.u32 s1, $0x7;
	s20 =	smul.u32 $0x2800, s1  }
0x8: {  	s18 =	sand.u32 $0x1, s8;
	s25 =	sadd.s32 $0x2CE00, s0;
	s6 =	smul.u32 $0x14000, s5  }
0x9: {  	_ =	strace $0x80000050;
	s7 =	sand.u32 $0x380, s23;
	s5 =	sadd.s32 $0x4E00, s0  }
0xa: {  	[dreg:$0x4] =	wrdreg s25;
	s10 =	ssub.s32 $0x2, s18;
	p0 =	seq.s32 s18, $0x1  }
0xb: {  	s23 =	simm.s32 $0x2;
	s26 =	sshrl.u32 s9, $0x2;
	s31 =	sshrl.u32 s10, $0x1  }
0xc: {  	s6 =	sor.u32 s7, s6;
	s7 =	sadd.s32 s24, s0;
	s8 =	sadd.s32 s26, s3  }
0xd: {  	s6 =	sshrl.u32 s6, $0x3;
	s9 =	sadd.s32 $0x2000, s8;
	s11 =	sadd.s32 $0x6000, s8  }
0xe: {  	s12 =	sadd.s32 $0x8000, s8;
	s13 =	sadd.s32 $0xA000, s8;
	s14 =	sadd.s32 $0xC000, s8  }
.Ltmp0:
0xf: {  	s15 =	sadd.s32 $0xE000, s8;
	s16 =	sadd.s32 $0x10000, s8;
	(pc) =	sbr.rel .LBB2_1-.Ltmp0, $4  }
0x10: {  	s17 =	sadd.s32 $0x12000, s8;
	s6 =	sadd.s32 s6, s0;
	s0 =	sadd.s32 $0x54E00, s0  }
0x11: {  	s19 =	sadd.s32 $0x21A400, s7;
	s7 =	simm.s32 $0x0;
	[dreg:$0x5] =	wrdreg s0  }
0x12: {  	s0 =	ssub.s32 s10, s31;
	s10 =	sadd.s32 $0x4000, s8;
	s18 =	sadd.s32 $0x221400, s6  }
0x13: {  	v0 =	vimm.f32 $0.0e+00;
	s6 =	simm.s32 $0x5C80;
	s21 =	smax.u32 s0, $0x1;
	s0 =	simm.s32 $0x5C00  }
.LBB2_6:
0x14: {  	[sflag:s23] =	ssyncadd.s32 $0xFFFFD000  }
0x15: {  	_ =	swait.ge [sflag:s28], $0x3000  }
0x16: {  	[sflag:s28] =	ssyncset.done $0x0  }
0x17: {  	s24 =	simm.s32 $0x2760;
	[sflag:s28] =	ssyncadd.s32 $0xFFFFD000  }
0x18: {  	[tilespmem:s30], [sflag:$0x1] =	stream.indirect.gather [hbm4b:s2+s29], $0x80, s24, s29, $0xb8;
	v63 =	vld [tilespmem:$0x0]  }
0x19: {  	s24 =	rddreg [dreg:$0x4]  }
.LBB2_10:
0x1a: {  	[spmem:s3] =	stream.indirect.scatter.add.f32 [tilespmem:s22], [sflag:$0x2], $0x80, s0, s29, $0xb8;
	v63 =	vld [tilespmem:$0x0]  }
0x1b: {  	_ =	swait.ge [sflag:s23], $0x3000  }
0x1c: {  	[sflag:s23] =	ssyncset.done $0x0  }
0x1d: {  	[sflag:s23] =	ssyncadd.s32 $0xFFFFD000  }
0x1e: {  	_ =	swait.ge [sflag:s28], $0x3000  }
0x1f: {  	[sflag:s28] =	ssyncset.done $0x0  }
0x20: {  	[sflag:s28] =	ssyncadd.s32 $0xFFFFD000  }
0x21: {  	[spmem:s3] =	stream.indirect.scatter.add.f32 [tilespmem:s30], [sflag:$0x2], $0x80, s6, s29, $0xb8;
	v63 =	vld [tilespmem:$0x0]  }
0x22: {  	s24 =	sadd.s32 s24, s20;
	_ =	swait.ge [sflag:s23], $0x3000  }
0x23: {  	s25 =	sshll.u32 s1, $0x6;
	s7 =	sadd.s32 $0x1, s7;
	[sflag:s23] =	ssyncset.done $0x0  }
0x24: {  	s26 =	sshrl.u32 s8, $0x3;
	p1 =	sne.s32 s7, s21;
	[sflag:s23] =	ssyncadd.s32 $0xFFFFD000  }
.Ltmp1:
0x25: {  	s25 =	sor.u32 $0x1C02, s25;
	[bflag:$0x0] =	sbarrier.arrive $0xFFFF;
	(pc) =	sbr.rel @!p1 .LBB2_11-.Ltmp1, $4  }
0x26: {  	[hbm:s24], [sflag:s25] =	dma.local [spmem:s26], $0x2800  }
0x27: {  	_ =	swait.ge [sflag:s23], $0x2800  }
0x28: {  	[sflag:s23] =	ssyncset.done $0x0  }
0x29: {  	[sflag:s23] =	ssyncadd.s32 $0xFFFFD800  }
.LBB2_1:
0x2a: {  	s24 =	sand.u32 $0xFE00, s4  }
0x2b: {  	s25 =	sand.u32 $0x70, s4;
	s26 =	sshrl.u32 s24, $0x2  }
0x2c: {  	s24 =	simm.s32 $0x40;
	s26 =	sor.u32 s25, s26;
	s25 =	simm.s32 $0x0  }
.LBB2_2:
0x2d: {  	p1 =	sne.s32 s24, $0xBFC0  }
0x2e: {  	[tilespmem:s26+$0x6000] =	vst v0;
	s25 =	sadd.s32 $0x10, s25;
	s26 =	smov.u32 s24;
	s24 =	sadd.s32 $0x40, s24  }
.Ltmp2:
0x2f: {  	(pc) =	sbr.rel @p1 .LBB2_2-.Ltmp2, $4  }
0x30: {  	_ = 	snop  }
0x31: {  	s26 =	sand.u32 $0xFE00, s26  }
0x32: {  	s31 =	sand.u32 $0x70, s25;
	s26 =	sshrl.u32 s26, $0x2  }
0x33: {  	s26 =	sor.u32 s31, s26  }
0x34: {  	[tilespmem:s26+$0x6000] =	vst v0  }
0x35: {  	[spmem:s8] =	stream.linear.scatter [tilespmem:s22], [sflag:$0x2], $0x2000, $0x38;
	v63 =	vld [tilespmem:$0x0]  }
0x36: {  	_ =	swait.ge [sflag:s23], $0x2000  }
0x37: {  	[sflag:s23] =	ssyncset.done $0x0  }
0x38: {  	[sflag:s23] =	ssyncadd.s32 $0xFFFFE000  }
0x39: {  	[spmem:s9] =	stream.linear.scatter [tilespmem:s22], [sflag:$0x2], $0x2000, $0x38;
	v63 =	vld [tilespmem:$0x0]  }
0x3a: {  	_ =	swait.ge [sflag:s23], $0x2000  }
0x3b: {  	[sflag:s23] =	ssyncset.done $0x0  }
0x3c: {  	[sflag:s23] =	ssyncadd.s32 $0xFFFFE000  }
0x3d: {  	[spmem:s10] =	stream.linear.scatter [tilespmem:s22], [sflag:$0x2], $0x2000, $0x38;
	v63 =	vld [tilespmem:$0x0]  }
0x3e: {  	_ =	swait.ge [sflag:s23], $0x2000  }
0x3f: {  	[sflag:s23] =	ssyncset.done $0x0  }
0x40: {  	[sflag:s23] =	ssyncadd.s32 $0xFFFFE000  }
0x41: {  	[spmem:s11] =	stream.linear.scatter [tilespmem:s22], [sflag:$0x2], $0x2000, $0x38;
	v63 =	vld [tilespmem:$0x0]  }
0x42: {  	_ =	swait.ge [sflag:s23], $0x2000  }
0x43: {  	[sflag:s23] =	ssyncset.done $0x0  }
0x44: {  	[sflag:s23] =	ssyncadd.s32 $0xFFFFE000  }
0x45: {  	[spmem:s12] =	stream.linear.scatter [tilespmem:s22], [sflag:$0x2], $0x2000, $0x38;
	v63 =	vld [tilespmem:$0x0]  }
0x46: {  	_ =	swait.ge [sflag:s23], $0x2000  }
0x47: {  	[sflag:s23] =	ssyncset.done $0x0  }
0x48: {  	[sflag:s23] =	ssyncadd.s32 $0xFFFFE000  }
0x49: {  	[spmem:s13] =	stream.linear.scatter [tilespmem:s22], [sflag:$0x2], $0x2000, $0x38;
	v63 =	vld [tilespmem:$0x0]  }
0x4a: {  	_ =	swait.ge [sflag:s23], $0x2000  }
0x4b: {  	[sflag:s23] =	ssyncset.done $0x0  }
0x4c: {  	[sflag:s23] =	ssyncadd.s32 $0xFFFFE000  }
0x4d: {  	[spmem:s14] =	stream.linear.scatter [tilespmem:s22], [sflag:$0x2], $0x2000, $0x38;
	v63 =	vld [tilespmem:$0x0]  }
0x4e: {  	_ =	swait.ge [sflag:s23], $0x2000  }
0x4f: {  	[sflag:s23] =	ssyncset.done $0x0  }
0x50: {  	[sflag:s23] =	ssyncadd.s32 $0xFFFFE000  }
0x51: {  	[spmem:s15] =	stream.linear.scatter [tilespmem:s22], [sflag:$0x2], $0x2000, $0x38;
	v63 =	vld [tilespmem:$0x0]  }
0x52: {  	_ =	swait.ge [sflag:s23], $0x2000  }
0x53: {  	[sflag:s23] =	ssyncset.done $0x0  }
0x54: {  	[sflag:s23] =	ssyncadd.s32 $0xFFFFE000  }
0x55: {  	[spmem:s16] =	stream.linear.scatter [tilespmem:s22], [sflag:$0x2], $0x2000, $0x38;
	v63 =	vld [tilespmem:$0x0]  }
0x56: {  	_ =	swait.ge [sflag:s23], $0x2000  }
0x57: {  	[sflag:s23] =	ssyncset.done $0x0  }
0x58: {  	[sflag:s23] =	ssyncadd.s32 $0xFFFFE000  }
0x59: {  	[spmem:s17] =	stream.linear.scatter [tilespmem:s22], [sflag:$0x2], $0x2000, $0x38;
	v63 =	vld [tilespmem:$0x0]  }
0x5a: {  	_ =	swait.ge [sflag:s23], $0x2000  }
0x5b: {  	[sflag:s23] =	ssyncset.done $0x0  }
0x5c: {  	[sflag:s23] =	ssyncadd.s32 $0xFFFFE000  }
0x5d: {  	s24 =	simm.s32 $0x80;
	s25 =	simm.s32 $0x400;
	[bflag:$0x0] =	sbarrier.arrive $0xFFFF  }
0x5e: {  	[tilespmem:s4], [sflag:$0x2] =	stream.strided.gather [hbm4b:s18+s24], $0x2800, s25, s24, $0x38;
	v63 =	vld [tilespmem:$0x0]  }
0x5f: {  	_ =	swait.ge [sflag:s23], $0x2800  }
0x60: {  	[sflag:s23] =	ssyncset.done $0x0  }
.Ltmp3:
0x61: {  	s31 =	simm.s32 $0x2800;
	[sflag:s23] =	ssyncadd.s32 $0xFFFFD800;
	(pc) =	sbr.rel @!p0 .LBB2_4-.Ltmp3, $4  }
0x62: {  	[tilespmem:s31], [sflag:$0x2] =	stream.linear.gather [hbm4b:s19+s4], $0x3500, $0x38;
	v63 =	vld [tilespmem:$0x0]  }
0x63: {  	_ =	swait.ge [sflag:s23], $0x3500  }
0x64: {  	[sflag:s23] =	ssyncset.done $0x0  }
0x65: {  	s24 =	simm.s32 $0x60;
	s25 =	simm.s32 $0x0;
	[sflag:s23] =	ssyncadd.s32 $0xFFFFCB00  }
0x66: {  	[tilespmem:s22], [sflag:$0x1] =	stream.indirect.gather [hbm4b:s5+s24], $0x80, s25, s24, $0xb8;
	v63 =	vld [tilespmem:$0x0]  }
0x67: {  	_ =	swait.ge [sflag:s28], $0x3000  }
0x68: {  	[sflag:s28] =	ssyncset.done $0x0  }
0x69: {  	[sflag:s28] =	ssyncadd.s32 $0xFFFFD000  }
0x6a: {  	[tilespmem:s30], [sflag:$0x1] =	stream.indirect.gather [hbm4b:s5+s29], $0x80, s24, s29, $0xb8;
	v63 =	vld [tilespmem:$0x0]  }
0x6b: {  	s31 =	simm.s32 $0x2800  }
0x6c: {  	[spmem:s3] =	stream.indirect.scatter.add.f32 [tilespmem:s22], [sflag:$0x2], $0x80, s31, s29, $0xb8;
	v63 =	vld [tilespmem:$0x0]  }
0x6d: {  	_ =	swait.ge [sflag:s23], $0x3000  }
0x6e: {  	[sflag:s23] =	ssyncset.done $0x0  }
0x6f: {  	[sflag:s23] =	ssyncadd.s32 $0xFFFFD000  }
0x70: {  	_ =	swait.ge [sflag:s28], $0x3000  }
0x71: {  	[sflag:s28] =	ssyncset.done $0x0  }
0x72: {  	s26 =	simm.s32 $0xC0;
	[sflag:s28] =	ssyncadd.s32 $0xFFFFD000  }
0x73: {  	[tilespmem:s22], [sflag:$0x1] =	stream.indirect.gather [hbm4b:s5+s29], $0x80, s26, s29, $0xb8;
	v63 =	vld [tilespmem:$0x0]  }
0x74: {  	s31 =	simm.s32 $0x2880  }
0x75: {  	[spmem:s3] =	stream.indirect.scatter.add.f32 [tilespmem:s30], [sflag:$0x2], $0x80, s31, s29, $0xb8;
	v63 =	vld [tilespmem:$0x0]  }
0x76: {  	_ =	swait.ge [sflag:s23], $0x3000  }
0x77: {  	s25 =	simm.s32 $0x400;
	[sflag:s23] =	ssyncset.done $0x0  }
.LBB2_8:
0x78: {  	p1 =	sne.s32 s25, $0xCC00;
	[sflag:s23] =	ssyncadd.s32 $0xFFFFD000;
	s24 =	sadd.s32 $0xC0, s24  }
0x79: {  	s26 =	smov.u32 s25;
	s25 =	sadd.s32 $0x400, s25  }
0x7a: {  	_ =	swait.ge [sflag:s28], $0x3000  }
0x7b: {  	[sflag:s28] =	ssyncset.done $0x0  }
0x7c: {  	s26 =	sshra.s32 s26, $0x2;
	[sflag:s28] =	ssyncadd.s32 $0xFFFFD000  }
0x7d: {  	[tilespmem:s30], [sflag:$0x1] =	stream.indirect.gather [hbm4b:s5+s29], $0x80, s24, s29, $0xb8;
	v63 =	vld [tilespmem:$0x0]  }
0x7e: {  	s31 =	sadd.s32 $0x2800, s26  }
0x7f: {  	[spmem:s3] =	stream.indirect.scatter.add.f32 [tilespmem:s22], [sflag:$0x2], $0x80, s31, s29, $0xb8;
	v63 =	vld [tilespmem:$0x0]  }
0x80: {  	_ =	swait.ge [sflag:s23], $0x3000  }
0x81: {  	[sflag:s23] =	ssyncset.done $0x0  }
0x82: {  	[sflag:s23] =	ssyncadd.s32 $0xFFFFD000  }
0x83: {  	_ =	swait.ge [sflag:s28], $0x3000  }
0x84: {  	[sflag:s28] =	ssyncset.done $0x0  }
0x85: {  	s31 =	sadd.s32 $0x60, s24;
	[sflag:s28] =	ssyncadd.s32 $0xFFFFD000  }
0x86: {  	[tilespmem:s22], [sflag:$0x1] =	stream.indirect.gather [hbm4b:s5+s29], $0x80, s31, s29, $0xb8;
	v63 =	vld [tilespmem:$0x0]  }
.Ltmp4:
0x87: {  	_ = 	snop;
	(pc) =	sbr.rel @p1 .LBB2_8-.Ltmp4, $4  }
0x88: {  	s26 =	sadd.s32 $0x2880, s26  }
0x89: {  	[spmem:s3] =	stream.indirect.scatter.add.f32 [tilespmem:s30], [sflag:$0x2], $0x80, s26, s29, $0xb8;
	v63 =	vld [tilespmem:$0x0]  }
0x8a: {  	_ =	swait.ge [sflag:s23], $0x3000  }
0x8b: {  	[sflag:s23] =	ssyncset.done $0x0  }
0x8c: {  	[sflag:s23] =	ssyncadd.s32 $0xFFFFD000  }
.Ltmp5:
0x8d: {  	_ =	swait.ge [sflag:s28], $0x3000;
	(pc) =	sbr.rel .LBB2_10-.Ltmp5, $4  }
0x8e: {  	[sflag:s28] =	ssyncset.done $0x0  }
0x8f: {  	s24 =	simm.s32 $0x2760;
	[sflag:s28] =	ssyncadd.s32 $0xFFFFD000  }
0x90: {  	[tilespmem:s30], [sflag:$0x1] =	stream.indirect.gather [hbm4b:s5+s29], $0x80, s24, s29, $0xb8;
	v63 =	vld [tilespmem:$0x0]  }
0x91: {  	s24 =	rddreg [dreg:$0x5]  }
.LBB2_4:
0x92: {  	[tilespmem:s22], [sflag:$0x1] =	stream.indirect.gather [hbm4b:s2+s24], $0x80, s25, s24, $0xb8;
	v63 =	vld [tilespmem:$0x0]  }
0x93: {  	_ =	swait.ge [sflag:s28], $0x3000  }
0x94: {  	[sflag:s28] =	ssyncset.done $0x0  }
0x95: {  	[sflag:s28] =	ssyncadd.s32 $0xFFFFD000  }
0x96: {  	[tilespmem:s30], [sflag:$0x1] =	stream.indirect.gather [hbm4b:s2+s29], $0x80, s24, s29, $0xb8;
	v63 =	vld [tilespmem:$0x0]  }
0x97: {  	s31 =	simm.s32 $0x2800  }
0x98: {  	[spmem:s3] =	stream.indirect.scatter.add.f32 [tilespmem:s22], [sflag:$0x2], $0x80, s31, s29, $0xb8;
	v63 =	vld [tilespmem:$0x0]  }
0x99: {  	_ =	swait.ge [sflag:s23], $0x3000  }
0x9a: {  	[sflag:s23] =	ssyncset.done $0x0  }
0x9b: {  	[sflag:s23] =	ssyncadd.s32 $0xFFFFD000  }
0x9c: {  	_ =	swait.ge [sflag:s28], $0x3000  }
0x9d: {  	[sflag:s28] =	ssyncset.done $0x0  }
0x9e: {  	s26 =	simm.s32 $0xC0;
	[sflag:s28] =	ssyncadd.s32 $0xFFFFD000  }
0x9f: {  	[tilespmem:s22], [sflag:$0x1] =	stream.indirect.gather [hbm4b:s2+s29], $0x80, s26, s29, $0xb8;
	v63 =	vld [tilespmem:$0x0]  }
0xa0: {  	s31 =	simm.s32 $0x2880  }
0xa1: {  	[spmem:s3] =	stream.indirect.scatter.add.f32 [tilespmem:s30], [sflag:$0x2], $0x80, s31, s29, $0xb8;
	v63 =	vld [tilespmem:$0x0]  }
0xa2: {  	_ =	swait.ge [sflag:s23], $0x3000  }
0xa3: {  	s25 =	simm.s32 $0x400;
	[sflag:s23] =	ssyncset.done $0x0  }
.LBB2_5:
0xa4: {  	p1 =	sne.s32 s25, $0xCC00;
	[sflag:s23] =	ssyncadd.s32 $0xFFFFD000;
	s24 =	sadd.s32 $0xC0, s24  }
0xa5: {  	s26 =	smov.u32 s25;
	s25 =	sadd.s32 $0x400, s25  }
0xa6: {  	_ =	swait.ge [sflag:s28], $0x3000  }
0xa7: {  	[sflag:s28] =	ssyncset.done $0x0  }
0xa8: {  	s26 =	sshra.s32 s26, $0x2;
	[sflag:s28] =	ssyncadd.s32 $0xFFFFD000  }
0xa9: {  	[tilespmem:s30], [sflag:$0x1] =	stream.indirect.gather [hbm4b:s2+s29], $0x80, s24, s29, $0xb8;
	v63 =	vld [tilespmem:$0x0]  }
0xaa: {  	s31 =	sadd.s32 $0x2800, s26  }
0xab: {  	[spmem:s3] =	stream.indirect.scatter.add.f32 [tilespmem:s22], [sflag:$0x2], $0x80, s31, s29, $0xb8;
	v63 =	vld [tilespmem:$0x0]  }
0xac: {  	_ =	swait.ge [sflag:s23], $0x3000  }
0xad: {  	[sflag:s23] =	ssyncset.done $0x0  }
0xae: {  	[sflag:s23] =	ssyncadd.s32 $0xFFFFD000  }
0xaf: {  	_ =	swait.ge [sflag:s28], $0x3000  }
0xb0: {  	[sflag:s28] =	ssyncset.done $0x0  }
0xb1: {  	s31 =	sadd.s32 $0x60, s24;
	[sflag:s28] =	ssyncadd.s32 $0xFFFFD000  }
0xb2: {  	[tilespmem:s22], [sflag:$0x1] =	stream.indirect.gather [hbm4b:s2+s29], $0x80, s31, s29, $0xb8;
	v63 =	vld [tilespmem:$0x0]  }
.Ltmp6:
0xb3: {  	_ = 	snop;
	(pc) =	sbr.rel @p1 .LBB2_5-.Ltmp6, $4  }
0xb4: {  	s26 =	sadd.s32 $0x2880, s26  }
0xb5: {  	[spmem:s3] =	stream.indirect.scatter.add.f32 [tilespmem:s30], [sflag:$0x2], $0x80, s26, s29, $0xb8;
	v63 =	vld [tilespmem:$0x0]  }
0xb6: {  	_ =	swait.ge [sflag:s23], $0x3000  }
0xb7: {  	[sflag:s23] =	ssyncset.done $0x0  }
.Ltmp7:
0xb8: {  	_ = 	snop;
	(pc) =	sbr.rel .LBB2_6-.Ltmp7, $1  }
0xb9: {  	_ =	sdelay $0x3  }
.LBB2_11:
0xba: {  	_ =	sfence.sel $0x180000  }
0xbb: {  	[bflag:$0x0] =	sbarrier.arrive $0xFFFF  }
0xbc: {  	_ =	strace $0x90000050  }
0xbd: {  	[bflag:$0x2] =	sbarrier.arrive $0xFFFF  }
0xbe: {  	p0 =	sne.s32 s1, $0x0;
	s0 =	rddreg [dreg:$0x3]  }
0xbf: {  	s0 =	sadd.s32 @!p0 $0x100000, s0  }
0xc0: {  	[sflag:s0] =	ssyncadd.tile.s32 @!p0 $0x1;
	_ =	shalt  }
.Lfunc_end2:
_tile_overlayer_lowered:
.L_overlay_start_2:
0xc1: {  	(tag) =	ssettag $0x2  }
0xc2: {  	s0 =	rddreg [dreg:$0x0];
	s2 =	stileid.u32  }
0xc3: {  	s1 =	rddreg [dreg:$0x1];
	p0 =	sne.s32 s2, $0x0  }
0xc4: {  	s3 =	rddreg [dreg:$0x2];
	[bflag:$0x3] =	sbarrier.arrive $0xFFFF;
	s2 =	simm.s32 @!p0 $0x1C02  }
0xc5: {  	[timem:s3], [sflag:s2] =	dma.local @!p0 [hbm:s0], s1  }
0xc6: {  	s0 =	simm.s32 @!p0 $0x2  }
0xc7: {  	_ =	swait.ge @!p0 [sflag:s0], s1  }
0xc8: {  	s1 =	ssub.s32 @!p0 $0x0, s1;
	[sflag:s0] =	ssyncset.done @!p0 $0x0  }
0xc9: {  	[sflag:s0] =	ssyncadd.s32 @!p0 s1  }
0xca: {  	[bflag:$0x3] =	sbarrier.arrive $0xFFFF  }
0xcb: {  	_ =	shalt  }

// kernel: kernel.9.cloned.1.call-start
scs
__scs_entry_jumppad:
0x0: {  	(pc) =	sbr.rel $0x88, $3  }
0x1: {  	(tag) =	ssettag $0x0;
	lr =	simm.s32 $0x1  }
0x2: {  	[smem:$0x3F97] =	sst lr;
	_ =	strace $0xD0000000  }
0x3: {  	_ = 	snop  }
0x4: {  	_ = 	snop  }
0x5: {  	_ = 	snop  }
0x6: {  	_ = 	snop  }
0x7: {  	_ = 	snop  }
__scs_overlays_trampoline_lowered:
0x8: {  	[smem:$0x3FA6] =	sst s0  }
0x9: {  	[smem:$0x3FA7] =	sst s1  }
0xa: {  	[smem:$0x3FA8] =	sst s2  }
0xb: {  	[smem:$0x3FA9] =	sst s3  }
0xc: {  	[smem:$0x3FAA] =	sst s4  }
0xd: {  	[smem:$0x3FAB] =	sst s5  }
0xe: {  	[smem:$0x3FAC] =	sst s6  }
0xf: {  	[smem:$0x3FAD] =	sst s7  }
0x10: {  	[smem:$0x3FAE] =	sst s8  }
0x11: {  	[smem:$0x3FAF] =	sst s9;
	s0 =	simm.s32 @!p0 $0x0  }
0x12: {  	s1 =	sld [smem:$0x3F95];
	s0 =	simm.s32 @p0 $0x1  }
0x13: {  	[smem:$0x3FB0] =	sst s0;
	s0 =	simm.s32 @!p1 $0x0  }
0x14: {  	s2 =	sld [smem:$0x3F94];
	s0 =	simm.s32 @p1 $0x1  }
0x15: {  	[smem:$0x3FB1] =	sst s0;
	s0 =	simm.s32 @!p2 $0x0  }
0x16: {  	s3 =	sld [smem:$0x3FDB];
	s0 =	simm.s32 @p2 $0x1  }
0x17: {  	s4 =	simm.s32 $0x1BF5;
	[smem:$0x3FB3] =	sst s0  }
0x18: {  	s0 =	sld [smem:$0x3F96];
	_ =	swait.ge [sflag:s4], $0x0  }
0x19: {  	s7 =	sld [smem:$0x3F97]  }
0x1a: {  	s8 =	sadd.s32 $0xFFFFE003, lr  }
0x1b: {  	s9 =	sadd.s32 $0xFFFFFEF7, lr;
	s5 =	simm.s32 $0xFFFFFFFF;
	p2 =	slt.u32 s8, $0xFFFFF086  }
0x1c: {  	p1 =	slt.u32 s9, $0xF7A;
	s5 =	simm.s32 @!p2 $0x0  }
0x1d: {  	s5 =	simm.s32 @p1 $0x1;
	p0 =	seq.s32 s7, s2  }
0x1e: {  	s7 =	smul.u32 @!p0 $0xF7A, s2;
	p2 =	seq.s32 @!p0 s5, $0x0  }
0x1f: {  	s9 =	smul.u32 $0xF7A, s1;
	s8 =	simm.s32 @!p0 $0x1BF5;
	p2 =	por !p2, p0  }
0x20: {  	[sflag:s8] =	ssyncset.s32 @!p0 $0xFFFFF086;
	s6 =	sadd.s32 @!p0 s3, s7;
	s7 =	simm.s32 @!p0 $0x108  }
0x21: {  	s3 =	sadd.s32 s3, s9;
	s6 =	sadd.s32 @!p0 $0x88, s6;
	s7 =	simm.s32 @p2 $0x1082  }
0x22: {  	[simem:s7], [sflag:s8] =	dma.local @!p0 [hbm:s6], $0xF7A  }
0x23: {  	s9 =	sor.u32 $0xD0000000, s2;
	s6 =	simm.s32 $0x108;
	_ =	swait.ge @!p0 [sflag:s8], $0x0  }
0x24: {  	s3 =	sadd.s32 $0x88, s3;
	s6 =	simm.s32 @!p1 $0x1082;
	[sflag:s4] =	ssyncset.s32 $0xFFFFF086  }
0x25: {  	[simem:s6], [sflag:s4] =	dma.local [hbm:s3], $0xF7A  }
0x26: {  	[smem:$0x3F97] =	sst s1;
	(tag) =	ssettag s2;
	_ =	strace s9  }
0x27: {  	s1 =	sld [smem:$0x3FA7]  }
0x28: {  	s2 =	sld [smem:$0x3FA8]  }
0x29: {  	s4 =	sld [smem:$0x3FAA]  }
0x2a: {  	p0 =	seq.s32 s5, $0x0;
	s5 =	sld [smem:$0x3FAB]  }
0x2b: {  	s6 =	sld [smem:$0x3FAC]  }
0x2c: {  	s7 =	sld [smem:$0x3FAD]  }
0x2d: {  	s3 =	simm.s32 $0x108;
	s8 =	sld [smem:$0x3FAE]  }
0x2e: {  	s3 =	simm.s32 @!p0 $0x1082;
	s9 =	sld [smem:$0x3FAF]  }
0x2f: {  	lr =	sadd.s32 s0, s3;
	s0 =	sld [smem:$0x3FA6]  }
0x30: {  	s3 =	sld [smem:$0x3FA9]  }
0x31: {  	[smem:$0x3FB2] =	sst s10  }
0x32: {  	s10 =	sld [smem:$0x3FB0];
	_ =	sdelay $0x3  }
0x33: {  	p0 =	seq.s32 s10, $0x1;
	s10 =	sld [smem:$0x3FB2];
	_ =	sdelay $0x3  }
0x34: {  	[smem:$0x3FB2] =	sst s10  }
0x35: {  	s10 =	sld [smem:$0x3FB1];
	_ =	sdelay $0x3  }
0x36: {  	p1 =	seq.s32 s10, $0x1;
	s10 =	sld [smem:$0x3FB2];
	_ =	sdelay $0x3  }
0x37: {  	[smem:$0x3FB2] =	sst s10  }
0x38: {  	s10 =	sld [smem:$0x3FB3]  }
0x39: {  	_ = 	snop;
	(pc) =	sbr.ind lr, $3  }
0x3a: {  	_ = 	snop  }
0x3b: {  	_ = 	snop  }
0x3c: {  	p2 =	seq.s32 s10, $0x1;
	s10 =	sld [smem:$0x3FB2]  }
0x3d: {  	_ =	shalt  }
0x3e: {  	_ =	shalt  }
0x3f: {  	_ =	shalt  }
0x40: {  	_ =	shalt  }
0x41: {  	_ =	shalt  }
0x42: {  	_ =	shalt  }
0x43: {  	_ =	shalt  }
0x44: {  	_ =	shalt  }
0x45: {  	_ =	shalt  }
0x46: {  	_ =	shalt  }
0x47: {  	_ =	shalt  }
0x48: {  	_ =	shalt  }
0x49: {  	_ =	shalt  }
0x4a: {  	_ =	shalt  }
0x4b: {  	_ =	shalt  }
0x4c: {  	_ =	shalt  }
0x4d: {  	_ =	shalt  }
0x4e: {  	_ =	shalt  }
0x4f: {  	_ =	shalt  }
0x50: {  	_ =	shalt  }
0x51: {  	_ =	shalt  }
0x52: {  	_ =	shalt  }
0x53: {  	_ =	shalt  }
0x54: {  	_ =	shalt  }
0x55: {  	_ =	shalt  }
0x56: {  	_ =	shalt  }
0x57: {  	_ =	shalt  }
0x58: {  	_ =	shalt  }
0x59: {  	_ =	shalt  }
0x5a: {  	_ =	shalt  }
0x5b: {  	_ =	shalt  }
0x5c: {  	_ =	shalt  }
0x5d: {  	_ =	shalt  }
0x5e: {  	_ =	shalt  }
0x5f: {  	_ =	shalt  }
0x60: {  	_ =	shalt  }
0x61: {  	_ =	shalt  }
0x62: {  	_ =	shalt  }
0x63: {  	_ =	shalt  }
0x64: {  	_ =	shalt  }
0x65: {  	_ =	shalt  }
0x66: {  	_ =	shalt  }
0x67: {  	_ =	shalt  }
0x68: {  	_ =	shalt  }
0x69: {  	_ =	shalt  }
0x6a: {  	_ =	shalt  }
0x6b: {  	_ =	shalt  }
0x6c: {  	_ =	shalt  }
0x6d: {  	_ =	shalt  }
0x6e: {  	_ =	shalt  }
0x6f: {  	_ =	shalt  }
0x70: {  	_ =	shalt  }
0x71: {  	_ =	shalt  }
0x72: {  	_ =	shalt  }
0x73: {  	_ =	shalt  }
0x74: {  	_ =	shalt  }
0x75: {  	_ =	shalt  }
0x76: {  	_ =	shalt  }
0x77: {  	_ =	shalt  }
0x78: {  	_ =	shalt  }
0x79: {  	_ =	shalt  }
0x7a: {  	_ =	shalt  }
0x7b: {  	_ =	shalt  }
0x7c: {  	_ =	shalt  }
0x7d: {  	_ =	shalt  }
0x7e: {  	_ =	shalt  }
0x7f: {  	_ =	shalt  }
0x80: {  	_ =	shalt  }
0x81: {  	_ =	shalt  }
0x82: {  	_ =	shalt  }
0x83: {  	_ =	shalt  }
0x84: {  	_ =	shalt  }
0x85: {  	_ =	shalt  }
0x86: {  	_ =	shalt  }
0x87: {  	_ =	shalt  }
.Lfunc_end0:
.L_simem_size_0:
called_computation_lowered:
.L_overlay_start_0:
0x88: {  	s2 =	sld [smem:$0x3FD9]  }
0x89: {  	s3 =	sld [smem:$0x3FFE];
	_ =	sdelay $0x1  }
0x8a: {  	s1 =	srdreg.scid  }
0x8b: {  	s0 =	sand.u32 $0x1, s1  }
0x8c: {  	s17 =	sshll.u32 s0, $0xA;
	s2 =	sadd.s32 s3, s2  }
0x8d: {  	s2 =	sadd.s32 s2, s17  }
0x8e: {  	[smem:$0x3FBE] =	sst s2  }
0x8f: {  	_ = 	snop  }
0x90: {  	(tm) =	ssettm $0x1  }
0x91: {  	s18 =	sld [smem:$0x3FFB];
	_ =	sdelay $0x3  }
0x92: {  	_ =	strace s18  }
0x93: {  	s2 =	sld [smem:$0x3FFC];
	_ =	sdelay $0x3  }
0x94: {  	_ =	strace s2  }
0x95: {  	s2 =	sld [smem:$0x3FFD];
	_ =	sdelay $0x3  }
0x96: {  	_ =	strace s2  }
0x97: {  	_ =	strace $0x8FFFFFFF  }
0x98: {  	s19 =	sld [smem:$0x3FDB];
	_ =	sdelay $0x1  }
0x99: {  	s20 =	simm.s32 $_scs_section_size  }
0x9a: {  	s4 =	simm.s32 $_size__tile_overlayer_lowered;
	s5 =	simm.s32 $_tile_overlayer_lowered  }
0x9b: {  	s6 =	simm.s32 $0x1BFF;
	s21 =	sshll.u32 s5, $0x1;
	s3 =	sadd.s32 s20, s19  }
0x9c: {  	s22 =	simm.s32 $0x0;
	s4 =	sshll.u32 s4, $0x1;
	s5 =	sadd.s32 s21, s3  }
0x9d: {  	[timem:s22], [sflag:s6] =	dma.local [hbm:s5], s4  }
0x9e: {  	_ =	swait.ge [sflag:s6], s4  }
0x9f: {  	s4 =	ssub.s32 $0x0, s4;
	[sflag:s6] =	ssyncset.done $0x0  }
0xa0: {  	[sflag:s6] =	ssyncadd.s32 s4;
	_ =	sdelay $0x1  }
0xa1: {  	s23 =	simm.s32 $0x1B8B  }
0xa2: {  	_ =	swait.ge [sflag:s23], $0x1  }
0xa3: {  	[sflag:s23] =	ssyncset.done $0x0  }
0xa4: {  	[sflag:s23] =	ssyncadd.s32 $0xFFFFFFFF  }
0xa5: {  	s4 =	sld [smem:$0x0]  }
0xa6: {  	s5 =	sand.u32 $0xFFFFFFFE, s1  }
0xa7: {  	p0 =	sne.s32 s1, s5  }
0xa8: {  	s5 =	sshll.u32 @p0 s5, $0xE  }
0xa9: {  	s5 =	sadd.s32 @p0 $0x11B8D, s5;
	s6 =	sshll.u32 @p0 s4, $0x11  }
0xaa: {  	s5 =	sor.u32 @p0 s6, s5  }
0xab: {  	[sflag:s5] =	ssyncadd.remote.s32 @p0 $0x1;
	_ =	sdelay $0x1  }
0xac: {  	s5 =	simm.s32 @p0 $0x1B8D  }
0xad: {  	_ =	swait.eq @p0 [sflag:s5], $0x1  }
0xae: {  	[sflag:s5] =	ssyncadd.s32 @p0 $0xFFFFFFFF  }
0xaf: {  	s6 =	sshll.u32 @!p0 s1, $0xE  }
0xb0: {  	s6 =	sor.u32 @!p0 $0x4000, s6;
	s5 =	simm.s32 @!p0 $0x1B8D  }
0xb1: {  	s4 =	sshll.u32 @!p0 s4, $0x11;
	s6 =	sadd.s32 @!p0 $0x11B8D, s6;
	_ =	swait.eq @!p0 [sflag:s5], $0x1  }
0xb2: {  	s4 =	sor.u32 @!p0 s4, s6;
	[sflag:s5] =	ssyncadd.s32 @!p0 $0xFFFFFFFF  }
0xb3: {  	s25 =	simm.s32 $0x1B8E;
	s24 =	sld [smem:$0x3FFE];
	[sflag:s4] =	ssyncadd.remote.s32 @!p0 $0x1  }
0xb4: {  	s26 =	simm.s32 $execute0_lowered;
	[smem:$0x3FD2] =	sst s25  }
0xb5: {  	s5 =	sshll.u32 s26, $0x1;
	_ =	strace $0x80000049;
	[dreg:$0x1] =	wrdreg $0xFFFFFFFF  }
0xb6: {  	s28 =	simm.s32 $_size_execute0_lowered;
	s3 =	sadd.s32 s3, s5;
	[dreg:$0x0] =	wrdreg $0x0  }
0xb7: {  	s5 =	sshll.u32 s28, $0x1;
	[dreg:$0x2] =	wrdreg s3  }
0xb8: {  	[dreg:$0x3] =	wrdreg s5  }
0xb9: {  	[dreg:$0x4] =	wrdreg $0xC0  }
0xba: {  	_ =	task [dreg:s22], $0x5FFFF  }
0xbb: {  	[dreg:$0x1] =	wrdreg $0xFFFFFFFF  }
0xbc: {  	[dreg:$0x0] =	wrdreg $0x60  }
0xbd: {  	[dreg:$0x2] =	wrdreg s24  }
0xbe: {  	[dreg:$0x3] =	wrdreg $0x68000  }
0xbf: {  	[dreg:$0x4] =	wrdreg $0x9  }
0xc0: {  	_ =	task.clear_ibuf [dreg:s22], $0x5FFFF;
	_ =	strace $0x90000049  }
0xc1: {  	s29 =	simm.s32 $0x9;
	_ =	strace $0x8000004B  }
0xc2: {  	_ =	swait.ge [sflag:s29], $0x1  }
0xc3: {  	[sflag:s29] =	ssyncadd.s32 $0xFFFFFFFF  }
0xc4: {  	_ =	strace $0x9000004B  }
0xc5: {  	_ =	sfence  }
0xc6: {  	s30 =	sld [smem:$0x0];
	_ =	sdelay $0x2  }
0xc7: {  	s31 =	sshll.u32 s1, $0xD;
	s1 =	sshrl.u32 s1, $0x2  }
0xc8: {  	s4 =	sand.u32 $0x4000, s31;
	s1 =	sadd.s32 s1, s30  }
0xc9: {  	s0 =	sor.u32 s4, s0;
	s1 =	sshll.u32 s1, $0x11  }
0xca: {  	s0 =	sor.u32 s1, s0  }
0xcb: {  	s0 =	sadd.s32 $0x8F2B, s0  }
0xcc: {  	[sflag:s0] =	ssyncadd.remote.s32 $0x1  }
0xcd: {  	_ =	sfence.sel $0xFFFF  }
0xce: {  	[dreg:$0x0] =	wrdreg $0xFFFFFFFF;
	(pc) =	sbr.abs _section_cstart, $3  }
0xcf: {  	[dreg:$0x1] =	wrdreg $0xFFFFFFFF  }
0xd0: {  	_ =	task.clear_ibuf [dreg:s22], $0x2FFFF;
	_ =	strace $0x9FFFFFFF  }
0xd1: {  	(tm) =	ssettm $0x7FFFFFFF  }
tec
execute0_lowered:
.L_overlay_start_1:
0x0: {  	(tag) =	ssettag $0x1  }
0x1: {  	s6 =	rddreg [dreg:$0x0]  }
0x2: {  	s2 =	rddreg [dreg:$0x1]  }
0x3: {  	s0 =	rddreg [dreg:$0x2]  }
0x4: {  	s3 =	simm.s32 $0x0;
	s1 =	stileid.u32;
	s5 =	srdreg.scid  }
0x5: {  	s20 =	simm.s32 $0x2800;
	s21 =	simm.s32 $0x2;
	s22 =	simm.s32 $0x80  }
0x6: {  	s23 =	simm.s32 $0x1;
	s24 =	simm.s32 $0x0;
	s4 =	smul.u32 $0x500, s1  }
0x7: {  	[smem:$0x7FF] =	sst s3;
	s7 =	smul.u32 $0x50000, s1;
	s17 =	sand.u32 $0x1, s5  }
0x8: {  	_ =	strace $0x8000004A;
	s8 =	ssub.s32 $0x2, s17;
	p0 =	seq.s32 s17, $0x1  }
0x9: {  	s17 =	smul.u32 $0x2800, s1;
	s18 =	sadd.s32 s4, s6;
	s30 =	sshrl.u32 s7, $0x2  }
0xa: {  	s4 =	sadd.s32 $0x1CA400, s6;
	s31 =	sshrl.u32 s8, $0x1;
	s6 =	sadd.s32 $0x1F2400, s6  }
.Ltmp0:
0xb: {  	s5 =	sadd.s32 s30, s2;
	s16 =	sadd.s32 $0x1C0400, s18;
	(pc) =	sbr.rel .LBB2_1-.Ltmp0, $4  }
0xc: {  	s19 =	ssub.s32 s8, s31;
	s18 =	sadd.s32 $0x1C5400, s18;
	s7 =	sadd.s32 $0x2000, s5  }
0xd: {  	s8 =	sadd.s32 $0x4000, s5;
	s9 =	sadd.s32 $0x6000, s5;
	s10 =	sadd.s32 $0x8000, s5  }
0xe: {  	s11 =	sadd.s32 $0xA000, s5;
	s12 =	sadd.s32 $0xC000, s5;
	s13 =	sadd.s32 $0xE000, s5  }
0xf: {  	v0 =	vimm.f32 $0.0e+00;
	v1 =	vimm.f32 $1.000000000e+00;
	s14 =	sadd.s32 $0x10000, s5;
	s15 =	sadd.s32 $0x12000, s5;
	s19 =	smax.u32 s19, $0x1  }
.LBB2_8:
0x10: {  	s25 =	sshra.s32 s25, $0x2;
	[sflag:s23] =	ssyncadd.s32 $0xFFFFC000  }
0x11: {  	[spmem:s2] =	stream.indirect.scatter.add.f32 [tilespmem:s20], [sflag:$0x1], $0x80, s25, s22, $0xb8;
	[tilespmem:$0x1A800] =	vst v63  }
0x12: {  	s26 =	sadd.s32 $0x80, s25  }
0x13: {  	[spmem:s2] =	stream.indirect.scatter.add.f32 [tilespmem:s20], [sflag:$0x1], $0x80, s26, s22, $0xb8;
	[tilespmem:$0x1A800] =	vst v63  }
0x14: {  	s31 =	sadd.s32 $0x100, s25  }
0x15: {  	[spmem:s2] =	stream.indirect.scatter.add.f32 [tilespmem:s20], [sflag:$0x1], $0x80, s31, s22, $0xb8;
	[tilespmem:$0x1A800] =	vst v63  }
0x16: {  	s28 =	sadd.s32 $0x180, s25  }
0x17: {  	[spmem:s2] =	stream.indirect.scatter.add.f32 [tilespmem:s20], [sflag:$0x1], $0x80, s28, s22, $0xb8;
	[tilespmem:$0x1A800] =	vst v63  }
0x18: {  	s29 =	sadd.s32 $0x200, s25  }
0x19: {  	[spmem:s2] =	stream.indirect.scatter.add.f32 [tilespmem:s20], [sflag:$0x1], $0x80, s29, s22, $0xb8;
	[tilespmem:$0x1A800] =	vst v63  }
0x1a: {  	s30 =	sadd.s32 $0x280, s25  }
0x1b: {  	[spmem:s2] =	stream.indirect.scatter.add.f32 [tilespmem:s20], [sflag:$0x1], $0x80, s30, s22, $0xb8;
	[tilespmem:$0x1A800] =	vst v63  }
0x1c: {  	s31 =	sadd.s32 $0x300, s25  }
0x1d: {  	[spmem:s2] =	stream.indirect.scatter.add.f32 [tilespmem:s20], [sflag:$0x1], $0x80, s31, s22, $0xb8;
	[tilespmem:$0x1A800] =	vst v63  }
0x1e: {  	s28 =	sadd.s32 $0x380, s25  }
0x1f: {  	[spmem:s2] =	stream.indirect.scatter.add.f32 [tilespmem:s20], [sflag:$0x1], $0x80, s28, s22, $0xb8;
	[tilespmem:$0x1A800] =	vst v63  }
0x20: {  	s29 =	sadd.s32 $0x400, s25  }
0x21: {  	[spmem:s2] =	stream.indirect.scatter.add.f32 [tilespmem:s20], [sflag:$0x1], $0x80, s29, s22, $0xb8;
	[tilespmem:$0x1A800] =	vst v63  }
0x22: {  	s30 =	sadd.s32 $0x480, s25  }
0x23: {  	[spmem:s2] =	stream.indirect.scatter.add.f32 [tilespmem:s20], [sflag:$0x1], $0x80, s30, s22, $0xb8;
	[tilespmem:$0x1A800] =	vst v63  }
0x24: {  	s31 =	sadd.s32 $0x500, s25  }
0x25: {  	[spmem:s2] =	stream.indirect.scatter.add.f32 [tilespmem:s20], [sflag:$0x1], $0x80, s31, s22, $0xb8;
	[tilespmem:$0x1A800] =	vst v63  }
0x26: {  	s28 =	sadd.s32 $0x580, s25  }
0x27: {  	[spmem:s2] =	stream.indirect.scatter.add.f32 [tilespmem:s20], [sflag:$0x1], $0x80, s28, s22, $0xb8;
	[tilespmem:$0x1A800] =	vst v63  }
0x28: {  	s29 =	sadd.s32 $0x600, s25  }
0x29: {  	[spmem:s2] =	stream.indirect.scatter.add.f32 [tilespmem:s20], [sflag:$0x1], $0x80, s29, s22, $0xb8;
	[tilespmem:$0x1A800] =	vst v63  }
0x2a: {  	s30 =	sadd.s32 $0x680, s25  }
0x2b: {  	[spmem:s2] =	stream.indirect.scatter.add.f32 [tilespmem:s20], [sflag:$0x1], $0x80, s30, s22, $0xb8;
	[tilespmem:$0x1A800] =	vst v63  }
0x2c: {  	s31 =	sadd.s32 $0x700, s25  }
0x2d: {  	[spmem:s2] =	stream.indirect.scatter.add.f32 [tilespmem:s20], [sflag:$0x1], $0x80, s31, s22, $0xb8;
	[tilespmem:$0x1A800] =	vst v63  }
0x2e: {  	s28 =	sadd.s32 $0x780, s25  }
0x2f: {  	[spmem:s2] =	stream.indirect.scatter.add.f32 [tilespmem:s20], [sflag:$0x1], $0x80, s28, s22, $0xb8;
	[tilespmem:$0x1A800] =	vst v63  }
0x30: {  	s29 =	sadd.s32 $0x800, s25  }
0x31: {  	[spmem:s2] =	stream.indirect.scatter.add.f32 [tilespmem:s20], [sflag:$0x1], $0x80, s29, s22, $0xb8;
	[tilespmem:$0x1A800] =	vst v63  }
0x32: {  	s30 =	sadd.s32 $0x880, s25  }
0x33: {  	[spmem:s2] =	stream.indirect.scatter.add.f32 [tilespmem:s20], [sflag:$0x1], $0x80, s30, s22, $0xb8;
	[tilespmem:$0x1A800] =	vst v63  }
0x34: {  	s31 =	sadd.s32 $0x900, s25  }
0x35: {  	[spmem:s2] =	stream.indirect.scatter.add.f32 [tilespmem:s20], [sflag:$0x1], $0x80, s31, s22, $0xb8;
	[tilespmem:$0x1A800] =	vst v63  }
0x36: {  	s25 =	sadd.s32 $0x980, s25  }
0x37: {  	[spmem:s2] =	stream.indirect.scatter.add.f32 [tilespmem:s20], [sflag:$0x1], $0x80, s25, s22, $0xb8;
	[tilespmem:$0x1A800] =	vst v63  }
0x38: {  	_ =	swait.ge [sflag:s23], $0x4000  }
0x39: {  	[sflag:s23] =	ssyncset.done $0x0  }
0x3a: {  	[sflag:s23] =	ssyncadd.s32 $0xFFFFC000  }
0x3b: {  	_ =	swait.ge [sflag:s23], $0x4000  }
0x3c: {  	[sflag:s23] =	ssyncset.done $0x0  }
0x3d: {  	[sflag:s23] =	ssyncadd.s32 $0xFFFFC000  }
0x3e: {  	_ =	swait.ge [sflag:s23], $0x4000  }
0x3f: {  	[sflag:s23] =	ssyncset.done $0x0  }
0x40: {  	[sflag:s23] =	ssyncadd.s32 $0xFFFFC000  }
0x41: {  	_ =	swait.ge [sflag:s23], $0x4000  }
0x42: {  	[sflag:s23] =	ssyncset.done $0x0  }
0x43: {  	[sflag:s23] =	ssyncadd.s32 $0xFFFFC000  }
0x44: {  	_ =	swait.ge [sflag:s23], $0x4000  }
0x45: {  	[sflag:s23] =	ssyncset.done $0x0  }
0x46: {  	[sflag:s23] =	ssyncadd.s32 $0xFFFFC000  }
0x47: {  	_ =	swait.ge [sflag:s23], $0x4000  }
0x48: {  	[sflag:s23] =	ssyncset.done $0x0  }
0x49: {  	[sflag:s23] =	ssyncadd.s32 $0xFFFFC000  }
0x4a: {  	_ =	swait.ge [sflag:s23], $0x4000  }
0x4b: {  	[sflag:s23] =	ssyncset.done $0x0  }
0x4c: {  	[sflag:s23] =	ssyncadd.s32 $0xFFFFC000  }
0x4d: {  	_ =	swait.ge [sflag:s23], $0x4000  }
0x4e: {  	[sflag:s23] =	ssyncset.done $0x0  }
0x4f: {  	[sflag:s23] =	ssyncadd.s32 $0xFFFFC000  }
0x50: {  	_ =	swait.ge [sflag:s23], $0x4000  }
0x51: {  	[sflag:s23] =	ssyncset.done $0x0  }
0x52: {  	[sflag:s23] =	ssyncadd.s32 $0xFFFFC000  }
0x53: {  	_ =	swait.ge [sflag:s23], $0x4000  }
0x54: {  	[sflag:s23] =	ssyncset.done $0x0  }
0x55: {  	[sflag:s23] =	ssyncadd.s32 $0xFFFFC000  }
0x56: {  	_ =	swait.ge [sflag:s23], $0x4000  }
0x57: {  	[sflag:s23] =	ssyncset.done $0x0  }
0x58: {  	[sflag:s23] =	ssyncadd.s32 $0xFFFFC000  }
0x59: {  	_ =	swait.ge [sflag:s23], $0x4000  }
0x5a: {  	[sflag:s23] =	ssyncset.done $0x0  }
0x5b: {  	[sflag:s23] =	ssyncadd.s32 $0xFFFFC000  }
0x5c: {  	_ =	swait.ge [sflag:s23], $0x4000  }
0x5d: {  	[sflag:s23] =	ssyncset.done $0x0  }
0x5e: {  	[sflag:s23] =	ssyncadd.s32 $0xFFFFC000  }
0x5f: {  	_ =	swait.ge [sflag:s23], $0x4000  }
0x60: {  	[sflag:s23] =	ssyncset.done $0x0  }
0x61: {  	[sflag:s23] =	ssyncadd.s32 $0xFFFFC000  }
0x62: {  	_ =	swait.ge [sflag:s23], $0x4000  }
0x63: {  	[sflag:s23] =	ssyncset.done $0x0  }
0x64: {  	[sflag:s23] =	ssyncadd.s32 $0xFFFFC000  }
0x65: {  	_ =	swait.ge [sflag:s23], $0x4000  }
0x66: {  	[sflag:s23] =	ssyncset.done $0x0  }
0x67: {  	[sflag:s23] =	ssyncadd.s32 $0xFFFFC000  }
0x68: {  	_ =	swait.ge [sflag:s23], $0x4000  }
0x69: {  	[sflag:s23] =	ssyncset.done $0x0  }
0x6a: {  	[sflag:s23] =	ssyncadd.s32 $0xFFFFC000  }
0x6b: {  	_ =	swait.ge [sflag:s23], $0x4000  }
0x6c: {  	[sflag:s23] =	ssyncset.done $0x0  }
0x6d: {  	[sflag:s23] =	ssyncadd.s32 $0xFFFFC000  }
0x6e: {  	_ =	swait.ge [sflag:s23], $0x4000  }
0x6f: {  	[sflag:s23] =	ssyncset.done $0x0  }
0x70: {  	[sflag:s23] =	ssyncadd.s32 $0xFFFFC000  }
0x71: {  	_ =	swait.ge [sflag:s23], $0x4000  }
0x72: {  	[sflag:s23] =	ssyncset.done $0x0  }
0x73: {  	s25 =	smov.u32 s4;
	[sflag:s23] =	ssyncadd.s32 $0xFFFFC000  }
.LBB2_12:
0x74: {  	s25 =	sadd.s32 s25, s17;
	s24 =	sadd.s32 $0x1, s24  }
0x75: {  	s26 =	sshll.u32 s1, $0x6;
	[bflag:$0x0] =	sbarrier.arrive $0xFFFF;
	p1 =	sne.s32 s24, s19  }
.Ltmp1:
0x76: {  	s28 =	sshrl.u32 s5, $0x3;
	s26 =	sor.u32 $0x1C02, s26;
	(pc) =	sbr.rel @!p1 .LBB2_13-.Ltmp1, $4  }
0x77: {  	[hbm:s25], [sflag:s26] =	dma.local [spmem:s28], $0x2800  }
0x78: {  	_ =	swait.ge [sflag:s21], $0x2800  }
0x79: {  	[sflag:s21] =	ssyncset.done $0x0  }
0x7a: {  	[sflag:s21] =	ssyncadd.s32 $0xFFFFD800  }
.LBB2_1:
0x7b: {  	s25 =	sand.u32 $0xFE00, s3  }
0x7c: {  	s26 =	sand.u32 $0x70, s3;
	s28 =	sshrl.u32 s25, $0x2  }
0x7d: {  	s25 =	simm.s32 $0x40;
	s28 =	sor.u32 s26, s28;
	s26 =	simm.s32 $0x0  }
.LBB2_2:
0x7e: {  	p1 =	sne.s32 s25, $0xFFC0  }
0x7f: {  	[tilespmem:s28+$0x2800] =	vst v0;
	s26 =	sadd.s32 $0x10, s26;
	s28 =	smov.u32 s25;
	s25 =	sadd.s32 $0x40, s25  }
.Ltmp2:
0x80: {  	(pc) =	sbr.rel @p1 .LBB2_2-.Ltmp2, $4  }
0x81: {  	_ = 	snop  }
0x82: {  	s28 =	sand.u32 $0xFE00, s28  }
0x83: {  	s29 =	sand.u32 $0x70, s26;
	s28 =	sshrl.u32 s28, $0x2  }
0x84: {  	s28 =	sor.u32 s29, s28  }
0x85: {  	[tilespmem:s28+$0x2800] =	vst v0  }
0x86: {  	[spmem:s5] =	stream.linear.scatter [tilespmem:s20], [sflag:$0x2], $0x2000, $0x38;
	[tilespmem:$0x1A800] =	vst v63  }
0x87: {  	_ =	swait.ge [sflag:s21], $0x2000  }
0x88: {  	[sflag:s21] =	ssyncset.done $0x0  }
0x89: {  	[sflag:s21] =	ssyncadd.s32 $0xFFFFE000  }
0x8a: {  	[spmem:s7] =	stream.linear.scatter [tilespmem:s20], [sflag:$0x2], $0x2000, $0x38;
	[tilespmem:$0x1A800] =	vst v63  }
0x8b: {  	_ =	swait.ge [sflag:s21], $0x2000  }
0x8c: {  	[sflag:s21] =	ssyncset.done $0x0  }
0x8d: {  	[sflag:s21] =	ssyncadd.s32 $0xFFFFE000  }
0x8e: {  	[spmem:s8] =	stream.linear.scatter [tilespmem:s20], [sflag:$0x2], $0x2000, $0x38;
	[tilespmem:$0x1A800] =	vst v63  }
0x8f: {  	_ =	swait.ge [sflag:s21], $0x2000  }
0x90: {  	[sflag:s21] =	ssyncset.done $0x0  }
0x91: {  	[sflag:s21] =	ssyncadd.s32 $0xFFFFE000  }
0x92: {  	[spmem:s9] =	stream.linear.scatter [tilespmem:s20], [sflag:$0x2], $0x2000, $0x38;
	[tilespmem:$0x1A800] =	vst v63  }
0x93: {  	_ =	swait.ge [sflag:s21], $0x2000  }
0x94: {  	[sflag:s21] =	ssyncset.done $0x0  }
0x95: {  	[sflag:s21] =	ssyncadd.s32 $0xFFFFE000  }
0x96: {  	[spmem:s10] =	stream.linear.scatter [tilespmem:s20], [sflag:$0x2], $0x2000, $0x38;
	[tilespmem:$0x1A800] =	vst v63  }
0x97: {  	_ =	swait.ge [sflag:s21], $0x2000  }
0x98: {  	[sflag:s21] =	ssyncset.done $0x0  }
0x99: {  	[sflag:s21] =	ssyncadd.s32 $0xFFFFE000  }
0x9a: {  	[spmem:s11] =	stream.linear.scatter [tilespmem:s20], [sflag:$0x2], $0x2000, $0x38;
	[tilespmem:$0x1A800] =	vst v63  }
0x9b: {  	_ =	swait.ge [sflag:s21], $0x2000  }
0x9c: {  	[sflag:s21] =	ssyncset.done $0x0  }
0x9d: {  	[sflag:s21] =	ssyncadd.s32 $0xFFFFE000  }
0x9e: {  	[spmem:s12] =	stream.linear.scatter [tilespmem:s20], [sflag:$0x2], $0x2000, $0x38;
	[tilespmem:$0x1A800] =	vst v63  }
0x9f: {  	_ =	swait.ge [sflag:s21], $0x2000  }
0xa0: {  	[sflag:s21] =	ssyncset.done $0x0  }
0xa1: {  	[sflag:s21] =	ssyncadd.s32 $0xFFFFE000  }
0xa2: {  	[spmem:s13] =	stream.linear.scatter [tilespmem:s20], [sflag:$0x2], $0x2000, $0x38;
	[tilespmem:$0x1A800] =	vst v63  }
0xa3: {  	_ =	swait.ge [sflag:s21], $0x2000  }
0xa4: {  	[sflag:s21] =	ssyncset.done $0x0  }
0xa5: {  	[sflag:s21] =	ssyncadd.s32 $0xFFFFE000  }
0xa6: {  	[spmem:s14] =	stream.linear.scatter [tilespmem:s20], [sflag:$0x2], $0x2000, $0x38;
	[tilespmem:$0x1A800] =	vst v63  }
0xa7: {  	_ =	swait.ge [sflag:s21], $0x2000  }
0xa8: {  	[sflag:s21] =	ssyncset.done $0x0  }
0xa9: {  	s25 =	simm.s32 $0x0;
	[sflag:s21] =	ssyncadd.s32 $0xFFFFE000  }
0xaa: {  	[spmem:s15] =	stream.linear.scatter [tilespmem:s20], [sflag:$0x2], $0x2000, $0x38;
	[tilespmem:$0x1A800] =	vst v63  }
0xab: {  	s26 =	sand.u32 $0xFE00, s25;
	_ =	swait.ge [sflag:s21], $0x2000  }
0xac: {  	s28 =	sand.u32 $0x70, s25;
	s29 =	sshrl.u32 s26, $0x2;
	[sflag:s21] =	ssyncset.done $0x0  }
0xad: {  	s26 =	simm.s32 $0x40;
	s28 =	sor.u32 s28, s29;
	[sflag:s21] =	ssyncadd.s32 $0xFFFFE000  }
.LBB2_4:
0xae: {  	p1 =	sne.s32 s26, $0xFFC0  }
0xaf: {  	[tilespmem:s28+$0x2800] =	vst v1;
	s25 =	sadd.s32 $0x10, s25;
	s28 =	smov.u32 s26;
	s26 =	sadd.s32 $0x40, s26  }
.Ltmp3:
0xb0: {  	(pc) =	sbr.rel @p1 .LBB2_4-.Ltmp3, $4  }
0xb1: {  	_ = 	snop  }
0xb2: {  	s28 =	sand.u32 $0xFE00, s28  }
0xb3: {  	s29 =	sand.u32 $0x70, s25;
	s28 =	sshrl.u32 s28, $0x2  }
0xb4: {  	s28 =	sor.u32 s29, s28  }
.Ltmp4:
0xb5: {  	(pc) =	sbr.rel @!p0 .LBB2_6-.Ltmp4, $4  }
0xb6: {  	_ = 	snop  }
0xb7: {  	[tilespmem:s28+$0x2800] =	vst v1  }
0xb8: {  	[bflag:$0x0] =	sbarrier.arrive $0xFFFF  }
0xb9: {  	s25 =	simm.s32 $0x0  }
0xba: {  	[tilespmem:s25], [sflag:$0x2] =	stream.linear.gather [hbm4b:s18+s25], $0x2800, $0x38;
	[tilespmem:$0x1A800] =	vst v63  }
0xbb: {  	_ =	swait.ge [sflag:s21], $0x2800  }
0xbc: {  	[sflag:s21] =	ssyncset.done $0x0  }
0xbd: {  	s26 =	simm.s32 $0x0;
	[sflag:s21] =	ssyncadd.s32 $0xFFFFD800  }
0xbe: {  	[spmem:s2] =	stream.indirect.scatter.add.f32 [tilespmem:s20], [sflag:$0x1], $0x80, s26, s22, $0xb8;
	[tilespmem:$0x1A800] =	vst v63  }
0xbf: {  	s28 =	simm.s32 $0x80  }
0xc0: {  	[spmem:s2] =	stream.indirect.scatter.add.f32 [tilespmem:s20], [sflag:$0x1], $0x80, s28, s22, $0xb8;
	[tilespmem:$0x1A800] =	vst v63  }
0xc1: {  	s30 =	simm.s32 $0x100  }
0xc2: {  	[spmem:s2] =	stream.indirect.scatter.add.f32 [tilespmem:s20], [sflag:$0x1], $0x80, s30, s22, $0xb8;
	[tilespmem:$0x1A800] =	vst v63  }
0xc3: {  	s31 =	simm.s32 $0x180  }
0xc4: {  	[spmem:s2] =	stream.indirect.scatter.add.f32 [tilespmem:s20], [sflag:$0x1], $0x80, s31, s22, $0xb8;
	[tilespmem:$0x1A800] =	vst v63  }
0xc5: {  	s26 =	simm.s32 $0x200  }
0xc6: {  	[spmem:s2] =	stream.indirect.scatter.add.f32 [tilespmem:s20], [sflag:$0x1], $0x80, s26, s22, $0xb8;
	[tilespmem:$0x1A800] =	vst v63  }
0xc7: {  	s28 =	simm.s32 $0x280  }
0xc8: {  	[spmem:s2] =	stream.indirect.scatter.add.f32 [tilespmem:s20], [sflag:$0x1], $0x80, s28, s22, $0xb8;
	[tilespmem:$0x1A800] =	vst v63  }
0xc9: {  	s30 =	simm.s32 $0x300  }
0xca: {  	[spmem:s2] =	stream.indirect.scatter.add.f32 [tilespmem:s20], [sflag:$0x1], $0x80, s30, s22, $0xb8;
	[tilespmem:$0x1A800] =	vst v63  }
0xcb: {  	s31 =	simm.s32 $0x380  }
0xcc: {  	[spmem:s2] =	stream.indirect.scatter.add.f32 [tilespmem:s20], [sflag:$0x1], $0x80, s31, s22, $0xb8;
	[tilespmem:$0x1A800] =	vst v63  }
0xcd: {  	s26 =	simm.s32 $0x400  }
0xce: {  	[spmem:s2] =	stream.indirect.scatter.add.f32 [tilespmem:s20], [sflag:$0x1], $0x80, s26, s22, $0xb8;
	[tilespmem:$0x1A800] =	vst v63  }
0xcf: {  	s28 =	simm.s32 $0x480  }
0xd0: {  	[spmem:s2] =	stream.indirect.scatter.add.f32 [tilespmem:s20], [sflag:$0x1], $0x80, s28, s22, $0xb8;
	[tilespmem:$0x1A800] =	vst v63  }
0xd1: {  	s30 =	simm.s32 $0x500  }
0xd2: {  	[spmem:s2] =	stream.indirect.scatter.add.f32 [tilespmem:s20], [sflag:$0x1], $0x80, s30, s22, $0xb8;
	[tilespmem:$0x1A800] =	vst v63  }
0xd3: {  	s31 =	simm.s32 $0x580  }
0xd4: {  	[spmem:s2] =	stream.indirect.scatter.add.f32 [tilespmem:s20], [sflag:$0x1], $0x80, s31, s22, $0xb8;
	[tilespmem:$0x1A800] =	vst v63  }
0xd5: {  	s26 =	simm.s32 $0x600  }
0xd6: {  	[spmem:s2] =	stream.indirect.scatter.add.f32 [tilespmem:s20], [sflag:$0x1], $0x80, s26, s22, $0xb8;
	[tilespmem:$0x1A800] =	vst v63  }
0xd7: {  	s28 =	simm.s32 $0x680  }
0xd8: {  	[spmem:s2] =	stream.indirect.scatter.add.f32 [tilespmem:s20], [sflag:$0x1], $0x80, s28, s22, $0xb8;
	[tilespmem:$0x1A800] =	vst v63  }
0xd9: {  	s30 =	simm.s32 $0x700  }
0xda: {  	[spmem:s2] =	stream.indirect.scatter.add.f32 [tilespmem:s20], [sflag:$0x1], $0x80, s30, s22, $0xb8;
	[tilespmem:$0x1A800] =	vst v63  }
0xdb: {  	s31 =	simm.s32 $0x780  }
0xdc: {  	[spmem:s2] =	stream.indirect.scatter.add.f32 [tilespmem:s20], [sflag:$0x1], $0x80, s31, s22, $0xb8;
	[tilespmem:$0x1A800] =	vst v63  }
0xdd: {  	s26 =	simm.s32 $0x800  }
0xde: {  	[spmem:s2] =	stream.indirect.scatter.add.f32 [tilespmem:s20], [sflag:$0x1], $0x80, s26, s22, $0xb8;
	[tilespmem:$0x1A800] =	vst v63  }
0xdf: {  	s28 =	simm.s32 $0x880  }
0xe0: {  	[spmem:s2] =	stream.indirect.scatter.add.f32 [tilespmem:s20], [sflag:$0x1], $0x80, s28, s22, $0xb8;
	[tilespmem:$0x1A800] =	vst v63  }
0xe1: {  	s30 =	simm.s32 $0x900  }
0xe2: {  	[spmem:s2] =	stream.indirect.scatter.add.f32 [tilespmem:s20], [sflag:$0x1], $0x80, s30, s22, $0xb8;
	[tilespmem:$0x1A800] =	vst v63  }
0xe3: {  	s31 =	simm.s32 $0x980  }
0xe4: {  	[spmem:s2] =	stream.indirect.scatter.add.f32 [tilespmem:s20], [sflag:$0x1], $0x80, s31, s22, $0xb8;
	[tilespmem:$0x1A800] =	vst v63  }
0xe5: {  	_ =	swait.ge [sflag:s23], $0x4000  }
0xe6: {  	[sflag:s23] =	ssyncset.done $0x0  }
0xe7: {  	[sflag:s23] =	ssyncadd.s32 $0xFFFFC000  }
0xe8: {  	_ =	swait.ge [sflag:s23], $0x4000  }
0xe9: {  	[sflag:s23] =	ssyncset.done $0x0  }
0xea: {  	[sflag:s23] =	ssyncadd.s32 $0xFFFFC000  }
0xeb: {  	_ =	swait.ge [sflag:s23], $0x4000  }
0xec: {  	[sflag:s23] =	ssyncset.done $0x0  }
0xed: {  	[sflag:s23] =	ssyncadd.s32 $0xFFFFC000  }
0xee: {  	_ =	swait.ge [sflag:s23], $0x4000  }
0xef: {  	[sflag:s23] =	ssyncset.done $0x0  }
0xf0: {  	[sflag:s23] =	ssyncadd.s32 $0xFFFFC000  }
0xf1: {  	_ =	swait.ge [sflag:s23], $0x4000  }
0xf2: {  	[sflag:s23] =	ssyncset.done $0x0  }
0xf3: {  	[sflag:s23] =	ssyncadd.s32 $0xFFFFC000  }
0xf4: {  	_ =	swait.ge [sflag:s23], $0x4000  }
0xf5: {  	[sflag:s23] =	ssyncset.done $0x0  }
0xf6: {  	[sflag:s23] =	ssyncadd.s32 $0xFFFFC000  }
0xf7: {  	_ =	swait.ge [sflag:s23], $0x4000  }
0xf8: {  	[sflag:s23] =	ssyncset.done $0x0  }
0xf9: {  	[sflag:s23] =	ssyncadd.s32 $0xFFFFC000  }
0xfa: {  	_ =	swait.ge [sflag:s23], $0x4000  }
0xfb: {  	[sflag:s23] =	ssyncset.done $0x0  }
0xfc: {  	[sflag:s23] =	ssyncadd.s32 $0xFFFFC000  }
0xfd: {  	_ =	swait.ge [sflag:s23], $0x4000  }
0xfe: {  	[sflag:s23] =	ssyncset.done $0x0  }
0xff: {  	[sflag:s23] =	ssyncadd.s32 $0xFFFFC000  }
0x100: {  	_ =	swait.ge [sflag:s23], $0x4000  }
0x101: {  	[sflag:s23] =	ssyncset.done $0x0  }
0x102: {  	[sflag:s23] =	ssyncadd.s32 $0xFFFFC000  }
0x103: {  	_ =	swait.ge [sflag:s23], $0x4000  }
0x104: {  	[sflag:s23] =	ssyncset.done $0x0  }
0x105: {  	[sflag:s23] =	ssyncadd.s32 $0xFFFFC000  }
0x106: {  	_ =	swait.ge [sflag:s23], $0x4000  }
0x107: {  	[sflag:s23] =	ssyncset.done $0x0  }
0x108: {  	[sflag:s23] =	ssyncadd.s32 $0xFFFFC000  }
0x109: {  	_ =	swait.ge [sflag:s23], $0x4000  }
0x10a: {  	[sflag:s23] =	ssyncset.done $0x0  }
0x10b: {  	[sflag:s23] =	ssyncadd.s32 $0xFFFFC000  }
0x10c: {  	_ =	swait.ge [sflag:s23], $0x4000  }
0x10d: {  	[sflag:s23] =	ssyncset.done $0x0  }
0x10e: {  	[sflag:s23] =	ssyncadd.s32 $0xFFFFC000  }
0x10f: {  	_ =	swait.ge [sflag:s23], $0x4000  }
0x110: {  	[sflag:s23] =	ssyncset.done $0x0  }
0x111: {  	[sflag:s23] =	ssyncadd.s32 $0xFFFFC000  }
0x112: {  	_ =	swait.ge [sflag:s23], $0x4000  }
0x113: {  	[sflag:s23] =	ssyncset.done $0x0  }
0x114: {  	[sflag:s23] =	ssyncadd.s32 $0xFFFFC000  }
0x115: {  	_ =	swait.ge [sflag:s23], $0x4000  }
0x116: {  	[sflag:s23] =	ssyncset.done $0x0  }
0x117: {  	[sflag:s23] =	ssyncadd.s32 $0xFFFFC000  }
0x118: {  	_ =	swait.ge [sflag:s23], $0x4000  }
0x119: {  	[sflag:s23] =	ssyncset.done $0x0  }
0x11a: {  	[sflag:s23] =	ssyncadd.s32 $0xFFFFC000  }
0x11b: {  	_ =	swait.ge [sflag:s23], $0x4000  }
0x11c: {  	[sflag:s23] =	ssyncset.done $0x0  }
0x11d: {  	[sflag:s23] =	ssyncadd.s32 $0xFFFFC000  }
0x11e: {  	_ =	swait.ge [sflag:s23], $0x4000  }
0x11f: {  	s25 =	simm.s32 $0x2800;
	s29 =	simm.s32 $0x5000;
	[sflag:s23] =	ssyncset.done $0x0  }
.LBB2_10:
0x120: {  	s28 =	sshra.s32 s25, $0x2  }
0x121: {  	[sflag:s23] =	ssyncadd.s32 $0xFFFFC000;
	s25 =	smov.u32 s29;
	s26 =	sadd.s32 $0x2800, s29  }
0x122: {  	[spmem:s2] =	stream.indirect.scatter.add.f32 [tilespmem:s20], [sflag:$0x1], $0x80, s28, s22, $0xb8;
	[tilespmem:$0x1A800] =	vst v63  }
0x123: {  	p1 =	sne.s32 s29, $0x7800;
	s29 =	sadd.s32 $0x80, s28  }
0x124: {  	[spmem:s2] =	stream.indirect.scatter.add.f32 [tilespmem:s20], [sflag:$0x1], $0x80, s29, s22, $0xb8;
	[tilespmem:$0x1A800] =	vst v63  }
0x125: {  	s29 =	sadd.s32 $0x100, s28  }
0x126: {  	[spmem:s2] =	stream.indirect.scatter.add.f32 [tilespmem:s20], [sflag:$0x1], $0x80, s29, s22, $0xb8;
	[tilespmem:$0x1A800] =	vst v63  }
0x127: {  	s29 =	sadd.s32 $0x180, s28  }
0x128: {  	[spmem:s2] =	stream.indirect.scatter.add.f32 [tilespmem:s20], [sflag:$0x1], $0x80, s29, s22, $0xb8;
	[tilespmem:$0x1A800] =	vst v63  }
0x129: {  	s29 =	sadd.s32 $0x200, s28  }
0x12a: {  	[spmem:s2] =	stream.indirect.scatter.add.f32 [tilespmem:s20], [sflag:$0x1], $0x80, s29, s22, $0xb8;
	[tilespmem:$0x1A800] =	vst v63  }
0x12b: {  	s29 =	sadd.s32 $0x280, s28  }
0x12c: {  	[spmem:s2] =	stream.indirect.scatter.add.f32 [tilespmem:s20], [sflag:$0x1], $0x80, s29, s22, $0xb8;
	[tilespmem:$0x1A800] =	vst v63  }
0x12d: {  	s29 =	sadd.s32 $0x300, s28  }
0x12e: {  	[spmem:s2] =	stream.indirect.scatter.add.f32 [tilespmem:s20], [sflag:$0x1], $0x80, s29, s22, $0xb8;
	[tilespmem:$0x1A800] =	vst v63  }
0x12f: {  	s29 =	sadd.s32 $0x380, s28  }
0x130: {  	[spmem:s2] =	stream.indirect.scatter.add.f32 [tilespmem:s20], [sflag:$0x1], $0x80, s29, s22, $0xb8;
	[tilespmem:$0x1A800] =	vst v63  }
0x131: {  	s29 =	sadd.s32 $0x400, s28  }
0x132: {  	[spmem:s2] =	stream.indirect.scatter.add.f32 [tilespmem:s20], [sflag:$0x1], $0x80, s29, s22, $0xb8;
	[tilespmem:$0x1A800] =	vst v63  }
0x133: {  	s29 =	sadd.s32 $0x480, s28  }
0x134: {  	[spmem:s2] =	stream.indirect.scatter.add.f32 [tilespmem:s20], [sflag:$0x1], $0x80, s29, s22, $0xb8;
	[tilespmem:$0x1A800] =	vst v63  }
0x135: {  	s29 =	sadd.s32 $0x500, s28  }
0x136: {  	[spmem:s2] =	stream.indirect.scatter.add.f32 [tilespmem:s20], [sflag:$0x1], $0x80, s29, s22, $0xb8;
	[tilespmem:$0x1A800] =	vst v63  }
0x137: {  	s29 =	sadd.s32 $0x580, s28  }
0x138: {  	[spmem:s2] =	stream.indirect.scatter.add.f32 [tilespmem:s20], [sflag:$0x1], $0x80, s29, s22, $0xb8;
	[tilespmem:$0x1A800] =	vst v63  }
0x139: {  	s29 =	sadd.s32 $0x600, s28  }
0x13a: {  	[spmem:s2] =	stream.indirect.scatter.add.f32 [tilespmem:s20], [sflag:$0x1], $0x80, s29, s22, $0xb8;
	[tilespmem:$0x1A800] =	vst v63  }
0x13b: {  	s29 =	sadd.s32 $0x680, s28  }
0x13c: {  	[spmem:s2] =	stream.indirect.scatter.add.f32 [tilespmem:s20], [sflag:$0x1], $0x80, s29, s22, $0xb8;
	[tilespmem:$0x1A800] =	vst v63  }
0x13d: {  	s29 =	sadd.s32 $0x700, s28  }
0x13e: {  	[spmem:s2] =	stream.indirect.scatter.add.f32 [tilespmem:s20], [sflag:$0x1], $0x80, s29, s22, $0xb8;
	[tilespmem:$0x1A800] =	vst v63  }
0x13f: {  	s29 =	sadd.s32 $0x780, s28  }
0x140: {  	[spmem:s2] =	stream.indirect.scatter.add.f32 [tilespmem:s20], [sflag:$0x1], $0x80, s29, s22, $0xb8;
	[tilespmem:$0x1A800] =	vst v63  }
0x141: {  	s29 =	sadd.s32 $0x800, s28  }
0x142: {  	[spmem:s2] =	stream.indirect.scatter.add.f32 [tilespmem:s20], [sflag:$0x1], $0x80, s29, s22, $0xb8;
	[tilespmem:$0x1A800] =	vst v63  }
0x143: {  	s29 =	sadd.s32 $0x880, s28  }
0x144: {  	[spmem:s2] =	stream.indirect.scatter.add.f32 [tilespmem:s20], [sflag:$0x1], $0x80, s29, s22, $0xb8;
	[tilespmem:$0x1A800] =	vst v63  }
0x145: {  	s29 =	sadd.s32 $0x900, s28  }
0x146: {  	[spmem:s2] =	stream.indirect.scatter.add.f32 [tilespmem:s20], [sflag:$0x1], $0x80, s29, s22, $0xb8;
	[tilespmem:$0x1A800] =	vst v63  }
0x147: {  	s28 =	sadd.s32 $0x980, s28  }
0x148: {  	[spmem:s2] =	stream.indirect.scatter.add.f32 [tilespmem:s20], [sflag:$0x1], $0x80, s28, s22, $0xb8;
	[tilespmem:$0x1A800] =	vst v63  }
0x149: {  	_ =	swait.ge [sflag:s23], $0x4000  }
0x14a: {  	[sflag:s23] =	ssyncset.done $0x0  }
0x14b: {  	[sflag:s23] =	ssyncadd.s32 $0xFFFFC000  }
0x14c: {  	_ =	swait.ge [sflag:s23], $0x4000  }
0x14d: {  	[sflag:s23] =	ssyncset.done $0x0  }
0x14e: {  	[sflag:s23] =	ssyncadd.s32 $0xFFFFC000  }
0x14f: {  	_ =	swait.ge [sflag:s23], $0x4000  }
0x150: {  	[sflag:s23] =	ssyncset.done $0x0  }
0x151: {  	[sflag:s23] =	ssyncadd.s32 $0xFFFFC000  }
0x152: {  	_ =	swait.ge [sflag:s23], $0x4000  }
0x153: {  	[sflag:s23] =	ssyncset.done $0x0  }
0x154: {  	[sflag:s23] =	ssyncadd.s32 $0xFFFFC000  }
0x155: {  	_ =	swait.ge [sflag:s23], $0x4000  }
0x156: {  	[sflag:s23] =	ssyncset.done $0x0  }
0x157: {  	[sflag:s23] =	ssyncadd.s32 $0xFFFFC000  }
0x158: {  	_ =	swait.ge [sflag:s23], $0x4000  }
0x159: {  	[sflag:s23] =	ssyncset.done $0x0  }
0x15a: {  	[sflag:s23] =	ssyncadd.s32 $0xFFFFC000  }
0x15b: {  	_ =	swait.ge [sflag:s23], $0x4000  }
0x15c: {  	[sflag:s23] =	ssyncset.done $0x0  }
0x15d: {  	[sflag:s23] =	ssyncadd.s32 $0xFFFFC000  }
0x15e: {  	_ =	swait.ge [sflag:s23], $0x4000  }
0x15f: {  	[sflag:s23] =	ssyncset.done $0x0  }
0x160: {  	[sflag:s23] =	ssyncadd.s32 $0xFFFFC000  }
0x161: {  	_ =	swait.ge [sflag:s23], $0x4000  }
0x162: {  	[sflag:s23] =	ssyncset.done $0x0  }
0x163: {  	[sflag:s23] =	ssyncadd.s32 $0xFFFFC000  }
0x164: {  	_ =	swait.ge [sflag:s23], $0x4000  }
0x165: {  	[sflag:s23] =	ssyncset.done $0x0  }
0x166: {  	[sflag:s23] =	ssyncadd.s32 $0xFFFFC000  }
0x167: {  	_ =	swait.ge [sflag:s23], $0x4000  }
0x168: {  	[sflag:s23] =	ssyncset.done $0x0  }
0x169: {  	[sflag:s23] =	ssyncadd.s32 $0xFFFFC000  }
0x16a: {  	_ =	swait.ge [sflag:s23], $0x4000  }
0x16b: {  	[sflag:s23] =	ssyncset.done $0x0  }
0x16c: {  	[sflag:s23] =	ssyncadd.s32 $0xFFFFC000  }
0x16d: {  	_ =	swait.ge [sflag:s23], $0x4000  }
0x16e: {  	[sflag:s23] =	ssyncset.done $0x0  }
0x16f: {  	[sflag:s23] =	ssyncadd.s32 $0xFFFFC000  }
0x170: {  	_ =	swait.ge [sflag:s23], $0x4000  }
0x171: {  	[sflag:s23] =	ssyncset.done $0x0  }
0x172: {  	[sflag:s23] =	ssyncadd.s32 $0xFFFFC000  }
0x173: {  	_ =	swait.ge [sflag:s23], $0x4000  }
0x174: {  	[sflag:s23] =	ssyncset.done $0x0  }
0x175: {  	[sflag:s23] =	ssyncadd.s32 $0xFFFFC000  }
0x176: {  	_ =	swait.ge [sflag:s23], $0x4000  }
0x177: {  	[sflag:s23] =	ssyncset.done $0x0  }
0x178: {  	[sflag:s23] =	ssyncadd.s32 $0xFFFFC000  }
0x179: {  	_ =	swait.ge [sflag:s23], $0x4000  }
0x17a: {  	[sflag:s23] =	ssyncset.done $0x0  }
0x17b: {  	[sflag:s23] =	ssyncadd.s32 $0xFFFFC000  }
0x17c: {  	_ =	swait.ge [sflag:s23], $0x4000  }
0x17d: {  	[sflag:s23] =	ssyncset.done $0x0  }
0x17e: {  	[sflag:s23] =	ssyncadd.s32 $0xFFFFC000  }
.Ltmp5:
0x17f: {  	_ =	swait.ge [sflag:s23], $0x4000;
	(pc) =	sbr.rel @p1 .LBB2_10-.Ltmp5, $4  }
0x180: {  	[sflag:s23] =	ssyncset.done $0x0  }
0x181: {  	[sflag:s23] =	ssyncadd.s32 $0xFFFFC000  }
0x182: {  	_ =	swait.ge [sflag:s23], $0x4000  }
0x183: {  	s29 =	smov.u32 s26;
	[sflag:s23] =	ssyncset.done $0x0  }
0x184: {  	s25 =	sshra.s32 s25, $0x2;
	[sflag:s23] =	ssyncadd.s32 $0xFFFFC000  }
0x185: {  	[spmem:s2] =	stream.indirect.scatter.add.f32 [tilespmem:s20], [sflag:$0x1], $0x80, s25, s22, $0xb8;
	[tilespmem:$0x1A800] =	vst v63  }
0x186: {  	s26 =	sadd.s32 $0x80, s25  }
0x187: {  	[spmem:s2] =	stream.indirect.scatter.add.f32 [tilespmem:s20], [sflag:$0x1], $0x80, s26, s22, $0xb8;
	[tilespmem:$0x1A800] =	vst v63  }
0x188: {  	s31 =	sadd.s32 $0x100, s25  }
0x189: {  	[spmem:s2] =	stream.indirect.scatter.add.f32 [tilespmem:s20], [sflag:$0x1], $0x80, s31, s22, $0xb8;
	[tilespmem:$0x1A800] =	vst v63  }
0x18a: {  	s28 =	sadd.s32 $0x180, s25  }
0x18b: {  	[spmem:s2] =	stream.indirect.scatter.add.f32 [tilespmem:s20], [sflag:$0x1], $0x80, s28, s22, $0xb8;
	[tilespmem:$0x1A800] =	vst v63  }
0x18c: {  	s29 =	sadd.s32 $0x200, s25  }
0x18d: {  	[spmem:s2] =	stream.indirect.scatter.add.f32 [tilespmem:s20], [sflag:$0x1], $0x80, s29, s22, $0xb8;
	[tilespmem:$0x1A800] =	vst v63  }
0x18e: {  	s30 =	sadd.s32 $0x280, s25  }
0x18f: {  	[spmem:s2] =	stream.indirect.scatter.add.f32 [tilespmem:s20], [sflag:$0x1], $0x80, s30, s22, $0xb8;
	[tilespmem:$0x1A800] =	vst v63  }
0x190: {  	s31 =	sadd.s32 $0x300, s25  }
0x191: {  	[spmem:s2] =	stream.indirect.scatter.add.f32 [tilespmem:s20], [sflag:$0x1], $0x80, s31, s22, $0xb8;
	[tilespmem:$0x1A800] =	vst v63  }
0x192: {  	s28 =	sadd.s32 $0x380, s25  }
0x193: {  	[spmem:s2] =	stream.indirect.scatter.add.f32 [tilespmem:s20], [sflag:$0x1], $0x80, s28, s22, $0xb8;
	[tilespmem:$0x1A800] =	vst v63  }
0x194: {  	s29 =	sadd.s32 $0x400, s25  }
0x195: {  	[spmem:s2] =	stream.indirect.scatter.add.f32 [tilespmem:s20], [sflag:$0x1], $0x80, s29, s22, $0xb8;
	[tilespmem:$0x1A800] =	vst v63  }
0x196: {  	s30 =	sadd.s32 $0x480, s25  }
0x197: {  	[spmem:s2] =	stream.indirect.scatter.add.f32 [tilespmem:s20], [sflag:$0x1], $0x80, s30, s22, $0xb8;
	[tilespmem:$0x1A800] =	vst v63  }
0x198: {  	s31 =	sadd.s32 $0x500, s25  }
0x199: {  	[spmem:s2] =	stream.indirect.scatter.add.f32 [tilespmem:s20], [sflag:$0x1], $0x80, s31, s22, $0xb8;
	[tilespmem:$0x1A800] =	vst v63  }
0x19a: {  	s28 =	sadd.s32 $0x580, s25  }
0x19b: {  	[spmem:s2] =	stream.indirect.scatter.add.f32 [tilespmem:s20], [sflag:$0x1], $0x80, s28, s22, $0xb8;
	[tilespmem:$0x1A800] =	vst v63  }
0x19c: {  	s29 =	sadd.s32 $0x600, s25  }
0x19d: {  	[spmem:s2] =	stream.indirect.scatter.add.f32 [tilespmem:s20], [sflag:$0x1], $0x80, s29, s22, $0xb8;
	[tilespmem:$0x1A800] =	vst v63  }
0x19e: {  	s30 =	sadd.s32 $0x680, s25  }
0x19f: {  	[spmem:s2] =	stream.indirect.scatter.add.f32 [tilespmem:s20], [sflag:$0x1], $0x80, s30, s22, $0xb8;
	[tilespmem:$0x1A800] =	vst v63  }
0x1a0: {  	s31 =	sadd.s32 $0x700, s25  }
0x1a1: {  	[spmem:s2] =	stream.indirect.scatter.add.f32 [tilespmem:s20], [sflag:$0x1], $0x80, s31, s22, $0xb8;
	[tilespmem:$0x1A800] =	vst v63  }
0x1a2: {  	s28 =	sadd.s32 $0x780, s25  }
0x1a3: {  	[spmem:s2] =	stream.indirect.scatter.add.f32 [tilespmem:s20], [sflag:$0x1], $0x80, s28, s22, $0xb8;
	[tilespmem:$0x1A800] =	vst v63  }
0x1a4: {  	s29 =	sadd.s32 $0x800, s25  }
0x1a5: {  	[spmem:s2] =	stream.indirect.scatter.add.f32 [tilespmem:s20], [sflag:$0x1], $0x80, s29, s22, $0xb8;
	[tilespmem:$0x1A800] =	vst v63  }
0x1a6: {  	s30 =	sadd.s32 $0x880, s25  }
0x1a7: {  	[spmem:s2] =	stream.indirect.scatter.add.f32 [tilespmem:s20], [sflag:$0x1], $0x80, s30, s22, $0xb8;
	[tilespmem:$0x1A800] =	vst v63  }
0x1a8: {  	s31 =	sadd.s32 $0x900, s25  }
0x1a9: {  	[spmem:s2] =	stream.indirect.scatter.add.f32 [tilespmem:s20], [sflag:$0x1], $0x80, s31, s22, $0xb8;
	[tilespmem:$0x1A800] =	vst v63  }
0x1aa: {  	s25 =	sadd.s32 $0x980, s25  }
0x1ab: {  	[spmem:s2] =	stream.indirect.scatter.add.f32 [tilespmem:s20], [sflag:$0x1], $0x80, s25, s22, $0xb8;
	[tilespmem:$0x1A800] =	vst v63  }
0x1ac: {  	_ =	swait.ge [sflag:s23], $0x4000  }
0x1ad: {  	[sflag:s23] =	ssyncset.done $0x0  }
0x1ae: {  	[sflag:s23] =	ssyncadd.s32 $0xFFFFC000  }
0x1af: {  	_ =	swait.ge [sflag:s23], $0x4000  }
0x1b0: {  	[sflag:s23] =	ssyncset.done $0x0  }
0x1b1: {  	[sflag:s23] =	ssyncadd.s32 $0xFFFFC000  }
0x1b2: {  	_ =	swait.ge [sflag:s23], $0x4000  }
0x1b3: {  	[sflag:s23] =	ssyncset.done $0x0  }
0x1b4: {  	[sflag:s23] =	ssyncadd.s32 $0xFFFFC000  }
0x1b5: {  	_ =	swait.ge [sflag:s23], $0x4000  }
0x1b6: {  	[sflag:s23] =	ssyncset.done $0x0  }
0x1b7: {  	[sflag:s23] =	ssyncadd.s32 $0xFFFFC000  }
0x1b8: {  	_ =	swait.ge [sflag:s23], $0x4000  }
0x1b9: {  	[sflag:s23] =	ssyncset.done $0x0  }
0x1ba: {  	[sflag:s23] =	ssyncadd.s32 $0xFFFFC000  }
0x1bb: {  	_ =	swait.ge [sflag:s23], $0x4000  }
0x1bc: {  	[sflag:s23] =	ssyncset.done $0x0  }
0x1bd: {  	[sflag:s23] =	ssyncadd.s32 $0xFFFFC000  }
0x1be: {  	_ =	swait.ge [sflag:s23], $0x4000  }
0x1bf: {  	[sflag:s23] =	ssyncset.done $0x0  }
0x1c0: {  	[sflag:s23] =	ssyncadd.s32 $0xFFFFC000  }
0x1c1: {  	_ =	swait.ge [sflag:s23], $0x4000  }
0x1c2: {  	[sflag:s23] =	ssyncset.done $0x0  }
0x1c3: {  	[sflag:s23] =	ssyncadd.s32 $0xFFFFC000  }
0x1c4: {  	_ =	swait.ge [sflag:s23], $0x4000  }
0x1c5: {  	[sflag:s23] =	ssyncset.done $0x0  }
0x1c6: {  	[sflag:s23] =	ssyncadd.s32 $0xFFFFC000  }
0x1c7: {  	_ =	swait.ge [sflag:s23], $0x4000  }
0x1c8: {  	[sflag:s23] =	ssyncset.done $0x0  }
0x1c9: {  	[sflag:s23] =	ssyncadd.s32 $0xFFFFC000  }
0x1ca: {  	_ =	swait.ge [sflag:s23], $0x4000  }
0x1cb: {  	[sflag:s23] =	ssyncset.done $0x0  }
0x1cc: {  	[sflag:s23] =	ssyncadd.s32 $0xFFFFC000  }
0x1cd: {  	_ =	swait.ge [sflag:s23], $0x4000  }
0x1ce: {  	[sflag:s23] =	ssyncset.done $0x0  }
0x1cf: {  	[sflag:s23] =	ssyncadd.s32 $0xFFFFC000  }
0x1d0: {  	_ =	swait.ge [sflag:s23], $0x4000  }
0x1d1: {  	[sflag:s23] =	ssyncset.done $0x0  }
0x1d2: {  	[sflag:s23] =	ssyncadd.s32 $0xFFFFC000  }
0x1d3: {  	_ =	swait.ge [sflag:s23], $0x4000  }
0x1d4: {  	[sflag:s23] =	ssyncset.done $0x0  }
0x1d5: {  	[sflag:s23] =	ssyncadd.s32 $0xFFFFC000  }
0x1d6: {  	_ =	swait.ge [sflag:s23], $0x4000  }
0x1d7: {  	[sflag:s23] =	ssyncset.done $0x0  }
0x1d8: {  	[sflag:s23] =	ssyncadd.s32 $0xFFFFC000  }
0x1d9: {  	_ =	swait.ge [sflag:s23], $0x4000  }
0x1da: {  	[sflag:s23] =	ssyncset.done $0x0  }
0x1db: {  	[sflag:s23] =	ssyncadd.s32 $0xFFFFC000  }
0x1dc: {  	_ =	swait.ge [sflag:s23], $0x4000  }
0x1dd: {  	[sflag:s23] =	ssyncset.done $0x0  }
0x1de: {  	[sflag:s23] =	ssyncadd.s32 $0xFFFFC000  }
0x1df: {  	_ =	swait.ge [sflag:s23], $0x4000  }
0x1e0: {  	[sflag:s23] =	ssyncset.done $0x0  }
0x1e1: {  	[sflag:s23] =	ssyncadd.s32 $0xFFFFC000  }
0x1e2: {  	_ =	swait.ge [sflag:s23], $0x4000  }
.Ltmp6:
0x1e3: {  	[sflag:s23] =	ssyncset.done $0x0;
	(pc) =	sbr.rel .LBB2_12-.Ltmp6, $4  }
0x1e4: {  	[sflag:s23] =	ssyncadd.s32 $0xFFFFC000  }
0x1e5: {  	_ =	swait.ge [sflag:s23], $0x4000  }
0x1e6: {  	[sflag:s23] =	ssyncset.done $0x0  }
0x1e7: {  	s25 =	smov.u32 s6;
	[sflag:s23] =	ssyncadd.s32 $0xFFFFC000  }
.LBB2_6:
0x1e8: {  	[tilespmem:s25], [sflag:$0x2] =	stream.linear.gather [hbm4b:s16+s25], $0x2800, $0x38;
	[tilespmem:$0x1A800] =	vst v63  }
0x1e9: {  	_ =	swait.ge [sflag:s21], $0x2800  }
0x1ea: {  	[sflag:s21] =	ssyncset.done $0x0  }
0x1eb: {  	s26 =	simm.s32 $0x0;
	[sflag:s21] =	ssyncadd.s32 $0xFFFFD800  }
0x1ec: {  	[spmem:s2] =	stream.indirect.scatter.add.f32 [tilespmem:s20], [sflag:$0x1], $0x80, s26, s22, $0xb8;
	[tilespmem:$0x1A800] =	vst v63  }
0x1ed: {  	s28 =	simm.s32 $0x80  }
0x1ee: {  	[spmem:s2] =	stream.indirect.scatter.add.f32 [tilespmem:s20], [sflag:$0x1], $0x80, s28, s22, $0xb8;
	[tilespmem:$0x1A800] =	vst v63  }
0x1ef: {  	s30 =	simm.s32 $0x100  }
0x1f0: {  	[spmem:s2] =	stream.indirect.scatter.add.f32 [tilespmem:s20], [sflag:$0x1], $0x80, s30, s22, $0xb8;
	[tilespmem:$0x1A800] =	vst v63  }
0x1f1: {  	s31 =	simm.s32 $0x180  }
0x1f2: {  	[spmem:s2] =	stream.indirect.scatter.add.f32 [tilespmem:s20], [sflag:$0x1], $0x80, s31, s22, $0xb8;
	[tilespmem:$0x1A800] =	vst v63  }
0x1f3: {  	s26 =	simm.s32 $0x200  }
0x1f4: {  	[spmem:s2] =	stream.indirect.scatter.add.f32 [tilespmem:s20], [sflag:$0x1], $0x80, s26, s22, $0xb8;
	[tilespmem:$0x1A800] =	vst v63  }
0x1f5: {  	s28 =	simm.s32 $0x280  }
0x1f6: {  	[spmem:s2] =	stream.indirect.scatter.add.f32 [tilespmem:s20], [sflag:$0x1], $0x80, s28, s22, $0xb8;
	[tilespmem:$0x1A800] =	vst v63  }
0x1f7: {  	s30 =	simm.s32 $0x300  }
0x1f8: {  	[spmem:s2] =	stream.indirect.scatter.add.f32 [tilespmem:s20], [sflag:$0x1], $0x80, s30, s22, $0xb8;
	[tilespmem:$0x1A800] =	vst v63  }
0x1f9: {  	s31 =	simm.s32 $0x380  }
0x1fa: {  	[spmem:s2] =	stream.indirect.scatter.add.f32 [tilespmem:s20], [sflag:$0x1], $0x80, s31, s22, $0xb8;
	[tilespmem:$0x1A800] =	vst v63  }
0x1fb: {  	s26 =	simm.s32 $0x400  }
0x1fc: {  	[spmem:s2] =	stream.indirect.scatter.add.f32 [tilespmem:s20], [sflag:$0x1], $0x80, s26, s22, $0xb8;
	[tilespmem:$0x1A800] =	vst v63  }
0x1fd: {  	s28 =	simm.s32 $0x480  }
0x1fe: {  	[spmem:s2] =	stream.indirect.scatter.add.f32 [tilespmem:s20], [sflag:$0x1], $0x80, s28, s22, $0xb8;
	[tilespmem:$0x1A800] =	vst v63  }
0x1ff: {  	s30 =	simm.s32 $0x500  }
0x200: {  	[spmem:s2] =	stream.indirect.scatter.add.f32 [tilespmem:s20], [sflag:$0x1], $0x80, s30, s22, $0xb8;
	[tilespmem:$0x1A800] =	vst v63  }
0x201: {  	s31 =	simm.s32 $0x580  }
0x202: {  	[spmem:s2] =	stream.indirect.scatter.add.f32 [tilespmem:s20], [sflag:$0x1], $0x80, s31, s22, $0xb8;
	[tilespmem:$0x1A800] =	vst v63  }
0x203: {  	s26 =	simm.s32 $0x600  }
0x204: {  	[spmem:s2] =	stream.indirect.scatter.add.f32 [tilespmem:s20], [sflag:$0x1], $0x80, s26, s22, $0xb8;
	[tilespmem:$0x1A800] =	vst v63  }
0x205: {  	s28 =	simm.s32 $0x680  }
0x206: {  	[spmem:s2] =	stream.indirect.scatter.add.f32 [tilespmem:s20], [sflag:$0x1], $0x80, s28, s22, $0xb8;
	[tilespmem:$0x1A800] =	vst v63  }
0x207: {  	s30 =	simm.s32 $0x700  }
0x208: {  	[spmem:s2] =	stream.indirect.scatter.add.f32 [tilespmem:s20], [sflag:$0x1], $0x80, s30, s22, $0xb8;
	[tilespmem:$0x1A800] =	vst v63  }
0x209: {  	s31 =	simm.s32 $0x780  }
0x20a: {  	[spmem:s2] =	stream.indirect.scatter.add.f32 [tilespmem:s20], [sflag:$0x1], $0x80, s31, s22, $0xb8;
	[tilespmem:$0x1A800] =	vst v63  }
0x20b: {  	s26 =	simm.s32 $0x800  }
0x20c: {  	[spmem:s2] =	stream.indirect.scatter.add.f32 [tilespmem:s20], [sflag:$0x1], $0x80, s26, s22, $0xb8;
	[tilespmem:$0x1A800] =	vst v63  }
0x20d: {  	s28 =	simm.s32 $0x880  }
0x20e: {  	[spmem:s2] =	stream.indirect.scatter.add.f32 [tilespmem:s20], [sflag:$0x1], $0x80, s28, s22, $0xb8;
	[tilespmem:$0x1A800] =	vst v63  }
0x20f: {  	s30 =	simm.s32 $0x900  }
0x210: {  	[spmem:s2] =	stream.indirect.scatter.add.f32 [tilespmem:s20], [sflag:$0x1], $0x80, s30, s22, $0xb8;
	[tilespmem:$0x1A800] =	vst v63  }
0x211: {  	s31 =	simm.s32 $0x980  }
0x212: {  	[spmem:s2] =	stream.indirect.scatter.add.f32 [tilespmem:s20], [sflag:$0x1], $0x80, s31, s22, $0xb8;
	[tilespmem:$0x1A800] =	vst v63  }
0x213: {  	_ =	swait.ge [sflag:s23], $0x4000  }
0x214: {  	[sflag:s23] =	ssyncset.done $0x0  }
0x215: {  	[sflag:s23] =	ssyncadd.s32 $0xFFFFC000  }
0x216: {  	_ =	swait.ge [sflag:s23], $0x4000  }
0x217: {  	[sflag:s23] =	ssyncset.done $0x0  }
0x218: {  	[sflag:s23] =	ssyncadd.s32 $0xFFFFC000  }
0x219: {  	_ =	swait.ge [sflag:s23], $0x4000  }
0x21a: {  	[sflag:s23] =	ssyncset.done $0x0  }
0x21b: {  	[sflag:s23] =	ssyncadd.s32 $0xFFFFC000  }
0x21c: {  	_ =	swait.ge [sflag:s23], $0x4000  }
0x21d: {  	[sflag:s23] =	ssyncset.done $0x0  }
0x21e: {  	[sflag:s23] =	ssyncadd.s32 $0xFFFFC000  }
0x21f: {  	_ =	swait.ge [sflag:s23], $0x4000  }
0x220: {  	[sflag:s23] =	ssyncset.done $0x0  }
0x221: {  	[sflag:s23] =	ssyncadd.s32 $0xFFFFC000  }
0x222: {  	_ =	swait.ge [sflag:s23], $0x4000  }
0x223: {  	[sflag:s23] =	ssyncset.done $0x0  }
0x224: {  	[sflag:s23] =	ssyncadd.s32 $0xFFFFC000  }
0x225: {  	_ =	swait.ge [sflag:s23], $0x4000  }
0x226: {  	[sflag:s23] =	ssyncset.done $0x0  }
0x227: {  	[sflag:s23] =	ssyncadd.s32 $0xFFFFC000  }
0x228: {  	_ =	swait.ge [sflag:s23], $0x4000  }
0x229: {  	[sflag:s23] =	ssyncset.done $0x0  }
0x22a: {  	[sflag:s23] =	ssyncadd.s32 $0xFFFFC000  }
0x22b: {  	_ =	swait.ge [sflag:s23], $0x4000  }
0x22c: {  	[sflag:s23] =	ssyncset.done $0x0  }
0x22d: {  	[sflag:s23] =	ssyncadd.s32 $0xFFFFC000  }
0x22e: {  	_ =	swait.ge [sflag:s23], $0x4000  }
0x22f: {  	[sflag:s23] =	ssyncset.done $0x0  }
0x230: {  	[sflag:s23] =	ssyncadd.s32 $0xFFFFC000  }
0x231: {  	_ =	swait.ge [sflag:s23], $0x4000  }
0x232: {  	[sflag:s23] =	ssyncset.done $0x0  }
0x233: {  	[sflag:s23] =	ssyncadd.s32 $0xFFFFC000  }
0x234: {  	_ =	swait.ge [sflag:s23], $0x4000  }
0x235: {  	[sflag:s23] =	ssyncset.done $0x0  }
0x236: {  	[sflag:s23] =	ssyncadd.s32 $0xFFFFC000  }
0x237: {  	_ =	swait.ge [sflag:s23], $0x4000  }
0x238: {  	[sflag:s23] =	ssyncset.done $0x0  }
0x239: {  	[sflag:s23] =	ssyncadd.s32 $0xFFFFC000  }
0x23a: {  	_ =	swait.ge [sflag:s23], $0x4000  }
0x23b: {  	[sflag:s23] =	ssyncset.done $0x0  }
0x23c: {  	[sflag:s23] =	ssyncadd.s32 $0xFFFFC000  }
0x23d: {  	_ =	swait.ge [sflag:s23], $0x4000  }
0x23e: {  	[sflag:s23] =	ssyncset.done $0x0  }
0x23f: {  	[sflag:s23] =	ssyncadd.s32 $0xFFFFC000  }
0x240: {  	_ =	swait.ge [sflag:s23], $0x4000  }
0x241: {  	[sflag:s23] =	ssyncset.done $0x0  }
0x242: {  	[sflag:s23] =	ssyncadd.s32 $0xFFFFC000  }
0x243: {  	_ =	swait.ge [sflag:s23], $0x4000  }
0x244: {  	[sflag:s23] =	ssyncset.done $0x0  }
0x245: {  	[sflag:s23] =	ssyncadd.s32 $0xFFFFC000  }
0x246: {  	_ =	swait.ge [sflag:s23], $0x4000  }
0x247: {  	[sflag:s23] =	ssyncset.done $0x0  }
0x248: {  	[sflag:s23] =	ssyncadd.s32 $0xFFFFC000  }
0x249: {  	_ =	swait.ge [sflag:s23], $0x4000  }
0x24a: {  	[sflag:s23] =	ssyncset.done $0x0  }
0x24b: {  	[sflag:s23] =	ssyncadd.s32 $0xFFFFC000  }
0x24c: {  	_ =	swait.ge [sflag:s23], $0x4000  }
0x24d: {  	s25 =	simm.s32 $0x2800;
	s29 =	simm.s32 $0x5000;
	[sflag:s23] =	ssyncset.done $0x0  }
.LBB2_7:
0x24e: {  	s28 =	sshra.s32 s25, $0x2  }
0x24f: {  	[sflag:s23] =	ssyncadd.s32 $0xFFFFC000;
	s25 =	smov.u32 s29;
	s26 =	sadd.s32 $0x2800, s29  }
0x250: {  	[spmem:s2] =	stream.indirect.scatter.add.f32 [tilespmem:s20], [sflag:$0x1], $0x80, s28, s22, $0xb8;
	[tilespmem:$0x1A800] =	vst v63  }
0x251: {  	p1 =	seq.s32 s29, $0x7800;
	s29 =	sadd.s32 $0x80, s28  }
0x252: {  	[spmem:s2] =	stream.indirect.scatter.add.f32 [tilespmem:s20], [sflag:$0x1], $0x80, s29, s22, $0xb8;
	[tilespmem:$0x1A800] =	vst v63  }
0x253: {  	s29 =	sadd.s32 $0x100, s28  }
0x254: {  	[spmem:s2] =	stream.indirect.scatter.add.f32 [tilespmem:s20], [sflag:$0x1], $0x80, s29, s22, $0xb8;
	[tilespmem:$0x1A800] =	vst v63  }
0x255: {  	s29 =	sadd.s32 $0x180, s28  }
0x256: {  	[spmem:s2] =	stream.indirect.scatter.add.f32 [tilespmem:s20], [sflag:$0x1], $0x80, s29, s22, $0xb8;
	[tilespmem:$0x1A800] =	vst v63  }
0x257: {  	s29 =	sadd.s32 $0x200, s28  }
0x258: {  	[spmem:s2] =	stream.indirect.scatter.add.f32 [tilespmem:s20], [sflag:$0x1], $0x80, s29, s22, $0xb8;
	[tilespmem:$0x1A800] =	vst v63  }
0x259: {  	s29 =	sadd.s32 $0x280, s28  }
0x25a: {  	[spmem:s2] =	stream.indirect.scatter.add.f32 [tilespmem:s20], [sflag:$0x1], $0x80, s29, s22, $0xb8;
	[tilespmem:$0x1A800] =	vst v63  }
0x25b: {  	s29 =	sadd.s32 $0x300, s28  }
0x25c: {  	[spmem:s2] =	stream.indirect.scatter.add.f32 [tilespmem:s20], [sflag:$0x1], $0x80, s29, s22, $0xb8;
	[tilespmem:$0x1A800] =	vst v63  }
0x25d: {  	s29 =	sadd.s32 $0x380, s28  }
0x25e: {  	[spmem:s2] =	stream.indirect.scatter.add.f32 [tilespmem:s20], [sflag:$0x1], $0x80, s29, s22, $0xb8;
	[tilespmem:$0x1A800] =	vst v63  }
0x25f: {  	s29 =	sadd.s32 $0x400, s28  }
0x260: {  	[spmem:s2] =	stream.indirect.scatter.add.f32 [tilespmem:s20], [sflag:$0x1], $0x80, s29, s22, $0xb8;
	[tilespmem:$0x1A800] =	vst v63  }
0x261: {  	s29 =	sadd.s32 $0x480, s28  }
0x262: {  	[spmem:s2] =	stream.indirect.scatter.add.f32 [tilespmem:s20], [sflag:$0x1], $0x80, s29, s22, $0xb8;
	[tilespmem:$0x1A800] =	vst v63  }
0x263: {  	s29 =	sadd.s32 $0x500, s28  }
0x264: {  	[spmem:s2] =	stream.indirect.scatter.add.f32 [tilespmem:s20], [sflag:$0x1], $0x80, s29, s22, $0xb8;
	[tilespmem:$0x1A800] =	vst v63  }
0x265: {  	s29 =	sadd.s32 $0x580, s28  }
0x266: {  	[spmem:s2] =	stream.indirect.scatter.add.f32 [tilespmem:s20], [sflag:$0x1], $0x80, s29, s22, $0xb8;
	[tilespmem:$0x1A800] =	vst v63  }
0x267: {  	s29 =	sadd.s32 $0x600, s28  }
0x268: {  	[spmem:s2] =	stream.indirect.scatter.add.f32 [tilespmem:s20], [sflag:$0x1], $0x80, s29, s22, $0xb8;
	[tilespmem:$0x1A800] =	vst v63  }
0x269: {  	s29 =	sadd.s32 $0x680, s28  }
0x26a: {  	[spmem:s2] =	stream.indirect.scatter.add.f32 [tilespmem:s20], [sflag:$0x1], $0x80, s29, s22, $0xb8;
	[tilespmem:$0x1A800] =	vst v63  }
0x26b: {  	s29 =	sadd.s32 $0x700, s28  }
0x26c: {  	[spmem:s2] =	stream.indirect.scatter.add.f32 [tilespmem:s20], [sflag:$0x1], $0x80, s29, s22, $0xb8;
	[tilespmem:$0x1A800] =	vst v63  }
0x26d: {  	s29 =	sadd.s32 $0x780, s28  }
0x26e: {  	[spmem:s2] =	stream.indirect.scatter.add.f32 [tilespmem:s20], [sflag:$0x1], $0x80, s29, s22, $0xb8;
	[tilespmem:$0x1A800] =	vst v63  }
0x26f: {  	s29 =	sadd.s32 $0x800, s28  }
0x270: {  	[spmem:s2] =	stream.indirect.scatter.add.f32 [tilespmem:s20], [sflag:$0x1], $0x80, s29, s22, $0xb8;
	[tilespmem:$0x1A800] =	vst v63  }
0x271: {  	s29 =	sadd.s32 $0x880, s28  }
0x272: {  	[spmem:s2] =	stream.indirect.scatter.add.f32 [tilespmem:s20], [sflag:$0x1], $0x80, s29, s22, $0xb8;
	[tilespmem:$0x1A800] =	vst v63  }
0x273: {  	s29 =	sadd.s32 $0x900, s28  }
0x274: {  	[spmem:s2] =	stream.indirect.scatter.add.f32 [tilespmem:s20], [sflag:$0x1], $0x80, s29, s22, $0xb8;
	[tilespmem:$0x1A800] =	vst v63  }
0x275: {  	s28 =	sadd.s32 $0x980, s28  }
0x276: {  	[spmem:s2] =	stream.indirect.scatter.add.f32 [tilespmem:s20], [sflag:$0x1], $0x80, s28, s22, $0xb8;
	[tilespmem:$0x1A800] =	vst v63  }
0x277: {  	_ =	swait.ge [sflag:s23], $0x4000  }
0x278: {  	[sflag:s23] =	ssyncset.done $0x0  }
0x279: {  	[sflag:s23] =	ssyncadd.s32 $0xFFFFC000  }
0x27a: {  	_ =	swait.ge [sflag:s23], $0x4000  }
0x27b: {  	[sflag:s23] =	ssyncset.done $0x0  }
0x27c: {  	[sflag:s23] =	ssyncadd.s32 $0xFFFFC000  }
0x27d: {  	_ =	swait.ge [sflag:s23], $0x4000  }
0x27e: {  	[sflag:s23] =	ssyncset.done $0x0  }
0x27f: {  	[sflag:s23] =	ssyncadd.s32 $0xFFFFC000  }
0x280: {  	_ =	swait.ge [sflag:s23], $0x4000  }
0x281: {  	[sflag:s23] =	ssyncset.done $0x0  }
0x282: {  	[sflag:s23] =	ssyncadd.s32 $0xFFFFC000  }
0x283: {  	_ =	swait.ge [sflag:s23], $0x4000  }
0x284: {  	[sflag:s23] =	ssyncset.done $0x0  }
0x285: {  	[sflag:s23] =	ssyncadd.s32 $0xFFFFC000  }
0x286: {  	_ =	swait.ge [sflag:s23], $0x4000  }
0x287: {  	[sflag:s23] =	ssyncset.done $0x0  }
0x288: {  	[sflag:s23] =	ssyncadd.s32 $0xFFFFC000  }
0x289: {  	_ =	swait.ge [sflag:s23], $0x4000  }
0x28a: {  	[sflag:s23] =	ssyncset.done $0x0  }
0x28b: {  	[sflag:s23] =	ssyncadd.s32 $0xFFFFC000  }
0x28c: {  	_ =	swait.ge [sflag:s23], $0x4000  }
0x28d: {  	[sflag:s23] =	ssyncset.done $0x0  }
0x28e: {  	[sflag:s23] =	ssyncadd.s32 $0xFFFFC000  }
0x28f: {  	_ =	swait.ge [sflag:s23], $0x4000  }
0x290: {  	[sflag:s23] =	ssyncset.done $0x0  }
0x291: {  	[sflag:s23] =	ssyncadd.s32 $0xFFFFC000  }
0x292: {  	_ =	swait.ge [sflag:s23], $0x4000  }
0x293: {  	[sflag:s23] =	ssyncset.done $0x0  }
0x294: {  	[sflag:s23] =	ssyncadd.s32 $0xFFFFC000  }
0x295: {  	_ =	swait.ge [sflag:s23], $0x4000  }
0x296: {  	[sflag:s23] =	ssyncset.done $0x0  }
0x297: {  	[sflag:s23] =	ssyncadd.s32 $0xFFFFC000  }
0x298: {  	_ =	swait.ge [sflag:s23], $0x4000  }
0x299: {  	[sflag:s23] =	ssyncset.done $0x0  }
0x29a: {  	[sflag:s23] =	ssyncadd.s32 $0xFFFFC000  }
0x29b: {  	_ =	swait.ge [sflag:s23], $0x4000  }
0x29c: {  	[sflag:s23] =	ssyncset.done $0x0  }
0x29d: {  	[sflag:s23] =	ssyncadd.s32 $0xFFFFC000  }
0x29e: {  	_ =	swait.ge [sflag:s23], $0x4000  }
0x29f: {  	[sflag:s23] =	ssyncset.done $0x0  }
0x2a0: {  	[sflag:s23] =	ssyncadd.s32 $0xFFFFC000  }
0x2a1: {  	_ =	swait.ge [sflag:s23], $0x4000  }
0x2a2: {  	[sflag:s23] =	ssyncset.done $0x0  }
0x2a3: {  	[sflag:s23] =	ssyncadd.s32 $0xFFFFC000  }
0x2a4: {  	_ =	swait.ge [sflag:s23], $0x4000  }
0x2a5: {  	[sflag:s23] =	ssyncset.done $0x0  }
0x2a6: {  	[sflag:s23] =	ssyncadd.s32 $0xFFFFC000  }
0x2a7: {  	_ =	swait.ge [sflag:s23], $0x4000  }
0x2a8: {  	[sflag:s23] =	ssyncset.done $0x0  }
0x2a9: {  	[sflag:s23] =	ssyncadd.s32 $0xFFFFC000  }
0x2aa: {  	_ =	swait.ge [sflag:s23], $0x4000  }
0x2ab: {  	[sflag:s23] =	ssyncset.done $0x0  }
0x2ac: {  	[sflag:s23] =	ssyncadd.s32 $0xFFFFC000  }
.Ltmp7:
0x2ad: {  	_ =	swait.ge [sflag:s23], $0x4000;
	(pc) =	sbr.rel @!p1 .LBB2_7-.Ltmp7, $4  }
0x2ae: {  	[sflag:s23] =	ssyncset.done $0x0  }
0x2af: {  	[sflag:s23] =	ssyncadd.s32 $0xFFFFC000  }
0x2b0: {  	_ =	swait.ge [sflag:s23], $0x4000  }
0x2b1: {  	s29 =	smov.u32 s26;
	[sflag:s23] =	ssyncset.done $0x0  }
.Ltmp8:
0x2b2: {  	_ = 	snop;
	(pc) =	sbr.rel .LBB2_8-.Ltmp8, $1  }
0x2b3: {  	_ =	sdelay $0x3  }
.LBB2_13:
0x2b4: {  	_ =	sfence.sel $0x180000  }
0x2b5: {  	[bflag:$0x0] =	sbarrier.arrive $0xFFFF  }
0x2b6: {  	p0 =	sne.s32 s1, $0x0;
	_ =	strace $0x9000004A  }
0x2b7: {  	s0 =	sadd.s32 @!p0 $0x100000, s0;
	[bflag:$0x2] =	sbarrier.arrive $0xFFFF  }
0x2b8: {  	[sflag:s0] =	ssyncadd.tile.s32 @!p0 $0x1;
	_ =	shalt  }
.Lfunc_end2:
_tile_overlayer_lowered:
.L_overlay_start_2:
0x2b9: {  	(tag) =	ssettag $0x2  }
0x2ba: {  	s0 =	rddreg [dreg:$0x0];
	s2 =	stileid.u32  }
0x2bb: {  	s1 =	rddreg [dreg:$0x1];
	p0 =	sne.s32 s2, $0x0  }
0x2bc: {  	s3 =	rddreg [dreg:$0x2];
	[bflag:$0x3] =	sbarrier.arrive $0xFFFF;
	s2 =	simm.s32 @!p0 $0x1C02  }
0x2bd: {  	[timem:s3], [sflag:s2] =	dma.local @!p0 [hbm:s0], s1  }
0x2be: {  	s0 =	simm.s32 @!p0 $0x2  }
0x2bf: {  	_ =	swait.ge @!p0 [sflag:s0], s1  }
0x2c0: {  	s1 =	ssub.s32 @!p0 $0x0, s1;
	[sflag:s0] =	ssyncset.done @!p0 $0x0  }
0x2c1: {  	[sflag:s0] =	ssyncadd.s32 @!p0 s1  }
0x2c2: {  	[bflag:$0x3] =	sbarrier.arrive $0xFFFF  }
0x2c3: {  	_ =	shalt  }

</sc_bundles>
